<compile_context>
chip_gen: v7x
topology: tpu7x:2x2x1
jax: 0.10.2.dev20260603
libtpu: 0.0.44.dev20260713+nightly
codegen_flags: <defaults>
</compile_context>

<pallas_src>
import functools

import jax
import jax.numpy as jnp
from jax import lax
from jax.experimental import pallas as pl
from jax.experimental.pallas import tpu as pltpu
from jax.experimental.pallas import tpu_sc as plsc

D_MODEL = 64
MAX_LEN = 200
BATCH = 4096
NUM_WORKERS = 32
BB = 128
NSLAB = 4
SLAB = BATCH // NSLAB
BLKS = SLAB // BB
TROWS = MAX_LEN * BLKS // NUM_WORKERS
NBUF = 5
TC_BB = 128
T_BLK = 40


def _pos_encoding():
    even_i = jnp.arange(0, D_MODEL, 2).astype(jnp.float32)
    denominator = jnp.power(10000.0, even_i / D_MODEL)
    position = jnp.arange(MAX_LEN, dtype=jnp.float32).reshape(MAX_LEN, 1)
    even_pe = jnp.sin(position / denominator)
    odd_pe = jnp.cos(position / denominator)
    return jnp.stack([even_pe, odd_pe], axis=2).reshape(MAX_LEN, D_MODEL)


def _sc_gather(idx_t3, table_wide, slab):
    mesh = plsc.VectorSubcoreMesh(core_axis_name="c", subcore_axis_name="s")

    @functools.partial(
        pl.kernel,
        mesh=mesh,
        out_type=jax.ShapeDtypeStruct((MAX_LEN, SLAB, 2 * D_MODEL), jnp.float32),
        scratch_types=[
            pltpu.VMEM((MAX_LEN, BB), jnp.int32),
            pltpu.VMEM((NBUF, BB, 2 * D_MODEL), jnp.float32),
            pltpu.SemaphoreType.DMA((NBUF,)),
            pltpu.SemaphoreType.DMA((NBUF,)),
        ],
    )
    def k(idx_hbm, table_hbm, out_hbm, idx_v, bufs, gsem, osem):
        wid = lax.axis_index("s") * 2 + lax.axis_index("c")
        blk = wid % BLKS
        t0 = (wid // BLKS) * TROWS
        b0 = blk * BB
        pltpu.sync_copy(idx_hbm.at[slab * BLKS + blk], idx_v)

        def start_gather(t, s):
            pltpu.async_copy(
                table_hbm.at[idx_v.at[t0 + t]], bufs.at[s], gsem.at[s])

        def finish(t, s):
            pltpu.make_async_copy(
                table_hbm.at[pl.ds(0, BB)], bufs.at[s], gsem.at[s]).wait()
            pltpu.async_copy(
                bufs.at[s], out_hbm.at[t0 + t, pl.ds(b0, BB)], osem.at[s])

        def wait_out(s):
            pltpu.make_async_copy(
                bufs.at[s], out_hbm.at[0, pl.ds(b0, BB)], osem.at[s]).wait()

        def outer(io, carry):
            for s in range(NBUF):
                t = io * NBUF + s

                @pl.when(io >= 1)
                def _():
                    wait_out(s)

                start_gather(t, s)
                if s == 0:
                    @pl.when(io >= 1)
                    def _():
                        finish(io * NBUF - 1, NBUF - 1)
                else:
                    finish(t - 1, s - 1)
            return carry

        lax.fori_loop(0, TROWS // NBUF, outer, 0)
        finish(TROWS - 1, NBUF - 1)
        for s in range(NBUF):
            wait_out(s)

    return k(idx_t3, table_wide)


def _tc_finish(inter, pe, slab, prev_out):
    def body(inter_ref, pe_ref, *rest):
        o_ref = rest[-1]
        x = inter_ref[...][:, :, :D_MODEL]
        xt = jnp.transpose(x, (0, 2, 1))
        o_ref[...] = xt + pe_ref[...][:, :, None]

    in_specs = [
        pl.BlockSpec((T_BLK, TC_BB, 2 * D_MODEL), lambda i, j: (j, i, 0)),
        pl.BlockSpec((T_BLK, D_MODEL), lambda i, j: (j, 0)),
    ]
    operands = [inter, pe]
    aliases = {}
    if prev_out is not None:
        in_specs.append(pl.BlockSpec(memory_space=pl.ANY))
        operands.append(prev_out)
        aliases = {2: 0}

    return pl.pallas_call(
        body,
        grid=(SLAB // TC_BB, MAX_LEN // T_BLK),
        in_specs=in_specs,
        out_specs=pl.BlockSpec(
            (T_BLK, D_MODEL, TC_BB), lambda i, j: (j, 0, i + slab * (SLAB // TC_BB))),
        out_shape=jax.ShapeDtypeStruct((MAX_LEN, D_MODEL, BATCH), jnp.float32),
        input_output_aliases=aliases,
    )(*operands)


def kernel(indices, table):
    table_wide = jnp.pad(table, ((0, 0), (0, D_MODEL)))
    idx_t3 = indices.T.reshape(MAX_LEN, NUM_WORKERS, BB).transpose(1, 0, 2)
    pe = _pos_encoding()

    out_t = None
    for slab in range(NSLAB):
        inter = _sc_gather(idx_t3, table_wide, slab)
        out_t = _tc_finish(inter, pe, slab, out_t)
    return out_t.transpose(2, 0, 1)

# --- scband reference (transcript-rebuilt; emitter-appended) ---
"""Pipeline reference for scband-sentence-embedding-23965917512297 (READ-ONLY COPY).

The authoritative reference and input builder live on the scoring server;
editing this copy changes nothing except your own understanding.
"""

import jax, jax.numpy as jnp
import numpy as np

VOCAB = 100000
D_MODEL = 64
MAX_LEN = 200
BATCH = 4096


def positional_encoding(d_model, max_len):
    even_i = jnp.arange(0, d_model, 2).astype(jnp.float32)
    denominator = jnp.power(10000.0, even_i / d_model)
    position = jnp.arange(max_len, dtype=jnp.float32).reshape(max_len, 1)
    even_PE = jnp.sin(position / denominator)
    odd_PE = jnp.cos(position / denominator)
    stacked = jnp.stack([even_PE, odd_PE], axis=2)
    PE = stacked.reshape(max_len, d_model)
    return PE


def setup_inputs(seed: int = 0):
    key = jax.random.key(seed)
    k1, k2 = jax.random.split(key)
    indices = jax.random.randint(k1, (BATCH, MAX_LEN), 0, VOCAB, dtype=jnp.int32)
    table = jax.random.normal(k2, (VOCAB, D_MODEL), dtype=jnp.float32)
    return {"indices": indices, "table": table}


def reference(indices, table):
    # embedding lookup (nn.Embedding)
    x = jnp.take(table, indices, axis=0)
    # positional encoding, broadcast over batch
    pos = positional_encoding(D_MODEL, MAX_LEN)
    x = x + pos[None, :, :]
    # dropout(p=0.1) treated as identity (eval mode / deterministic reference)
    return x

if __name__ == "__main__":
    import jax
    _d = setup_inputs()
    print(jax.jit(kernel)(*tuple(_d.values())))

</pallas_src>

<mosaic_0001>
#map = affine_map<(d0, d1) -> (0, 0, 0)>
#map1 = affine_map<(d0, d1) -> (0, 0)>
module attributes {stable_mosaic.version = 14 : i64} {
  func.func @k(%arg0: i32, %arg1: i32, %arg2: memref<32x200x128xi32, #tpu.memory_space<hbm>>, %arg3: memref<100000x128xf32, #tpu.memory_space<hbm>>, %arg4: memref<200x1024x128xf32, #tpu.memory_space<hbm>>, %arg5: memref<200x128xi32, #tpu.memory_space<vmem>>, %arg6: memref<5x128x128xf32, #tpu.memory_space<vmem>>, %arg7: memref<5x!tpu.dma_semaphore, #tpu.memory_space<semaphore_mem>>, %arg8: memref<5x!tpu.dma_semaphore, #tpu.memory_space<semaphore_mem>>) attributes {dimension_semantics = [#tpu.dimension_semantics<core_parallel>, #tpu.dimension_semantics<subcore_parallel>], iteration_bounds = array<i64: 2, 16>, scalar_prefetch = 0 : i64, scratch_operands = 4 : i64, tpu.core_type = #tpu.core_type<sc_vector_subcore>, window_params = [{transform_indices = #map}, {transform_indices = #map1}, {transform_indices = #map}]} {
    %mul3A = arith.constant 2 : i32
    %mul3A_0 = arith.muli %arg1, %mul3A : i32
    %add3A = arith.addi %mul3A_0, %arg0 : i32
    %jit3A = arith.constant 8 : i32
    %eq3A = arith.constant 0 : i32
    %eq3A_1 = arith.cmpi eq, %jit3A, %eq3A : i32
    %jit3A_2 = arith.constant 1 : i32
    %select_n3A = arith.select %eq3A_1, %jit3A_2, %jit3A : i32
    %rem3A = arith.remsi %add3A, %select_n3A : i32
    %ne3A = arith.constant 0 : i32
    %ne3A_3 = arith.cmpi ne, %rem3A, %ne3A : i32
    %lt3A = arith.constant 0 : i32
    %lt3A_4 = arith.cmpi slt, %rem3A, %lt3A : i32
    %lt3A_5 = arith.constant 0 : i32
    %lt3A_6 = arith.cmpi slt, %select_n3A, %lt3A_5 : i32
    %ne3A_7 = arith.xori %lt3A_4, %lt3A_6 : i1
    %and3A = arith.andi %ne3A_7, %ne3A_3 : i1
    %add3A_8 = arith.addi %rem3A, %select_n3A : i32
    %select_n3A_9 = arith.select %and3A, %add3A_8, %rem3A : i32
    %jit3A_10 = arith.constant 8 : i32
    %div3A = arith.divsi %add3A, %jit3A_10 : i32
    %sign3A = arith.constant 0 : i32
    %sign3A_11 = arith.cmpi sgt, %add3A, %sign3A : i32
    %sign3A_12 = arith.extui %sign3A_11 : i1 to i32
    %sign3A_13 = arith.constant 0 : i32
    %sign3A_14 = arith.cmpi slt, %add3A, %sign3A_13 : i32
    %sign3A_15 = arith.extui %sign3A_14 : i1 to i32
    %sign3A_16 = arith.subi %sign3A_12, %sign3A_15 : i32
    %sign3A_17 = arith.constant 0 : i32
    %sign3A_18 = arith.cmpi sgt, %jit3A_10, %sign3A_17 : i32
    %sign3A_19 = arith.extui %sign3A_18 : i1 to i32
    %sign3A_20 = arith.constant 0 : i32
    %sign3A_21 = arith.cmpi slt, %jit3A_10, %sign3A_20 : i32
    %sign3A_22 = arith.extui %sign3A_21 : i1 to i32
    %sign3A_23 = arith.subi %sign3A_19, %sign3A_22 : i32
    %ne3A_24 = arith.cmpi ne, %sign3A_16, %sign3A_23 : i32
    %rem3A_25 = arith.remsi %add3A, %jit3A_10 : i32
    %ne3A_26 = arith.constant 0 : i32
    %ne3A_27 = arith.cmpi ne, %rem3A_25, %ne3A_26 : i32
    %and3A_28 = arith.andi %ne3A_24, %ne3A_27 : i1
    %sub3A = arith.constant 1 : i32
    %sub3A_29 = arith.subi %div3A, %sub3A : i32
    %select_n3A_30 = arith.select %and3A_28, %sub3A_29, %div3A : i32
    %mul3A_31 = arith.constant 50 : i32
    %mul3A_32 = arith.muli %select_n3A_30, %mul3A_31 : i32
    %mul3A_33 = arith.constant 128 : i32
    %mul3A_34 = arith.muli %select_n3A_9, %mul3A_33 : i32
    %add3A_35 = arith.constant 16 : i32
    %add3A_36 = arith.addi %add3A_35, %select_n3A_9 : i32
    "tpu.region"() ({
      %run_scoped3A = tpu.sem_alloc : memref<!tpu.dma_semaphore, #tpu.memory_space<semaphore_mem>>
      %dma_start3A_173 = arith.constant 0 : i32
      %dma_start3A_174 = arith.constant 0 : i32
      %dma_start3A_175 = tpu.memref_slice %arg2[%add3A_36, %dma_start3A_173, %dma_start3A_174] : memref<32x200x128xi32, #tpu.memory_space<hbm>> -> memref<1x200x128xi32, #tpu.memory_space<hbm>>
      %dma_start3A_176 = tpu.memref_squeeze %dma_start3A_175 : memref<1x200x128xi32, #tpu.memory_space<hbm>> -> memref<200x128xi32, #tpu.memory_space<hbm>>
      %dma_start3A_177 = arith.constant 0 : i32
      %dma_start3A_178 = arith.constant 0 : i32
      %dma_start3A_179 = tpu.memref_slice %arg2[%add3A_36, %dma_start3A_177, %dma_start3A_178] : memref<32x200x128xi32, #tpu.memory_space<hbm>> -> memref<1x200x128xi32, #tpu.memory_space<hbm>>
      %dma_start3A_180 = tpu.memref_squeeze %dma_start3A_179 : memref<1x200x128xi32, #tpu.memory_space<hbm>> -> memref<200x128xi32, #tpu.memory_space<hbm>>
      tpu.enqueue_dma source(%dma_start3A_180 : memref<200x128xi32, #tpu.memory_space<hbm>>) target(%arg5 : memref<200x128xi32, #tpu.memory_space<vmem>>) target_semaphore(%run_scoped3A : memref<!tpu.dma_semaphore, #tpu.memory_space<semaphore_mem>>)
      %dma_wait3A_181 = arith.constant 0 : i32
      %dma_wait3A_182 = arith.constant 0 : i32
      %dma_wait3A_183 = tpu.memref_slice %arg2[%add3A_36, %dma_wait3A_181, %dma_wait3A_182] : memref<32x200x128xi32, #tpu.memory_space<hbm>> -> memref<1x200x128xi32, #tpu.memory_space<hbm>>
      %dma_wait3A_184 = tpu.memref_squeeze %dma_wait3A_183 : memref<1x200x128xi32, #tpu.memory_space<hbm>> -> memref<200x128xi32, #tpu.memory_space<hbm>>
      %dma_wait3A_185 = arith.constant 0 : i32
      %dma_wait3A_186 = arith.constant 0 : i32
      %dma_wait3A_187 = tpu.memref_slice %arg2[%add3A_36, %dma_wait3A_185, %dma_wait3A_186] : memref<32x200x128xi32, #tpu.memory_space<hbm>> -> memref<1x200x128xi32, #tpu.memory_space<hbm>>
      %dma_wait3A_188 = tpu.memref_squeeze %dma_wait3A_187 : memref<1x200x128xi32, #tpu.memory_space<hbm>> -> memref<200x128xi32, #tpu.memory_space<hbm>>
      tpu.wait_dma2 semaphore(%run_scoped3A : memref<!tpu.dma_semaphore, #tpu.memory_space<semaphore_mem>>) src(%dma_wait3A_188 : memref<200x128xi32, #tpu.memory_space<hbm>>) dst(%arg5 : memref<200x128xi32, #tpu.memory_space<vmem>>)
      tpu.yield
    }) : () -> ()
    %scan3A = arith.constant 0 : i32
    %scan3A_37 = arith.constant 0 : i32
    %scan3A_38 = arith.constant 10 : i32
    %scan3A_39 = arith.addi %scan3A_37, %scan3A_38 : i32
    %scan3A_40 = arith.constant 1 : i32
    scf.for %scan3A_173 = %scan3A_37 to %scan3A_39 step %scan3A_40  : i32 {
      %mul3A_174 = arith.constant 5 : i32
      %mul3A_175 = arith.muli %scan3A_173, %mul3A_174 : i32
      %add3A_176 = arith.constant 0 : i32
      %add3A_177 = arith.addi %mul3A_175, %add3A_176 : i32
      %ge3A = arith.constant 1 : i32
      %ge3A_178 = arith.cmpi sge, %scan3A_173, %ge3A : i32
      %convert_element_type3A = arith.extui %ge3A_178 : i1 to i32
      %cond3A = arith.constant 0 : i32
      %cond3A_179 = arith.cmpi ne, %convert_element_type3A, %cond3A : i32
      scf.if %cond3A_179 {
        %dma_wait3A_452 = arith.constant 0 : i32
        %dma_wait3A_453 = arith.constant 0 : i32
        %dma_wait3A_454 = arith.constant 0 : i32
        %dma_wait3A_455 = arith.constant 0 : i32
        %dma_wait3A_456 = arith.constant 0 : i32
        %dma_wait3A_457 = tpu.memref_slice %arg6[%dma_wait3A_452, %dma_wait3A_455, %dma_wait3A_456] : memref<5x128x128xf32, #tpu.memory_space<vmem>> -> memref<1x128x128xf32, #tpu.memory_space<vmem>>
        %dma_wait3A_458 = tpu.memref_squeeze %dma_wait3A_457 : memref<1x128x128xf32, #tpu.memory_space<vmem>> -> memref<128x128xf32, #tpu.memory_space<vmem>>
        %dma_wait3A_459 = arith.constant 0 : i32
        %dma_wait3A_460 = tpu.memref_slice %arg4[%dma_wait3A_453, %mul3A_34, %dma_wait3A_459] : memref<200x1024x128xf32, #tpu.memory_space<hbm>> -> memref<1x128x128xf32, #tpu.memory_space<hbm>>
        %dma_wait3A_461 = tpu.memref_squeeze %dma_wait3A_460 : memref<1x128x128xf32, #tpu.memory_space<hbm>> -> memref<128x128xf32, #tpu.memory_space<hbm>>
        %dma_wait3A_462 = tpu.memref_slice %arg8[%dma_wait3A_454] : memref<5x!tpu.dma_semaphore, #tpu.memory_space<semaphore_mem>> -> memref<1x!tpu.dma_semaphore, #tpu.memory_space<semaphore_mem>>
        %dma_wait3A_463 = tpu.memref_squeeze %dma_wait3A_462 : memref<1x!tpu.dma_semaphore, #tpu.memory_space<semaphore_mem>> -> memref<!tpu.dma_semaphore, #tpu.memory_space<semaphore_mem>>
        %dma_wait3A_464 = arith.constant 0 : i32
        %dma_wait3A_465 = tpu.memref_slice %arg4[%dma_wait3A_453, %mul3A_34, %dma_wait3A_464] : memref<200x1024x128xf32, #tpu.memory_space<hbm>> -> memref<1x128x128xf32, #tpu.memory_space<hbm>>
        %dma_wait3A_466 = tpu.memref_squeeze %dma_wait3A_465 : memref<1x128x128xf32, #tpu.memory_space<hbm>> -> memref<128x128xf32, #tpu.memory_space<hbm>>
        %dma_wait3A_467 = arith.constant 0 : i32
        %dma_wait3A_468 = arith.constant 0 : i32
        %dma_wait3A_469 = tpu.memref_slice %arg6[%dma_wait3A_452, %dma_wait3A_467, %dma_wait3A_468] : memref<5x128x128xf32, #tpu.memory_space<vmem>> -> memref<1x128x128xf32, #tpu.memory_space<vmem>>
        %dma_wait3A_470 = tpu.memref_squeeze %dma_wait3A_469 : memref<1x128x128xf32, #tpu.memory_space<vmem>> -> memref<128x128xf32, #tpu.memory_space<vmem>>
        tpu.wait_dma2 semaphore(%dma_wait3A_463 : memref<!tpu.dma_semaphore, #tpu.memory_space<semaphore_mem>>) src(%dma_wait3A_470 : memref<128x128xf32, #tpu.memory_space<vmem>>) dst(%dma_wait3A_466 : memref<128x128xf32, #tpu.memory_space<hbm>>)
      } else {
      }
      %add3A_180 = arith.addi %mul3A_32, %add3A_177 : i32
      %dma_start3A_181 = arith.constant 0 : i32
      %dma_start3A_182 = arith.constant 0 : i32
      %dma_start3A_183 = arith.constant 0 : i32
      %dma_start3A_184 = arith.constant 0 : i32
      %dma_start3A_185 = tpu.memref_slice %arg6[%dma_start3A_181, %dma_start3A_183, %dma_start3A_184] : memref<5x128x128xf32, #tpu.memory_space<vmem>> -> memref<1x128x128xf32, #tpu.memory_space<vmem>>
      %dma_start3A_186 = tpu.memref_squeeze %dma_start3A_185 : memref<1x128x128xf32, #tpu.memory_space<vmem>> -> memref<128x128xf32, #tpu.memory_space<vmem>>
      %dma_start3A_187 = arith.constant 0 : i32
      %dma_start3A_188 = tpu.memref_slice %arg5[%add3A_180, %dma_start3A_187] : memref<200x128xi32, #tpu.memory_space<vmem>> -> memref<1x128xi32, #tpu.memory_space<vmem>>
      %dma_start3A_189 = tpu.memref_squeeze %dma_start3A_188 : memref<1x128xi32, #tpu.memory_space<vmem>> -> memref<128xi32, #tpu.memory_space<vmem>>
      %dma_start3A_190 = arith.constant 0 : i32
      %dma_start3A_191 = arith.constant 0 : i32
      %dma_start3A_192 = tpu.memref_slice %arg3[%dma_start3A_190, %dma_start3A_191] : memref<100000x128xf32, #tpu.memory_space<hbm>> -> memref<100000x128xf32, #tpu.memory_space<hbm>>
      %dma_start3A_193 = tpu.memref_slice %arg7[%dma_start3A_182] : memref<5x!tpu.dma_semaphore, #tpu.memory_space<semaphore_mem>> -> memref<1x!tpu.dma_semaphore, #tpu.memory_space<semaphore_mem>>
      %dma_start3A_194 = tpu.memref_squeeze %dma_start3A_193 : memref<1x!tpu.dma_semaphore, #tpu.memory_space<semaphore_mem>> -> memref<!tpu.dma_semaphore, #tpu.memory_space<semaphore_mem>>
      tpu.enqueue_indirect_dma source(%dma_start3A_192 : memref<100000x128xf32, #tpu.memory_space<hbm>>) target(%dma_start3A_186 : memref<128x128xf32, #tpu.memory_space<vmem>>) offsets(%dma_start3A_189 : memref<128xi32, #tpu.memory_space<vmem>>) semaphore(%dma_start3A_194 : memref<!tpu.dma_semaphore, #tpu.memory_space<semaphore_mem>>)
      %ge3A_195 = arith.constant 1 : i32
      %ge3A_196 = arith.cmpi sge, %scan3A_173, %ge3A_195 : i32
      %convert_element_type3A_197 = arith.extui %ge3A_196 : i1 to i32
      %cond3A_198 = arith.constant 0 : i32
      %cond3A_199 = arith.cmpi ne, %convert_element_type3A_197, %cond3A_198 : i32
      scf.if %cond3A_199 {
        %mul3A_452 = arith.constant 5 : i32
        %mul3A_453 = arith.muli %scan3A_173, %mul3A_452 : i32
        %sub3A_454 = arith.constant 1 : i32
        %sub3A_455 = arith.subi %mul3A_453, %sub3A_454 : i32
        %dma_wait3A_456 = arith.constant 4 : i32
        %dma_wait3A_457 = arith.constant 4 : i32
        %dma_wait3A_458 = arith.constant 0 : i32
        %dma_wait3A_459 = arith.constant 0 : i32
        %dma_wait3A_460 = tpu.memref_slice %arg6[%dma_wait3A_456, %dma_wait3A_458, %dma_wait3A_459] : memref<5x128x128xf32, #tpu.memory_space<vmem>> -> memref<1x128x128xf32, #tpu.memory_space<vmem>>
        %dma_wait3A_461 = tpu.memref_squeeze %dma_wait3A_460 : memref<1x128x128xf32, #tpu.memory_space<vmem>> -> memref<128x128xf32, #tpu.memory_space<vmem>>
        %dma_wait3A_462 = arith.constant 0 : i32
        %dma_wait3A_463 = arith.constant 0 : i32
        %dma_wait3A_464 = tpu.memref_slice %arg3[%dma_wait3A_462, %dma_wait3A_463] : memref<100000x128xf32, #tpu.memory_space<hbm>> -> memref<128x128xf32, #tpu.memory_space<hbm>>
        %dma_wait3A_465 = tpu.memref_slice %arg7[%dma_wait3A_457] : memref<5x!tpu.dma_semaphore, #tpu.memory_space<semaphore_mem>> -> memref<1x!tpu.dma_semaphore, #tpu.memory_space<semaphore_mem>>
        %dma_wait3A_466 = tpu.memref_squeeze %dma_wait3A_465 : memref<1x!tpu.dma_semaphore, #tpu.memory_space<semaphore_mem>> -> memref<!tpu.dma_semaphore, #tpu.memory_space<semaphore_mem>>
        %dma_wait3A_467 = arith.constant 0 : i32
        %dma_wait3A_468 = arith.constant 0 : i32
        %dma_wait3A_469 = tpu.memref_slice %arg6[%dma_wait3A_456, %dma_wait3A_467, %dma_wait3A_468] : memref<5x128x128xf32, #tpu.memory_space<vmem>> -> memref<1x128x128xf32, #tpu.memory_space<vmem>>
        %dma_wait3A_470 = tpu.memref_squeeze %dma_wait3A_469 : memref<1x128x128xf32, #tpu.memory_space<vmem>> -> memref<128x128xf32, #tpu.memory_space<vmem>>
        %dma_wait3A_471 = arith.constant 0 : i32
        %dma_wait3A_472 = arith.constant 0 : i32
        %dma_wait3A_473 = tpu.memref_slice %arg3[%dma_wait3A_471, %dma_wait3A_472] : memref<100000x128xf32, #tpu.memory_space<hbm>> -> memref<128x128xf32, #tpu.memory_space<hbm>>
        tpu.wait_dma2 semaphore(%dma_wait3A_466 : memref<!tpu.dma_semaphore, #tpu.memory_space<semaphore_mem>>) src(%dma_wait3A_473 : memref<128x128xf32, #tpu.memory_space<hbm>>) dst(%dma_wait3A_470 : memref<128x128xf32, #tpu.memory_space<vmem>>)
        %add3A_474 = arith.addi %mul3A_32, %sub3A_455 : i32
        %dma_start3A_475 = arith.constant 4 : i32
        %dma_start3A_476 = arith.constant 4 : i32
        %dma_start3A_477 = arith.constant 0 : i32
        %dma_start3A_478 = arith.constant 0 : i32
        %dma_start3A_479 = tpu.memref_slice %arg6[%dma_start3A_475, %dma_start3A_477, %dma_start3A_478] : memref<5x128x128xf32, #tpu.memory_space<vmem>> -> memref<1x128x128xf32, #tpu.memory_space<vmem>>
        %dma_start3A_480 = tpu.memref_squeeze %dma_start3A_479 : memref<1x128x128xf32, #tpu.memory_space<vmem>> -> memref<128x128xf32, #tpu.memory_space<vmem>>
        %dma_start3A_481 = arith.constant 0 : i32
        %dma_start3A_482 = tpu.memref_slice %arg4[%add3A_474, %mul3A_34, %dma_start3A_481] : memref<200x1024x128xf32, #tpu.memory_space<hbm>> -> memref<1x128x128xf32, #tpu.memory_space<hbm>>
        %dma_start3A_483 = tpu.memref_squeeze %dma_start3A_482 : memref<1x128x128xf32, #tpu.memory_space<hbm>> -> memref<128x128xf32, #tpu.memory_space<hbm>>
        %dma_start3A_484 = tpu.memref_slice %arg8[%dma_start3A_476] : memref<5x!tpu.dma_semaphore, #tpu.memory_space<semaphore_mem>> -> memref<1x!tpu.dma_semaphore, #tpu.memory_space<semaphore_mem>>
        %dma_start3A_485 = tpu.memref_squeeze %dma_start3A_484 : memref<1x!tpu.dma_semaphore, #tpu.memory_space<semaphore_mem>> -> memref<!tpu.dma_semaphore, #tpu.memory_space<semaphore_mem>>
        %dma_start3A_486 = arith.constant 0 : i32
        %dma_start3A_487 = tpu.memref_slice %arg4[%add3A_474, %mul3A_34, %dma_start3A_486] : memref<200x1024x128xf32, #tpu.memory_space<hbm>> -> memref<1x128x128xf32, #tpu.memory_space<hbm>>
        %dma_start3A_488 = tpu.memref_squeeze %dma_start3A_487 : memref<1x128x128xf32, #tpu.memory_space<hbm>> -> memref<128x128xf32, #tpu.memory_space<hbm>>
        %dma_start3A_489 = arith.constant 0 : i32
        %dma_start3A_490 = arith.constant 0 : i32
        %dma_start3A_491 = tpu.memref_slice %arg6[%dma_start3A_475, %dma_start3A_489, %dma_start3A_490] : memref<5x128x128xf32, #tpu.memory_space<vmem>> -> memref<1x128x128xf32, #tpu.memory_space<vmem>>
        %dma_start3A_492 = tpu.memref_squeeze %dma_start3A_491 : memref<1x128x128xf32, #tpu.memory_space<vmem>> -> memref<128x128xf32, #tpu.memory_space<vmem>>
        tpu.enqueue_dma source(%dma_start3A_492 : memref<128x128xf32, #tpu.memory_space<vmem>>) target(%dma_start3A_488 : memref<128x128xf32, #tpu.memory_space<hbm>>) target_semaphore(%dma_start3A_485 : memref<!tpu.dma_semaphore, #tpu.memory_space<semaphore_mem>>)
      } else {
      }
      %mul3A_200 = arith.constant 5 : i32
      %mul3A_201 = arith.muli %scan3A_173, %mul3A_200 : i32
      %add3A_202 = arith.constant 1 : i32
      %add3A_203 = arith.addi %mul3A_201, %add3A_202 : i32
      %ge3A_204 = arith.constant 1 : i32
      %ge3A_205 = arith.cmpi sge, %scan3A_173, %ge3A_204 : i32
      %convert_element_type3A_206 = arith.extui %ge3A_205 : i1 to i32
      %cond3A_207 = arith.constant 0 : i32
      %cond3A_208 = arith.cmpi ne, %convert_element_type3A_206, %cond3A_207 : i32
      scf.if %cond3A_208 {
        %dma_wait3A_452 = arith.constant 1 : i32
        %dma_wait3A_453 = arith.constant 0 : i32
        %dma_wait3A_454 = arith.constant 1 : i32
        %dma_wait3A_455 = arith.constant 0 : i32
        %dma_wait3A_456 = arith.constant 0 : i32
        %dma_wait3A_457 = tpu.memref_slice %arg6[%dma_wait3A_452, %dma_wait3A_455, %dma_wait3A_456] : memref<5x128x128xf32, #tpu.memory_space<vmem>> -> memref<1x128x128xf32, #tpu.memory_space<vmem>>
        %dma_wait3A_458 = tpu.memref_squeeze %dma_wait3A_457 : memref<1x128x128xf32, #tpu.memory_space<vmem>> -> memref<128x128xf32, #tpu.memory_space<vmem>>
        %dma_wait3A_459 = arith.constant 0 : i32
        %dma_wait3A_460 = tpu.memref_slice %arg4[%dma_wait3A_453, %mul3A_34, %dma_wait3A_459] : memref<200x1024x128xf32, #tpu.memory_space<hbm>> -> memref<1x128x128xf32, #tpu.memory_space<hbm>>
        %dma_wait3A_461 = tpu.memref_squeeze %dma_wait3A_460 : memref<1x128x128xf32, #tpu.memory_space<hbm>> -> memref<128x128xf32, #tpu.memory_space<hbm>>
        %dma_wait3A_462 = tpu.memref_slice %arg8[%dma_wait3A_454] : memref<5x!tpu.dma_semaphore, #tpu.memory_space<semaphore_mem>> -> memref<1x!tpu.dma_semaphore, #tpu.memory_space<semaphore_mem>>
        %dma_wait3A_463 = tpu.memref_squeeze %dma_wait3A_462 : memref<1x!tpu.dma_semaphore, #tpu.memory_space<semaphore_mem>> -> memref<!tpu.dma_semaphore, #tpu.memory_space<semaphore_mem>>
        %dma_wait3A_464 = arith.constant 0 : i32
        %dma_wait3A_465 = tpu.memref_slice %arg4[%dma_wait3A_453, %mul3A_34, %dma_wait3A_464] : memref<200x1024x128xf32, #tpu.memory_space<hbm>> -> memref<1x128x128xf32, #tpu.memory_space<hbm>>
        %dma_wait3A_466 = tpu.memref_squeeze %dma_wait3A_465 : memref<1x128x128xf32, #tpu.memory_space<hbm>> -> memref<128x128xf32, #tpu.memory_space<hbm>>
        %dma_wait3A_467 = arith.constant 0 : i32
        %dma_wait3A_468 = arith.constant 0 : i32
        %dma_wait3A_469 = tpu.memref_slice %arg6[%dma_wait3A_452, %dma_wait3A_467, %dma_wait3A_468] : memref<5x128x128xf32, #tpu.memory_space<vmem>> -> memref<1x128x128xf32, #tpu.memory_space<vmem>>
        %dma_wait3A_470 = tpu.memref_squeeze %dma_wait3A_469 : memref<1x128x128xf32, #tpu.memory_space<vmem>> -> memref<128x128xf32, #tpu.memory_space<vmem>>
        tpu.wait_dma2 semaphore(%dma_wait3A_463 : memref<!tpu.dma_semaphore, #tpu.memory_space<semaphore_mem>>) src(%dma_wait3A_470 : memref<128x128xf32, #tpu.memory_space<vmem>>) dst(%dma_wait3A_466 : memref<128x128xf32, #tpu.memory_space<hbm>>)
      } else {
      }
      %add3A_209 = arith.addi %mul3A_32, %add3A_203 : i32
      %dma_start3A_210 = arith.constant 1 : i32
      %dma_start3A_211 = arith.constant 1 : i32
      %dma_start3A_212 = arith.constant 0 : i32
      %dma_start3A_213 = arith.constant 0 : i32
      %dma_start3A_214 = tpu.memref_slice %arg6[%dma_start3A_210, %dma_start3A_212, %dma_start3A_213] : memref<5x128x128xf32, #tpu.memory_space<vmem>> -> memref<1x128x128xf32, #tpu.memory_space<vmem>>
      %dma_start3A_215 = tpu.memref_squeeze %dma_start3A_214 : memref<1x128x128xf32, #tpu.memory_space<vmem>> -> memref<128x128xf32, #tpu.memory_space<vmem>>
      %dma_start3A_216 = arith.constant 0 : i32
      %dma_start3A_217 = tpu.memref_slice %arg5[%add3A_209, %dma_start3A_216] : memref<200x128xi32, #tpu.memory_space<vmem>> -> memref<1x128xi32, #tpu.memory_space<vmem>>
      %dma_start3A_218 = tpu.memref_squeeze %dma_start3A_217 : memref<1x128xi32, #tpu.memory_space<vmem>> -> memref<128xi32, #tpu.memory_space<vmem>>
      %dma_start3A_219 = arith.constant 0 : i32
      %dma_start3A_220 = arith.constant 0 : i32
      %dma_start3A_221 = tpu.memref_slice %arg3[%dma_start3A_219, %dma_start3A_220] : memref<100000x128xf32, #tpu.memory_space<hbm>> -> memref<100000x128xf32, #tpu.memory_space<hbm>>
      %dma_start3A_222 = tpu.memref_slice %arg7[%dma_start3A_211] : memref<5x!tpu.dma_semaphore, #tpu.memory_space<semaphore_mem>> -> memref<1x!tpu.dma_semaphore, #tpu.memory_space<semaphore_mem>>
      %dma_start3A_223 = tpu.memref_squeeze %dma_start3A_222 : memref<1x!tpu.dma_semaphore, #tpu.memory_space<semaphore_mem>> -> memref<!tpu.dma_semaphore, #tpu.memory_space<semaphore_mem>>
      tpu.enqueue_indirect_dma source(%dma_start3A_221 : memref<100000x128xf32, #tpu.memory_space<hbm>>) target(%dma_start3A_215 : memref<128x128xf32, #tpu.memory_space<vmem>>) offsets(%dma_start3A_218 : memref<128xi32, #tpu.memory_space<vmem>>) semaphore(%dma_start3A_223 : memref<!tpu.dma_semaphore, #tpu.memory_space<semaphore_mem>>)
      %sub3A_224 = arith.constant 1 : i32
      %sub3A_225 = arith.subi %add3A_203, %sub3A_224 : i32
      %dma_wait3A_226 = arith.constant 0 : i32
      %dma_wait3A_227 = arith.constant 0 : i32
      %dma_wait3A_228 = arith.constant 0 : i32
      %dma_wait3A_229 = arith.constant 0 : i32
      %dma_wait3A_230 = tpu.memref_slice %arg6[%dma_wait3A_226, %dma_wait3A_228, %dma_wait3A_229] : memref<5x128x128xf32, #tpu.memory_space<vmem>> -> memref<1x128x128xf32, #tpu.memory_space<vmem>>
      %dma_wait3A_231 = tpu.memref_squeeze %dma_wait3A_230 : memref<1x128x128xf32, #tpu.memory_space<vmem>> -> memref<128x128xf32, #tpu.memory_space<vmem>>
      %dma_wait3A_232 = arith.constant 0 : i32
      %dma_wait3A_233 = arith.constant 0 : i32
      %dma_wait3A_234 = tpu.memref_slice %arg3[%dma_wait3A_232, %dma_wait3A_233] : memref<100000x128xf32, #tpu.memory_space<hbm>> -> memref<128x128xf32, #tpu.memory_space<hbm>>
      %dma_wait3A_235 = tpu.memref_slice %arg7[%dma_wait3A_227] : memref<5x!tpu.dma_semaphore, #tpu.memory_space<semaphore_mem>> -> memref<1x!tpu.dma_semaphore, #tpu.memory_space<semaphore_mem>>
      %dma_wait3A_236 = tpu.memref_squeeze %dma_wait3A_235 : memref<1x!tpu.dma_semaphore, #tpu.memory_space<semaphore_mem>> -> memref<!tpu.dma_semaphore, #tpu.memory_space<semaphore_mem>>
      %dma_wait3A_237 = arith.constant 0 : i32
      %dma_wait3A_238 = arith.constant 0 : i32
      %dma_wait3A_239 = tpu.memref_slice %arg6[%dma_wait3A_226, %dma_wait3A_237, %dma_wait3A_238] : memref<5x128x128xf32, #tpu.memory_space<vmem>> -> memref<1x128x128xf32, #tpu.memory_space<vmem>>
      %dma_wait3A_240 = tpu.memref_squeeze %dma_wait3A_239 : memref<1x128x128xf32, #tpu.memory_space<vmem>> -> memref<128x128xf32, #tpu.memory_space<vmem>>
      %dma_wait3A_241 = arith.constant 0 : i32
      %dma_wait3A_242 = arith.constant 0 : i32
      %dma_wait3A_243 = tpu.memref_slice %arg3[%dma_wait3A_241, %dma_wait3A_242] : memref<100000x128xf32, #tpu.memory_space<hbm>> -> memref<128x128xf32, #tpu.memory_space<hbm>>
      tpu.wait_dma2 semaphore(%dma_wait3A_236 : memref<!tpu.dma_semaphore, #tpu.memory_space<semaphore_mem>>) src(%dma_wait3A_243 : memref<128x128xf32, #tpu.memory_space<hbm>>) dst(%dma_wait3A_240 : memref<128x128xf32, #tpu.memory_space<vmem>>)
      %add3A_244 = arith.addi %mul3A_32, %sub3A_225 : i32
      %dma_start3A_245 = arith.constant 0 : i32
      %dma_start3A_246 = arith.constant 0 : i32
      %dma_start3A_247 = arith.constant 0 : i32
      %dma_start3A_248 = arith.constant 0 : i32
      %dma_start3A_249 = tpu.memref_slice %arg6[%dma_start3A_245, %dma_start3A_247, %dma_start3A_248] : memref<5x128x128xf32, #tpu.memory_space<vmem>> -> memref<1x128x128xf32, #tpu.memory_space<vmem>>
      %dma_start3A_250 = tpu.memref_squeeze %dma_start3A_249 : memref<1x128x128xf32, #tpu.memory_space<vmem>> -> memref<128x128xf32, #tpu.memory_space<vmem>>
      %dma_start3A_251 = arith.constant 0 : i32
      %dma_start3A_252 = tpu.memref_slice %arg4[%add3A_244, %mul3A_34, %dma_start3A_251] : memref<200x1024x128xf32, #tpu.memory_space<hbm>> -> memref<1x128x128xf32, #tpu.memory_space<hbm>>
      %dma_start3A_253 = tpu.memref_squeeze %dma_start3A_252 : memref<1x128x128xf32, #tpu.memory_space<hbm>> -> memref<128x128xf32, #tpu.memory_space<hbm>>
      %dma_start3A_254 = tpu.memref_slice %arg8[%dma_start3A_246] : memref<5x!tpu.dma_semaphore, #tpu.memory_space<semaphore_mem>> -> memref<1x!tpu.dma_semaphore, #tpu.memory_space<semaphore_mem>>
      %dma_start3A_255 = tpu.memref_squeeze %dma_start3A_254 : memref<1x!tpu.dma_semaphore, #tpu.memory_space<semaphore_mem>> -> memref<!tpu.dma_semaphore, #tpu.memory_space<semaphore_mem>>
      %dma_start3A_256 = arith.constant 0 : i32
      %dma_start3A_257 = tpu.memref_slice %arg4[%add3A_244, %mul3A_34, %dma_start3A_256] : memref<200x1024x128xf32, #tpu.memory_space<hbm>> -> memref<1x128x128xf32, #tpu.memory_space<hbm>>
      %dma_start3A_258 = tpu.memref_squeeze %dma_start3A_257 : memref<1x128x128xf32, #tpu.memory_space<hbm>> -> memref<128x128xf32, #tpu.memory_space<hbm>>
      %dma_start3A_259 = arith.constant 0 : i32
      %dma_start3A_260 = arith.constant 0 : i32
      %dma_start3A_261 = tpu.memref_slice %arg6[%dma_start3A_245, %dma_start3A_259, %dma_start3A_260] : memref<5x128x128xf32, #tpu.memory_space<vmem>> -> memref<1x128x128xf32, #tpu.memory_space<vmem>>
      %dma_start3A_262 = tpu.memref_squeeze %dma_start3A_261 : memref<1x128x128xf32, #tpu.memory_space<vmem>> -> memref<128x128xf32, #tpu.memory_space<vmem>>
      tpu.enqueue_dma source(%dma_start3A_262 : memref<128x128xf32, #tpu.memory_space<vmem>>) target(%dma_start3A_258 : memref<128x128xf32, #tpu.memory_space<hbm>>) target_semaphore(%dma_start3A_255 : memref<!tpu.dma_semaphore, #tpu.memory_space<semaphore_mem>>)
      %mul3A_263 = arith.constant 5 : i32
      %mul3A_264 = arith.muli %scan3A_173, %mul3A_263 : i32
      %add3A_265 = arith.constant 2 : i32
      %add3A_266 = arith.addi %mul3A_264, %add3A_265 : i32
      %ge3A_267 = arith.constant 1 : i32
      %ge3A_268 = arith.cmpi sge, %scan3A_173, %ge3A_267 : i32
      %convert_element_type3A_269 = arith.extui %ge3A_268 : i1 to i32
      %cond3A_270 = arith.constant 0 : i32
      %cond3A_271 = arith.cmpi ne, %convert_element_type3A_269, %cond3A_270 : i32
      scf.if %cond3A_271 {
        %dma_wait3A_452 = arith.constant 2 : i32
        %dma_wait3A_453 = arith.constant 0 : i32
        %dma_wait3A_454 = arith.constant 2 : i32
        %dma_wait3A_455 = arith.constant 0 : i32
        %dma_wait3A_456 = arith.constant 0 : i32
        %dma_wait3A_457 = tpu.memref_slice %arg6[%dma_wait3A_452, %dma_wait3A_455, %dma_wait3A_456] : memref<5x128x128xf32, #tpu.memory_space<vmem>> -> memref<1x128x128xf32, #tpu.memory_space<vmem>>
        %dma_wait3A_458 = tpu.memref_squeeze %dma_wait3A_457 : memref<1x128x128xf32, #tpu.memory_space<vmem>> -> memref<128x128xf32, #tpu.memory_space<vmem>>
        %dma_wait3A_459 = arith.constant 0 : i32
        %dma_wait3A_460 = tpu.memref_slice %arg4[%dma_wait3A_453, %mul3A_34, %dma_wait3A_459] : memref<200x1024x128xf32, #tpu.memory_space<hbm>> -> memref<1x128x128xf32, #tpu.memory_space<hbm>>
        %dma_wait3A_461 = tpu.memref_squeeze %dma_wait3A_460 : memref<1x128x128xf32, #tpu.memory_space<hbm>> -> memref<128x128xf32, #tpu.memory_space<hbm>>
        %dma_wait3A_462 = tpu.memref_slice %arg8[%dma_wait3A_454] : memref<5x!tpu.dma_semaphore, #tpu.memory_space<semaphore_mem>> -> memref<1x!tpu.dma_semaphore, #tpu.memory_space<semaphore_mem>>
        %dma_wait3A_463 = tpu.memref_squeeze %dma_wait3A_462 : memref<1x!tpu.dma_semaphore, #tpu.memory_space<semaphore_mem>> -> memref<!tpu.dma_semaphore, #tpu.memory_space<semaphore_mem>>
        %dma_wait3A_464 = arith.constant 0 : i32
        %dma_wait3A_465 = tpu.memref_slice %arg4[%dma_wait3A_453, %mul3A_34, %dma_wait3A_464] : memref<200x1024x128xf32, #tpu.memory_space<hbm>> -> memref<1x128x128xf32, #tpu.memory_space<hbm>>
        %dma_wait3A_466 = tpu.memref_squeeze %dma_wait3A_465 : memref<1x128x128xf32, #tpu.memory_space<hbm>> -> memref<128x128xf32, #tpu.memory_space<hbm>>
        %dma_wait3A_467 = arith.constant 0 : i32
        %dma_wait3A_468 = arith.constant 0 : i32
        %dma_wait3A_469 = tpu.memref_slice %arg6[%dma_wait3A_452, %dma_wait3A_467, %dma_wait3A_468] : memref<5x128x128xf32, #tpu.memory_space<vmem>> -> memref<1x128x128xf32, #tpu.memory_space<vmem>>
        %dma_wait3A_470 = tpu.memref_squeeze %dma_wait3A_469 : memref<1x128x128xf32, #tpu.memory_space<vmem>> -> memref<128x128xf32, #tpu.memory_space<vmem>>
        tpu.wait_dma2 semaphore(%dma_wait3A_463 : memref<!tpu.dma_semaphore, #tpu.memory_space<semaphore_mem>>) src(%dma_wait3A_470 : memref<128x128xf32, #tpu.memory_space<vmem>>) dst(%dma_wait3A_466 : memref<128x128xf32, #tpu.memory_space<hbm>>)
      } else {
      }
      %add3A_272 = arith.addi %mul3A_32, %add3A_266 : i32
      %dma_start3A_273 = arith.constant 2 : i32
      %dma_start3A_274 = arith.constant 2 : i32
      %dma_start3A_275 = arith.constant 0 : i32
      %dma_start3A_276 = arith.constant 0 : i32
      %dma_start3A_277 = tpu.memref_slice %arg6[%dma_start3A_273, %dma_start3A_275, %dma_start3A_276] : memref<5x128x128xf32, #tpu.memory_space<vmem>> -> memref<1x128x128xf32, #tpu.memory_space<vmem>>
      %dma_start3A_278 = tpu.memref_squeeze %dma_start3A_277 : memref<1x128x128xf32, #tpu.memory_space<vmem>> -> memref<128x128xf32, #tpu.memory_space<vmem>>
      %dma_start3A_279 = arith.constant 0 : i32
      %dma_start3A_280 = tpu.memref_slice %arg5[%add3A_272, %dma_start3A_279] : memref<200x128xi32, #tpu.memory_space<vmem>> -> memref<1x128xi32, #tpu.memory_space<vmem>>
      %dma_start3A_281 = tpu.memref_squeeze %dma_start3A_280 : memref<1x128xi32, #tpu.memory_space<vmem>> -> memref<128xi32, #tpu.memory_space<vmem>>
      %dma_start3A_282 = arith.constant 0 : i32
      %dma_start3A_283 = arith.constant 0 : i32
      %dma_start3A_284 = tpu.memref_slice %arg3[%dma_start3A_282, %dma_start3A_283] : memref<100000x128xf32, #tpu.memory_space<hbm>> -> memref<100000x128xf32, #tpu.memory_space<hbm>>
      %dma_start3A_285 = tpu.memref_slice %arg7[%dma_start3A_274] : memref<5x!tpu.dma_semaphore, #tpu.memory_space<semaphore_mem>> -> memref<1x!tpu.dma_semaphore, #tpu.memory_space<semaphore_mem>>
      %dma_start3A_286 = tpu.memref_squeeze %dma_start3A_285 : memref<1x!tpu.dma_semaphore, #tpu.memory_space<semaphore_mem>> -> memref<!tpu.dma_semaphore, #tpu.memory_space<semaphore_mem>>
      tpu.enqueue_indirect_dma source(%dma_start3A_284 : memref<100000x128xf32, #tpu.memory_space<hbm>>) target(%dma_start3A_278 : memref<128x128xf32, #tpu.memory_space<vmem>>) offsets(%dma_start3A_281 : memref<128xi32, #tpu.memory_space<vmem>>) semaphore(%dma_start3A_286 : memref<!tpu.dma_semaphore, #tpu.memory_space<semaphore_mem>>)
      %sub3A_287 = arith.constant 1 : i32
      %sub3A_288 = arith.subi %add3A_266, %sub3A_287 : i32
      %dma_wait3A_289 = arith.constant 1 : i32
      %dma_wait3A_290 = arith.constant 1 : i32
      %dma_wait3A_291 = arith.constant 0 : i32
      %dma_wait3A_292 = arith.constant 0 : i32
      %dma_wait3A_293 = tpu.memref_slice %arg6[%dma_wait3A_289, %dma_wait3A_291, %dma_wait3A_292] : memref<5x128x128xf32, #tpu.memory_space<vmem>> -> memref<1x128x128xf32, #tpu.memory_space<vmem>>
      %dma_wait3A_294 = tpu.memref_squeeze %dma_wait3A_293 : memref<1x128x128xf32, #tpu.memory_space<vmem>> -> memref<128x128xf32, #tpu.memory_space<vmem>>
      %dma_wait3A_295 = arith.constant 0 : i32
      %dma_wait3A_296 = arith.constant 0 : i32
      %dma_wait3A_297 = tpu.memref_slice %arg3[%dma_wait3A_295, %dma_wait3A_296] : memref<100000x128xf32, #tpu.memory_space<hbm>> -> memref<128x128xf32, #tpu.memory_space<hbm>>
      %dma_wait3A_298 = tpu.memref_slice %arg7[%dma_wait3A_290] : memref<5x!tpu.dma_semaphore, #tpu.memory_space<semaphore_mem>> -> memref<1x!tpu.dma_semaphore, #tpu.memory_space<semaphore_mem>>
      %dma_wait3A_299 = tpu.memref_squeeze %dma_wait3A_298 : memref<1x!tpu.dma_semaphore, #tpu.memory_space<semaphore_mem>> -> memref<!tpu.dma_semaphore, #tpu.memory_space<semaphore_mem>>
      %dma_wait3A_300 = arith.constant 0 : i32
      %dma_wait3A_301 = arith.constant 0 : i32
      %dma_wait3A_302 = tpu.memref_slice %arg6[%dma_wait3A_289, %dma_wait3A_300, %dma_wait3A_301] : memref<5x128x128xf32, #tpu.memory_space<vmem>> -> memref<1x128x128xf32, #tpu.memory_space<vmem>>
      %dma_wait3A_303 = tpu.memref_squeeze %dma_wait3A_302 : memref<1x128x128xf32, #tpu.memory_space<vmem>> -> memref<128x128xf32, #tpu.memory_space<vmem>>
      %dma_wait3A_304 = arith.constant 0 : i32
      %dma_wait3A_305 = arith.constant 0 : i32
      %dma_wait3A_306 = tpu.memref_slice %arg3[%dma_wait3A_304, %dma_wait3A_305] : memref<100000x128xf32, #tpu.memory_space<hbm>> -> memref<128x128xf32, #tpu.memory_space<hbm>>
      tpu.wait_dma2 semaphore(%dma_wait3A_299 : memref<!tpu.dma_semaphore, #tpu.memory_space<semaphore_mem>>) src(%dma_wait3A_306 : memref<128x128xf32, #tpu.memory_space<hbm>>) dst(%dma_wait3A_303 : memref<128x128xf32, #tpu.memory_space<vmem>>)
      %add3A_307 = arith.addi %mul3A_32, %sub3A_288 : i32
      %dma_start3A_308 = arith.constant 1 : i32
      %dma_start3A_309 = arith.constant 1 : i32
      %dma_start3A_310 = arith.constant 0 : i32
      %dma_start3A_311 = arith.constant 0 : i32
      %dma_start3A_312 = tpu.memref_slice %arg6[%dma_start3A_308, %dma_start3A_310, %dma_start3A_311] : memref<5x128x128xf32, #tpu.memory_space<vmem>> -> memref<1x128x128xf32, #tpu.memory_space<vmem>>
      %dma_start3A_313 = tpu.memref_squeeze %dma_start3A_312 : memref<1x128x128xf32, #tpu.memory_space<vmem>> -> memref<128x128xf32, #tpu.memory_space<vmem>>
      %dma_start3A_314 = arith.constant 0 : i32
      %dma_start3A_315 = tpu.memref_slice %arg4[%add3A_307, %mul3A_34, %dma_start3A_314] : memref<200x1024x128xf32, #tpu.memory_space<hbm>> -> memref<1x128x128xf32, #tpu.memory_space<hbm>>
      %dma_start3A_316 = tpu.memref_squeeze %dma_start3A_315 : memref<1x128x128xf32, #tpu.memory_space<hbm>> -> memref<128x128xf32, #tpu.memory_space<hbm>>
      %dma_start3A_317 = tpu.memref_slice %arg8[%dma_start3A_309] : memref<5x!tpu.dma_semaphore, #tpu.memory_space<semaphore_mem>> -> memref<1x!tpu.dma_semaphore, #tpu.memory_space<semaphore_mem>>
      %dma_start3A_318 = tpu.memref_squeeze %dma_start3A_317 : memref<1x!tpu.dma_semaphore, #tpu.memory_space<semaphore_mem>> -> memref<!tpu.dma_semaphore, #tpu.memory_space<semaphore_mem>>
      %dma_start3A_319 = arith.constant 0 : i32
      %dma_start3A_320 = tpu.memref_slice %arg4[%add3A_307, %mul3A_34, %dma_start3A_319] : memref<200x1024x128xf32, #tpu.memory_space<hbm>> -> memref<1x128x128xf32, #tpu.memory_space<hbm>>
      %dma_start3A_321 = tpu.memref_squeeze %dma_start3A_320 : memref<1x128x128xf32, #tpu.memory_space<hbm>> -> memref<128x128xf32, #tpu.memory_space<hbm>>
      %dma_start3A_322 = arith.constant 0 : i32
      %dma_start3A_323 = arith.constant 0 : i32
      %dma_start3A_324 = tpu.memref_slice %arg6[%dma_start3A_308, %dma_start3A_322, %dma_start3A_323] : memref<5x128x128xf32, #tpu.memory_space<vmem>> -> memref<1x128x128xf32, #tpu.memory_space<vmem>>
      %dma_start3A_325 = tpu.memref_squeeze %dma_start3A_324 : memref<1x128x128xf32, #tpu.memory_space<vmem>> -> memref<128x128xf32, #tpu.memory_space<vmem>>
      tpu.enqueue_dma source(%dma_start3A_325 : memref<128x128xf32, #tpu.memory_space<vmem>>) target(%dma_start3A_321 : memref<128x128xf32, #tpu.memory_space<hbm>>) target_semaphore(%dma_start3A_318 : memref<!tpu.dma_semaphore, #tpu.memory_space<semaphore_mem>>)
      %mul3A_326 = arith.constant 5 : i32
      %mul3A_327 = arith.muli %scan3A_173, %mul3A_326 : i32
      %add3A_328 = arith.constant 3 : i32
      %add3A_329 = arith.addi %mul3A_327, %add3A_328 : i32
      %ge3A_330 = arith.constant 1 : i32
      %ge3A_331 = arith.cmpi sge, %scan3A_173, %ge3A_330 : i32
      %convert_element_type3A_332 = arith.extui %ge3A_331 : i1 to i32
      %cond3A_333 = arith.constant 0 : i32
      %cond3A_334 = arith.cmpi ne, %convert_element_type3A_332, %cond3A_333 : i32
      scf.if %cond3A_334 {
        %dma_wait3A_452 = arith.constant 3 : i32
        %dma_wait3A_453 = arith.constant 0 : i32
        %dma_wait3A_454 = arith.constant 3 : i32
        %dma_wait3A_455 = arith.constant 0 : i32
        %dma_wait3A_456 = arith.constant 0 : i32
        %dma_wait3A_457 = tpu.memref_slice %arg6[%dma_wait3A_452, %dma_wait3A_455, %dma_wait3A_456] : memref<5x128x128xf32, #tpu.memory_space<vmem>> -> memref<1x128x128xf32, #tpu.memory_space<vmem>>
        %dma_wait3A_458 = tpu.memref_squeeze %dma_wait3A_457 : memref<1x128x128xf32, #tpu.memory_space<vmem>> -> memref<128x128xf32, #tpu.memory_space<vmem>>
        %dma_wait3A_459 = arith.constant 0 : i32
        %dma_wait3A_460 = tpu.memref_slice %arg4[%dma_wait3A_453, %mul3A_34, %dma_wait3A_459] : memref<200x1024x128xf32, #tpu.memory_space<hbm>> -> memref<1x128x128xf32, #tpu.memory_space<hbm>>
        %dma_wait3A_461 = tpu.memref_squeeze %dma_wait3A_460 : memref<1x128x128xf32, #tpu.memory_space<hbm>> -> memref<128x128xf32, #tpu.memory_space<hbm>>
        %dma_wait3A_462 = tpu.memref_slice %arg8[%dma_wait3A_454] : memref<5x!tpu.dma_semaphore, #tpu.memory_space<semaphore_mem>> -> memref<1x!tpu.dma_semaphore, #tpu.memory_space<semaphore_mem>>
        %dma_wait3A_463 = tpu.memref_squeeze %dma_wait3A_462 : memref<1x!tpu.dma_semaphore, #tpu.memory_space<semaphore_mem>> -> memref<!tpu.dma_semaphore, #tpu.memory_space<semaphore_mem>>
        %dma_wait3A_464 = arith.constant 0 : i32
        %dma_wait3A_465 = tpu.memref_slice %arg4[%dma_wait3A_453, %mul3A_34, %dma_wait3A_464] : memref<200x1024x128xf32, #tpu.memory_space<hbm>> -> memref<1x128x128xf32, #tpu.memory_space<hbm>>
        %dma_wait3A_466 = tpu.memref_squeeze %dma_wait3A_465 : memref<1x128x128xf32, #tpu.memory_space<hbm>> -> memref<128x128xf32, #tpu.memory_space<hbm>>
        %dma_wait3A_467 = arith.constant 0 : i32
        %dma_wait3A_468 = arith.constant 0 : i32
        %dma_wait3A_469 = tpu.memref_slice %arg6[%dma_wait3A_452, %dma_wait3A_467, %dma_wait3A_468] : memref<5x128x128xf32, #tpu.memory_space<vmem>> -> memref<1x128x128xf32, #tpu.memory_space<vmem>>
        %dma_wait3A_470 = tpu.memref_squeeze %dma_wait3A_469 : memref<1x128x128xf32, #tpu.memory_space<vmem>> -> memref<128x128xf32, #tpu.memory_space<vmem>>
        tpu.wait_dma2 semaphore(%dma_wait3A_463 : memref<!tpu.dma_semaphore, #tpu.memory_space<semaphore_mem>>) src(%dma_wait3A_470 : memref<128x128xf32, #tpu.memory_space<vmem>>) dst(%dma_wait3A_466 : memref<128x128xf32, #tpu.memory_space<hbm>>)
      } else {
      }
      %add3A_335 = arith.addi %mul3A_32, %add3A_329 : i32
      %dma_start3A_336 = arith.constant 3 : i32
      %dma_start3A_337 = arith.constant 3 : i32
      %dma_start3A_338 = arith.constant 0 : i32
      %dma_start3A_339 = arith.constant 0 : i32
      %dma_start3A_340 = tpu.memref_slice %arg6[%dma_start3A_336, %dma_start3A_338, %dma_start3A_339] : memref<5x128x128xf32, #tpu.memory_space<vmem>> -> memref<1x128x128xf32, #tpu.memory_space<vmem>>
      %dma_start3A_341 = tpu.memref_squeeze %dma_start3A_340 : memref<1x128x128xf32, #tpu.memory_space<vmem>> -> memref<128x128xf32, #tpu.memory_space<vmem>>
      %dma_start3A_342 = arith.constant 0 : i32
      %dma_start3A_343 = tpu.memref_slice %arg5[%add3A_335, %dma_start3A_342] : memref<200x128xi32, #tpu.memory_space<vmem>> -> memref<1x128xi32, #tpu.memory_space<vmem>>
      %dma_start3A_344 = tpu.memref_squeeze %dma_start3A_343 : memref<1x128xi32, #tpu.memory_space<vmem>> -> memref<128xi32, #tpu.memory_space<vmem>>
      %dma_start3A_345 = arith.constant 0 : i32
      %dma_start3A_346 = arith.constant 0 : i32
      %dma_start3A_347 = tpu.memref_slice %arg3[%dma_start3A_345, %dma_start3A_346] : memref<100000x128xf32, #tpu.memory_space<hbm>> -> memref<100000x128xf32, #tpu.memory_space<hbm>>
      %dma_start3A_348 = tpu.memref_slice %arg7[%dma_start3A_337] : memref<5x!tpu.dma_semaphore, #tpu.memory_space<semaphore_mem>> -> memref<1x!tpu.dma_semaphore, #tpu.memory_space<semaphore_mem>>
      %dma_start3A_349 = tpu.memref_squeeze %dma_start3A_348 : memref<1x!tpu.dma_semaphore, #tpu.memory_space<semaphore_mem>> -> memref<!tpu.dma_semaphore, #tpu.memory_space<semaphore_mem>>
      tpu.enqueue_indirect_dma source(%dma_start3A_347 : memref<100000x128xf32, #tpu.memory_space<hbm>>) target(%dma_start3A_341 : memref<128x128xf32, #tpu.memory_space<vmem>>) offsets(%dma_start3A_344 : memref<128xi32, #tpu.memory_space<vmem>>) semaphore(%dma_start3A_349 : memref<!tpu.dma_semaphore, #tpu.memory_space<semaphore_mem>>)
      %sub3A_350 = arith.constant 1 : i32
      %sub3A_351 = arith.subi %add3A_329, %sub3A_350 : i32
      %dma_wait3A_352 = arith.constant 2 : i32
      %dma_wait3A_353 = arith.constant 2 : i32
      %dma_wait3A_354 = arith.constant 0 : i32
      %dma_wait3A_355 = arith.constant 0 : i32
      %dma_wait3A_356 = tpu.memref_slice %arg6[%dma_wait3A_352, %dma_wait3A_354, %dma_wait3A_355] : memref<5x128x128xf32, #tpu.memory_space<vmem>> -> memref<1x128x128xf32, #tpu.memory_space<vmem>>
      %dma_wait3A_357 = tpu.memref_squeeze %dma_wait3A_356 : memref<1x128x128xf32, #tpu.memory_space<vmem>> -> memref<128x128xf32, #tpu.memory_space<vmem>>
      %dma_wait3A_358 = arith.constant 0 : i32
      %dma_wait3A_359 = arith.constant 0 : i32
      %dma_wait3A_360 = tpu.memref_slice %arg3[%dma_wait3A_358, %dma_wait3A_359] : memref<100000x128xf32, #tpu.memory_space<hbm>> -> memref<128x128xf32, #tpu.memory_space<hbm>>
      %dma_wait3A_361 = tpu.memref_slice %arg7[%dma_wait3A_353] : memref<5x!tpu.dma_semaphore, #tpu.memory_space<semaphore_mem>> -> memref<1x!tpu.dma_semaphore, #tpu.memory_space<semaphore_mem>>
      %dma_wait3A_362 = tpu.memref_squeeze %dma_wait3A_361 : memref<1x!tpu.dma_semaphore, #tpu.memory_space<semaphore_mem>> -> memref<!tpu.dma_semaphore, #tpu.memory_space<semaphore_mem>>
      %dma_wait3A_363 = arith.constant 0 : i32
      %dma_wait3A_364 = arith.constant 0 : i32
      %dma_wait3A_365 = tpu.memref_slice %arg6[%dma_wait3A_352, %dma_wait3A_363, %dma_wait3A_364] : memref<5x128x128xf32, #tpu.memory_space<vmem>> -> memref<1x128x128xf32, #tpu.memory_space<vmem>>
      %dma_wait3A_366 = tpu.memref_squeeze %dma_wait3A_365 : memref<1x128x128xf32, #tpu.memory_space<vmem>> -> memref<128x128xf32, #tpu.memory_space<vmem>>
      %dma_wait3A_367 = arith.constant 0 : i32
      %dma_wait3A_368 = arith.constant 0 : i32
      %dma_wait3A_369 = tpu.memref_slice %arg3[%dma_wait3A_367, %dma_wait3A_368] : memref<100000x128xf32, #tpu.memory_space<hbm>> -> memref<128x128xf32, #tpu.memory_space<hbm>>
      tpu.wait_dma2 semaphore(%dma_wait3A_362 : memref<!tpu.dma_semaphore, #tpu.memory_space<semaphore_mem>>) src(%dma_wait3A_369 : memref<128x128xf32, #tpu.memory_space<hbm>>) dst(%dma_wait3A_366 : memref<128x128xf32, #tpu.memory_space<vmem>>)
      %add3A_370 = arith.addi %mul3A_32, %sub3A_351 : i32
      %dma_start3A_371 = arith.constant 2 : i32
      %dma_start3A_372 = arith.constant 2 : i32
      %dma_start3A_373 = arith.constant 0 : i32
      %dma_start3A_374 = arith.constant 0 : i32
      %dma_start3A_375 = tpu.memref_slice %arg6[%dma_start3A_371, %dma_start3A_373, %dma_start3A_374] : memref<5x128x128xf32, #tpu.memory_space<vmem>> -> memref<1x128x128xf32, #tpu.memory_space<vmem>>
      %dma_start3A_376 = tpu.memref_squeeze %dma_start3A_375 : memref<1x128x128xf32, #tpu.memory_space<vmem>> -> memref<128x128xf32, #tpu.memory_space<vmem>>
      %dma_start3A_377 = arith.constant 0 : i32
      %dma_start3A_378 = tpu.memref_slice %arg4[%add3A_370, %mul3A_34, %dma_start3A_377] : memref<200x1024x128xf32, #tpu.memory_space<hbm>> -> memref<1x128x128xf32, #tpu.memory_space<hbm>>
      %dma_start3A_379 = tpu.memref_squeeze %dma_start3A_378 : memref<1x128x128xf32, #tpu.memory_space<hbm>> -> memref<128x128xf32, #tpu.memory_space<hbm>>
      %dma_start3A_380 = tpu.memref_slice %arg8[%dma_start3A_372] : memref<5x!tpu.dma_semaphore, #tpu.memory_space<semaphore_mem>> -> memref<1x!tpu.dma_semaphore, #tpu.memory_space<semaphore_mem>>
      %dma_start3A_381 = tpu.memref_squeeze %dma_start3A_380 : memref<1x!tpu.dma_semaphore, #tpu.memory_space<semaphore_mem>> -> memref<!tpu.dma_semaphore, #tpu.memory_space<semaphore_mem>>
      %dma_start3A_382 = arith.constant 0 : i32
      %dma_start3A_383 = tpu.memref_slice %arg4[%add3A_370, %mul3A_34, %dma_start3A_382] : memref<200x1024x128xf32, #tpu.memory_space<hbm>> -> memref<1x128x128xf32, #tpu.memory_space<hbm>>
      %dma_start3A_384 = tpu.memref_squeeze %dma_start3A_383 : memref<1x128x128xf32, #tpu.memory_space<hbm>> -> memref<128x128xf32, #tpu.memory_space<hbm>>
      %dma_start3A_385 = arith.constant 0 : i32
      %dma_start3A_386 = arith.constant 0 : i32
      %dma_start3A_387 = tpu.memref_slice %arg6[%dma_start3A_371, %dma_start3A_385, %dma_start3A_386] : memref<5x128x128xf32, #tpu.memory_space<vmem>> -> memref<1x128x128xf32, #tpu.memory_space<vmem>>
      %dma_start3A_388 = tpu.memref_squeeze %dma_start3A_387 : memref<1x128x128xf32, #tpu.memory_space<vmem>> -> memref<128x128xf32, #tpu.memory_space<vmem>>
      tpu.enqueue_dma source(%dma_start3A_388 : memref<128x128xf32, #tpu.memory_space<vmem>>) target(%dma_start3A_384 : memref<128x128xf32, #tpu.memory_space<hbm>>) target_semaphore(%dma_start3A_381 : memref<!tpu.dma_semaphore, #tpu.memory_space<semaphore_mem>>)
      %mul3A_389 = arith.constant 5 : i32
      %mul3A_390 = arith.muli %scan3A_173, %mul3A_389 : i32
      %add3A_391 = arith.constant 4 : i32
      %add3A_392 = arith.addi %mul3A_390, %add3A_391 : i32
      %ge3A_393 = arith.constant 1 : i32
      %ge3A_394 = arith.cmpi sge, %scan3A_173, %ge3A_393 : i32
      %convert_element_type3A_395 = arith.extui %ge3A_394 : i1 to i32
      %cond3A_396 = arith.constant 0 : i32
      %cond3A_397 = arith.cmpi ne, %convert_element_type3A_395, %cond3A_396 : i32
      scf.if %cond3A_397 {
        %dma_wait3A_452 = arith.constant 4 : i32
        %dma_wait3A_453 = arith.constant 0 : i32
        %dma_wait3A_454 = arith.constant 4 : i32
        %dma_wait3A_455 = arith.constant 0 : i32
        %dma_wait3A_456 = arith.constant 0 : i32
        %dma_wait3A_457 = tpu.memref_slice %arg6[%dma_wait3A_452, %dma_wait3A_455, %dma_wait3A_456] : memref<5x128x128xf32, #tpu.memory_space<vmem>> -> memref<1x128x128xf32, #tpu.memory_space<vmem>>
        %dma_wait3A_458 = tpu.memref_squeeze %dma_wait3A_457 : memref<1x128x128xf32, #tpu.memory_space<vmem>> -> memref<128x128xf32, #tpu.memory_space<vmem>>
        %dma_wait3A_459 = arith.constant 0 : i32
        %dma_wait3A_460 = tpu.memref_slice %arg4[%dma_wait3A_453, %mul3A_34, %dma_wait3A_459] : memref<200x1024x128xf32, #tpu.memory_space<hbm>> -> memref<1x128x128xf32, #tpu.memory_space<hbm>>
        %dma_wait3A_461 = tpu.memref_squeeze %dma_wait3A_460 : memref<1x128x128xf32, #tpu.memory_space<hbm>> -> memref<128x128xf32, #tpu.memory_space<hbm>>
        %dma_wait3A_462 = tpu.memref_slice %arg8[%dma_wait3A_454] : memref<5x!tpu.dma_semaphore, #tpu.memory_space<semaphore_mem>> -> memref<1x!tpu.dma_semaphore, #tpu.memory_space<semaphore_mem>>
        %dma_wait3A_463 = tpu.memref_squeeze %dma_wait3A_462 : memref<1x!tpu.dma_semaphore, #tpu.memory_space<semaphore_mem>> -> memref<!tpu.dma_semaphore, #tpu.memory_space<semaphore_mem>>
        %dma_wait3A_464 = arith.constant 0 : i32
        %dma_wait3A_465 = tpu.memref_slice %arg4[%dma_wait3A_453, %mul3A_34, %dma_wait3A_464] : memref<200x1024x128xf32, #tpu.memory_space<hbm>> -> memref<1x128x128xf32, #tpu.memory_space<hbm>>
        %dma_wait3A_466 = tpu.memref_squeeze %dma_wait3A_465 : memref<1x128x128xf32, #tpu.memory_space<hbm>> -> memref<128x128xf32, #tpu.memory_space<hbm>>
        %dma_wait3A_467 = arith.constant 0 : i32
        %dma_wait3A_468 = arith.constant 0 : i32
        %dma_wait3A_469 = tpu.memref_slice %arg6[%dma_wait3A_452, %dma_wait3A_467, %dma_wait3A_468] : memref<5x128x128xf32, #tpu.memory_space<vmem>> -> memref<1x128x128xf32, #tpu.memory_space<vmem>>
        %dma_wait3A_470 = tpu.memref_squeeze %dma_wait3A_469 : memref<1x128x128xf32, #tpu.memory_space<vmem>> -> memref<128x128xf32, #tpu.memory_space<vmem>>
        tpu.wait_dma2 semaphore(%dma_wait3A_463 : memref<!tpu.dma_semaphore, #tpu.memory_space<semaphore_mem>>) src(%dma_wait3A_470 : memref<128x128xf32, #tpu.memory_space<vmem>>) dst(%dma_wait3A_466 : memref<128x128xf32, #tpu.memory_space<hbm>>)
      } else {
      }
      %add3A_398 = arith.addi %mul3A_32, %add3A_392 : i32
      %dma_start3A_399 = arith.constant 4 : i32
      %dma_start3A_400 = arith.constant 4 : i32
      %dma_start3A_401 = arith.constant 0 : i32
      %dma_start3A_402 = arith.constant 0 : i32
      %dma_start3A_403 = tpu.memref_slice %arg6[%dma_start3A_399, %dma_start3A_401, %dma_start3A_402] : memref<5x128x128xf32, #tpu.memory_space<vmem>> -> memref<1x128x128xf32, #tpu.memory_space<vmem>>
      %dma_start3A_404 = tpu.memref_squeeze %dma_start3A_403 : memref<1x128x128xf32, #tpu.memory_space<vmem>> -> memref<128x128xf32, #tpu.memory_space<vmem>>
      %dma_start3A_405 = arith.constant 0 : i32
      %dma_start3A_406 = tpu.memref_slice %arg5[%add3A_398, %dma_start3A_405] : memref<200x128xi32, #tpu.memory_space<vmem>> -> memref<1x128xi32, #tpu.memory_space<vmem>>
      %dma_start3A_407 = tpu.memref_squeeze %dma_start3A_406 : memref<1x128xi32, #tpu.memory_space<vmem>> -> memref<128xi32, #tpu.memory_space<vmem>>
      %dma_start3A_408 = arith.constant 0 : i32
      %dma_start3A_409 = arith.constant 0 : i32
      %dma_start3A_410 = tpu.memref_slice %arg3[%dma_start3A_408, %dma_start3A_409] : memref<100000x128xf32, #tpu.memory_space<hbm>> -> memref<100000x128xf32, #tpu.memory_space<hbm>>
      %dma_start3A_411 = tpu.memref_slice %arg7[%dma_start3A_400] : memref<5x!tpu.dma_semaphore, #tpu.memory_space<semaphore_mem>> -> memref<1x!tpu.dma_semaphore, #tpu.memory_space<semaphore_mem>>
      %dma_start3A_412 = tpu.memref_squeeze %dma_start3A_411 : memref<1x!tpu.dma_semaphore, #tpu.memory_space<semaphore_mem>> -> memref<!tpu.dma_semaphore, #tpu.memory_space<semaphore_mem>>
      tpu.enqueue_indirect_dma source(%dma_start3A_410 : memref<100000x128xf32, #tpu.memory_space<hbm>>) target(%dma_start3A_404 : memref<128x128xf32, #tpu.memory_space<vmem>>) offsets(%dma_start3A_407 : memref<128xi32, #tpu.memory_space<vmem>>) semaphore(%dma_start3A_412 : memref<!tpu.dma_semaphore, #tpu.memory_space<semaphore_mem>>)
      %sub3A_413 = arith.constant 1 : i32
      %sub3A_414 = arith.subi %add3A_392, %sub3A_413 : i32
      %dma_wait3A_415 = arith.constant 3 : i32
      %dma_wait3A_416 = arith.constant 3 : i32
      %dma_wait3A_417 = arith.constant 0 : i32
      %dma_wait3A_418 = arith.constant 0 : i32
      %dma_wait3A_419 = tpu.memref_slice %arg6[%dma_wait3A_415, %dma_wait3A_417, %dma_wait3A_418] : memref<5x128x128xf32, #tpu.memory_space<vmem>> -> memref<1x128x128xf32, #tpu.memory_space<vmem>>
      %dma_wait3A_420 = tpu.memref_squeeze %dma_wait3A_419 : memref<1x128x128xf32, #tpu.memory_space<vmem>> -> memref<128x128xf32, #tpu.memory_space<vmem>>
      %dma_wait3A_421 = arith.constant 0 : i32
      %dma_wait3A_422 = arith.constant 0 : i32
      %dma_wait3A_423 = tpu.memref_slice %arg3[%dma_wait3A_421, %dma_wait3A_422] : memref<100000x128xf32, #tpu.memory_space<hbm>> -> memref<128x128xf32, #tpu.memory_space<hbm>>
      %dma_wait3A_424 = tpu.memref_slice %arg7[%dma_wait3A_416] : memref<5x!tpu.dma_semaphore, #tpu.memory_space<semaphore_mem>> -> memref<1x!tpu.dma_semaphore, #tpu.memory_space<semaphore_mem>>
      %dma_wait3A_425 = tpu.memref_squeeze %dma_wait3A_424 : memref<1x!tpu.dma_semaphore, #tpu.memory_space<semaphore_mem>> -> memref<!tpu.dma_semaphore, #tpu.memory_space<semaphore_mem>>
      %dma_wait3A_426 = arith.constant 0 : i32
      %dma_wait3A_427 = arith.constant 0 : i32
      %dma_wait3A_428 = tpu.memref_slice %arg6[%dma_wait3A_415, %dma_wait3A_426, %dma_wait3A_427] : memref<5x128x128xf32, #tpu.memory_space<vmem>> -> memref<1x128x128xf32, #tpu.memory_space<vmem>>
      %dma_wait3A_429 = tpu.memref_squeeze %dma_wait3A_428 : memref<1x128x128xf32, #tpu.memory_space<vmem>> -> memref<128x128xf32, #tpu.memory_space<vmem>>
      %dma_wait3A_430 = arith.constant 0 : i32
      %dma_wait3A_431 = arith.constant 0 : i32
      %dma_wait3A_432 = tpu.memref_slice %arg3[%dma_wait3A_430, %dma_wait3A_431] : memref<100000x128xf32, #tpu.memory_space<hbm>> -> memref<128x128xf32, #tpu.memory_space<hbm>>
      tpu.wait_dma2 semaphore(%dma_wait3A_425 : memref<!tpu.dma_semaphore, #tpu.memory_space<semaphore_mem>>) src(%dma_wait3A_432 : memref<128x128xf32, #tpu.memory_space<hbm>>) dst(%dma_wait3A_429 : memref<128x128xf32, #tpu.memory_space<vmem>>)
      %add3A_433 = arith.addi %mul3A_32, %sub3A_414 : i32
      %dma_start3A_434 = arith.constant 3 : i32
      %dma_start3A_435 = arith.constant 3 : i32
      %dma_start3A_436 = arith.constant 0 : i32
      %dma_start3A_437 = arith.constant 0 : i32
      %dma_start3A_438 = tpu.memref_slice %arg6[%dma_start3A_434, %dma_start3A_436, %dma_start3A_437] : memref<5x128x128xf32, #tpu.memory_space<vmem>> -> memref<1x128x128xf32, #tpu.memory_space<vmem>>
      %dma_start3A_439 = tpu.memref_squeeze %dma_start3A_438 : memref<1x128x128xf32, #tpu.memory_space<vmem>> -> memref<128x128xf32, #tpu.memory_space<vmem>>
      %dma_start3A_440 = arith.constant 0 : i32
      %dma_start3A_441 = tpu.memref_slice %arg4[%add3A_433, %mul3A_34, %dma_start3A_440] : memref<200x1024x128xf32, #tpu.memory_space<hbm>> -> memref<1x128x128xf32, #tpu.memory_space<hbm>>
      %dma_start3A_442 = tpu.memref_squeeze %dma_start3A_441 : memref<1x128x128xf32, #tpu.memory_space<hbm>> -> memref<128x128xf32, #tpu.memory_space<hbm>>
      %dma_start3A_443 = tpu.memref_slice %arg8[%dma_start3A_435] : memref<5x!tpu.dma_semaphore, #tpu.memory_space<semaphore_mem>> -> memref<1x!tpu.dma_semaphore, #tpu.memory_space<semaphore_mem>>
      %dma_start3A_444 = tpu.memref_squeeze %dma_start3A_443 : memref<1x!tpu.dma_semaphore, #tpu.memory_space<semaphore_mem>> -> memref<!tpu.dma_semaphore, #tpu.memory_space<semaphore_mem>>
      %dma_start3A_445 = arith.constant 0 : i32
      %dma_start3A_446 = tpu.memref_slice %arg4[%add3A_433, %mul3A_34, %dma_start3A_445] : memref<200x1024x128xf32, #tpu.memory_space<hbm>> -> memref<1x128x128xf32, #tpu.memory_space<hbm>>
      %dma_start3A_447 = tpu.memref_squeeze %dma_start3A_446 : memref<1x128x128xf32, #tpu.memory_space<hbm>> -> memref<128x128xf32, #tpu.memory_space<hbm>>
      %dma_start3A_448 = arith.constant 0 : i32
      %dma_start3A_449 = arith.constant 0 : i32
      %dma_start3A_450 = tpu.memref_slice %arg6[%dma_start3A_434, %dma_start3A_448, %dma_start3A_449] : memref<5x128x128xf32, #tpu.memory_space<vmem>> -> memref<1x128x128xf32, #tpu.memory_space<vmem>>
      %dma_start3A_451 = tpu.memref_squeeze %dma_start3A_450 : memref<1x128x128xf32, #tpu.memory_space<vmem>> -> memref<128x128xf32, #tpu.memory_space<vmem>>
      tpu.enqueue_dma source(%dma_start3A_451 : memref<128x128xf32, #tpu.memory_space<vmem>>) target(%dma_start3A_447 : memref<128x128xf32, #tpu.memory_space<hbm>>) target_semaphore(%dma_start3A_444 : memref<!tpu.dma_semaphore, #tpu.memory_space<semaphore_mem>>)
    }
    %scan3A_41 = arith.constant 10 : i32
    %dma_wait3A = arith.constant 4 : i32
    %dma_wait3A_42 = arith.constant 4 : i32
    %dma_wait3A_43 = arith.constant 0 : i32
    %dma_wait3A_44 = arith.constant 0 : i32
    %dma_wait3A_45 = tpu.memref_slice %arg6[%dma_wait3A, %dma_wait3A_43, %dma_wait3A_44] : memref<5x128x128xf32, #tpu.memory_space<vmem>> -> memref<1x128x128xf32, #tpu.memory_space<vmem>>
    %dma_wait3A_46 = tpu.memref_squeeze %dma_wait3A_45 : memref<1x128x128xf32, #tpu.memory_space<vmem>> -> memref<128x128xf32, #tpu.memory_space<vmem>>
    %dma_wait3A_47 = arith.constant 0 : i32
    %dma_wait3A_48 = arith.constant 0 : i32
    %dma_wait3A_49 = tpu.memref_slice %arg3[%dma_wait3A_47, %dma_wait3A_48] : memref<100000x128xf32, #tpu.memory_space<hbm>> -> memref<128x128xf32, #tpu.memory_space<hbm>>
    %dma_wait3A_50 = tpu.memref_slice %arg7[%dma_wait3A_42] : memref<5x!tpu.dma_semaphore, #tpu.memory_space<semaphore_mem>> -> memref<1x!tpu.dma_semaphore, #tpu.memory_space<semaphore_mem>>
    %dma_wait3A_51 = tpu.memref_squeeze %dma_wait3A_50 : memref<1x!tpu.dma_semaphore, #tpu.memory_space<semaphore_mem>> -> memref<!tpu.dma_semaphore, #tpu.memory_space<semaphore_mem>>
    %dma_wait3A_52 = arith.constant 0 : i32
    %dma_wait3A_53 = arith.constant 0 : i32
    %dma_wait3A_54 = tpu.memref_slice %arg6[%dma_wait3A, %dma_wait3A_52, %dma_wait3A_53] : memref<5x128x128xf32, #tpu.memory_space<vmem>> -> memref<1x128x128xf32, #tpu.memory_space<vmem>>
    %dma_wait3A_55 = tpu.memref_squeeze %dma_wait3A_54 : memref<1x128x128xf32, #tpu.memory_space<vmem>> -> memref<128x128xf32, #tpu.memory_space<vmem>>
    %dma_wait3A_56 = arith.constant 0 : i32
    %dma_wait3A_57 = arith.constant 0 : i32
    %dma_wait3A_58 = tpu.memref_slice %arg3[%dma_wait3A_56, %dma_wait3A_57] : memref<100000x128xf32, #tpu.memory_space<hbm>> -> memref<128x128xf32, #tpu.memory_space<hbm>>
    tpu.wait_dma2 semaphore(%dma_wait3A_51 : memref<!tpu.dma_semaphore, #tpu.memory_space<semaphore_mem>>) src(%dma_wait3A_58 : memref<128x128xf32, #tpu.memory_space<hbm>>) dst(%dma_wait3A_55 : memref<128x128xf32, #tpu.memory_space<vmem>>)
    %add3A_59 = arith.constant 49 : i32
    %add3A_60 = arith.addi %mul3A_32, %add3A_59 : i32
    %dma_start3A = arith.constant 4 : i32
    %dma_start3A_61 = arith.constant 4 : i32
    %dma_start3A_62 = arith.constant 0 : i32
    %dma_start3A_63 = arith.constant 0 : i32
    %dma_start3A_64 = tpu.memref_slice %arg6[%dma_start3A, %dma_start3A_62, %dma_start3A_63] : memref<5x128x128xf32, #tpu.memory_space<vmem>> -> memref<1x128x128xf32, #tpu.memory_space<vmem>>
    %dma_start3A_65 = tpu.memref_squeeze %dma_start3A_64 : memref<1x128x128xf32, #tpu.memory_space<vmem>> -> memref<128x128xf32, #tpu.memory_space<vmem>>
    %dma_start3A_66 = arith.constant 0 : i32
    %dma_start3A_67 = tpu.memref_slice %arg4[%add3A_60, %mul3A_34, %dma_start3A_66] : memref<200x1024x128xf32, #tpu.memory_space<hbm>> -> memref<1x128x128xf32, #tpu.memory_space<hbm>>
    %dma_start3A_68 = tpu.memref_squeeze %dma_start3A_67 : memref<1x128x128xf32, #tpu.memory_space<hbm>> -> memref<128x128xf32, #tpu.memory_space<hbm>>
    %dma_start3A_69 = tpu.memref_slice %arg8[%dma_start3A_61] : memref<5x!tpu.dma_semaphore, #tpu.memory_space<semaphore_mem>> -> memref<1x!tpu.dma_semaphore, #tpu.memory_space<semaphore_mem>>
    %dma_start3A_70 = tpu.memref_squeeze %dma_start3A_69 : memref<1x!tpu.dma_semaphore, #tpu.memory_space<semaphore_mem>> -> memref<!tpu.dma_semaphore, #tpu.memory_space<semaphore_mem>>
    %dma_start3A_71 = arith.constant 0 : i32
    %dma_start3A_72 = tpu.memref_slice %arg4[%add3A_60, %mul3A_34, %dma_start3A_71] : memref<200x1024x128xf32, #tpu.memory_space<hbm>> -> memref<1x128x128xf32, #tpu.memory_space<hbm>>
    %dma_start3A_73 = tpu.memref_squeeze %dma_start3A_72 : memref<1x128x128xf32, #tpu.memory_space<hbm>> -> memref<128x128xf32, #tpu.memory_space<hbm>>
    %dma_start3A_74 = arith.constant 0 : i32
    %dma_start3A_75 = arith.constant 0 : i32
    %dma_start3A_76 = tpu.memref_slice %arg6[%dma_start3A, %dma_start3A_74, %dma_start3A_75] : memref<5x128x128xf32, #tpu.memory_space<vmem>> -> memref<1x128x128xf32, #tpu.memory_space<vmem>>
    %dma_start3A_77 = tpu.memref_squeeze %dma_start3A_76 : memref<1x128x128xf32, #tpu.memory_space<vmem>> -> memref<128x128xf32, #tpu.memory_space<vmem>>
    tpu.enqueue_dma source(%dma_start3A_77 : memref<128x128xf32, #tpu.memory_space<vmem>>) target(%dma_start3A_73 : memref<128x128xf32, #tpu.memory_space<hbm>>) target_semaphore(%dma_start3A_70 : memref<!tpu.dma_semaphore, #tpu.memory_space<semaphore_mem>>)
    %dma_wait3A_78 = arith.constant 0 : i32
    %dma_wait3A_79 = arith.constant 0 : i32
    %dma_wait3A_80 = arith.constant 0 : i32
    %dma_wait3A_81 = arith.constant 0 : i32
    %dma_wait3A_82 = arith.constant 0 : i32
    %dma_wait3A_83 = tpu.memref_slice %arg6[%dma_wait3A_78, %dma_wait3A_81, %dma_wait3A_82] : memref<5x128x128xf32, #tpu.memory_space<vmem>> -> memref<1x128x128xf32, #tpu.memory_space<vmem>>
    %dma_wait3A_84 = tpu.memref_squeeze %dma_wait3A_83 : memref<1x128x128xf32, #tpu.memory_space<vmem>> -> memref<128x128xf32, #tpu.memory_space<vmem>>
    %dma_wait3A_85 = arith.constant 0 : i32
    %dma_wait3A_86 = tpu.memref_slice %arg4[%dma_wait3A_79, %mul3A_34, %dma_wait3A_85] : memref<200x1024x128xf32, #tpu.memory_space<hbm>> -> memref<1x128x128xf32, #tpu.memory_space<hbm>>
    %dma_wait3A_87 = tpu.memref_squeeze %dma_wait3A_86 : memref<1x128x128xf32, #tpu.memory_space<hbm>> -> memref<128x128xf32, #tpu.memory_space<hbm>>
    %dma_wait3A_88 = tpu.memref_slice %arg8[%dma_wait3A_80] : memref<5x!tpu.dma_semaphore, #tpu.memory_space<semaphore_mem>> -> memref<1x!tpu.dma_semaphore, #tpu.memory_space<semaphore_mem>>
    %dma_wait3A_89 = tpu.memref_squeeze %dma_wait3A_88 : memref<1x!tpu.dma_semaphore, #tpu.memory_space<semaphore_mem>> -> memref<!tpu.dma_semaphore, #tpu.memory_space<semaphore_mem>>
    %dma_wait3A_90 = arith.constant 0 : i32
    %dma_wait3A_91 = tpu.memref_slice %arg4[%dma_wait3A_79, %mul3A_34, %dma_wait3A_90] : memref<200x1024x128xf32, #tpu.memory_space<hbm>> -> memref<1x128x128xf32, #tpu.memory_space<hbm>>
    %dma_wait3A_92 = tpu.memref_squeeze %dma_wait3A_91 : memref<1x128x128xf32, #tpu.memory_space<hbm>> -> memref<128x128xf32, #tpu.memory_space<hbm>>
    %dma_wait3A_93 = arith.constant 0 : i32
    %dma_wait3A_94 = arith.constant 0 : i32
    %dma_wait3A_95 = tpu.memref_slice %arg6[%dma_wait3A_78, %dma_wait3A_93, %dma_wait3A_94] : memref<5x128x128xf32, #tpu.memory_space<vmem>> -> memref<1x128x128xf32, #tpu.memory_space<vmem>>
    %dma_wait3A_96 = tpu.memref_squeeze %dma_wait3A_95 : memref<1x128x128xf32, #tpu.memory_space<vmem>> -> memref<128x128xf32, #tpu.memory_space<vmem>>
    tpu.wait_dma2 semaphore(%dma_wait3A_89 : memref<!tpu.dma_semaphore, #tpu.memory_space<semaphore_mem>>) src(%dma_wait3A_96 : memref<128x128xf32, #tpu.memory_space<vmem>>) dst(%dma_wait3A_92 : memref<128x128xf32, #tpu.memory_space<hbm>>)
    %dma_wait3A_97 = arith.constant 1 : i32
    %dma_wait3A_98 = arith.constant 0 : i32
    %dma_wait3A_99 = arith.constant 1 : i32
    %dma_wait3A_100 = arith.constant 0 : i32
    %dma_wait3A_101 = arith.constant 0 : i32
    %dma_wait3A_102 = tpu.memref_slice %arg6[%dma_wait3A_97, %dma_wait3A_100, %dma_wait3A_101] : memref<5x128x128xf32, #tpu.memory_space<vmem>> -> memref<1x128x128xf32, #tpu.memory_space<vmem>>
    %dma_wait3A_103 = tpu.memref_squeeze %dma_wait3A_102 : memref<1x128x128xf32, #tpu.memory_space<vmem>> -> memref<128x128xf32, #tpu.memory_space<vmem>>
    %dma_wait3A_104 = arith.constant 0 : i32
    %dma_wait3A_105 = tpu.memref_slice %arg4[%dma_wait3A_98, %mul3A_34, %dma_wait3A_104] : memref<200x1024x128xf32, #tpu.memory_space<hbm>> -> memref<1x128x128xf32, #tpu.memory_space<hbm>>
    %dma_wait3A_106 = tpu.memref_squeeze %dma_wait3A_105 : memref<1x128x128xf32, #tpu.memory_space<hbm>> -> memref<128x128xf32, #tpu.memory_space<hbm>>
    %dma_wait3A_107 = tpu.memref_slice %arg8[%dma_wait3A_99] : memref<5x!tpu.dma_semaphore, #tpu.memory_space<semaphore_mem>> -> memref<1x!tpu.dma_semaphore, #tpu.memory_space<semaphore_mem>>
    %dma_wait3A_108 = tpu.memref_squeeze %dma_wait3A_107 : memref<1x!tpu.dma_semaphore, #tpu.memory_space<semaphore_mem>> -> memref<!tpu.dma_semaphore, #tpu.memory_space<semaphore_mem>>
    %dma_wait3A_109 = arith.constant 0 : i32
    %dma_wait3A_110 = tpu.memref_slice %arg4[%dma_wait3A_98, %mul3A_34, %dma_wait3A_109] : memref<200x1024x128xf32, #tpu.memory_space<hbm>> -> memref<1x128x128xf32, #tpu.memory_space<hbm>>
    %dma_wait3A_111 = tpu.memref_squeeze %dma_wait3A_110 : memref<1x128x128xf32, #tpu.memory_space<hbm>> -> memref<128x128xf32, #tpu.memory_space<hbm>>
    %dma_wait3A_112 = arith.constant 0 : i32
    %dma_wait3A_113 = arith.constant 0 : i32
    %dma_wait3A_114 = tpu.memref_slice %arg6[%dma_wait3A_97, %dma_wait3A_112, %dma_wait3A_113] : memref<5x128x128xf32, #tpu.memory_space<vmem>> -> memref<1x128x128xf32, #tpu.memory_space<vmem>>
    %dma_wait3A_115 = tpu.memref_squeeze %dma_wait3A_114 : memref<1x128x128xf32, #tpu.memory_space<vmem>> -> memref<128x128xf32, #tpu.memory_space<vmem>>
    tpu.wait_dma2 semaphore(%dma_wait3A_108 : memref<!tpu.dma_semaphore, #tpu.memory_space<semaphore_mem>>) src(%dma_wait3A_115 : memref<128x128xf32, #tpu.memory_space<vmem>>) dst(%dma_wait3A_111 : memref<128x128xf32, #tpu.memory_space<hbm>>)
    %dma_wait3A_116 = arith.constant 2 : i32
    %dma_wait3A_117 = arith.constant 0 : i32
    %dma_wait3A_118 = arith.constant 2 : i32
    %dma_wait3A_119 = arith.constant 0 : i32
    %dma_wait3A_120 = arith.constant 0 : i32
    %dma_wait3A_121 = tpu.memref_slice %arg6[%dma_wait3A_116, %dma_wait3A_119, %dma_wait3A_120] : memref<5x128x128xf32, #tpu.memory_space<vmem>> -> memref<1x128x128xf32, #tpu.memory_space<vmem>>
    %dma_wait3A_122 = tpu.memref_squeeze %dma_wait3A_121 : memref<1x128x128xf32, #tpu.memory_space<vmem>> -> memref<128x128xf32, #tpu.memory_space<vmem>>
    %dma_wait3A_123 = arith.constant 0 : i32
    %dma_wait3A_124 = tpu.memref_slice %arg4[%dma_wait3A_117, %mul3A_34, %dma_wait3A_123] : memref<200x1024x128xf32, #tpu.memory_space<hbm>> -> memref<1x128x128xf32, #tpu.memory_space<hbm>>
    %dma_wait3A_125 = tpu.memref_squeeze %dma_wait3A_124 : memref<1x128x128xf32, #tpu.memory_space<hbm>> -> memref<128x128xf32, #tpu.memory_space<hbm>>
    %dma_wait3A_126 = tpu.memref_slice %arg8[%dma_wait3A_118] : memref<5x!tpu.dma_semaphore, #tpu.memory_space<semaphore_mem>> -> memref<1x!tpu.dma_semaphore, #tpu.memory_space<semaphore_mem>>
    %dma_wait3A_127 = tpu.memref_squeeze %dma_wait3A_126 : memref<1x!tpu.dma_semaphore, #tpu.memory_space<semaphore_mem>> -> memref<!tpu.dma_semaphore, #tpu.memory_space<semaphore_mem>>
    %dma_wait3A_128 = arith.constant 0 : i32
    %dma_wait3A_129 = tpu.memref_slice %arg4[%dma_wait3A_117, %mul3A_34, %dma_wait3A_128] : memref<200x1024x128xf32, #tpu.memory_space<hbm>> -> memref<1x128x128xf32, #tpu.memory_space<hbm>>
    %dma_wait3A_130 = tpu.memref_squeeze %dma_wait3A_129 : memref<1x128x128xf32, #tpu.memory_space<hbm>> -> memref<128x128xf32, #tpu.memory_space<hbm>>
    %dma_wait3A_131 = arith.constant 0 : i32
    %dma_wait3A_132 = arith.constant 0 : i32
    %dma_wait3A_133 = tpu.memref_slice %arg6[%dma_wait3A_116, %dma_wait3A_131, %dma_wait3A_132] : memref<5x128x128xf32, #tpu.memory_space<vmem>> -> memref<1x128x128xf32, #tpu.memory_space<vmem>>
    %dma_wait3A_134 = tpu.memref_squeeze %dma_wait3A_133 : memref<1x128x128xf32, #tpu.memory_space<vmem>> -> memref<128x128xf32, #tpu.memory_space<vmem>>
    tpu.wait_dma2 semaphore(%dma_wait3A_127 : memref<!tpu.dma_semaphore, #tpu.memory_space<semaphore_mem>>) src(%dma_wait3A_134 : memref<128x128xf32, #tpu.memory_space<vmem>>) dst(%dma_wait3A_130 : memref<128x128xf32, #tpu.memory_space<hbm>>)
    %dma_wait3A_135 = arith.constant 3 : i32
    %dma_wait3A_136 = arith.constant 0 : i32
    %dma_wait3A_137 = arith.constant 3 : i32
    %dma_wait3A_138 = arith.constant 0 : i32
    %dma_wait3A_139 = arith.constant 0 : i32
    %dma_wait3A_140 = tpu.memref_slice %arg6[%dma_wait3A_135, %dma_wait3A_138, %dma_wait3A_139] : memref<5x128x128xf32, #tpu.memory_space<vmem>> -> memref<1x128x128xf32, #tpu.memory_space<vmem>>
    %dma_wait3A_141 = tpu.memref_squeeze %dma_wait3A_140 : memref<1x128x128xf32, #tpu.memory_space<vmem>> -> memref<128x128xf32, #tpu.memory_space<vmem>>
    %dma_wait3A_142 = arith.constant 0 : i32
    %dma_wait3A_143 = tpu.memref_slice %arg4[%dma_wait3A_136, %mul3A_34, %dma_wait3A_142] : memref<200x1024x128xf32, #tpu.memory_space<hbm>> -> memref<1x128x128xf32, #tpu.memory_space<hbm>>
    %dma_wait3A_144 = tpu.memref_squeeze %dma_wait3A_143 : memref<1x128x128xf32, #tpu.memory_space<hbm>> -> memref<128x128xf32, #tpu.memory_space<hbm>>
    %dma_wait3A_145 = tpu.memref_slice %arg8[%dma_wait3A_137] : memref<5x!tpu.dma_semaphore, #tpu.memory_space<semaphore_mem>> -> memref<1x!tpu.dma_semaphore, #tpu.memory_space<semaphore_mem>>
    %dma_wait3A_146 = tpu.memref_squeeze %dma_wait3A_145 : memref<1x!tpu.dma_semaphore, #tpu.memory_space<semaphore_mem>> -> memref<!tpu.dma_semaphore, #tpu.memory_space<semaphore_mem>>
    %dma_wait3A_147 = arith.constant 0 : i32
    %dma_wait3A_148 = tpu.memref_slice %arg4[%dma_wait3A_136, %mul3A_34, %dma_wait3A_147] : memref<200x1024x128xf32, #tpu.memory_space<hbm>> -> memref<1x128x128xf32, #tpu.memory_space<hbm>>
    %dma_wait3A_149 = tpu.memref_squeeze %dma_wait3A_148 : memref<1x128x128xf32, #tpu.memory_space<hbm>> -> memref<128x128xf32, #tpu.memory_space<hbm>>
    %dma_wait3A_150 = arith.constant 0 : i32
    %dma_wait3A_151 = arith.constant 0 : i32
    %dma_wait3A_152 = tpu.memref_slice %arg6[%dma_wait3A_135, %dma_wait3A_150, %dma_wait3A_151] : memref<5x128x128xf32, #tpu.memory_space<vmem>> -> memref<1x128x128xf32, #tpu.memory_space<vmem>>
    %dma_wait3A_153 = tpu.memref_squeeze %dma_wait3A_152 : memref<1x128x128xf32, #tpu.memory_space<vmem>> -> memref<128x128xf32, #tpu.memory_space<vmem>>
    tpu.wait_dma2 semaphore(%dma_wait3A_146 : memref<!tpu.dma_semaphore, #tpu.memory_space<semaphore_mem>>) src(%dma_wait3A_153 : memref<128x128xf32, #tpu.memory_space<vmem>>) dst(%dma_wait3A_149 : memref<128x128xf32, #tpu.memory_space<hbm>>)
    %dma_wait3A_154 = arith.constant 4 : i32
    %dma_wait3A_155 = arith.constant 0 : i32
    %dma_wait3A_156 = arith.constant 4 : i32
    %dma_wait3A_157 = arith.constant 0 : i32
    %dma_wait3A_158 = arith.constant 0 : i32
    %dma_wait3A_159 = tpu.memref_slice %arg6[%dma_wait3A_154, %dma_wait3A_157, %dma_wait3A_158] : memref<5x128x128xf32, #tpu.memory_space<vmem>> -> memref<1x128x128xf32, #tpu.memory_space<vmem>>
    %dma_wait3A_160 = tpu.memref_squeeze %dma_wait3A_159 : memref<1x128x128xf32, #tpu.memory_space<vmem>> -> memref<128x128xf32, #tpu.memory_space<vmem>>
    %dma_wait3A_161 = arith.constant 0 : i32
    %dma_wait3A_162 = tpu.memref_slice %arg4[%dma_wait3A_155, %mul3A_34, %dma_wait3A_161] : memref<200x1024x128xf32, #tpu.memory_space<hbm>> -> memref<1x128x128xf32, #tpu.memory_space<hbm>>
    %dma_wait3A_163 = tpu.memref_squeeze %dma_wait3A_162 : memref<1x128x128xf32, #tpu.memory_space<hbm>> -> memref<128x128xf32, #tpu.memory_space<hbm>>
    %dma_wait3A_164 = tpu.memref_slice %arg8[%dma_wait3A_156] : memref<5x!tpu.dma_semaphore, #tpu.memory_space<semaphore_mem>> -> memref<1x!tpu.dma_semaphore, #tpu.memory_space<semaphore_mem>>
    %dma_wait3A_165 = tpu.memref_squeeze %dma_wait3A_164 : memref<1x!tpu.dma_semaphore, #tpu.memory_space<semaphore_mem>> -> memref<!tpu.dma_semaphore, #tpu.memory_space<semaphore_mem>>
    %dma_wait3A_166 = arith.constant 0 : i32
    %dma_wait3A_167 = tpu.memref_slice %arg4[%dma_wait3A_155, %mul3A_34, %dma_wait3A_166] : memref<200x1024x128xf32, #tpu.memory_space<hbm>> -> memref<1x128x128xf32, #tpu.memory_space<hbm>>
    %dma_wait3A_168 = tpu.memref_squeeze %dma_wait3A_167 : memref<1x128x128xf32, #tpu.memory_space<hbm>> -> memref<128x128xf32, #tpu.memory_space<hbm>>
    %dma_wait3A_169 = arith.constant 0 : i32
    %dma_wait3A_170 = arith.constant 0 : i32
    %dma_wait3A_171 = tpu.memref_slice %arg6[%dma_wait3A_154, %dma_wait3A_169, %dma_wait3A_170] : memref<5x128x128xf32, #tpu.memory_space<vmem>> -> memref<1x128x128xf32, #tpu.memory_space<vmem>>
    %dma_wait3A_172 = tpu.memref_squeeze %dma_wait3A_171 : memref<1x128x128xf32, #tpu.memory_space<vmem>> -> memref<128x128xf32, #tpu.memory_space<vmem>>
    tpu.wait_dma2 semaphore(%dma_wait3A_165 : memref<!tpu.dma_semaphore, #tpu.memory_space<semaphore_mem>>) src(%dma_wait3A_172 : memref<128x128xf32, #tpu.memory_space<vmem>>) dst(%dma_wait3A_168 : memref<128x128xf32, #tpu.memory_space<hbm>>)
    return
  }
}

#map = affine_map<(d0, d1) -> (0, 0, 0)>
#map1 = affine_map<(d0, d1) -> (0, 0)>
module attributes {stable_mosaic.version = 14 : i64} {
  func.func @k(%arg0: i32, %arg1: i32, %arg2: memref<32x200x128xi32, #tpu.memory_space<hbm>>, %arg3: memref<100000x128xf32, #tpu.memory_space<hbm>>, %arg4: memref<200x1024x128xf32, #tpu.memory_space<hbm>>, %arg5: memref<200x128xi32, #tpu.memory_space<vmem>>, %arg6: memref<5x128x128xf32, #tpu.memory_space<vmem>>, %arg7: memref<5x!tpu.dma_semaphore, #tpu.memory_space<semaphore_mem>>, %arg8: memref<5x!tpu.dma_semaphore, #tpu.memory_space<semaphore_mem>>) attributes {dimension_semantics = [#tpu.dimension_semantics<core_parallel>, #tpu.dimension_semantics<subcore_parallel>], iteration_bounds = array<i64: 2, 16>, scalar_prefetch = 0 : i64, scratch_operands = 4 : i64, tpu.core_type = #tpu.core_type<sc_vector_subcore>, window_params = [{transform_indices = #map}, {transform_indices = #map1}, {transform_indices = #map}]} {
    %mul3A = arith.constant 2 : i32
    %mul3A_0 = arith.muli %arg1, %mul3A : i32
    %add3A = arith.addi %mul3A_0, %arg0 : i32
    %jit3A = arith.constant 8 : i32
    %eq3A = arith.constant 0 : i32
    %eq3A_1 = arith.cmpi eq, %jit3A, %eq3A : i32
    %jit3A_2 = arith.constant 1 : i32
    %select_n3A = arith.select %eq3A_1, %jit3A_2, %jit3A : i32
    %rem3A = arith.remsi %add3A, %select_n3A : i32
    %ne3A = arith.constant 0 : i32
    %ne3A_3 = arith.cmpi ne, %rem3A, %ne3A : i32
    %lt3A = arith.constant 0 : i32
    %lt3A_4 = arith.cmpi slt, %rem3A, %lt3A : i32
    %lt3A_5 = arith.constant 0 : i32
    %lt3A_6 = arith.cmpi slt, %select_n3A, %lt3A_5 : i32
    %ne3A_7 = arith.xori %lt3A_4, %lt3A_6 : i1
    %and3A = arith.andi %ne3A_7, %ne3A_3 : i1
    %add3A_8 = arith.addi %rem3A, %select_n3A : i32
    %select_n3A_9 = arith.select %and3A, %add3A_8, %rem3A : i32
    %jit3A_10 = arith.constant 8 : i32
    %div3A = arith.divsi %add3A, %jit3A_10 : i32
    %sign3A = arith.constant 0 : i32
    %sign3A_11 = arith.cmpi sgt, %add3A, %sign3A : i32
    %sign3A_12 = arith.extui %sign3A_11 : i1 to i32
    %sign3A_13 = arith.constant 0 : i32
    %sign3A_14 = arith.cmpi slt, %add3A, %sign3A_13 : i32
    %sign3A_15 = arith.extui %sign3A_14 : i1 to i32
    %sign3A_16 = arith.subi %sign3A_12, %sign3A_15 : i32
    %sign3A_17 = arith.constant 0 : i32
    %sign3A_18 = arith.cmpi sgt, %jit3A_10, %sign3A_17 : i32
    %sign3A_19 = arith.extui %sign3A_18 : i1 to i32
    %sign3A_20 = arith.constant 0 : i32
    %sign3A_21 = arith.cmpi slt, %jit3A_10, %sign3A_20 : i32
    %sign3A_22 = arith.extui %sign3A_21 : i1 to i32
    %sign3A_23 = arith.subi %sign3A_19, %sign3A_22 : i32
    %ne3A_24 = arith.cmpi ne, %sign3A_16, %sign3A_23 : i32
    %rem3A_25 = arith.remsi %add3A, %jit3A_10 : i32
    %ne3A_26 = arith.constant 0 : i32
    %ne3A_27 = arith.cmpi ne, %rem3A_25, %ne3A_26 : i32
    %and3A_28 = arith.andi %ne3A_24, %ne3A_27 : i1
    %sub3A = arith.constant 1 : i32
    %sub3A_29 = arith.subi %div3A, %sub3A : i32
    %select_n3A_30 = arith.select %and3A_28, %sub3A_29, %div3A : i32
    %mul3A_31 = arith.constant 50 : i32
    %mul3A_32 = arith.muli %select_n3A_30, %mul3A_31 : i32
    %mul3A_33 = arith.constant 128 : i32
    %mul3A_34 = arith.muli %select_n3A_9, %mul3A_33 : i32
    %add3A_35 = arith.constant 0 : i32
    %add3A_36 = arith.addi %add3A_35, %select_n3A_9 : i32
    "tpu.region"() ({
      %run_scoped3A = tpu.sem_alloc : memref<!tpu.dma_semaphore, #tpu.memory_space<semaphore_mem>>
      %dma_start3A_173 = arith.constant 0 : i32
      %dma_start3A_174 = arith.constant 0 : i32
      %dma_start3A_175 = tpu.memref_slice %arg2[%add3A_36, %dma_start3A_173, %dma_start3A_174] : memref<32x200x128xi32, #tpu.memory_space<hbm>> -> memref<1x200x128xi32, #tpu.memory_space<hbm>>
      %dma_start3A_176 = tpu.memref_squeeze %dma_start3A_175 : memref<1x200x128xi32, #tpu.memory_space<hbm>> -> memref<200x128xi32, #tpu.memory_space<hbm>>
      %dma_start3A_177 = arith.constant 0 : i32
      %dma_start3A_178 = arith.constant 0 : i32
      %dma_start3A_179 = tpu.memref_slice %arg2[%add3A_36, %dma_start3A_177, %dma_start3A_178] : memref<32x200x128xi32, #tpu.memory_space<hbm>> -> memref<1x200x128xi32, #tpu.memory_space<hbm>>
      %dma_start3A_180 = tpu.memref_squeeze %dma_start3A_179 : memref<1x200x128xi32, #tpu.memory_space<hbm>> -> memref<200x128xi32, #tpu.memory_space<hbm>>
      tpu.enqueue_dma source(%dma_start3A_180 : memref<200x128xi32, #tpu.memory_space<hbm>>) target(%arg5 : memref<200x128xi32, #tpu.memory_space<vmem>>) target_semaphore(%run_scoped3A : memref<!tpu.dma_semaphore, #tpu.memory_space<semaphore_mem>>)
      %dma_wait3A_181 = arith.constant 0 : i32
      %dma_wait3A_182 = arith.constant 0 : i32
      %dma_wait3A_183 = tpu.memref_slice %arg2[%add3A_36, %dma_wait3A_181, %dma_wait3A_182] : memref<32x200x128xi32, #tpu.memory_space<hbm>> -> memref<1x200x128xi32, #tpu.memory_space<hbm>>
      %dma_wait3A_184 = tpu.memref_squeeze %dma_wait3A_183 : memref<1x200x128xi32, #tpu.memory_space<hbm>> -> memref<200x128xi32, #tpu.memory_space<hbm>>
      %dma_wait3A_185 = arith.constant 0 : i32
      %dma_wait3A_186 = arith.constant 0 : i32
      %dma_wait3A_187 = tpu.memref_slice %arg2[%add3A_36, %dma_wait3A_185, %dma_wait3A_186] : memref<32x200x128xi32, #tpu.memory_space<hbm>> -> memref<1x200x128xi32, #tpu.memory_space<hbm>>
      %dma_wait3A_188 = tpu.memref_squeeze %dma_wait3A_187 : memref<1x200x128xi32, #tpu.memory_space<hbm>> -> memref<200x128xi32, #tpu.memory_space<hbm>>
      tpu.wait_dma2 semaphore(%run_scoped3A : memref<!tpu.dma_semaphore, #tpu.memory_space<semaphore_mem>>) src(%dma_wait3A_188 : memref<200x128xi32, #tpu.memory_space<hbm>>) dst(%arg5 : memref<200x128xi32, #tpu.memory_space<vmem>>)
      tpu.yield
    }) : () -> ()
    %scan3A = arith.constant 0 : i32
    %scan3A_37 = arith.constant 0 : i32
    %scan3A_38 = arith.constant 10 : i32
    %scan3A_39 = arith.addi %scan3A_37, %scan3A_38 : i32
    %scan3A_40 = arith.constant 1 : i32
    scf.for %scan3A_173 = %scan3A_37 to %scan3A_39 step %scan3A_40  : i32 {
      %mul3A_174 = arith.constant 5 : i32
      %mul3A_175 = arith.muli %scan3A_173, %mul3A_174 : i32
      %add3A_176 = arith.constant 0 : i32
      %add3A_177 = arith.addi %mul3A_175, %add3A_176 : i32
      %ge3A = arith.constant 1 : i32
      %ge3A_178 = arith.cmpi sge, %scan3A_173, %ge3A : i32
      %convert_element_type3A = arith.extui %ge3A_178 : i1 to i32
      %cond3A = arith.constant 0 : i32
      %cond3A_179 = arith.cmpi ne, %convert_element_type3A, %cond3A : i32
      scf.if %cond3A_179 {
        %dma_wait3A_452 = arith.constant 0 : i32
        %dma_wait3A_453 = arith.constant 0 : i32
        %dma_wait3A_454 = arith.constant 0 : i32
        %dma_wait3A_455 = arith.constant 0 : i32
        %dma_wait3A_456 = arith.constant 0 : i32
        %dma_wait3A_457 = tpu.memref_slice %arg6[%dma_wait3A_452, %dma_wait3A_455, %dma_wait3A_456] : memref<5x128x128xf32, #tpu.memory_space<vmem>> -> memref<1x128x128xf32, #tpu.memory_space<vmem>>
        %dma_wait3A_458 = tpu.memref_squeeze %dma_wait3A_457 : memref<1x128x128xf32, #tpu.memory_space<vmem>> -> memref<128x128xf32, #tpu.memory_space<vmem>>
        %dma_wait3A_459 = arith.constant 0 : i32
        %dma_wait3A_460 = tpu.memref_slice %arg4[%dma_wait3A_453, %mul3A_34, %dma_wait3A_459] : memref<200x1024x128xf32, #tpu.memory_space<hbm>> -> memref<1x128x128xf32, #tpu.memory_space<hbm>>
        %dma_wait3A_461 = tpu.memref_squeeze %dma_wait3A_460 : memref<1x128x128xf32, #tpu.memory_space<hbm>> -> memref<128x128xf32, #tpu.memory_space<hbm>>
        %dma_wait3A_462 = tpu.memref_slice %arg8[%dma_wait3A_454] : memref<5x!tpu.dma_semaphore, #tpu.memory_space<semaphore_mem>> -> memref<1x!tpu.dma_semaphore, #tpu.memory_space<semaphore_mem>>
        %dma_wait3A_463 = tpu.memref_squeeze %dma_wait3A_462 : memref<1x!tpu.dma_semaphore, #tpu.memory_space<semaphore_mem>> -> memref<!tpu.dma_semaphore, #tpu.memory_space<semaphore_mem>>
        %dma_wait3A_464 = arith.constant 0 : i32
        %dma_wait3A_465 = tpu.memref_slice %arg4[%dma_wait3A_453, %mul3A_34, %dma_wait3A_464] : memref<200x1024x128xf32, #tpu.memory_space<hbm>> -> memref<1x128x128xf32, #tpu.memory_space<hbm>>
        %dma_wait3A_466 = tpu.memref_squeeze %dma_wait3A_465 : memref<1x128x128xf32, #tpu.memory_space<hbm>> -> memref<128x128xf32, #tpu.memory_space<hbm>>
        %dma_wait3A_467 = arith.constant 0 : i32
        %dma_wait3A_468 = arith.constant 0 : i32
        %dma_wait3A_469 = tpu.memref_slice %arg6[%dma_wait3A_452, %dma_wait3A_467, %dma_wait3A_468] : memref<5x128x128xf32, #tpu.memory_space<vmem>> -> memref<1x128x128xf32, #tpu.memory_space<vmem>>
        %dma_wait3A_470 = tpu.memref_squeeze %dma_wait3A_469 : memref<1x128x128xf32, #tpu.memory_space<vmem>> -> memref<128x128xf32, #tpu.memory_space<vmem>>
        tpu.wait_dma2 semaphore(%dma_wait3A_463 : memref<!tpu.dma_semaphore, #tpu.memory_space<semaphore_mem>>) src(%dma_wait3A_470 : memref<128x128xf32, #tpu.memory_space<vmem>>) dst(%dma_wait3A_466 : memref<128x128xf32, #tpu.memory_space<hbm>>)
      } else {
      }
      %add3A_180 = arith.addi %mul3A_32, %add3A_177 : i32
      %dma_start3A_181 = arith.constant 0 : i32
      %dma_start3A_182 = arith.constant 0 : i32
      %dma_start3A_183 = arith.constant 0 : i32
      %dma_start3A_184 = arith.constant 0 : i32
      %dma_start3A_185 = tpu.memref_slice %arg6[%dma_start3A_181, %dma_start3A_183, %dma_start3A_184] : memref<5x128x128xf32, #tpu.memory_space<vmem>> -> memref<1x128x128xf32, #tpu.memory_space<vmem>>
      %dma_start3A_186 = tpu.memref_squeeze %dma_start3A_185 : memref<1x128x128xf32, #tpu.memory_space<vmem>> -> memref<128x128xf32, #tpu.memory_space<vmem>>
      %dma_start3A_187 = arith.constant 0 : i32
      %dma_start3A_188 = tpu.memref_slice %arg5[%add3A_180, %dma_start3A_187] : memref<200x128xi32, #tpu.memory_space<vmem>> -> memref<1x128xi32, #tpu.memory_space<vmem>>
      %dma_start3A_189 = tpu.memref_squeeze %dma_start3A_188 : memref<1x128xi32, #tpu.memory_space<vmem>> -> memref<128xi32, #tpu.memory_space<vmem>>
      %dma_start3A_190 = arith.constant 0 : i32
      %dma_start3A_191 = arith.constant 0 : i32
      %dma_start3A_192 = tpu.memref_slice %arg3[%dma_start3A_190, %dma_start3A_191] : memref<100000x128xf32, #tpu.memory_space<hbm>> -> memref<100000x128xf32, #tpu.memory_space<hbm>>
      %dma_start3A_193 = tpu.memref_slice %arg7[%dma_start3A_182] : memref<5x!tpu.dma_semaphore, #tpu.memory_space<semaphore_mem>> -> memref<1x!tpu.dma_semaphore, #tpu.memory_space<semaphore_mem>>
      %dma_start3A_194 = tpu.memref_squeeze %dma_start3A_193 : memref<1x!tpu.dma_semaphore, #tpu.memory_space<semaphore_mem>> -> memref<!tpu.dma_semaphore, #tpu.memory_space<semaphore_mem>>
      tpu.enqueue_indirect_dma source(%dma_start3A_192 : memref<100000x128xf32, #tpu.memory_space<hbm>>) target(%dma_start3A_186 : memref<128x128xf32, #tpu.memory_space<vmem>>) offsets(%dma_start3A_189 : memref<128xi32, #tpu.memory_space<vmem>>) semaphore(%dma_start3A_194 : memref<!tpu.dma_semaphore, #tpu.memory_space<semaphore_mem>>)
      %ge3A_195 = arith.constant 1 : i32
      %ge3A_196 = arith.cmpi sge, %scan3A_173, %ge3A_195 : i32
      %convert_element_type3A_197 = arith.extui %ge3A_196 : i1 to i32
      %cond3A_198 = arith.constant 0 : i32
      %cond3A_199 = arith.cmpi ne, %convert_element_type3A_197, %cond3A_198 : i32
      scf.if %cond3A_199 {
        %mul3A_452 = arith.constant 5 : i32
        %mul3A_453 = arith.muli %scan3A_173, %mul3A_452 : i32
        %sub3A_454 = arith.constant 1 : i32
        %sub3A_455 = arith.subi %mul3A_453, %sub3A_454 : i32
        %dma_wait3A_456 = arith.constant 4 : i32
        %dma_wait3A_457 = arith.constant 4 : i32
        %dma_wait3A_458 = arith.constant 0 : i32
        %dma_wait3A_459 = arith.constant 0 : i32
        %dma_wait3A_460 = tpu.memref_slice %arg6[%dma_wait3A_456, %dma_wait3A_458, %dma_wait3A_459] : memref<5x128x128xf32, #tpu.memory_space<vmem>> -> memref<1x128x128xf32, #tpu.memory_space<vmem>>
        %dma_wait3A_461 = tpu.memref_squeeze %dma_wait3A_460 : memref<1x128x128xf32, #tpu.memory_space<vmem>> -> memref<128x128xf32, #tpu.memory_space<vmem>>
        %dma_wait3A_462 = arith.constant 0 : i32
        %dma_wait3A_463 = arith.constant 0 : i32
        %dma_wait3A_464 = tpu.memref_slice %arg3[%dma_wait3A_462, %dma_wait3A_463] : memref<100000x128xf32, #tpu.memory_space<hbm>> -> memref<128x128xf32, #tpu.memory_space<hbm>>
        %dma_wait3A_465 = tpu.memref_slice %arg7[%dma_wait3A_457] : memref<5x!tpu.dma_semaphore, #tpu.memory_space<semaphore_mem>> -> memref<1x!tpu.dma_semaphore, #tpu.memory_space<semaphore_mem>>
        %dma_wait3A_466 = tpu.memref_squeeze %dma_wait3A_465 : memref<1x!tpu.dma_semaphore, #tpu.memory_space<semaphore_mem>> -> memref<!tpu.dma_semaphore, #tpu.memory_space<semaphore_mem>>
        %dma_wait3A_467 = arith.constant 0 : i32
        %dma_wait3A_468 = arith.constant 0 : i32
        %dma_wait3A_469 = tpu.memref_slice %arg6[%dma_wait3A_456, %dma_wait3A_467, %dma_wait3A_468] : memref<5x128x128xf32, #tpu.memory_space<vmem>> -> memref<1x128x128xf32, #tpu.memory_space<vmem>>
        %dma_wait3A_470 = tpu.memref_squeeze %dma_wait3A_469 : memref<1x128x128xf32, #tpu.memory_space<vmem>> -> memref<128x128xf32, #tpu.memory_space<vmem>>
        %dma_wait3A_471 = arith.constant 0 : i32
        %dma_wait3A_472 = arith.constant 0 : i32
        %dma_wait3A_473 = tpu.memref_slice %arg3[%dma_wait3A_471, %dma_wait3A_472] : memref<100000x128xf32, #tpu.memory_space<hbm>> -> memref<128x128xf32, #tpu.memory_space<hbm>>
        tpu.wait_dma2 semaphore(%dma_wait3A_466 : memref<!tpu.dma_semaphore, #tpu.memory_space<semaphore_mem>>) src(%dma_wait3A_473 : memref<128x128xf32, #tpu.memory_space<hbm>>) dst(%dma_wait3A_470 : memref<128x128xf32, #tpu.memory_space<vmem>>)
        %add3A_474 = arith.addi %mul3A_32, %sub3A_455 : i32
        %dma_start3A_475 = arith.constant 4 : i32
        %dma_start3A_476 = arith.constant 4 : i32
        %dma_start3A_477 = arith.constant 0 : i32
        %dma_start3A_478 = arith.constant 0 : i32
        %dma_start3A_479 = tpu.memref_slice %arg6[%dma_start3A_475, %dma_start3A_477, %dma_start3A_478] : memref<5x128x128xf32, #tpu.memory_space<vmem>> -> memref<1x128x128xf32, #tpu.memory_space<vmem>>
        %dma_start3A_480 = tpu.memref_squeeze %dma_start3A_479 : memref<1x128x128xf32, #tpu.memory_space<vmem>> -> memref<128x128xf32, #tpu.memory_space<vmem>>
        %dma_start3A_481 = arith.constant 0 : i32
        %dma_start3A_482 = tpu.memref_slice %arg4[%add3A_474, %mul3A_34, %dma_start3A_481] : memref<200x1024x128xf32, #tpu.memory_space<hbm>> -> memref<1x128x128xf32, #tpu.memory_space<hbm>>
        %dma_start3A_483 = tpu.memref_squeeze %dma_start3A_482 : memref<1x128x128xf32, #tpu.memory_space<hbm>> -> memref<128x128xf32, #tpu.memory_space<hbm>>
        %dma_start3A_484 = tpu.memref_slice %arg8[%dma_start3A_476] : memref<5x!tpu.dma_semaphore, #tpu.memory_space<semaphore_mem>> -> memref<1x!tpu.dma_semaphore, #tpu.memory_space<semaphore_mem>>
        %dma_start3A_485 = tpu.memref_squeeze %dma_start3A_484 : memref<1x!tpu.dma_semaphore, #tpu.memory_space<semaphore_mem>> -> memref<!tpu.dma_semaphore, #tpu.memory_space<semaphore_mem>>
        %dma_start3A_486 = arith.constant 0 : i32
        %dma_start3A_487 = tpu.memref_slice %arg4[%add3A_474, %mul3A_34, %dma_start3A_486] : memref<200x1024x128xf32, #tpu.memory_space<hbm>> -> memref<1x128x128xf32, #tpu.memory_space<hbm>>
        %dma_start3A_488 = tpu.memref_squeeze %dma_start3A_487 : memref<1x128x128xf32, #tpu.memory_space<hbm>> -> memref<128x128xf32, #tpu.memory_space<hbm>>
        %dma_start3A_489 = arith.constant 0 : i32
        %dma_start3A_490 = arith.constant 0 : i32
        %dma_start3A_491 = tpu.memref_slice %arg6[%dma_start3A_475, %dma_start3A_489, %dma_start3A_490] : memref<5x128x128xf32, #tpu.memory_space<vmem>> -> memref<1x128x128xf32, #tpu.memory_space<vmem>>
        %dma_start3A_492 = tpu.memref_squeeze %dma_start3A_491 : memref<1x128x128xf32, #tpu.memory_space<vmem>> -> memref<128x128xf32, #tpu.memory_space<vmem>>
        tpu.enqueue_dma source(%dma_start3A_492 : memref<128x128xf32, #tpu.memory_space<vmem>>) target(%dma_start3A_488 : memref<128x128xf32, #tpu.memory_space<hbm>>) target_semaphore(%dma_start3A_485 : memref<!tpu.dma_semaphore, #tpu.memory_space<semaphore_mem>>)
      } else {
      }
      %mul3A_200 = arith.constant 5 : i32
      %mul3A_201 = arith.muli %scan3A_173, %mul3A_200 : i32
      %add3A_202 = arith.constant 1 : i32
      %add3A_203 = arith.addi %mul3A_201, %add3A_202 : i32
      %ge3A_204 = arith.constant 1 : i32
      %ge3A_205 = arith.cmpi sge, %scan3A_173, %ge3A_204 : i32
      %convert_element_type3A_206 = arith.extui %ge3A_205 : i1 to i32
      %cond3A_207 = arith.constant 0 : i32
      %cond3A_208 = arith.cmpi ne, %convert_element_type3A_206, %cond3A_207 : i32
      scf.if %cond3A_208 {
        %dma_wait3A_452 = arith.constant 1 : i32
        %dma_wait3A_453 = arith.constant 0 : i32
        %dma_wait3A_454 = arith.constant 1 : i32
        %dma_wait3A_455 = arith.constant 0 : i32
        %dma_wait3A_456 = arith.constant 0 : i32
        %dma_wait3A_457 = tpu.memref_slice %arg6[%dma_wait3A_452, %dma_wait3A_455, %dma_wait3A_456] : memref<5x128x128xf32, #tpu.memory_space<vmem>> -> memref<1x128x128xf32, #tpu.memory_space<vmem>>
        %dma_wait3A_458 = tpu.memref_squeeze %dma_wait3A_457 : memref<1x128x128xf32, #tpu.memory_space<vmem>> -> memref<128x128xf32, #tpu.memory_space<vmem>>
        %dma_wait3A_459 = arith.constant 0 : i32
        %dma_wait3A_460 = tpu.memref_slice %arg4[%dma_wait3A_453, %mul3A_34, %dma_wait3A_459] : memref<200x1024x128xf32, #tpu.memory_space<hbm>> -> memref<1x128x128xf32, #tpu.memory_space<hbm>>
        %dma_wait3A_461 = tpu.memref_squeeze %dma_wait3A_460 : memref<1x128x128xf32, #tpu.memory_space<hbm>> -> memref<128x128xf32, #tpu.memory_space<hbm>>
        %dma_wait3A_462 = tpu.memref_slice %arg8[%dma_wait3A_454] : memref<5x!tpu.dma_semaphore, #tpu.memory_space<semaphore_mem>> -> memref<1x!tpu.dma_semaphore, #tpu.memory_space<semaphore_mem>>
        %dma_wait3A_463 = tpu.memref_squeeze %dma_wait3A_462 : memref<1x!tpu.dma_semaphore, #tpu.memory_space<semaphore_mem>> -> memref<!tpu.dma_semaphore, #tpu.memory_space<semaphore_mem>>
        %dma_wait3A_464 = arith.constant 0 : i32
        %dma_wait3A_465 = tpu.memref_slice %arg4[%dma_wait3A_453, %mul3A_34, %dma_wait3A_464] : memref<200x1024x128xf32, #tpu.memory_space<hbm>> -> memref<1x128x128xf32, #tpu.memory_space<hbm>>
        %dma_wait3A_466 = tpu.memref_squeeze %dma_wait3A_465 : memref<1x128x128xf32, #tpu.memory_space<hbm>> -> memref<128x128xf32, #tpu.memory_space<hbm>>
        %dma_wait3A_467 = arith.constant 0 : i32
        %dma_wait3A_468 = arith.constant 0 : i32
        %dma_wait3A_469 = tpu.memref_slice %arg6[%dma_wait3A_452, %dma_wait3A_467, %dma_wait3A_468] : memref<5x128x128xf32, #tpu.memory_space<vmem>> -> memref<1x128x128xf32, #tpu.memory_space<vmem>>
        %dma_wait3A_470 = tpu.memref_squeeze %dma_wait3A_469 : memref<1x128x128xf32, #tpu.memory_space<vmem>> -> memref<128x128xf32, #tpu.memory_space<vmem>>
        tpu.wait_dma2 semaphore(%dma_wait3A_463 : memref<!tpu.dma_semaphore, #tpu.memory_space<semaphore_mem>>) src(%dma_wait3A_470 : memref<128x128xf32, #tpu.memory_space<vmem>>) dst(%dma_wait3A_466 : memref<128x128xf32, #tpu.memory_space<hbm>>)
      } else {
      }
      %add3A_209 = arith.addi %mul3A_32, %add3A_203 : i32
      %dma_start3A_210 = arith.constant 1 : i32
      %dma_start3A_211 = arith.constant 1 : i32
      %dma_start3A_212 = arith.constant 0 : i32
      %dma_start3A_213 = arith.constant 0 : i32
      %dma_start3A_214 = tpu.memref_slice %arg6[%dma_start3A_210, %dma_start3A_212, %dma_start3A_213] : memref<5x128x128xf32, #tpu.memory_space<vmem>> -> memref<1x128x128xf32, #tpu.memory_space<vmem>>
      %dma_start3A_215 = tpu.memref_squeeze %dma_start3A_214 : memref<1x128x128xf32, #tpu.memory_space<vmem>> -> memref<128x128xf32, #tpu.memory_space<vmem>>
      %dma_start3A_216 = arith.constant 0 : i32
      %dma_start3A_217 = tpu.memref_slice %arg5[%add3A_209, %dma_start3A_216] : memref<200x128xi32, #tpu.memory_space<vmem>> -> memref<1x128xi32, #tpu.memory_space<vmem>>
      %dma_start3A_218 = tpu.memref_squeeze %dma_start3A_217 : memref<1x128xi32, #tpu.memory_space<vmem>> -> memref<128xi32, #tpu.memory_space<vmem>>
      %dma_start3A_219 = arith.constant 0 : i32
      %dma_start3A_220 = arith.constant 0 : i32
      %dma_start3A_221 = tpu.memref_slice %arg3[%dma_start3A_219, %dma_start3A_220] : memref<100000x128xf32, #tpu.memory_space<hbm>> -> memref<100000x128xf32, #tpu.memory_space<hbm>>
      %dma_start3A_222 = tpu.memref_slice %arg7[%dma_start3A_211] : memref<5x!tpu.dma_semaphore, #tpu.memory_space<semaphore_mem>> -> memref<1x!tpu.dma_semaphore, #tpu.memory_space<semaphore_mem>>
      %dma_start3A_223 = tpu.memref_squeeze %dma_start3A_222 : memref<1x!tpu.dma_semaphore, #tpu.memory_space<semaphore_mem>> -> memref<!tpu.dma_semaphore, #tpu.memory_space<semaphore_mem>>
      tpu.enqueue_indirect_dma source(%dma_start3A_221 : memref<100000x128xf32, #tpu.memory_space<hbm>>) target(%dma_start3A_215 : memref<128x128xf32, #tpu.memory_space<vmem>>) offsets(%dma_start3A_218 : memref<128xi32, #tpu.memory_space<vmem>>) semaphore(%dma_start3A_223 : memref<!tpu.dma_semaphore, #tpu.memory_space<semaphore_mem>>)
      %sub3A_224 = arith.constant 1 : i32
      %sub3A_225 = arith.subi %add3A_203, %sub3A_224 : i32
      %dma_wait3A_226 = arith.constant 0 : i32
      %dma_wait3A_227 = arith.constant 0 : i32
      %dma_wait3A_228 = arith.constant 0 : i32
      %dma_wait3A_229 = arith.constant 0 : i32
      %dma_wait3A_230 = tpu.memref_slice %arg6[%dma_wait3A_226, %dma_wait3A_228, %dma_wait3A_229] : memref<5x128x128xf32, #tpu.memory_space<vmem>> -> memref<1x128x128xf32, #tpu.memory_space<vmem>>
      %dma_wait3A_231 = tpu.memref_squeeze %dma_wait3A_230 : memref<1x128x128xf32, #tpu.memory_space<vmem>> -> memref<128x128xf32, #tpu.memory_space<vmem>>
      %dma_wait3A_232 = arith.constant 0 : i32
      %dma_wait3A_233 = arith.constant 0 : i32
      %dma_wait3A_234 = tpu.memref_slice %arg3[%dma_wait3A_232, %dma_wait3A_233] : memref<100000x128xf32, #tpu.memory_space<hbm>> -> memref<128x128xf32, #tpu.memory_space<hbm>>
      %dma_wait3A_235 = tpu.memref_slice %arg7[%dma_wait3A_227] : memref<5x!tpu.dma_semaphore, #tpu.memory_space<semaphore_mem>> -> memref<1x!tpu.dma_semaphore, #tpu.memory_space<semaphore_mem>>
      %dma_wait3A_236 = tpu.memref_squeeze %dma_wait3A_235 : memref<1x!tpu.dma_semaphore, #tpu.memory_space<semaphore_mem>> -> memref<!tpu.dma_semaphore, #tpu.memory_space<semaphore_mem>>
      %dma_wait3A_237 = arith.constant 0 : i32
      %dma_wait3A_238 = arith.constant 0 : i32
      %dma_wait3A_239 = tpu.memref_slice %arg6[%dma_wait3A_226, %dma_wait3A_237, %dma_wait3A_238] : memref<5x128x128xf32, #tpu.memory_space<vmem>> -> memref<1x128x128xf32, #tpu.memory_space<vmem>>
      %dma_wait3A_240 = tpu.memref_squeeze %dma_wait3A_239 : memref<1x128x128xf32, #tpu.memory_space<vmem>> -> memref<128x128xf32, #tpu.memory_space<vmem>>
      %dma_wait3A_241 = arith.constant 0 : i32
      %dma_wait3A_242 = arith.constant 0 : i32
      %dma_wait3A_243 = tpu.memref_slice %arg3[%dma_wait3A_241, %dma_wait3A_242] : memref<100000x128xf32, #tpu.memory_space<hbm>> -> memref<128x128xf32, #tpu.memory_space<hbm>>
      tpu.wait_dma2 semaphore(%dma_wait3A_236 : memref<!tpu.dma_semaphore, #tpu.memory_space<semaphore_mem>>) src(%dma_wait3A_243 : memref<128x128xf32, #tpu.memory_space<hbm>>) dst(%dma_wait3A_240 : memref<128x128xf32, #tpu.memory_space<vmem>>)
      %add3A_244 = arith.addi %mul3A_32, %sub3A_225 : i32
      %dma_start3A_245 = arith.constant 0 : i32
      %dma_start3A_246 = arith.constant 0 : i32
      %dma_start3A_247 = arith.constant 0 : i32
      %dma_start3A_248 = arith.constant 0 : i32
      %dma_start3A_249 = tpu.memref_slice %arg6[%dma_start3A_245, %dma_start3A_247, %dma_start3A_248] : memref<5x128x128xf32, #tpu.memory_space<vmem>> -> memref<1x128x128xf32, #tpu.memory_space<vmem>>
      %dma_start3A_250 = tpu.memref_squeeze %dma_start3A_249 : memref<1x128x128xf32, #tpu.memory_space<vmem>> -> memref<128x128xf32, #tpu.memory_space<vmem>>
      %dma_start3A_251 = arith.constant 0 : i32
      %dma_start3A_252 = tpu.memref_slice %arg4[%add3A_244, %mul3A_34, %dma_start3A_251] : memref<200x1024x128xf32, #tpu.memory_space<hbm>> -> memref<1x128x128xf32, #tpu.memory_space<hbm>>
      %dma_start3A_253 = tpu.memref_squeeze %dma_start3A_252 : memref<1x128x128xf32, #tpu.memory_space<hbm>> -> memref<128x128xf32, #tpu.memory_space<hbm>>
      %dma_start3A_254 = tpu.memref_slice %arg8[%dma_start3A_246] : memref<5x!tpu.dma_semaphore, #tpu.memory_space<semaphore_mem>> -> memref<1x!tpu.dma_semaphore, #tpu.memory_space<semaphore_mem>>
      %dma_start3A_255 = tpu.memref_squeeze %dma_start3A_254 : memref<1x!tpu.dma_semaphore, #tpu.memory_space<semaphore_mem>> -> memref<!tpu.dma_semaphore, #tpu.memory_space<semaphore_mem>>
      %dma_start3A_256 = arith.constant 0 : i32
      %dma_start3A_257 = tpu.memref_slice %arg4[%add3A_244, %mul3A_34, %dma_start3A_256] : memref<200x1024x128xf32, #tpu.memory_space<hbm>> -> memref<1x128x128xf32, #tpu.memory_space<hbm>>
      %dma_start3A_258 = tpu.memref_squeeze %dma_start3A_257 : memref<1x128x128xf32, #tpu.memory_space<hbm>> -> memref<128x128xf32, #tpu.memory_space<hbm>>
      %dma_start3A_259 = arith.constant 0 : i32
      %dma_start3A_260 = arith.constant 0 : i32
      %dma_start3A_261 = tpu.memref_slice %arg6[%dma_start3A_245, %dma_start3A_259, %dma_start3A_260] : memref<5x128x128xf32, #tpu.memory_space<vmem>> -> memref<1x128x128xf32, #tpu.memory_space<vmem>>
      %dma_start3A_262 = tpu.memref_squeeze %dma_start3A_261 : memref<1x128x128xf32, #tpu.memory_space<vmem>> -> memref<128x128xf32, #tpu.memory_space<vmem>>
      tpu.enqueue_dma source(%dma_start3A_262 : memref<128x128xf32, #tpu.memory_space<vmem>>) target(%dma_start3A_258 : memref<128x128xf32, #tpu.memory_space<hbm>>) target_semaphore(%dma_start3A_255 : memref<!tpu.dma_semaphore, #tpu.memory_space<semaphore_mem>>)
      %mul3A_263 = arith.constant 5 : i32
      %mul3A_264 = arith.muli %scan3A_173, %mul3A_263 : i32
      %add3A_265 = arith.constant 2 : i32
      %add3A_266 = arith.addi %mul3A_264, %add3A_265 : i32
      %ge3A_267 = arith.constant 1 : i32
      %ge3A_268 = arith.cmpi sge, %scan3A_173, %ge3A_267 : i32
      %convert_element_type3A_269 = arith.extui %ge3A_268 : i1 to i32
      %cond3A_270 = arith.constant 0 : i32
      %cond3A_271 = arith.cmpi ne, %convert_element_type3A_269, %cond3A_270 : i32
      scf.if %cond3A_271 {
        %dma_wait3A_452 = arith.constant 2 : i32
        %dma_wait3A_453 = arith.constant 0 : i32
        %dma_wait3A_454 = arith.constant 2 : i32
        %dma_wait3A_455 = arith.constant 0 : i32
        %dma_wait3A_456 = arith.constant 0 : i32
        %dma_wait3A_457 = tpu.memref_slice %arg6[%dma_wait3A_452, %dma_wait3A_455, %dma_wait3A_456] : memref<5x128x128xf32, #tpu.memory_space<vmem>> -> memref<1x128x128xf32, #tpu.memory_space<vmem>>
        %dma_wait3A_458 = tpu.memref_squeeze %dma_wait3A_457 : memref<1x128x128xf32, #tpu.memory_space<vmem>> -> memref<128x128xf32, #tpu.memory_space<vmem>>
        %dma_wait3A_459 = arith.constant 0 : i32
        %dma_wait3A_460 = tpu.memref_slice %arg4[%dma_wait3A_453, %mul3A_34, %dma_wait3A_459] : memref<200x1024x128xf32, #tpu.memory_space<hbm>> -> memref<1x128x128xf32, #tpu.memory_space<hbm>>
        %dma_wait3A_461 = tpu.memref_squeeze %dma_wait3A_460 : memref<1x128x128xf32, #tpu.memory_space<hbm>> -> memref<128x128xf32, #tpu.memory_space<hbm>>
        %dma_wait3A_462 = tpu.memref_slice %arg8[%dma_wait3A_454] : memref<5x!tpu.dma_semaphore, #tpu.memory_space<semaphore_mem>> -> memref<1x!tpu.dma_semaphore, #tpu.memory_space<semaphore_mem>>
        %dma_wait3A_463 = tpu.memref_squeeze %dma_wait3A_462 : memref<1x!tpu.dma_semaphore, #tpu.memory_space<semaphore_mem>> -> memref<!tpu.dma_semaphore, #tpu.memory_space<semaphore_mem>>
        %dma_wait3A_464 = arith.constant 0 : i32
        %dma_wait3A_465 = tpu.memref_slice %arg4[%dma_wait3A_453, %mul3A_34, %dma_wait3A_464] : memref<200x1024x128xf32, #tpu.memory_space<hbm>> -> memref<1x128x128xf32, #tpu.memory_space<hbm>>
        %dma_wait3A_466 = tpu.memref_squeeze %dma_wait3A_465 : memref<1x128x128xf32, #tpu.memory_space<hbm>> -> memref<128x128xf32, #tpu.memory_space<hbm>>
        %dma_wait3A_467 = arith.constant 0 : i32
        %dma_wait3A_468 = arith.constant 0 : i32
        %dma_wait3A_469 = tpu.memref_slice %arg6[%dma_wait3A_452, %dma_wait3A_467, %dma_wait3A_468] : memref<5x128x128xf32, #tpu.memory_space<vmem>> -> memref<1x128x128xf32, #tpu.memory_space<vmem>>
        %dma_wait3A_470 = tpu.memref_squeeze %dma_wait3A_469 : memref<1x128x128xf32, #tpu.memory_space<vmem>> -> memref<128x128xf32, #tpu.memory_space<vmem>>
        tpu.wait_dma2 semaphore(%dma_wait3A_463 : memref<!tpu.dma_semaphore, #tpu.memory_space<semaphore_mem>>) src(%dma_wait3A_470 : memref<128x128xf32, #tpu.memory_space<vmem>>) dst(%dma_wait3A_466 : memref<128x128xf32, #tpu.memory_space<hbm>>)
      } else {
      }
      %add3A_272 = arith.addi %mul3A_32, %add3A_266 : i32
      %dma_start3A_273 = arith.constant 2 : i32
      %dma_start3A_274 = arith.constant 2 : i32
      %dma_start3A_275 = arith.constant 0 : i32
      %dma_start3A_276 = arith.constant 0 : i32
      %dma_start3A_277 = tpu.memref_slice %arg6[%dma_start3A_273, %dma_start3A_275, %dma_start3A_276] : memref<5x128x128xf32, #tpu.memory_space<vmem>> -> memref<1x128x128xf32, #tpu.memory_space<vmem>>
      %dma_start3A_278 = tpu.memref_squeeze %dma_start3A_277 : memref<1x128x128xf32, #tpu.memory_space<vmem>> -> memref<128x128xf32, #tpu.memory_space<vmem>>
      %dma_start3A_279 = arith.constant 0 : i32
      %dma_start3A_280 = tpu.memref_slice %arg5[%add3A_272, %dma_start3A_279] : memref<200x128xi32, #tpu.memory_space<vmem>> -> memref<1x128xi32, #tpu.memory_space<vmem>>
      %dma_start3A_281 = tpu.memref_squeeze %dma_start3A_280 : memref<1x128xi32, #tpu.memory_space<vmem>> -> memref<128xi32, #tpu.memory_space<vmem>>
      %dma_start3A_282 = arith.constant 0 : i32
      %dma_start3A_283 = arith.constant 0 : i32
      %dma_start3A_284 = tpu.memref_slice %arg3[%dma_start3A_282, %dma_start3A_283] : memref<100000x128xf32, #tpu.memory_space<hbm>> -> memref<100000x128xf32, #tpu.memory_space<hbm>>
      %dma_start3A_285 = tpu.memref_slice %arg7[%dma_start3A_274] : memref<5x!tpu.dma_semaphore, #tpu.memory_space<semaphore_mem>> -> memref<1x!tpu.dma_semaphore, #tpu.memory_space<semaphore_mem>>
      %dma_start3A_286 = tpu.memref_squeeze %dma_start3A_285 : memref<1x!tpu.dma_semaphore, #tpu.memory_space<semaphore_mem>> -> memref<!tpu.dma_semaphore, #tpu.memory_space<semaphore_mem>>
      tpu.enqueue_indirect_dma source(%dma_start3A_284 : memref<100000x128xf32, #tpu.memory_space<hbm>>) target(%dma_start3A_278 : memref<128x128xf32, #tpu.memory_space<vmem>>) offsets(%dma_start3A_281 : memref<128xi32, #tpu.memory_space<vmem>>) semaphore(%dma_start3A_286 : memref<!tpu.dma_semaphore, #tpu.memory_space<semaphore_mem>>)
      %sub3A_287 = arith.constant 1 : i32
      %sub3A_288 = arith.subi %add3A_266, %sub3A_287 : i32
      %dma_wait3A_289 = arith.constant 1 : i32
      %dma_wait3A_290 = arith.constant 1 : i32
      %dma_wait3A_291 = arith.constant 0 : i32
      %dma_wait3A_292 = arith.constant 0 : i32
      %dma_wait3A_293 = tpu.memref_slice %arg6[%dma_wait3A_289, %dma_wait3A_291, %dma_wait3A_292] : memref<5x128x128xf32, #tpu.memory_space<vmem>> -> memref<1x128x128xf32, #tpu.memory_space<vmem>>
      %dma_wait3A_294 = tpu.memref_squeeze %dma_wait3A_293 : memref<1x128x128xf32, #tpu.memory_space<vmem>> -> memref<128x128xf32, #tpu.memory_space<vmem>>
      %dma_wait3A_295 = arith.constant 0 : i32
      %dma_wait3A_296 = arith.constant 0 : i32
      %dma_wait3A_297 = tpu.memref_slice %arg3[%dma_wait3A_295, %dma_wait3A_296] : memref<100000x128xf32, #tpu.memory_space<hbm>> -> memref<128x128xf32, #tpu.memory_space<hbm>>
      %dma_wait3A_298 = tpu.memref_slice %arg7[%dma_wait3A_290] : memref<5x!tpu.dma_semaphore, #tpu.memory_space<semaphore_mem>> -> memref<1x!tpu.dma_semaphore, #tpu.memory_space<semaphore_mem>>
      %dma_wait3A_299 = tpu.memref_squeeze %dma_wait3A_298 : memref<1x!tpu.dma_semaphore, #tpu.memory_space<semaphore_mem>> -> memref<!tpu.dma_semaphore, #tpu.memory_space<semaphore_mem>>
      %dma_wait3A_300 = arith.constant 0 : i32
      %dma_wait3A_301 = arith.constant 0 : i32
      %dma_wait3A_302 = tpu.memref_slice %arg6[%dma_wait3A_289, %dma_wait3A_300, %dma_wait3A_301] : memref<5x128x128xf32, #tpu.memory_space<vmem>> -> memref<1x128x128xf32, #tpu.memory_space<vmem>>
      %dma_wait3A_303 = tpu.memref_squeeze %dma_wait3A_302 : memref<1x128x128xf32, #tpu.memory_space<vmem>> -> memref<128x128xf32, #tpu.memory_space<vmem>>
      %dma_wait3A_304 = arith.constant 0 : i32
      %dma_wait3A_305 = arith.constant 0 : i32
      %dma_wait3A_306 = tpu.memref_slice %arg3[%dma_wait3A_304, %dma_wait3A_305] : memref<100000x128xf32, #tpu.memory_space<hbm>> -> memref<128x128xf32, #tpu.memory_space<hbm>>
      tpu.wait_dma2 semaphore(%dma_wait3A_299 : memref<!tpu.dma_semaphore, #tpu.memory_space<semaphore_mem>>) src(%dma_wait3A_306 : memref<128x128xf32, #tpu.memory_space<hbm>>) dst(%dma_wait3A_303 : memref<128x128xf32, #tpu.memory_space<vmem>>)
      %add3A_307 = arith.addi %mul3A_32, %sub3A_288 : i32
      %dma_start3A_308 = arith.constant 1 : i32
      %dma_start3A_309 = arith.constant 1 : i32
      %dma_start3A_310 = arith.constant 0 : i32
      %dma_start3A_311 = arith.constant 0 : i32
      %dma_start3A_312 = tpu.memref_slice %arg6[%dma_start3A_308, %dma_start3A_310, %dma_start3A_311] : memref<5x128x128xf32, #tpu.memory_space<vmem>> -> memref<1x128x128xf32, #tpu.memory_space<vmem>>
      %dma_start3A_313 = tpu.memref_squeeze %dma_start3A_312 : memref<1x128x128xf32, #tpu.memory_space<vmem>> -> memref<128x128xf32, #tpu.memory_space<vmem>>
      %dma_start3A_314 = arith.constant 0 : i32
      %dma_start3A_315 = tpu.memref_slice %arg4[%add3A_307, %mul3A_34, %dma_start3A_314] : memref<200x1024x128xf32, #tpu.memory_space<hbm>> -> memref<1x128x128xf32, #tpu.memory_space<hbm>>
      %dma_start3A_316 = tpu.memref_squeeze %dma_start3A_315 : memref<1x128x128xf32, #tpu.memory_space<hbm>> -> memref<128x128xf32, #tpu.memory_space<hbm>>
      %dma_start3A_317 = tpu.memref_slice %arg8[%dma_start3A_309] : memref<5x!tpu.dma_semaphore, #tpu.memory_space<semaphore_mem>> -> memref<1x!tpu.dma_semaphore, #tpu.memory_space<semaphore_mem>>
      %dma_start3A_318 = tpu.memref_squeeze %dma_start3A_317 : memref<1x!tpu.dma_semaphore, #tpu.memory_space<semaphore_mem>> -> memref<!tpu.dma_semaphore, #tpu.memory_space<semaphore_mem>>
      %dma_start3A_319 = arith.constant 0 : i32
      %dma_start3A_320 = tpu.memref_slice %arg4[%add3A_307, %mul3A_34, %dma_start3A_319] : memref<200x1024x128xf32, #tpu.memory_space<hbm>> -> memref<1x128x128xf32, #tpu.memory_space<hbm>>
      %dma_start3A_321 = tpu.memref_squeeze %dma_start3A_320 : memref<1x128x128xf32, #tpu.memory_space<hbm>> -> memref<128x128xf32, #tpu.memory_space<hbm>>
      %dma_start3A_322 = arith.constant 0 : i32
      %dma_start3A_323 = arith.constant 0 : i32
      %dma_start3A_324 = tpu.memref_slice %arg6[%dma_start3A_308, %dma_start3A_322, %dma_start3A_323] : memref<5x128x128xf32, #tpu.memory_space<vmem>> -> memref<1x128x128xf32, #tpu.memory_space<vmem>>
      %dma_start3A_325 = tpu.memref_squeeze %dma_start3A_324 : memref<1x128x128xf32, #tpu.memory_space<vmem>> -> memref<128x128xf32, #tpu.memory_space<vmem>>
      tpu.enqueue_dma source(%dma_start3A_325 : memref<128x128xf32, #tpu.memory_space<vmem>>) target(%dma_start3A_321 : memref<128x128xf32, #tpu.memory_space<hbm>>) target_semaphore(%dma_start3A_318 : memref<!tpu.dma_semaphore, #tpu.memory_space<semaphore_mem>>)
      %mul3A_326 = arith.constant 5 : i32
      %mul3A_327 = arith.muli %scan3A_173, %mul3A_326 : i32
      %add3A_328 = arith.constant 3 : i32
      %add3A_329 = arith.addi %mul3A_327, %add3A_328 : i32
      %ge3A_330 = arith.constant 1 : i32
      %ge3A_331 = arith.cmpi sge, %scan3A_173, %ge3A_330 : i32
      %convert_element_type3A_332 = arith.extui %ge3A_331 : i1 to i32
      %cond3A_333 = arith.constant 0 : i32
      %cond3A_334 = arith.cmpi ne, %convert_element_type3A_332, %cond3A_333 : i32
      scf.if %cond3A_334 {
        %dma_wait3A_452 = arith.constant 3 : i32
        %dma_wait3A_453 = arith.constant 0 : i32
        %dma_wait3A_454 = arith.constant 3 : i32
        %dma_wait3A_455 = arith.constant 0 : i32
        %dma_wait3A_456 = arith.constant 0 : i32
        %dma_wait3A_457 = tpu.memref_slice %arg6[%dma_wait3A_452, %dma_wait3A_455, %dma_wait3A_456] : memref<5x128x128xf32, #tpu.memory_space<vmem>> -> memref<1x128x128xf32, #tpu.memory_space<vmem>>
        %dma_wait3A_458 = tpu.memref_squeeze %dma_wait3A_457 : memref<1x128x128xf32, #tpu.memory_space<vmem>> -> memref<128x128xf32, #tpu.memory_space<vmem>>
        %dma_wait3A_459 = arith.constant 0 : i32
        %dma_wait3A_460 = tpu.memref_slice %arg4[%dma_wait3A_453, %mul3A_34, %dma_wait3A_459] : memref<200x1024x128xf32, #tpu.memory_space<hbm>> -> memref<1x128x128xf32, #tpu.memory_space<hbm>>
        %dma_wait3A_461 = tpu.memref_squeeze %dma_wait3A_460 : memref<1x128x128xf32, #tpu.memory_space<hbm>> -> memref<128x128xf32, #tpu.memory_space<hbm>>
        %dma_wait3A_462 = tpu.memref_slice %arg8[%dma_wait3A_454] : memref<5x!tpu.dma_semaphore, #tpu.memory_space<semaphore_mem>> -> memref<1x!tpu.dma_semaphore, #tpu.memory_space<semaphore_mem>>
        %dma_wait3A_463 = tpu.memref_squeeze %dma_wait3A_462 : memref<1x!tpu.dma_semaphore, #tpu.memory_space<semaphore_mem>> -> memref<!tpu.dma_semaphore, #tpu.memory_space<semaphore_mem>>
        %dma_wait3A_464 = arith.constant 0 : i32
        %dma_wait3A_465 = tpu.memref_slice %arg4[%dma_wait3A_453, %mul3A_34, %dma_wait3A_464] : memref<200x1024x128xf32, #tpu.memory_space<hbm>> -> memref<1x128x128xf32, #tpu.memory_space<hbm>>
        %dma_wait3A_466 = tpu.memref_squeeze %dma_wait3A_465 : memref<1x128x128xf32, #tpu.memory_space<hbm>> -> memref<128x128xf32, #tpu.memory_space<hbm>>
        %dma_wait3A_467 = arith.constant 0 : i32
        %dma_wait3A_468 = arith.constant 0 : i32
        %dma_wait3A_469 = tpu.memref_slice %arg6[%dma_wait3A_452, %dma_wait3A_467, %dma_wait3A_468] : memref<5x128x128xf32, #tpu.memory_space<vmem>> -> memref<1x128x128xf32, #tpu.memory_space<vmem>>
        %dma_wait3A_470 = tpu.memref_squeeze %dma_wait3A_469 : memref<1x128x128xf32, #tpu.memory_space<vmem>> -> memref<128x128xf32, #tpu.memory_space<vmem>>
        tpu.wait_dma2 semaphore(%dma_wait3A_463 : memref<!tpu.dma_semaphore, #tpu.memory_space<semaphore_mem>>) src(%dma_wait3A_470 : memref<128x128xf32, #tpu.memory_space<vmem>>) dst(%dma_wait3A_466 : memref<128x128xf32, #tpu.memory_space<hbm>>)
      } else {
      }
      %add3A_335 = arith.addi %mul3A_32, %add3A_329 : i32
      %dma_start3A_336 = arith.constant 3 : i32
      %dma_start3A_337 = arith.constant 3 : i32
      %dma_start3A_338 = arith.constant 0 : i32
      %dma_start3A_339 = arith.constant 0 : i32
      %dma_start3A_340 = tpu.memref_slice %arg6[%dma_start3A_336, %dma_start3A_338, %dma_start3A_339] : memref<5x128x128xf32, #tpu.memory_space<vmem>> -> memref<1x128x128xf32, #tpu.memory_space<vmem>>
      %dma_start3A_341 = tpu.memref_squeeze %dma_start3A_340 : memref<1x128x128xf32, #tpu.memory_space<vmem>> -> memref<128x128xf32, #tpu.memory_space<vmem>>
      %dma_start3A_342 = arith.constant 0 : i32
      %dma_start3A_343 = tpu.memref_slice %arg5[%add3A_335, %dma_start3A_342] : memref<200x128xi32, #tpu.memory_space<vmem>> -> memref<1x128xi32, #tpu.memory_space<vmem>>
      %dma_start3A_344 = tpu.memref_squeeze %dma_start3A_343 : memref<1x128xi32, #tpu.memory_space<vmem>> -> memref<128xi32, #tpu.memory_space<vmem>>
      %dma_start3A_345 = arith.constant 0 : i32
      %dma_start3A_346 = arith.constant 0 : i32
      %dma_start3A_347 = tpu.memref_slice %arg3[%dma_start3A_345, %dma_start3A_346] : memref<100000x128xf32, #tpu.memory_space<hbm>> -> memref<100000x128xf32, #tpu.memory_space<hbm>>
      %dma_start3A_348 = tpu.memref_slice %arg7[%dma_start3A_337] : memref<5x!tpu.dma_semaphore, #tpu.memory_space<semaphore_mem>> -> memref<1x!tpu.dma_semaphore, #tpu.memory_space<semaphore_mem>>
      %dma_start3A_349 = tpu.memref_squeeze %dma_start3A_348 : memref<1x!tpu.dma_semaphore, #tpu.memory_space<semaphore_mem>> -> memref<!tpu.dma_semaphore, #tpu.memory_space<semaphore_mem>>
      tpu.enqueue_indirect_dma source(%dma_start3A_347 : memref<100000x128xf32, #tpu.memory_space<hbm>>) target(%dma_start3A_341 : memref<128x128xf32, #tpu.memory_space<vmem>>) offsets(%dma_start3A_344 : memref<128xi32, #tpu.memory_space<vmem>>) semaphore(%dma_start3A_349 : memref<!tpu.dma_semaphore, #tpu.memory_space<semaphore_mem>>)
      %sub3A_350 = arith.constant 1 : i32
      %sub3A_351 = arith.subi %add3A_329, %sub3A_350 : i32
      %dma_wait3A_352 = arith.constant 2 : i32
      %dma_wait3A_353 = arith.constant 2 : i32
      %dma_wait3A_354 = arith.constant 0 : i32
      %dma_wait3A_355 = arith.constant 0 : i32
      %dma_wait3A_356 = tpu.memref_slice %arg6[%dma_wait3A_352, %dma_wait3A_354, %dma_wait3A_355] : memref<5x128x128xf32, #tpu.memory_space<vmem>> -> memref<1x128x128xf32, #tpu.memory_space<vmem>>
      %dma_wait3A_357 = tpu.memref_squeeze %dma_wait3A_356 : memref<1x128x128xf32, #tpu.memory_space<vmem>> -> memref<128x128xf32, #tpu.memory_space<vmem>>
      %dma_wait3A_358 = arith.constant 0 : i32
      %dma_wait3A_359 = arith.constant 0 : i32
      %dma_wait3A_360 = tpu.memref_slice %arg3[%dma_wait3A_358, %dma_wait3A_359] : memref<100000x128xf32, #tpu.memory_space<hbm>> -> memref<128x128xf32, #tpu.memory_space<hbm>>
      %dma_wait3A_361 = tpu.memref_slice %arg7[%dma_wait3A_353] : memref<5x!tpu.dma_semaphore, #tpu.memory_space<semaphore_mem>> -> memref<1x!tpu.dma_semaphore, #tpu.memory_space<semaphore_mem>>
      %dma_wait3A_362 = tpu.memref_squeeze %dma_wait3A_361 : memref<1x!tpu.dma_semaphore, #tpu.memory_space<semaphore_mem>> -> memref<!tpu.dma_semaphore, #tpu.memory_space<semaphore_mem>>
      %dma_wait3A_363 = arith.constant 0 : i32
      %dma_wait3A_364 = arith.constant 0 : i32
      %dma_wait3A_365 = tpu.memref_slice %arg6[%dma_wait3A_352, %dma_wait3A_363, %dma_wait3A_364] : memref<5x128x128xf32, #tpu.memory_space<vmem>> -> memref<1x128x128xf32, #tpu.memory_space<vmem>>
      %dma_wait3A_366 = tpu.memref_squeeze %dma_wait3A_365 : memref<1x128x128xf32, #tpu.memory_space<vmem>> -> memref<128x128xf32, #tpu.memory_space<vmem>>
      %dma_wait3A_367 = arith.constant 0 : i32
      %dma_wait3A_368 = arith.constant 0 : i32
      %dma_wait3A_369 = tpu.memref_slice %arg3[%dma_wait3A_367, %dma_wait3A_368] : memref<100000x128xf32, #tpu.memory_space<hbm>> -> memref<128x128xf32, #tpu.memory_space<hbm>>
      tpu.wait_dma2 semaphore(%dma_wait3A_362 : memref<!tpu.dma_semaphore, #tpu.memory_space<semaphore_mem>>) src(%dma_wait3A_369 : memref<128x128xf32, #tpu.memory_space<hbm>>) dst(%dma_wait3A_366 : memref<128x128xf32, #tpu.memory_space<vmem>>)
      %add3A_370 = arith.addi %mul3A_32, %sub3A_351 : i32
      %dma_start3A_371 = arith.constant 2 : i32
      %dma_start3A_372 = arith.constant 2 : i32
      %dma_start3A_373 = arith.constant 0 : i32
      %dma_start3A_374 = arith.constant 0 : i32
      %dma_start3A_375 = tpu.memref_slice %arg6[%dma_start3A_371, %dma_start3A_373, %dma_start3A_374] : memref<5x128x128xf32, #tpu.memory_space<vmem>> -> memref<1x128x128xf32, #tpu.memory_space<vmem>>
      %dma_start3A_376 = tpu.memref_squeeze %dma_start3A_375 : memref<1x128x128xf32, #tpu.memory_space<vmem>> -> memref<128x128xf32, #tpu.memory_space<vmem>>
      %dma_start3A_377 = arith.constant 0 : i32
      %dma_start3A_378 = tpu.memref_slice %arg4[%add3A_370, %mul3A_34, %dma_start3A_377] : memref<200x1024x128xf32, #tpu.memory_space<hbm>> -> memref<1x128x128xf32, #tpu.memory_space<hbm>>
      %dma_start3A_379 = tpu.memref_squeeze %dma_start3A_378 : memref<1x128x128xf32, #tpu.memory_space<hbm>> -> memref<128x128xf32, #tpu.memory_space<hbm>>
      %dma_start3A_380 = tpu.memref_slice %arg8[%dma_start3A_372] : memref<5x!tpu.dma_semaphore, #tpu.memory_space<semaphore_mem>> -> memref<1x!tpu.dma_semaphore, #tpu.memory_space<semaphore_mem>>
      %dma_start3A_381 = tpu.memref_squeeze %dma_start3A_380 : memref<1x!tpu.dma_semaphore, #tpu.memory_space<semaphore_mem>> -> memref<!tpu.dma_semaphore, #tpu.memory_space<semaphore_mem>>
      %dma_start3A_382 = arith.constant 0 : i32
      %dma_start3A_383 = tpu.memref_slice %arg4[%add3A_370, %mul3A_34, %dma_start3A_382] : memref<200x1024x128xf32, #tpu.memory_space<hbm>> -> memref<1x128x128xf32, #tpu.memory_space<hbm>>
      %dma_start3A_384 = tpu.memref_squeeze %dma_start3A_383 : memref<1x128x128xf32, #tpu.memory_space<hbm>> -> memref<128x128xf32, #tpu.memory_space<hbm>>
      %dma_start3A_385 = arith.constant 0 : i32
      %dma_start3A_386 = arith.constant 0 : i32
      %dma_start3A_387 = tpu.memref_slice %arg6[%dma_start3A_371, %dma_start3A_385, %dma_start3A_386] : memref<5x128x128xf32, #tpu.memory_space<vmem>> -> memref<1x128x128xf32, #tpu.memory_space<vmem>>
      %dma_start3A_388 = tpu.memref_squeeze %dma_start3A_387 : memref<1x128x128xf32, #tpu.memory_space<vmem>> -> memref<128x128xf32, #tpu.memory_space<vmem>>
      tpu.enqueue_dma source(%dma_start3A_388 : memref<128x128xf32, #tpu.memory_space<vmem>>) target(%dma_start3A_384 : memref<128x128xf32, #tpu.memory_space<hbm>>) target_semaphore(%dma_start3A_381 : memref<!tpu.dma_semaphore, #tpu.memory_space<semaphore_mem>>)
      %mul3A_389 = arith.constant 5 : i32
      %mul3A_390 = arith.muli %scan3A_173, %mul3A_389 : i32
      %add3A_391 = arith.constant 4 : i32
      %add3A_392 = arith.addi %mul3A_390, %add3A_391 : i32
      %ge3A_393 = arith.constant 1 : i32
      %ge3A_394 = arith.cmpi sge, %scan3A_173, %ge3A_393 : i32
      %convert_element_type3A_395 = arith.extui %ge3A_394 : i1 to i32
      %cond3A_396 = arith.constant 0 : i32
      %cond3A_397 = arith.cmpi ne, %convert_element_type3A_395, %cond3A_396 : i32
      scf.if %cond3A_397 {
        %dma_wait3A_452 = arith.constant 4 : i32
        %dma_wait3A_453 = arith.constant 0 : i32
        %dma_wait3A_454 = arith.constant 4 : i32
        %dma_wait3A_455 = arith.constant 0 : i32
        %dma_wait3A_456 = arith.constant 0 : i32
        %dma_wait3A_457 = tpu.memref_slice %arg6[%dma_wait3A_452, %dma_wait3A_455, %dma_wait3A_456] : memref<5x128x128xf32, #tpu.memory_space<vmem>> -> memref<1x128x128xf32, #tpu.memory_space<vmem>>
        %dma_wait3A_458 = tpu.memref_squeeze %dma_wait3A_457 : memref<1x128x128xf32, #tpu.memory_space<vmem>> -> memref<128x128xf32, #tpu.memory_space<vmem>>
        %dma_wait3A_459 = arith.constant 0 : i32
        %dma_wait3A_460 = tpu.memref_slice %arg4[%dma_wait3A_453, %mul3A_34, %dma_wait3A_459] : memref<200x1024x128xf32, #tpu.memory_space<hbm>> -> memref<1x128x128xf32, #tpu.memory_space<hbm>>
        %dma_wait3A_461 = tpu.memref_squeeze %dma_wait3A_460 : memref<1x128x128xf32, #tpu.memory_space<hbm>> -> memref<128x128xf32, #tpu.memory_space<hbm>>
        %dma_wait3A_462 = tpu.memref_slice %arg8[%dma_wait3A_454] : memref<5x!tpu.dma_semaphore, #tpu.memory_space<semaphore_mem>> -> memref<1x!tpu.dma_semaphore, #tpu.memory_space<semaphore_mem>>
        %dma_wait3A_463 = tpu.memref_squeeze %dma_wait3A_462 : memref<1x!tpu.dma_semaphore, #tpu.memory_space<semaphore_mem>> -> memref<!tpu.dma_semaphore, #tpu.memory_space<semaphore_mem>>
        %dma_wait3A_464 = arith.constant 0 : i32
        %dma_wait3A_465 = tpu.memref_slice %arg4[%dma_wait3A_453, %mul3A_34, %dma_wait3A_464] : memref<200x1024x128xf32, #tpu.memory_space<hbm>> -> memref<1x128x128xf32, #tpu.memory_space<hbm>>
        %dma_wait3A_466 = tpu.memref_squeeze %dma_wait3A_465 : memref<1x128x128xf32, #tpu.memory_space<hbm>> -> memref<128x128xf32, #tpu.memory_space<hbm>>
        %dma_wait3A_467 = arith.constant 0 : i32
        %dma_wait3A_468 = arith.constant 0 : i32
        %dma_wait3A_469 = tpu.memref_slice %arg6[%dma_wait3A_452, %dma_wait3A_467, %dma_wait3A_468] : memref<5x128x128xf32, #tpu.memory_space<vmem>> -> memref<1x128x128xf32, #tpu.memory_space<vmem>>
        %dma_wait3A_470 = tpu.memref_squeeze %dma_wait3A_469 : memref<1x128x128xf32, #tpu.memory_space<vmem>> -> memref<128x128xf32, #tpu.memory_space<vmem>>
        tpu.wait_dma2 semaphore(%dma_wait3A_463 : memref<!tpu.dma_semaphore, #tpu.memory_space<semaphore_mem>>) src(%dma_wait3A_470 : memref<128x128xf32, #tpu.memory_space<vmem>>) dst(%dma_wait3A_466 : memref<128x128xf32, #tpu.memory_space<hbm>>)
      } else {
      }
      %add3A_398 = arith.addi %mul3A_32, %add3A_392 : i32
      %dma_start3A_399 = arith.constant 4 : i32
      %dma_start3A_400 = arith.constant 4 : i32
      %dma_start3A_401 = arith.constant 0 : i32
      %dma_start3A_402 = arith.constant 0 : i32
      %dma_start3A_403 = tpu.memref_slice %arg6[%dma_start3A_399, %dma_start3A_401, %dma_start3A_402] : memref<5x128x128xf32, #tpu.memory_space<vmem>> -> memref<1x128x128xf32, #tpu.memory_space<vmem>>
      %dma_start3A_404 = tpu.memref_squeeze %dma_start3A_403 : memref<1x128x128xf32, #tpu.memory_space<vmem>> -> memref<128x128xf32, #tpu.memory_space<vmem>>
      %dma_start3A_405 = arith.constant 0 : i32
      %dma_start3A_406 = tpu.memref_slice %arg5[%add3A_398, %dma_start3A_405] : memref<200x128xi32, #tpu.memory_space<vmem>> -> memref<1x128xi32, #tpu.memory_space<vmem>>
      %dma_start3A_407 = tpu.memref_squeeze %dma_start3A_406 : memref<1x128xi32, #tpu.memory_space<vmem>> -> memref<128xi32, #tpu.memory_space<vmem>>
      %dma_start3A_408 = arith.constant 0 : i32
      %dma_start3A_409 = arith.constant 0 : i32
      %dma_start3A_410 = tpu.memref_slice %arg3[%dma_start3A_408, %dma_start3A_409] : memref<100000x128xf32, #tpu.memory_space<hbm>> -> memref<100000x128xf32, #tpu.memory_space<hbm>>
      %dma_start3A_411 = tpu.memref_slice %arg7[%dma_start3A_400] : memref<5x!tpu.dma_semaphore, #tpu.memory_space<semaphore_mem>> -> memref<1x!tpu.dma_semaphore, #tpu.memory_space<semaphore_mem>>
      %dma_start3A_412 = tpu.memref_squeeze %dma_start3A_411 : memref<1x!tpu.dma_semaphore, #tpu.memory_space<semaphore_mem>> -> memref<!tpu.dma_semaphore, #tpu.memory_space<semaphore_mem>>
      tpu.enqueue_indirect_dma source(%dma_start3A_410 : memref<100000x128xf32, #tpu.memory_space<hbm>>) target(%dma_start3A_404 : memref<128x128xf32, #tpu.memory_space<vmem>>) offsets(%dma_start3A_407 : memref<128xi32, #tpu.memory_space<vmem>>) semaphore(%dma_start3A_412 : memref<!tpu.dma_semaphore, #tpu.memory_space<semaphore_mem>>)
      %sub3A_413 = arith.constant 1 : i32
      %sub3A_414 = arith.subi %add3A_392, %sub3A_413 : i32
      %dma_wait3A_415 = arith.constant 3 : i32
      %dma_wait3A_416 = arith.constant 3 : i32
      %dma_wait3A_417 = arith.constant 0 : i32
      %dma_wait3A_418 = arith.constant 0 : i32
      %dma_wait3A_419 = tpu.memref_slice %arg6[%dma_wait3A_415, %dma_wait3A_417, %dma_wait3A_418] : memref<5x128x128xf32, #tpu.memory_space<vmem>> -> memref<1x128x128xf32, #tpu.memory_space<vmem>>
      %dma_wait3A_420 = tpu.memref_squeeze %dma_wait3A_419 : memref<1x128x128xf32, #tpu.memory_space<vmem>> -> memref<128x128xf32, #tpu.memory_space<vmem>>
      %dma_wait3A_421 = arith.constant 0 : i32
      %dma_wait3A_422 = arith.constant 0 : i32
      %dma_wait3A_423 = tpu.memref_slice %arg3[%dma_wait3A_421, %dma_wait3A_422] : memref<100000x128xf32, #tpu.memory_space<hbm>> -> memref<128x128xf32, #tpu.memory_space<hbm>>
      %dma_wait3A_424 = tpu.memref_slice %arg7[%dma_wait3A_416] : memref<5x!tpu.dma_semaphore, #tpu.memory_space<semaphore_mem>> -> memref<1x!tpu.dma_semaphore, #tpu.memory_space<semaphore_mem>>
      %dma_wait3A_425 = tpu.memref_squeeze %dma_wait3A_424 : memref<1x!tpu.dma_semaphore, #tpu.memory_space<semaphore_mem>> -> memref<!tpu.dma_semaphore, #tpu.memory_space<semaphore_mem>>
      %dma_wait3A_426 = arith.constant 0 : i32
      %dma_wait3A_427 = arith.constant 0 : i32
      %dma_wait3A_428 = tpu.memref_slice %arg6[%dma_wait3A_415, %dma_wait3A_426, %dma_wait3A_427] : memref<5x128x128xf32, #tpu.memory_space<vmem>> -> memref<1x128x128xf32, #tpu.memory_space<vmem>>
      %dma_wait3A_429 = tpu.memref_squeeze %dma_wait3A_428 : memref<1x128x128xf32, #tpu.memory_space<vmem>> -> memref<128x128xf32, #tpu.memory_space<vmem>>
      %dma_wait3A_430 = arith.constant 0 : i32
      %dma_wait3A_431 = arith.constant 0 : i32
      %dma_wait3A_432 = tpu.memref_slice %arg3[%dma_wait3A_430, %dma_wait3A_431] : memref<100000x128xf32, #tpu.memory_space<hbm>> -> memref<128x128xf32, #tpu.memory_space<hbm>>
      tpu.wait_dma2 semaphore(%dma_wait3A_425 : memref<!tpu.dma_semaphore, #tpu.memory_space<semaphore_mem>>) src(%dma_wait3A_432 : memref<128x128xf32, #tpu.memory_space<hbm>>) dst(%dma_wait3A_429 : memref<128x128xf32, #tpu.memory_space<vmem>>)
      %add3A_433 = arith.addi %mul3A_32, %sub3A_414 : i32
      %dma_start3A_434 = arith.constant 3 : i32
      %dma_start3A_435 = arith.constant 3 : i32
      %dma_start3A_436 = arith.constant 0 : i32
      %dma_start3A_437 = arith.constant 0 : i32
      %dma_start3A_438 = tpu.memref_slice %arg6[%dma_start3A_434, %dma_start3A_436, %dma_start3A_437] : memref<5x128x128xf32, #tpu.memory_space<vmem>> -> memref<1x128x128xf32, #tpu.memory_space<vmem>>
      %dma_start3A_439 = tpu.memref_squeeze %dma_start3A_438 : memref<1x128x128xf32, #tpu.memory_space<vmem>> -> memref<128x128xf32, #tpu.memory_space<vmem>>
      %dma_start3A_440 = arith.constant 0 : i32
      %dma_start3A_441 = tpu.memref_slice %arg4[%add3A_433, %mul3A_34, %dma_start3A_440] : memref<200x1024x128xf32, #tpu.memory_space<hbm>> -> memref<1x128x128xf32, #tpu.memory_space<hbm>>
      %dma_start3A_442 = tpu.memref_squeeze %dma_start3A_441 : memref<1x128x128xf32, #tpu.memory_space<hbm>> -> memref<128x128xf32, #tpu.memory_space<hbm>>
      %dma_start3A_443 = tpu.memref_slice %arg8[%dma_start3A_435] : memref<5x!tpu.dma_semaphore, #tpu.memory_space<semaphore_mem>> -> memref<1x!tpu.dma_semaphore, #tpu.memory_space<semaphore_mem>>
      %dma_start3A_444 = tpu.memref_squeeze %dma_start3A_443 : memref<1x!tpu.dma_semaphore, #tpu.memory_space<semaphore_mem>> -> memref<!tpu.dma_semaphore, #tpu.memory_space<semaphore_mem>>
      %dma_start3A_445 = arith.constant 0 : i32
      %dma_start3A_446 = tpu.memref_slice %arg4[%add3A_433, %mul3A_34, %dma_start3A_445] : memref<200x1024x128xf32, #tpu.memory_space<hbm>> -> memref<1x128x128xf32, #tpu.memory_space<hbm>>
      %dma_start3A_447 = tpu.memref_squeeze %dma_start3A_446 : memref<1x128x128xf32, #tpu.memory_space<hbm>> -> memref<128x128xf32, #tpu.memory_space<hbm>>
      %dma_start3A_448 = arith.constant 0 : i32
      %dma_start3A_449 = arith.constant 0 : i32
      %dma_start3A_450 = tpu.memref_slice %arg6[%dma_start3A_434, %dma_start3A_448, %dma_start3A_449] : memref<5x128x128xf32, #tpu.memory_space<vmem>> -> memref<1x128x128xf32, #tpu.memory_space<vmem>>
      %dma_start3A_451 = tpu.memref_squeeze %dma_start3A_450 : memref<1x128x128xf32, #tpu.memory_space<vmem>> -> memref<128x128xf32, #tpu.memory_space<vmem>>
      tpu.enqueue_dma source(%dma_start3A_451 : memref<128x128xf32, #tpu.memory_space<vmem>>) target(%dma_start3A_447 : memref<128x128xf32, #tpu.memory_space<hbm>>) target_semaphore(%dma_start3A_444 : memref<!tpu.dma_semaphore, #tpu.memory_space<semaphore_mem>>)
    }
    %scan3A_41 = arith.constant 10 : i32
    %dma_wait3A = arith.constant 4 : i32
    %dma_wait3A_42 = arith.constant 4 : i32
    %dma_wait3A_43 = arith.constant 0 : i32
    %dma_wait3A_44 = arith.constant 0 : i32
    %dma_wait3A_45 = tpu.memref_slice %arg6[%dma_wait3A, %dma_wait3A_43, %dma_wait3A_44] : memref<5x128x128xf32, #tpu.memory_space<vmem>> -> memref<1x128x128xf32, #tpu.memory_space<vmem>>
    %dma_wait3A_46 = tpu.memref_squeeze %dma_wait3A_45 : memref<1x128x128xf32, #tpu.memory_space<vmem>> -> memref<128x128xf32, #tpu.memory_space<vmem>>
    %dma_wait3A_47 = arith.constant 0 : i32
    %dma_wait3A_48 = arith.constant 0 : i32
    %dma_wait3A_49 = tpu.memref_slice %arg3[%dma_wait3A_47, %dma_wait3A_48] : memref<100000x128xf32, #tpu.memory_space<hbm>> -> memref<128x128xf32, #tpu.memory_space<hbm>>
    %dma_wait3A_50 = tpu.memref_slice %arg7[%dma_wait3A_42] : memref<5x!tpu.dma_semaphore, #tpu.memory_space<semaphore_mem>> -> memref<1x!tpu.dma_semaphore, #tpu.memory_space<semaphore_mem>>
    %dma_wait3A_51 = tpu.memref_squeeze %dma_wait3A_50 : memref<1x!tpu.dma_semaphore, #tpu.memory_space<semaphore_mem>> -> memref<!tpu.dma_semaphore, #tpu.memory_space<semaphore_mem>>
    %dma_wait3A_52 = arith.constant 0 : i32
    %dma_wait3A_53 = arith.constant 0 : i32
    %dma_wait3A_54 = tpu.memref_slice %arg6[%dma_wait3A, %dma_wait3A_52, %dma_wait3A_53] : memref<5x128x128xf32, #tpu.memory_space<vmem>> -> memref<1x128x128xf32, #tpu.memory_space<vmem>>
    %dma_wait3A_55 = tpu.memref_squeeze %dma_wait3A_54 : memref<1x128x128xf32, #tpu.memory_space<vmem>> -> memref<128x128xf32, #tpu.memory_space<vmem>>
    %dma_wait3A_56 = arith.constant 0 : i32
    %dma_wait3A_57 = arith.constant 0 : i32
    %dma_wait3A_58 = tpu.memref_slice %arg3[%dma_wait3A_56, %dma_wait3A_57] : memref<100000x128xf32, #tpu.memory_space<hbm>> -> memref<128x128xf32, #tpu.memory_space<hbm>>
    tpu.wait_dma2 semaphore(%dma_wait3A_51 : memref<!tpu.dma_semaphore, #tpu.memory_space<semaphore_mem>>) src(%dma_wait3A_58 : memref<128x128xf32, #tpu.memory_space<hbm>>) dst(%dma_wait3A_55 : memref<128x128xf32, #tpu.memory_space<vmem>>)
    %add3A_59 = arith.constant 49 : i32
    %add3A_60 = arith.addi %mul3A_32, %add3A_59 : i32
    %dma_start3A = arith.constant 4 : i32
    %dma_start3A_61 = arith.constant 4 : i32
    %dma_start3A_62 = arith.constant 0 : i32
    %dma_start3A_63 = arith.constant 0 : i32
    %dma_start3A_64 = tpu.memref_slice %arg6[%dma_start3A, %dma_start3A_62, %dma_start3A_63] : memref<5x128x128xf32, #tpu.memory_space<vmem>> -> memref<1x128x128xf32, #tpu.memory_space<vmem>>
    %dma_start3A_65 = tpu.memref_squeeze %dma_start3A_64 : memref<1x128x128xf32, #tpu.memory_space<vmem>> -> memref<128x128xf32, #tpu.memory_space<vmem>>
    %dma_start3A_66 = arith.constant 0 : i32
    %dma_start3A_67 = tpu.memref_slice %arg4[%add3A_60, %mul3A_34, %dma_start3A_66] : memref<200x1024x128xf32, #tpu.memory_space<hbm>> -> memref<1x128x128xf32, #tpu.memory_space<hbm>>
    %dma_start3A_68 = tpu.memref_squeeze %dma_start3A_67 : memref<1x128x128xf32, #tpu.memory_space<hbm>> -> memref<128x128xf32, #tpu.memory_space<hbm>>
    %dma_start3A_69 = tpu.memref_slice %arg8[%dma_start3A_61] : memref<5x!tpu.dma_semaphore, #tpu.memory_space<semaphore_mem>> -> memref<1x!tpu.dma_semaphore, #tpu.memory_space<semaphore_mem>>
    %dma_start3A_70 = tpu.memref_squeeze %dma_start3A_69 : memref<1x!tpu.dma_semaphore, #tpu.memory_space<semaphore_mem>> -> memref<!tpu.dma_semaphore, #tpu.memory_space<semaphore_mem>>
    %dma_start3A_71 = arith.constant 0 : i32
    %dma_start3A_72 = tpu.memref_slice %arg4[%add3A_60, %mul3A_34, %dma_start3A_71] : memref<200x1024x128xf32, #tpu.memory_space<hbm>> -> memref<1x128x128xf32, #tpu.memory_space<hbm>>
    %dma_start3A_73 = tpu.memref_squeeze %dma_start3A_72 : memref<1x128x128xf32, #tpu.memory_space<hbm>> -> memref<128x128xf32, #tpu.memory_space<hbm>>
    %dma_start3A_74 = arith.constant 0 : i32
    %dma_start3A_75 = arith.constant 0 : i32
    %dma_start3A_76 = tpu.memref_slice %arg6[%dma_start3A, %dma_start3A_74, %dma_start3A_75] : memref<5x128x128xf32, #tpu.memory_space<vmem>> -> memref<1x128x128xf32, #tpu.memory_space<vmem>>
    %dma_start3A_77 = tpu.memref_squeeze %dma_start3A_76 : memref<1x128x128xf32, #tpu.memory_space<vmem>> -> memref<128x128xf32, #tpu.memory_space<vmem>>
    tpu.enqueue_dma source(%dma_start3A_77 : memref<128x128xf32, #tpu.memory_space<vmem>>) target(%dma_start3A_73 : memref<128x128xf32, #tpu.memory_space<hbm>>) target_semaphore(%dma_start3A_70 : memref<!tpu.dma_semaphore, #tpu.memory_space<semaphore_mem>>)
    %dma_wait3A_78 = arith.constant 0 : i32
    %dma_wait3A_79 = arith.constant 0 : i32
    %dma_wait3A_80 = arith.constant 0 : i32
    %dma_wait3A_81 = arith.constant 0 : i32
    %dma_wait3A_82 = arith.constant 0 : i32
    %dma_wait3A_83 = tpu.memref_slice %arg6[%dma_wait3A_78, %dma_wait3A_81, %dma_wait3A_82] : memref<5x128x128xf32, #tpu.memory_space<vmem>> -> memref<1x128x128xf32, #tpu.memory_space<vmem>>
    %dma_wait3A_84 = tpu.memref_squeeze %dma_wait3A_83 : memref<1x128x128xf32, #tpu.memory_space<vmem>> -> memref<128x128xf32, #tpu.memory_space<vmem>>
    %dma_wait3A_85 = arith.constant 0 : i32
    %dma_wait3A_86 = tpu.memref_slice %arg4[%dma_wait3A_79, %mul3A_34, %dma_wait3A_85] : memref<200x1024x128xf32, #tpu.memory_space<hbm>> -> memref<1x128x128xf32, #tpu.memory_space<hbm>>
    %dma_wait3A_87 = tpu.memref_squeeze %dma_wait3A_86 : memref<1x128x128xf32, #tpu.memory_space<hbm>> -> memref<128x128xf32, #tpu.memory_space<hbm>>
    %dma_wait3A_88 = tpu.memref_slice %arg8[%dma_wait3A_80] : memref<5x!tpu.dma_semaphore, #tpu.memory_space<semaphore_mem>> -> memref<1x!tpu.dma_semaphore, #tpu.memory_space<semaphore_mem>>
    %dma_wait3A_89 = tpu.memref_squeeze %dma_wait3A_88 : memref<1x!tpu.dma_semaphore, #tpu.memory_space<semaphore_mem>> -> memref<!tpu.dma_semaphore, #tpu.memory_space<semaphore_mem>>
    %dma_wait3A_90 = arith.constant 0 : i32
    %dma_wait3A_91 = tpu.memref_slice %arg4[%dma_wait3A_79, %mul3A_34, %dma_wait3A_90] : memref<200x1024x128xf32, #tpu.memory_space<hbm>> -> memref<1x128x128xf32, #tpu.memory_space<hbm>>
    %dma_wait3A_92 = tpu.memref_squeeze %dma_wait3A_91 : memref<1x128x128xf32, #tpu.memory_space<hbm>> -> memref<128x128xf32, #tpu.memory_space<hbm>>
    %dma_wait3A_93 = arith.constant 0 : i32
    %dma_wait3A_94 = arith.constant 0 : i32
    %dma_wait3A_95 = tpu.memref_slice %arg6[%dma_wait3A_78, %dma_wait3A_93, %dma_wait3A_94] : memref<5x128x128xf32, #tpu.memory_space<vmem>> -> memref<1x128x128xf32, #tpu.memory_space<vmem>>
    %dma_wait3A_96 = tpu.memref_squeeze %dma_wait3A_95 : memref<1x128x128xf32, #tpu.memory_space<vmem>> -> memref<128x128xf32, #tpu.memory_space<vmem>>
    tpu.wait_dma2 semaphore(%dma_wait3A_89 : memref<!tpu.dma_semaphore, #tpu.memory_space<semaphore_mem>>) src(%dma_wait3A_96 : memref<128x128xf32, #tpu.memory_space<vmem>>) dst(%dma_wait3A_92 : memref<128x128xf32, #tpu.memory_space<hbm>>)
    %dma_wait3A_97 = arith.constant 1 : i32
    %dma_wait3A_98 = arith.constant 0 : i32
    %dma_wait3A_99 = arith.constant 1 : i32
    %dma_wait3A_100 = arith.constant 0 : i32
    %dma_wait3A_101 = arith.constant 0 : i32
    %dma_wait3A_102 = tpu.memref_slice %arg6[%dma_wait3A_97, %dma_wait3A_100, %dma_wait3A_101] : memref<5x128x128xf32, #tpu.memory_space<vmem>> -> memref<1x128x128xf32, #tpu.memory_space<vmem>>
    %dma_wait3A_103 = tpu.memref_squeeze %dma_wait3A_102 : memref<1x128x128xf32, #tpu.memory_space<vmem>> -> memref<128x128xf32, #tpu.memory_space<vmem>>
    %dma_wait3A_104 = arith.constant 0 : i32
    %dma_wait3A_105 = tpu.memref_slice %arg4[%dma_wait3A_98, %mul3A_34, %dma_wait3A_104] : memref<200x1024x128xf32, #tpu.memory_space<hbm>> -> memref<1x128x128xf32, #tpu.memory_space<hbm>>
    %dma_wait3A_106 = tpu.memref_squeeze %dma_wait3A_105 : memref<1x128x128xf32, #tpu.memory_space<hbm>> -> memref<128x128xf32, #tpu.memory_space<hbm>>
    %dma_wait3A_107 = tpu.memref_slice %arg8[%dma_wait3A_99] : memref<5x!tpu.dma_semaphore, #tpu.memory_space<semaphore_mem>> -> memref<1x!tpu.dma_semaphore, #tpu.memory_space<semaphore_mem>>
    %dma_wait3A_108 = tpu.memref_squeeze %dma_wait3A_107 : memref<1x!tpu.dma_semaphore, #tpu.memory_space<semaphore_mem>> -> memref<!tpu.dma_semaphore, #tpu.memory_space<semaphore_mem>>
    %dma_wait3A_109 = arith.constant 0 : i32
    %dma_wait3A_110 = tpu.memref_slice %arg4[%dma_wait3A_98, %mul3A_34, %dma_wait3A_109] : memref<200x1024x128xf32, #tpu.memory_space<hbm>> -> memref<1x128x128xf32, #tpu.memory_space<hbm>>
    %dma_wait3A_111 = tpu.memref_squeeze %dma_wait3A_110 : memref<1x128x128xf32, #tpu.memory_space<hbm>> -> memref<128x128xf32, #tpu.memory_space<hbm>>
    %dma_wait3A_112 = arith.constant 0 : i32
    %dma_wait3A_113 = arith.constant 0 : i32
    %dma_wait3A_114 = tpu.memref_slice %arg6[%dma_wait3A_97, %dma_wait3A_112, %dma_wait3A_113] : memref<5x128x128xf32, #tpu.memory_space<vmem>> -> memref<1x128x128xf32, #tpu.memory_space<vmem>>
    %dma_wait3A_115 = tpu.memref_squeeze %dma_wait3A_114 : memref<1x128x128xf32, #tpu.memory_space<vmem>> -> memref<128x128xf32, #tpu.memory_space<vmem>>
    tpu.wait_dma2 semaphore(%dma_wait3A_108 : memref<!tpu.dma_semaphore, #tpu.memory_space<semaphore_mem>>) src(%dma_wait3A_115 : memref<128x128xf32, #tpu.memory_space<vmem>>) dst(%dma_wait3A_111 : memref<128x128xf32, #tpu.memory_space<hbm>>)
    %dma_wait3A_116 = arith.constant 2 : i32
    %dma_wait3A_117 = arith.constant 0 : i32
    %dma_wait3A_118 = arith.constant 2 : i32
    %dma_wait3A_119 = arith.constant 0 : i32
    %dma_wait3A_120 = arith.constant 0 : i32
    %dma_wait3A_121 = tpu.memref_slice %arg6[%dma_wait3A_116, %dma_wait3A_119, %dma_wait3A_120] : memref<5x128x128xf32, #tpu.memory_space<vmem>> -> memref<1x128x128xf32, #tpu.memory_space<vmem>>
    %dma_wait3A_122 = tpu.memref_squeeze %dma_wait3A_121 : memref<1x128x128xf32, #tpu.memory_space<vmem>> -> memref<128x128xf32, #tpu.memory_space<vmem>>
    %dma_wait3A_123 = arith.constant 0 : i32
    %dma_wait3A_124 = tpu.memref_slice %arg4[%dma_wait3A_117, %mul3A_34, %dma_wait3A_123] : memref<200x1024x128xf32, #tpu.memory_space<hbm>> -> memref<1x128x128xf32, #tpu.memory_space<hbm>>
    %dma_wait3A_125 = tpu.memref_squeeze %dma_wait3A_124 : memref<1x128x128xf32, #tpu.memory_space<hbm>> -> memref<128x128xf32, #tpu.memory_space<hbm>>
    %dma_wait3A_126 = tpu.memref_slice %arg8[%dma_wait3A_118] : memref<5x!tpu.dma_semaphore, #tpu.memory_space<semaphore_mem>> -> memref<1x!tpu.dma_semaphore, #tpu.memory_space<semaphore_mem>>
    %dma_wait3A_127 = tpu.memref_squeeze %dma_wait3A_126 : memref<1x!tpu.dma_semaphore, #tpu.memory_space<semaphore_mem>> -> memref<!tpu.dma_semaphore, #tpu.memory_space<semaphore_mem>>
    %dma_wait3A_128 = arith.constant 0 : i32
    %dma_wait3A_129 = tpu.memref_slice %arg4[%dma_wait3A_117, %mul3A_34, %dma_wait3A_128] : memref<200x1024x128xf32, #tpu.memory_space<hbm>> -> memref<1x128x128xf32, #tpu.memory_space<hbm>>
    %dma_wait3A_130 = tpu.memref_squeeze %dma_wait3A_129 : memref<1x128x128xf32, #tpu.memory_space<hbm>> -> memref<128x128xf32, #tpu.memory_space<hbm>>
    %dma_wait3A_131 = arith.constant 0 : i32
    %dma_wait3A_132 = arith.constant 0 : i32
    %dma_wait3A_133 = tpu.memref_slice %arg6[%dma_wait3A_116, %dma_wait3A_131, %dma_wait3A_132] : memref<5x128x128xf32, #tpu.memory_space<vmem>> -> memref<1x128x128xf32, #tpu.memory_space<vmem>>
    %dma_wait3A_134 = tpu.memref_squeeze %dma_wait3A_133 : memref<1x128x128xf32, #tpu.memory_space<vmem>> -> memref<128x128xf32, #tpu.memory_space<vmem>>
    tpu.wait_dma2 semaphore(%dma_wait3A_127 : memref<!tpu.dma_semaphore, #tpu.memory_space<semaphore_mem>>) src(%dma_wait3A_134 : memref<128x128xf32, #tpu.memory_space<vmem>>) dst(%dma_wait3A_130 : memref<128x128xf32, #tpu.memory_space<hbm>>)
    %dma_wait3A_135 = arith.constant 3 : i32
    %dma_wait3A_136 = arith.constant 0 : i32
    %dma_wait3A_137 = arith.constant 3 : i32
    %dma_wait3A_138 = arith.constant 0 : i32
    %dma_wait3A_139 = arith.constant 0 : i32
    %dma_wait3A_140 = tpu.memref_slice %arg6[%dma_wait3A_135, %dma_wait3A_138, %dma_wait3A_139] : memref<5x128x128xf32, #tpu.memory_space<vmem>> -> memref<1x128x128xf32, #tpu.memory_space<vmem>>
    %dma_wait3A_141 = tpu.memref_squeeze %dma_wait3A_140 : memref<1x128x128xf32, #tpu.memory_space<vmem>> -> memref<128x128xf32, #tpu.memory_space<vmem>>
    %dma_wait3A_142 = arith.constant 0 : i32
    %dma_wait3A_143 = tpu.memref_slice %arg4[%dma_wait3A_136, %mul3A_34, %dma_wait3A_142] : memref<200x1024x128xf32, #tpu.memory_space<hbm>> -> memref<1x128x128xf32, #tpu.memory_space<hbm>>
    %dma_wait3A_144 = tpu.memref_squeeze %dma_wait3A_143 : memref<1x128x128xf32, #tpu.memory_space<hbm>> -> memref<128x128xf32, #tpu.memory_space<hbm>>
    %dma_wait3A_145 = tpu.memref_slice %arg8[%dma_wait3A_137] : memref<5x!tpu.dma_semaphore, #tpu.memory_space<semaphore_mem>> -> memref<1x!tpu.dma_semaphore, #tpu.memory_space<semaphore_mem>>
    %dma_wait3A_146 = tpu.memref_squeeze %dma_wait3A_145 : memref<1x!tpu.dma_semaphore, #tpu.memory_space<semaphore_mem>> -> memref<!tpu.dma_semaphore, #tpu.memory_space<semaphore_mem>>
    %dma_wait3A_147 = arith.constant 0 : i32
    %dma_wait3A_148 = tpu.memref_slice %arg4[%dma_wait3A_136, %mul3A_34, %dma_wait3A_147] : memref<200x1024x128xf32, #tpu.memory_space<hbm>> -> memref<1x128x128xf32, #tpu.memory_space<hbm>>
    %dma_wait3A_149 = tpu.memref_squeeze %dma_wait3A_148 : memref<1x128x128xf32, #tpu.memory_space<hbm>> -> memref<128x128xf32, #tpu.memory_space<hbm>>
    %dma_wait3A_150 = arith.constant 0 : i32
    %dma_wait3A_151 = arith.constant 0 : i32
    %dma_wait3A_152 = tpu.memref_slice %arg6[%dma_wait3A_135, %dma_wait3A_150, %dma_wait3A_151] : memref<5x128x128xf32, #tpu.memory_space<vmem>> -> memref<1x128x128xf32, #tpu.memory_space<vmem>>
    %dma_wait3A_153 = tpu.memref_squeeze %dma_wait3A_152 : memref<1x128x128xf32, #tpu.memory_space<vmem>> -> memref<128x128xf32, #tpu.memory_space<vmem>>
    tpu.wait_dma2 semaphore(%dma_wait3A_146 : memref<!tpu.dma_semaphore, #tpu.memory_space<semaphore_mem>>) src(%dma_wait3A_153 : memref<128x128xf32, #tpu.memory_space<vmem>>) dst(%dma_wait3A_149 : memref<128x128xf32, #tpu.memory_space<hbm>>)
    %dma_wait3A_154 = arith.constant 4 : i32
    %dma_wait3A_155 = arith.constant 0 : i32
    %dma_wait3A_156 = arith.constant 4 : i32
    %dma_wait3A_157 = arith.constant 0 : i32
    %dma_wait3A_158 = arith.constant 0 : i32
    %dma_wait3A_159 = tpu.memref_slice %arg6[%dma_wait3A_154, %dma_wait3A_157, %dma_wait3A_158] : memref<5x128x128xf32, #tpu.memory_space<vmem>> -> memref<1x128x128xf32, #tpu.memory_space<vmem>>
    %dma_wait3A_160 = tpu.memref_squeeze %dma_wait3A_159 : memref<1x128x128xf32, #tpu.memory_space<vmem>> -> memref<128x128xf32, #tpu.memory_space<vmem>>
    %dma_wait3A_161 = arith.constant 0 : i32
    %dma_wait3A_162 = tpu.memref_slice %arg4[%dma_wait3A_155, %mul3A_34, %dma_wait3A_161] : memref<200x1024x128xf32, #tpu.memory_space<hbm>> -> memref<1x128x128xf32, #tpu.memory_space<hbm>>
    %dma_wait3A_163 = tpu.memref_squeeze %dma_wait3A_162 : memref<1x128x128xf32, #tpu.memory_space<hbm>> -> memref<128x128xf32, #tpu.memory_space<hbm>>
    %dma_wait3A_164 = tpu.memref_slice %arg8[%dma_wait3A_156] : memref<5x!tpu.dma_semaphore, #tpu.memory_space<semaphore_mem>> -> memref<1x!tpu.dma_semaphore, #tpu.memory_space<semaphore_mem>>
    %dma_wait3A_165 = tpu.memref_squeeze %dma_wait3A_164 : memref<1x!tpu.dma_semaphore, #tpu.memory_space<semaphore_mem>> -> memref<!tpu.dma_semaphore, #tpu.memory_space<semaphore_mem>>
    %dma_wait3A_166 = arith.constant 0 : i32
    %dma_wait3A_167 = tpu.memref_slice %arg4[%dma_wait3A_155, %mul3A_34, %dma_wait3A_166] : memref<200x1024x128xf32, #tpu.memory_space<hbm>> -> memref<1x128x128xf32, #tpu.memory_space<hbm>>
    %dma_wait3A_168 = tpu.memref_squeeze %dma_wait3A_167 : memref<1x128x128xf32, #tpu.memory_space<hbm>> -> memref<128x128xf32, #tpu.memory_space<hbm>>
    %dma_wait3A_169 = arith.constant 0 : i32
    %dma_wait3A_170 = arith.constant 0 : i32
    %dma_wait3A_171 = tpu.memref_slice %arg6[%dma_wait3A_154, %dma_wait3A_169, %dma_wait3A_170] : memref<5x128x128xf32, #tpu.memory_space<vmem>> -> memref<1x128x128xf32, #tpu.memory_space<vmem>>
    %dma_wait3A_172 = tpu.memref_squeeze %dma_wait3A_171 : memref<1x128x128xf32, #tpu.memory_space<vmem>> -> memref<128x128xf32, #tpu.memory_space<vmem>>
    tpu.wait_dma2 semaphore(%dma_wait3A_165 : memref<!tpu.dma_semaphore, #tpu.memory_space<semaphore_mem>>) src(%dma_wait3A_172 : memref<128x128xf32, #tpu.memory_space<vmem>>) dst(%dma_wait3A_168 : memref<128x128xf32, #tpu.memory_space<hbm>>)
    return
  }
}

#map = affine_map<(d0, d1) -> (0, 0, 0)>
#map1 = affine_map<(d0, d1) -> (0, 0)>
module attributes {stable_mosaic.version = 14 : i64} {
  func.func @k(%arg0: i32, %arg1: i32, %arg2: memref<32x200x128xi32, #tpu.memory_space<hbm>>, %arg3: memref<100000x128xf32, #tpu.memory_space<hbm>>, %arg4: memref<200x1024x128xf32, #tpu.memory_space<hbm>>, %arg5: memref<200x128xi32, #tpu.memory_space<vmem>>, %arg6: memref<5x128x128xf32, #tpu.memory_space<vmem>>, %arg7: memref<5x!tpu.dma_semaphore, #tpu.memory_space<semaphore_mem>>, %arg8: memref<5x!tpu.dma_semaphore, #tpu.memory_space<semaphore_mem>>) attributes {dimension_semantics = [#tpu.dimension_semantics<core_parallel>, #tpu.dimension_semantics<subcore_parallel>], iteration_bounds = array<i64: 2, 16>, scalar_prefetch = 0 : i64, scratch_operands = 4 : i64, tpu.core_type = #tpu.core_type<sc_vector_subcore>, window_params = [{transform_indices = #map}, {transform_indices = #map1}, {transform_indices = #map}]} {
    %mul3A = arith.constant 2 : i32
    %mul3A_0 = arith.muli %arg1, %mul3A : i32
    %add3A = arith.addi %mul3A_0, %arg0 : i32
    %jit3A = arith.constant 8 : i32
    %eq3A = arith.constant 0 : i32
    %eq3A_1 = arith.cmpi eq, %jit3A, %eq3A : i32
    %jit3A_2 = arith.constant 1 : i32
    %select_n3A = arith.select %eq3A_1, %jit3A_2, %jit3A : i32
    %rem3A = arith.remsi %add3A, %select_n3A : i32
    %ne3A = arith.constant 0 : i32
    %ne3A_3 = arith.cmpi ne, %rem3A, %ne3A : i32
    %lt3A = arith.constant 0 : i32
    %lt3A_4 = arith.cmpi slt, %rem3A, %lt3A : i32
    %lt3A_5 = arith.constant 0 : i32
    %lt3A_6 = arith.cmpi slt, %select_n3A, %lt3A_5 : i32
    %ne3A_7 = arith.xori %lt3A_4, %lt3A_6 : i1
    %and3A = arith.andi %ne3A_7, %ne3A_3 : i1
    %add3A_8 = arith.addi %rem3A, %select_n3A : i32
    %select_n3A_9 = arith.select %and3A, %add3A_8, %rem3A : i32
    %jit3A_10 = arith.constant 8 : i32
    %div3A = arith.divsi %add3A, %jit3A_10 : i32
    %sign3A = arith.constant 0 : i32
    %sign3A_11 = arith.cmpi sgt, %add3A, %sign3A : i32
    %sign3A_12 = arith.extui %sign3A_11 : i1 to i32
    %sign3A_13 = arith.constant 0 : i32
    %sign3A_14 = arith.cmpi slt, %add3A, %sign3A_13 : i32
    %sign3A_15 = arith.extui %sign3A_14 : i1 to i32
    %sign3A_16 = arith.subi %sign3A_12, %sign3A_15 : i32
    %sign3A_17 = arith.constant 0 : i32
    %sign3A_18 = arith.cmpi sgt, %jit3A_10, %sign3A_17 : i32
    %sign3A_19 = arith.extui %sign3A_18 : i1 to i32
    %sign3A_20 = arith.constant 0 : i32
    %sign3A_21 = arith.cmpi slt, %jit3A_10, %sign3A_20 : i32
    %sign3A_22 = arith.extui %sign3A_21 : i1 to i32
    %sign3A_23 = arith.subi %sign3A_19, %sign3A_22 : i32
    %ne3A_24 = arith.cmpi ne, %sign3A_16, %sign3A_23 : i32
    %rem3A_25 = arith.remsi %add3A, %jit3A_10 : i32
    %ne3A_26 = arith.constant 0 : i32
    %ne3A_27 = arith.cmpi ne, %rem3A_25, %ne3A_26 : i32
    %and3A_28 = arith.andi %ne3A_24, %ne3A_27 : i1
    %sub3A = arith.constant 1 : i32
    %sub3A_29 = arith.subi %div3A, %sub3A : i32
    %select_n3A_30 = arith.select %and3A_28, %sub3A_29, %div3A : i32
    %mul3A_31 = arith.constant 50 : i32
    %mul3A_32 = arith.muli %select_n3A_30, %mul3A_31 : i32
    %mul3A_33 = arith.constant 128 : i32
    %mul3A_34 = arith.muli %select_n3A_9, %mul3A_33 : i32
    %add3A_35 = arith.constant 8 : i32
    %add3A_36 = arith.addi %add3A_35, %select_n3A_9 : i32
    "tpu.region"() ({
      %run_scoped3A = tpu.sem_alloc : memref<!tpu.dma_semaphore, #tpu.memory_space<semaphore_mem>>
      %dma_start3A_173 = arith.constant 0 : i32
      %dma_start3A_174 = arith.constant 0 : i32
      %dma_start3A_175 = tpu.memref_slice %arg2[%add3A_36, %dma_start3A_173, %dma_start3A_174] : memref<32x200x128xi32, #tpu.memory_space<hbm>> -> memref<1x200x128xi32, #tpu.memory_space<hbm>>
      %dma_start3A_176 = tpu.memref_squeeze %dma_start3A_175 : memref<1x200x128xi32, #tpu.memory_space<hbm>> -> memref<200x128xi32, #tpu.memory_space<hbm>>
      %dma_start3A_177 = arith.constant 0 : i32
      %dma_start3A_178 = arith.constant 0 : i32
      %dma_start3A_179 = tpu.memref_slice %arg2[%add3A_36, %dma_start3A_177, %dma_start3A_178] : memref<32x200x128xi32, #tpu.memory_space<hbm>> -> memref<1x200x128xi32, #tpu.memory_space<hbm>>
      %dma_start3A_180 = tpu.memref_squeeze %dma_start3A_179 : memref<1x200x128xi32, #tpu.memory_space<hbm>> -> memref<200x128xi32, #tpu.memory_space<hbm>>
      tpu.enqueue_dma source(%dma_start3A_180 : memref<200x128xi32, #tpu.memory_space<hbm>>) target(%arg5 : memref<200x128xi32, #tpu.memory_space<vmem>>) target_semaphore(%run_scoped3A : memref<!tpu.dma_semaphore, #tpu.memory_space<semaphore_mem>>)
      %dma_wait3A_181 = arith.constant 0 : i32
      %dma_wait3A_182 = arith.constant 0 : i32
      %dma_wait3A_183 = tpu.memref_slice %arg2[%add3A_36, %dma_wait3A_181, %dma_wait3A_182] : memref<32x200x128xi32, #tpu.memory_space<hbm>> -> memref<1x200x128xi32, #tpu.memory_space<hbm>>
      %dma_wait3A_184 = tpu.memref_squeeze %dma_wait3A_183 : memref<1x200x128xi32, #tpu.memory_space<hbm>> -> memref<200x128xi32, #tpu.memory_space<hbm>>
      %dma_wait3A_185 = arith.constant 0 : i32
      %dma_wait3A_186 = arith.constant 0 : i32
      %dma_wait3A_187 = tpu.memref_slice %arg2[%add3A_36, %dma_wait3A_185, %dma_wait3A_186] : memref<32x200x128xi32, #tpu.memory_space<hbm>> -> memref<1x200x128xi32, #tpu.memory_space<hbm>>
      %dma_wait3A_188 = tpu.memref_squeeze %dma_wait3A_187 : memref<1x200x128xi32, #tpu.memory_space<hbm>> -> memref<200x128xi32, #tpu.memory_space<hbm>>
      tpu.wait_dma2 semaphore(%run_scoped3A : memref<!tpu.dma_semaphore, #tpu.memory_space<semaphore_mem>>) src(%dma_wait3A_188 : memref<200x128xi32, #tpu.memory_space<hbm>>) dst(%arg5 : memref<200x128xi32, #tpu.memory_space<vmem>>)
      tpu.yield
    }) : () -> ()
    %scan3A = arith.constant 0 : i32
    %scan3A_37 = arith.constant 0 : i32
    %scan3A_38 = arith.constant 10 : i32
    %scan3A_39 = arith.addi %scan3A_37, %scan3A_38 : i32
    %scan3A_40 = arith.constant 1 : i32
    scf.for %scan3A_173 = %scan3A_37 to %scan3A_39 step %scan3A_40  : i32 {
      %mul3A_174 = arith.constant 5 : i32
      %mul3A_175 = arith.muli %scan3A_173, %mul3A_174 : i32
      %add3A_176 = arith.constant 0 : i32
      %add3A_177 = arith.addi %mul3A_175, %add3A_176 : i32
      %ge3A = arith.constant 1 : i32
      %ge3A_178 = arith.cmpi sge, %scan3A_173, %ge3A : i32
      %convert_element_type3A = arith.extui %ge3A_178 : i1 to i32
      %cond3A = arith.constant 0 : i32
      %cond3A_179 = arith.cmpi ne, %convert_element_type3A, %cond3A : i32
      scf.if %cond3A_179 {
        %dma_wait3A_452 = arith.constant 0 : i32
        %dma_wait3A_453 = arith.constant 0 : i32
        %dma_wait3A_454 = arith.constant 0 : i32
        %dma_wait3A_455 = arith.constant 0 : i32
        %dma_wait3A_456 = arith.constant 0 : i32
        %dma_wait3A_457 = tpu.memref_slice %arg6[%dma_wait3A_452, %dma_wait3A_455, %dma_wait3A_456] : memref<5x128x128xf32, #tpu.memory_space<vmem>> -> memref<1x128x128xf32, #tpu.memory_space<vmem>>
        %dma_wait3A_458 = tpu.memref_squeeze %dma_wait3A_457 : memref<1x128x128xf32, #tpu.memory_space<vmem>> -> memref<128x128xf32, #tpu.memory_space<vmem>>
        %dma_wait3A_459 = arith.constant 0 : i32
        %dma_wait3A_460 = tpu.memref_slice %arg4[%dma_wait3A_453, %mul3A_34, %dma_wait3A_459] : memref<200x1024x128xf32, #tpu.memory_space<hbm>> -> memref<1x128x128xf32, #tpu.memory_space<hbm>>
        %dma_wait3A_461 = tpu.memref_squeeze %dma_wait3A_460 : memref<1x128x128xf32, #tpu.memory_space<hbm>> -> memref<128x128xf32, #tpu.memory_space<hbm>>
        %dma_wait3A_462 = tpu.memref_slice %arg8[%dma_wait3A_454] : memref<5x!tpu.dma_semaphore, #tpu.memory_space<semaphore_mem>> -> memref<1x!tpu.dma_semaphore, #tpu.memory_space<semaphore_mem>>
        %dma_wait3A_463 = tpu.memref_squeeze %dma_wait3A_462 : memref<1x!tpu.dma_semaphore, #tpu.memory_space<semaphore_mem>> -> memref<!tpu.dma_semaphore, #tpu.memory_space<semaphore_mem>>
        %dma_wait3A_464 = arith.constant 0 : i32
        %dma_wait3A_465 = tpu.memref_slice %arg4[%dma_wait3A_453, %mul3A_34, %dma_wait3A_464] : memref<200x1024x128xf32, #tpu.memory_space<hbm>> -> memref<1x128x128xf32, #tpu.memory_space<hbm>>
        %dma_wait3A_466 = tpu.memref_squeeze %dma_wait3A_465 : memref<1x128x128xf32, #tpu.memory_space<hbm>> -> memref<128x128xf32, #tpu.memory_space<hbm>>
        %dma_wait3A_467 = arith.constant 0 : i32
        %dma_wait3A_468 = arith.constant 0 : i32
        %dma_wait3A_469 = tpu.memref_slice %arg6[%dma_wait3A_452, %dma_wait3A_467, %dma_wait3A_468] : memref<5x128x128xf32, #tpu.memory_space<vmem>> -> memref<1x128x128xf32, #tpu.memory_space<vmem>>
        %dma_wait3A_470 = tpu.memref_squeeze %dma_wait3A_469 : memref<1x128x128xf32, #tpu.memory_space<vmem>> -> memref<128x128xf32, #tpu.memory_space<vmem>>
        tpu.wait_dma2 semaphore(%dma_wait3A_463 : memref<!tpu.dma_semaphore, #tpu.memory_space<semaphore_mem>>) src(%dma_wait3A_470 : memref<128x128xf32, #tpu.memory_space<vmem>>) dst(%dma_wait3A_466 : memref<128x128xf32, #tpu.memory_space<hbm>>)
      } else {
      }
      %add3A_180 = arith.addi %mul3A_32, %add3A_177 : i32
      %dma_start3A_181 = arith.constant 0 : i32
      %dma_start3A_182 = arith.constant 0 : i32
      %dma_start3A_183 = arith.constant 0 : i32
      %dma_start3A_184 = arith.constant 0 : i32
      %dma_start3A_185 = tpu.memref_slice %arg6[%dma_start3A_181, %dma_start3A_183, %dma_start3A_184] : memref<5x128x128xf32, #tpu.memory_space<vmem>> -> memref<1x128x128xf32, #tpu.memory_space<vmem>>
      %dma_start3A_186 = tpu.memref_squeeze %dma_start3A_185 : memref<1x128x128xf32, #tpu.memory_space<vmem>> -> memref<128x128xf32, #tpu.memory_space<vmem>>
      %dma_start3A_187 = arith.constant 0 : i32
      %dma_start3A_188 = tpu.memref_slice %arg5[%add3A_180, %dma_start3A_187] : memref<200x128xi32, #tpu.memory_space<vmem>> -> memref<1x128xi32, #tpu.memory_space<vmem>>
      %dma_start3A_189 = tpu.memref_squeeze %dma_start3A_188 : memref<1x128xi32, #tpu.memory_space<vmem>> -> memref<128xi32, #tpu.memory_space<vmem>>
      %dma_start3A_190 = arith.constant 0 : i32
      %dma_start3A_191 = arith.constant 0 : i32
      %dma_start3A_192 = tpu.memref_slice %arg3[%dma_start3A_190, %dma_start3A_191] : memref<100000x128xf32, #tpu.memory_space<hbm>> -> memref<100000x128xf32, #tpu.memory_space<hbm>>
      %dma_start3A_193 = tpu.memref_slice %arg7[%dma_start3A_182] : memref<5x!tpu.dma_semaphore, #tpu.memory_space<semaphore_mem>> -> memref<1x!tpu.dma_semaphore, #tpu.memory_space<semaphore_mem>>
      %dma_start3A_194 = tpu.memref_squeeze %dma_start3A_193 : memref<1x!tpu.dma_semaphore, #tpu.memory_space<semaphore_mem>> -> memref<!tpu.dma_semaphore, #tpu.memory_space<semaphore_mem>>
      tpu.enqueue_indirect_dma source(%dma_start3A_192 : memref<100000x128xf32, #tpu.memory_space<hbm>>) target(%dma_start3A_186 : memref<128x128xf32, #tpu.memory_space<vmem>>) offsets(%dma_start3A_189 : memref<128xi32, #tpu.memory_space<vmem>>) semaphore(%dma_start3A_194 : memref<!tpu.dma_semaphore, #tpu.memory_space<semaphore_mem>>)
      %ge3A_195 = arith.constant 1 : i32
      %ge3A_196 = arith.cmpi sge, %scan3A_173, %ge3A_195 : i32
      %convert_element_type3A_197 = arith.extui %ge3A_196 : i1 to i32
      %cond3A_198 = arith.constant 0 : i32
      %cond3A_199 = arith.cmpi ne, %convert_element_type3A_197, %cond3A_198 : i32
      scf.if %cond3A_199 {
        %mul3A_452 = arith.constant 5 : i32
        %mul3A_453 = arith.muli %scan3A_173, %mul3A_452 : i32
        %sub3A_454 = arith.constant 1 : i32
        %sub3A_455 = arith.subi %mul3A_453, %sub3A_454 : i32
        %dma_wait3A_456 = arith.constant 4 : i32
        %dma_wait3A_457 = arith.constant 4 : i32
        %dma_wait3A_458 = arith.constant 0 : i32
        %dma_wait3A_459 = arith.constant 0 : i32
        %dma_wait3A_460 = tpu.memref_slice %arg6[%dma_wait3A_456, %dma_wait3A_458, %dma_wait3A_459] : memref<5x128x128xf32, #tpu.memory_space<vmem>> -> memref<1x128x128xf32, #tpu.memory_space<vmem>>
        %dma_wait3A_461 = tpu.memref_squeeze %dma_wait3A_460 : memref<1x128x128xf32, #tpu.memory_space<vmem>> -> memref<128x128xf32, #tpu.memory_space<vmem>>
        %dma_wait3A_462 = arith.constant 0 : i32
        %dma_wait3A_463 = arith.constant 0 : i32
        %dma_wait3A_464 = tpu.memref_slice %arg3[%dma_wait3A_462, %dma_wait3A_463] : memref<100000x128xf32, #tpu.memory_space<hbm>> -> memref<128x128xf32, #tpu.memory_space<hbm>>
        %dma_wait3A_465 = tpu.memref_slice %arg7[%dma_wait3A_457] : memref<5x!tpu.dma_semaphore, #tpu.memory_space<semaphore_mem>> -> memref<1x!tpu.dma_semaphore, #tpu.memory_space<semaphore_mem>>
        %dma_wait3A_466 = tpu.memref_squeeze %dma_wait3A_465 : memref<1x!tpu.dma_semaphore, #tpu.memory_space<semaphore_mem>> -> memref<!tpu.dma_semaphore, #tpu.memory_space<semaphore_mem>>
        %dma_wait3A_467 = arith.constant 0 : i32
        %dma_wait3A_468 = arith.constant 0 : i32
        %dma_wait3A_469 = tpu.memref_slice %arg6[%dma_wait3A_456, %dma_wait3A_467, %dma_wait3A_468] : memref<5x128x128xf32, #tpu.memory_space<vmem>> -> memref<1x128x128xf32, #tpu.memory_space<vmem>>
        %dma_wait3A_470 = tpu.memref_squeeze %dma_wait3A_469 : memref<1x128x128xf32, #tpu.memory_space<vmem>> -> memref<128x128xf32, #tpu.memory_space<vmem>>
        %dma_wait3A_471 = arith.constant 0 : i32
        %dma_wait3A_472 = arith.constant 0 : i32
        %dma_wait3A_473 = tpu.memref_slice %arg3[%dma_wait3A_471, %dma_wait3A_472] : memref<100000x128xf32, #tpu.memory_space<hbm>> -> memref<128x128xf32, #tpu.memory_space<hbm>>
        tpu.wait_dma2 semaphore(%dma_wait3A_466 : memref<!tpu.dma_semaphore, #tpu.memory_space<semaphore_mem>>) src(%dma_wait3A_473 : memref<128x128xf32, #tpu.memory_space<hbm>>) dst(%dma_wait3A_470 : memref<128x128xf32, #tpu.memory_space<vmem>>)
        %add3A_474 = arith.addi %mul3A_32, %sub3A_455 : i32
        %dma_start3A_475 = arith.constant 4 : i32
        %dma_start3A_476 = arith.constant 4 : i32
        %dma_start3A_477 = arith.constant 0 : i32
        %dma_start3A_478 = arith.constant 0 : i32
        %dma_start3A_479 = tpu.memref_slice %arg6[%dma_start3A_475, %dma_start3A_477, %dma_start3A_478] : memref<5x128x128xf32, #tpu.memory_space<vmem>> -> memref<1x128x128xf32, #tpu.memory_space<vmem>>
        %dma_start3A_480 = tpu.memref_squeeze %dma_start3A_479 : memref<1x128x128xf32, #tpu.memory_space<vmem>> -> memref<128x128xf32, #tpu.memory_space<vmem>>
        %dma_start3A_481 = arith.constant 0 : i32
        %dma_start3A_482 = tpu.memref_slice %arg4[%add3A_474, %mul3A_34, %dma_start3A_481] : memref<200x1024x128xf32, #tpu.memory_space<hbm>> -> memref<1x128x128xf32, #tpu.memory_space<hbm>>
        %dma_start3A_483 = tpu.memref_squeeze %dma_start3A_482 : memref<1x128x128xf32, #tpu.memory_space<hbm>> -> memref<128x128xf32, #tpu.memory_space<hbm>>
        %dma_start3A_484 = tpu.memref_slice %arg8[%dma_start3A_476] : memref<5x!tpu.dma_semaphore, #tpu.memory_space<semaphore_mem>> -> memref<1x!tpu.dma_semaphore, #tpu.memory_space<semaphore_mem>>
        %dma_start3A_485 = tpu.memref_squeeze %dma_start3A_484 : memref<1x!tpu.dma_semaphore, #tpu.memory_space<semaphore_mem>> -> memref<!tpu.dma_semaphore, #tpu.memory_space<semaphore_mem>>
        %dma_start3A_486 = arith.constant 0 : i32
        %dma_start3A_487 = tpu.memref_slice %arg4[%add3A_474, %mul3A_34, %dma_start3A_486] : memref<200x1024x128xf32, #tpu.memory_space<hbm>> -> memref<1x128x128xf32, #tpu.memory_space<hbm>>
        %dma_start3A_488 = tpu.memref_squeeze %dma_start3A_487 : memref<1x128x128xf32, #tpu.memory_space<hbm>> -> memref<128x128xf32, #tpu.memory_space<hbm>>
        %dma_start3A_489 = arith.constant 0 : i32
        %dma_start3A_490 = arith.constant 0 : i32
        %dma_start3A_491 = tpu.memref_slice %arg6[%dma_start3A_475, %dma_start3A_489, %dma_start3A_490] : memref<5x128x128xf32, #tpu.memory_space<vmem>> -> memref<1x128x128xf32, #tpu.memory_space<vmem>>
        %dma_start3A_492 = tpu.memref_squeeze %dma_start3A_491 : memref<1x128x128xf32, #tpu.memory_space<vmem>> -> memref<128x128xf32, #tpu.memory_space<vmem>>
        tpu.enqueue_dma source(%dma_start3A_492 : memref<128x128xf32, #tpu.memory_space<vmem>>) target(%dma_start3A_488 : memref<128x128xf32, #tpu.memory_space<hbm>>) target_semaphore(%dma_start3A_485 : memref<!tpu.dma_semaphore, #tpu.memory_space<semaphore_mem>>)
      } else {
      }
      %mul3A_200 = arith.constant 5 : i32
      %mul3A_201 = arith.muli %scan3A_173, %mul3A_200 : i32
      %add3A_202 = arith.constant 1 : i32
      %add3A_203 = arith.addi %mul3A_201, %add3A_202 : i32
      %ge3A_204 = arith.constant 1 : i32
      %ge3A_205 = arith.cmpi sge, %scan3A_173, %ge3A_204 : i32
      %convert_element_type3A_206 = arith.extui %ge3A_205 : i1 to i32
      %cond3A_207 = arith.constant 0 : i32
      %cond3A_208 = arith.cmpi ne, %convert_element_type3A_206, %cond3A_207 : i32
      scf.if %cond3A_208 {
        %dma_wait3A_452 = arith.constant 1 : i32
        %dma_wait3A_453 = arith.constant 0 : i32
        %dma_wait3A_454 = arith.constant 1 : i32
        %dma_wait3A_455 = arith.constant 0 : i32
        %dma_wait3A_456 = arith.constant 0 : i32
        %dma_wait3A_457 = tpu.memref_slice %arg6[%dma_wait3A_452, %dma_wait3A_455, %dma_wait3A_456] : memref<5x128x128xf32, #tpu.memory_space<vmem>> -> memref<1x128x128xf32, #tpu.memory_space<vmem>>
        %dma_wait3A_458 = tpu.memref_squeeze %dma_wait3A_457 : memref<1x128x128xf32, #tpu.memory_space<vmem>> -> memref<128x128xf32, #tpu.memory_space<vmem>>
        %dma_wait3A_459 = arith.constant 0 : i32
        %dma_wait3A_460 = tpu.memref_slice %arg4[%dma_wait3A_453, %mul3A_34, %dma_wait3A_459] : memref<200x1024x128xf32, #tpu.memory_space<hbm>> -> memref<1x128x128xf32, #tpu.memory_space<hbm>>
        %dma_wait3A_461 = tpu.memref_squeeze %dma_wait3A_460 : memref<1x128x128xf32, #tpu.memory_space<hbm>> -> memref<128x128xf32, #tpu.memory_space<hbm>>
        %dma_wait3A_462 = tpu.memref_slice %arg8[%dma_wait3A_454] : memref<5x!tpu.dma_semaphore, #tpu.memory_space<semaphore_mem>> -> memref<1x!tpu.dma_semaphore, #tpu.memory_space<semaphore_mem>>
        %dma_wait3A_463 = tpu.memref_squeeze %dma_wait3A_462 : memref<1x!tpu.dma_semaphore, #tpu.memory_space<semaphore_mem>> -> memref<!tpu.dma_semaphore, #tpu.memory_space<semaphore_mem>>
        %dma_wait3A_464 = arith.constant 0 : i32
        %dma_wait3A_465 = tpu.memref_slice %arg4[%dma_wait3A_453, %mul3A_34, %dma_wait3A_464] : memref<200x1024x128xf32, #tpu.memory_space<hbm>> -> memref<1x128x128xf32, #tpu.memory_space<hbm>>
        %dma_wait3A_466 = tpu.memref_squeeze %dma_wait3A_465 : memref<1x128x128xf32, #tpu.memory_space<hbm>> -> memref<128x128xf32, #tpu.memory_space<hbm>>
        %dma_wait3A_467 = arith.constant 0 : i32
        %dma_wait3A_468 = arith.constant 0 : i32
        %dma_wait3A_469 = tpu.memref_slice %arg6[%dma_wait3A_452, %dma_wait3A_467, %dma_wait3A_468] : memref<5x128x128xf32, #tpu.memory_space<vmem>> -> memref<1x128x128xf32, #tpu.memory_space<vmem>>
        %dma_wait3A_470 = tpu.memref_squeeze %dma_wait3A_469 : memref<1x128x128xf32, #tpu.memory_space<vmem>> -> memref<128x128xf32, #tpu.memory_space<vmem>>
        tpu.wait_dma2 semaphore(%dma_wait3A_463 : memref<!tpu.dma_semaphore, #tpu.memory_space<semaphore_mem>>) src(%dma_wait3A_470 : memref<128x128xf32, #tpu.memory_space<vmem>>) dst(%dma_wait3A_466 : memref<128x128xf32, #tpu.memory_space<hbm>>)
      } else {
      }
      %add3A_209 = arith.addi %mul3A_32, %add3A_203 : i32
      %dma_start3A_210 = arith.constant 1 : i32
      %dma_start3A_211 = arith.constant 1 : i32
      %dma_start3A_212 = arith.constant 0 : i32
      %dma_start3A_213 = arith.constant 0 : i32
      %dma_start3A_214 = tpu.memref_slice %arg6[%dma_start3A_210, %dma_start3A_212, %dma_start3A_213] : memref<5x128x128xf32, #tpu.memory_space<vmem>> -> memref<1x128x128xf32, #tpu.memory_space<vmem>>
      %dma_start3A_215 = tpu.memref_squeeze %dma_start3A_214 : memref<1x128x128xf32, #tpu.memory_space<vmem>> -> memref<128x128xf32, #tpu.memory_space<vmem>>
      %dma_start3A_216 = arith.constant 0 : i32
      %dma_start3A_217 = tpu.memref_slice %arg5[%add3A_209, %dma_start3A_216] : memref<200x128xi32, #tpu.memory_space<vmem>> -> memref<1x128xi32, #tpu.memory_space<vmem>>
      %dma_start3A_218 = tpu.memref_squeeze %dma_start3A_217 : memref<1x128xi32, #tpu.memory_space<vmem>> -> memref<128xi32, #tpu.memory_space<vmem>>
      %dma_start3A_219 = arith.constant 0 : i32
      %dma_start3A_220 = arith.constant 0 : i32
      %dma_start3A_221 = tpu.memref_slice %arg3[%dma_start3A_219, %dma_start3A_220] : memref<100000x128xf32, #tpu.memory_space<hbm>> -> memref<100000x128xf32, #tpu.memory_space<hbm>>
      %dma_start3A_222 = tpu.memref_slice %arg7[%dma_start3A_211] : memref<5x!tpu.dma_semaphore, #tpu.memory_space<semaphore_mem>> -> memref<1x!tpu.dma_semaphore, #tpu.memory_space<semaphore_mem>>
      %dma_start3A_223 = tpu.memref_squeeze %dma_start3A_222 : memref<1x!tpu.dma_semaphore, #tpu.memory_space<semaphore_mem>> -> memref<!tpu.dma_semaphore, #tpu.memory_space<semaphore_mem>>
      tpu.enqueue_indirect_dma source(%dma_start3A_221 : memref<100000x128xf32, #tpu.memory_space<hbm>>) target(%dma_start3A_215 : memref<128x128xf32, #tpu.memory_space<vmem>>) offsets(%dma_start3A_218 : memref<128xi32, #tpu.memory_space<vmem>>) semaphore(%dma_start3A_223 : memref<!tpu.dma_semaphore, #tpu.memory_space<semaphore_mem>>)
      %sub3A_224 = arith.constant 1 : i32
      %sub3A_225 = arith.subi %add3A_203, %sub3A_224 : i32
      %dma_wait3A_226 = arith.constant 0 : i32
      %dma_wait3A_227 = arith.constant 0 : i32
      %dma_wait3A_228 = arith.constant 0 : i32
      %dma_wait3A_229 = arith.constant 0 : i32
      %dma_wait3A_230 = tpu.memref_slice %arg6[%dma_wait3A_226, %dma_wait3A_228, %dma_wait3A_229] : memref<5x128x128xf32, #tpu.memory_space<vmem>> -> memref<1x128x128xf32, #tpu.memory_space<vmem>>
      %dma_wait3A_231 = tpu.memref_squeeze %dma_wait3A_230 : memref<1x128x128xf32, #tpu.memory_space<vmem>> -> memref<128x128xf32, #tpu.memory_space<vmem>>
      %dma_wait3A_232 = arith.constant 0 : i32
      %dma_wait3A_233 = arith.constant 0 : i32
      %dma_wait3A_234 = tpu.memref_slice %arg3[%dma_wait3A_232, %dma_wait3A_233] : memref<100000x128xf32, #tpu.memory_space<hbm>> -> memref<128x128xf32, #tpu.memory_space<hbm>>
      %dma_wait3A_235 = tpu.memref_slice %arg7[%dma_wait3A_227] : memref<5x!tpu.dma_semaphore, #tpu.memory_space<semaphore_mem>> -> memref<1x!tpu.dma_semaphore, #tpu.memory_space<semaphore_mem>>
      %dma_wait3A_236 = tpu.memref_squeeze %dma_wait3A_235 : memref<1x!tpu.dma_semaphore, #tpu.memory_space<semaphore_mem>> -> memref<!tpu.dma_semaphore, #tpu.memory_space<semaphore_mem>>
      %dma_wait3A_237 = arith.constant 0 : i32
      %dma_wait3A_238 = arith.constant 0 : i32
      %dma_wait3A_239 = tpu.memref_slice %arg6[%dma_wait3A_226, %dma_wait3A_237, %dma_wait3A_238] : memref<5x128x128xf32, #tpu.memory_space<vmem>> -> memref<1x128x128xf32, #tpu.memory_space<vmem>>
      %dma_wait3A_240 = tpu.memref_squeeze %dma_wait3A_239 : memref<1x128x128xf32, #tpu.memory_space<vmem>> -> memref<128x128xf32, #tpu.memory_space<vmem>>
      %dma_wait3A_241 = arith.constant 0 : i32
      %dma_wait3A_242 = arith.constant 0 : i32
      %dma_wait3A_243 = tpu.memref_slice %arg3[%dma_wait3A_241, %dma_wait3A_242] : memref<100000x128xf32, #tpu.memory_space<hbm>> -> memref<128x128xf32, #tpu.memory_space<hbm>>
      tpu.wait_dma2 semaphore(%dma_wait3A_236 : memref<!tpu.dma_semaphore, #tpu.memory_space<semaphore_mem>>) src(%dma_wait3A_243 : memref<128x128xf32, #tpu.memory_space<hbm>>) dst(%dma_wait3A_240 : memref<128x128xf32, #tpu.memory_space<vmem>>)
      %add3A_244 = arith.addi %mul3A_32, %sub3A_225 : i32
      %dma_start3A_245 = arith.constant 0 : i32
      %dma_start3A_246 = arith.constant 0 : i32
      %dma_start3A_247 = arith.constant 0 : i32
      %dma_start3A_248 = arith.constant 0 : i32
      %dma_start3A_249 = tpu.memref_slice %arg6[%dma_start3A_245, %dma_start3A_247, %dma_start3A_248] : memref<5x128x128xf32, #tpu.memory_space<vmem>> -> memref<1x128x128xf32, #tpu.memory_space<vmem>>
      %dma_start3A_250 = tpu.memref_squeeze %dma_start3A_249 : memref<1x128x128xf32, #tpu.memory_space<vmem>> -> memref<128x128xf32, #tpu.memory_space<vmem>>
      %dma_start3A_251 = arith.constant 0 : i32
      %dma_start3A_252 = tpu.memref_slice %arg4[%add3A_244, %mul3A_34, %dma_start3A_251] : memref<200x1024x128xf32, #tpu.memory_space<hbm>> -> memref<1x128x128xf32, #tpu.memory_space<hbm>>
      %dma_start3A_253 = tpu.memref_squeeze %dma_start3A_252 : memref<1x128x128xf32, #tpu.memory_space<hbm>> -> memref<128x128xf32, #tpu.memory_space<hbm>>
      %dma_start3A_254 = tpu.memref_slice %arg8[%dma_start3A_246] : memref<5x!tpu.dma_semaphore, #tpu.memory_space<semaphore_mem>> -> memref<1x!tpu.dma_semaphore, #tpu.memory_space<semaphore_mem>>
      %dma_start3A_255 = tpu.memref_squeeze %dma_start3A_254 : memref<1x!tpu.dma_semaphore, #tpu.memory_space<semaphore_mem>> -> memref<!tpu.dma_semaphore, #tpu.memory_space<semaphore_mem>>
      %dma_start3A_256 = arith.constant 0 : i32
      %dma_start3A_257 = tpu.memref_slice %arg4[%add3A_244, %mul3A_34, %dma_start3A_256] : memref<200x1024x128xf32, #tpu.memory_space<hbm>> -> memref<1x128x128xf32, #tpu.memory_space<hbm>>
      %dma_start3A_258 = tpu.memref_squeeze %dma_start3A_257 : memref<1x128x128xf32, #tpu.memory_space<hbm>> -> memref<128x128xf32, #tpu.memory_space<hbm>>
      %dma_start3A_259 = arith.constant 0 : i32
      %dma_start3A_260 = arith.constant 0 : i32
      %dma_start3A_261 = tpu.memref_slice %arg6[%dma_start3A_245, %dma_start3A_259, %dma_start3A_260] : memref<5x128x128xf32, #tpu.memory_space<vmem>> -> memref<1x128x128xf32, #tpu.memory_space<vmem>>
      %dma_start3A_262 = tpu.memref_squeeze %dma_start3A_261 : memref<1x128x128xf32, #tpu.memory_space<vmem>> -> memref<128x128xf32, #tpu.memory_space<vmem>>
      tpu.enqueue_dma source(%dma_start3A_262 : memref<128x128xf32, #tpu.memory_space<vmem>>) target(%dma_start3A_258 : memref<128x128xf32, #tpu.memory_space<hbm>>) target_semaphore(%dma_start3A_255 : memref<!tpu.dma_semaphore, #tpu.memory_space<semaphore_mem>>)
      %mul3A_263 = arith.constant 5 : i32
      %mul3A_264 = arith.muli %scan3A_173, %mul3A_263 : i32
      %add3A_265 = arith.constant 2 : i32
      %add3A_266 = arith.addi %mul3A_264, %add3A_265 : i32
      %ge3A_267 = arith.constant 1 : i32
      %ge3A_268 = arith.cmpi sge, %scan3A_173, %ge3A_267 : i32
      %convert_element_type3A_269 = arith.extui %ge3A_268 : i1 to i32
      %cond3A_270 = arith.constant 0 : i32
      %cond3A_271 = arith.cmpi ne, %convert_element_type3A_269, %cond3A_270 : i32
      scf.if %cond3A_271 {
        %dma_wait3A_452 = arith.constant 2 : i32
        %dma_wait3A_453 = arith.constant 0 : i32
        %dma_wait3A_454 = arith.constant 2 : i32
        %dma_wait3A_455 = arith.constant 0 : i32
        %dma_wait3A_456 = arith.constant 0 : i32
        %dma_wait3A_457 = tpu.memref_slice %arg6[%dma_wait3A_452, %dma_wait3A_455, %dma_wait3A_456] : memref<5x128x128xf32, #tpu.memory_space<vmem>> -> memref<1x128x128xf32, #tpu.memory_space<vmem>>
        %dma_wait3A_458 = tpu.memref_squeeze %dma_wait3A_457 : memref<1x128x128xf32, #tpu.memory_space<vmem>> -> memref<128x128xf32, #tpu.memory_space<vmem>>
        %dma_wait3A_459 = arith.constant 0 : i32
        %dma_wait3A_460 = tpu.memref_slice %arg4[%dma_wait3A_453, %mul3A_34, %dma_wait3A_459] : memref<200x1024x128xf32, #tpu.memory_space<hbm>> -> memref<1x128x128xf32, #tpu.memory_space<hbm>>
        %dma_wait3A_461 = tpu.memref_squeeze %dma_wait3A_460 : memref<1x128x128xf32, #tpu.memory_space<hbm>> -> memref<128x128xf32, #tpu.memory_space<hbm>>
        %dma_wait3A_462 = tpu.memref_slice %arg8[%dma_wait3A_454] : memref<5x!tpu.dma_semaphore, #tpu.memory_space<semaphore_mem>> -> memref<1x!tpu.dma_semaphore, #tpu.memory_space<semaphore_mem>>
        %dma_wait3A_463 = tpu.memref_squeeze %dma_wait3A_462 : memref<1x!tpu.dma_semaphore, #tpu.memory_space<semaphore_mem>> -> memref<!tpu.dma_semaphore, #tpu.memory_space<semaphore_mem>>
        %dma_wait3A_464 = arith.constant 0 : i32
        %dma_wait3A_465 = tpu.memref_slice %arg4[%dma_wait3A_453, %mul3A_34, %dma_wait3A_464] : memref<200x1024x128xf32, #tpu.memory_space<hbm>> -> memref<1x128x128xf32, #tpu.memory_space<hbm>>
        %dma_wait3A_466 = tpu.memref_squeeze %dma_wait3A_465 : memref<1x128x128xf32, #tpu.memory_space<hbm>> -> memref<128x128xf32, #tpu.memory_space<hbm>>
        %dma_wait3A_467 = arith.constant 0 : i32
        %dma_wait3A_468 = arith.constant 0 : i32
        %dma_wait3A_469 = tpu.memref_slice %arg6[%dma_wait3A_452, %dma_wait3A_467, %dma_wait3A_468] : memref<5x128x128xf32, #tpu.memory_space<vmem>> -> memref<1x128x128xf32, #tpu.memory_space<vmem>>
        %dma_wait3A_470 = tpu.memref_squeeze %dma_wait3A_469 : memref<1x128x128xf32, #tpu.memory_space<vmem>> -> memref<128x128xf32, #tpu.memory_space<vmem>>
        tpu.wait_dma2 semaphore(%dma_wait3A_463 : memref<!tpu.dma_semaphore, #tpu.memory_space<semaphore_mem>>) src(%dma_wait3A_470 : memref<128x128xf32, #tpu.memory_space<vmem>>) dst(%dma_wait3A_466 : memref<128x128xf32, #tpu.memory_space<hbm>>)
      } else {
      }
      %add3A_272 = arith.addi %mul3A_32, %add3A_266 : i32
      %dma_start3A_273 = arith.constant 2 : i32
      %dma_start3A_274 = arith.constant 2 : i32
      %dma_start3A_275 = arith.constant 0 : i32
      %dma_start3A_276 = arith.constant 0 : i32
      %dma_start3A_277 = tpu.memref_slice %arg6[%dma_start3A_273, %dma_start3A_275, %dma_start3A_276] : memref<5x128x128xf32, #tpu.memory_space<vmem>> -> memref<1x128x128xf32, #tpu.memory_space<vmem>>
      %dma_start3A_278 = tpu.memref_squeeze %dma_start3A_277 : memref<1x128x128xf32, #tpu.memory_space<vmem>> -> memref<128x128xf32, #tpu.memory_space<vmem>>
      %dma_start3A_279 = arith.constant 0 : i32
      %dma_start3A_280 = tpu.memref_slice %arg5[%add3A_272, %dma_start3A_279] : memref<200x128xi32, #tpu.memory_space<vmem>> -> memref<1x128xi32, #tpu.memory_space<vmem>>
      %dma_start3A_281 = tpu.memref_squeeze %dma_start3A_280 : memref<1x128xi32, #tpu.memory_space<vmem>> -> memref<128xi32, #tpu.memory_space<vmem>>
      %dma_start3A_282 = arith.constant 0 : i32
      %dma_start3A_283 = arith.constant 0 : i32
      %dma_start3A_284 = tpu.memref_slice %arg3[%dma_start3A_282, %dma_start3A_283] : memref<100000x128xf32, #tpu.memory_space<hbm>> -> memref<100000x128xf32, #tpu.memory_space<hbm>>
      %dma_start3A_285 = tpu.memref_slice %arg7[%dma_start3A_274] : memref<5x!tpu.dma_semaphore, #tpu.memory_space<semaphore_mem>> -> memref<1x!tpu.dma_semaphore, #tpu.memory_space<semaphore_mem>>
      %dma_start3A_286 = tpu.memref_squeeze %dma_start3A_285 : memref<1x!tpu.dma_semaphore, #tpu.memory_space<semaphore_mem>> -> memref<!tpu.dma_semaphore, #tpu.memory_space<semaphore_mem>>
      tpu.enqueue_indirect_dma source(%dma_start3A_284 : memref<100000x128xf32, #tpu.memory_space<hbm>>) target(%dma_start3A_278 : memref<128x128xf32, #tpu.memory_space<vmem>>) offsets(%dma_start3A_281 : memref<128xi32, #tpu.memory_space<vmem>>) semaphore(%dma_start3A_286 : memref<!tpu.dma_semaphore, #tpu.memory_space<semaphore_mem>>)
      %sub3A_287 = arith.constant 1 : i32
      %sub3A_288 = arith.subi %add3A_266, %sub3A_287 : i32
      %dma_wait3A_289 = arith.constant 1 : i32
      %dma_wait3A_290 = arith.constant 1 : i32
      %dma_wait3A_291 = arith.constant 0 : i32
      %dma_wait3A_292 = arith.constant 0 : i32
      %dma_wait3A_293 = tpu.memref_slice %arg6[%dma_wait3A_289, %dma_wait3A_291, %dma_wait3A_292] : memref<5x128x128xf32, #tpu.memory_space<vmem>> -> memref<1x128x128xf32, #tpu.memory_space<vmem>>
      %dma_wait3A_294 = tpu.memref_squeeze %dma_wait3A_293 : memref<1x128x128xf32, #tpu.memory_space<vmem>> -> memref<128x128xf32, #tpu.memory_space<vmem>>
      %dma_wait3A_295 = arith.constant 0 : i32
      %dma_wait3A_296 = arith.constant 0 : i32
      %dma_wait3A_297 = tpu.memref_slice %arg3[%dma_wait3A_295, %dma_wait3A_296] : memref<100000x128xf32, #tpu.memory_space<hbm>> -> memref<128x128xf32, #tpu.memory_space<hbm>>
      %dma_wait3A_298 = tpu.memref_slice %arg7[%dma_wait3A_290] : memref<5x!tpu.dma_semaphore, #tpu.memory_space<semaphore_mem>> -> memref<1x!tpu.dma_semaphore, #tpu.memory_space<semaphore_mem>>
      %dma_wait3A_299 = tpu.memref_squeeze %dma_wait3A_298 : memref<1x!tpu.dma_semaphore, #tpu.memory_space<semaphore_mem>> -> memref<!tpu.dma_semaphore, #tpu.memory_space<semaphore_mem>>
      %dma_wait3A_300 = arith.constant 0 : i32
      %dma_wait3A_301 = arith.constant 0 : i32
      %dma_wait3A_302 = tpu.memref_slice %arg6[%dma_wait3A_289, %dma_wait3A_300, %dma_wait3A_301] : memref<5x128x128xf32, #tpu.memory_space<vmem>> -> memref<1x128x128xf32, #tpu.memory_space<vmem>>
      %dma_wait3A_303 = tpu.memref_squeeze %dma_wait3A_302 : memref<1x128x128xf32, #tpu.memory_space<vmem>> -> memref<128x128xf32, #tpu.memory_space<vmem>>
      %dma_wait3A_304 = arith.constant 0 : i32
      %dma_wait3A_305 = arith.constant 0 : i32
      %dma_wait3A_306 = tpu.memref_slice %arg3[%dma_wait3A_304, %dma_wait3A_305] : memref<100000x128xf32, #tpu.memory_space<hbm>> -> memref<128x128xf32, #tpu.memory_space<hbm>>
      tpu.wait_dma2 semaphore(%dma_wait3A_299 : memref<!tpu.dma_semaphore, #tpu.memory_space<semaphore_mem>>) src(%dma_wait3A_306 : memref<128x128xf32, #tpu.memory_space<hbm>>) dst(%dma_wait3A_303 : memref<128x128xf32, #tpu.memory_space<vmem>>)
      %add3A_307 = arith.addi %mul3A_32, %sub3A_288 : i32
      %dma_start3A_308 = arith.constant 1 : i32
      %dma_start3A_309 = arith.constant 1 : i32
      %dma_start3A_310 = arith.constant 0 : i32
      %dma_start3A_311 = arith.constant 0 : i32
      %dma_start3A_312 = tpu.memref_slice %arg6[%dma_start3A_308, %dma_start3A_310, %dma_start3A_311] : memref<5x128x128xf32, #tpu.memory_space<vmem>> -> memref<1x128x128xf32, #tpu.memory_space<vmem>>
      %dma_start3A_313 = tpu.memref_squeeze %dma_start3A_312 : memref<1x128x128xf32, #tpu.memory_space<vmem>> -> memref<128x128xf32, #tpu.memory_space<vmem>>
      %dma_start3A_314 = arith.constant 0 : i32
      %dma_start3A_315 = tpu.memref_slice %arg4[%add3A_307, %mul3A_34, %dma_start3A_314] : memref<200x1024x128xf32, #tpu.memory_space<hbm>> -> memref<1x128x128xf32, #tpu.memory_space<hbm>>
      %dma_start3A_316 = tpu.memref_squeeze %dma_start3A_315 : memref<1x128x128xf32, #tpu.memory_space<hbm>> -> memref<128x128xf32, #tpu.memory_space<hbm>>
      %dma_start3A_317 = tpu.memref_slice %arg8[%dma_start3A_309] : memref<5x!tpu.dma_semaphore, #tpu.memory_space<semaphore_mem>> -> memref<1x!tpu.dma_semaphore, #tpu.memory_space<semaphore_mem>>
      %dma_start3A_318 = tpu.memref_squeeze %dma_start3A_317 : memref<1x!tpu.dma_semaphore, #tpu.memory_space<semaphore_mem>> -> memref<!tpu.dma_semaphore, #tpu.memory_space<semaphore_mem>>
      %dma_start3A_319 = arith.constant 0 : i32
      %dma_start3A_320 = tpu.memref_slice %arg4[%add3A_307, %mul3A_34, %dma_start3A_319] : memref<200x1024x128xf32, #tpu.memory_space<hbm>> -> memref<1x128x128xf32, #tpu.memory_space<hbm>>
      %dma_start3A_321 = tpu.memref_squeeze %dma_start3A_320 : memref<1x128x128xf32, #tpu.memory_space<hbm>> -> memref<128x128xf32, #tpu.memory_space<hbm>>
      %dma_start3A_322 = arith.constant 0 : i32
      %dma_start3A_323 = arith.constant 0 : i32
      %dma_start3A_324 = tpu.memref_slice %arg6[%dma_start3A_308, %dma_start3A_322, %dma_start3A_323] : memref<5x128x128xf32, #tpu.memory_space<vmem>> -> memref<1x128x128xf32, #tpu.memory_space<vmem>>
      %dma_start3A_325 = tpu.memref_squeeze %dma_start3A_324 : memref<1x128x128xf32, #tpu.memory_space<vmem>> -> memref<128x128xf32, #tpu.memory_space<vmem>>
      tpu.enqueue_dma source(%dma_start3A_325 : memref<128x128xf32, #tpu.memory_space<vmem>>) target(%dma_start3A_321 : memref<128x128xf32, #tpu.memory_space<hbm>>) target_semaphore(%dma_start3A_318 : memref<!tpu.dma_semaphore, #tpu.memory_space<semaphore_mem>>)
      %mul3A_326 = arith.constant 5 : i32
      %mul3A_327 = arith.muli %scan3A_173, %mul3A_326 : i32
      %add3A_328 = arith.constant 3 : i32
      %add3A_329 = arith.addi %mul3A_327, %add3A_328 : i32
      %ge3A_330 = arith.constant 1 : i32
      %ge3A_331 = arith.cmpi sge, %scan3A_173, %ge3A_330 : i32
      %convert_element_type3A_332 = arith.extui %ge3A_331 : i1 to i32
      %cond3A_333 = arith.constant 0 : i32
      %cond3A_334 = arith.cmpi ne, %convert_element_type3A_332, %cond3A_333 : i32
      scf.if %cond3A_334 {
        %dma_wait3A_452 = arith.constant 3 : i32
        %dma_wait3A_453 = arith.constant 0 : i32
        %dma_wait3A_454 = arith.constant 3 : i32
        %dma_wait3A_455 = arith.constant 0 : i32
        %dma_wait3A_456 = arith.constant 0 : i32
        %dma_wait3A_457 = tpu.memref_slice %arg6[%dma_wait3A_452, %dma_wait3A_455, %dma_wait3A_456] : memref<5x128x128xf32, #tpu.memory_space<vmem>> -> memref<1x128x128xf32, #tpu.memory_space<vmem>>
        %dma_wait3A_458 = tpu.memref_squeeze %dma_wait3A_457 : memref<1x128x128xf32, #tpu.memory_space<vmem>> -> memref<128x128xf32, #tpu.memory_space<vmem>>
        %dma_wait3A_459 = arith.constant 0 : i32
        %dma_wait3A_460 = tpu.memref_slice %arg4[%dma_wait3A_453, %mul3A_34, %dma_wait3A_459] : memref<200x1024x128xf32, #tpu.memory_space<hbm>> -> memref<1x128x128xf32, #tpu.memory_space<hbm>>
        %dma_wait3A_461 = tpu.memref_squeeze %dma_wait3A_460 : memref<1x128x128xf32, #tpu.memory_space<hbm>> -> memref<128x128xf32, #tpu.memory_space<hbm>>
        %dma_wait3A_462 = tpu.memref_slice %arg8[%dma_wait3A_454] : memref<5x!tpu.dma_semaphore, #tpu.memory_space<semaphore_mem>> -> memref<1x!tpu.dma_semaphore, #tpu.memory_space<semaphore_mem>>
        %dma_wait3A_463 = tpu.memref_squeeze %dma_wait3A_462 : memref<1x!tpu.dma_semaphore, #tpu.memory_space<semaphore_mem>> -> memref<!tpu.dma_semaphore, #tpu.memory_space<semaphore_mem>>
        %dma_wait3A_464 = arith.constant 0 : i32
        %dma_wait3A_465 = tpu.memref_slice %arg4[%dma_wait3A_453, %mul3A_34, %dma_wait3A_464] : memref<200x1024x128xf32, #tpu.memory_space<hbm>> -> memref<1x128x128xf32, #tpu.memory_space<hbm>>
        %dma_wait3A_466 = tpu.memref_squeeze %dma_wait3A_465 : memref<1x128x128xf32, #tpu.memory_space<hbm>> -> memref<128x128xf32, #tpu.memory_space<hbm>>
        %dma_wait3A_467 = arith.constant 0 : i32
        %dma_wait3A_468 = arith.constant 0 : i32
        %dma_wait3A_469 = tpu.memref_slice %arg6[%dma_wait3A_452, %dma_wait3A_467, %dma_wait3A_468] : memref<5x128x128xf32, #tpu.memory_space<vmem>> -> memref<1x128x128xf32, #tpu.memory_space<vmem>>
        %dma_wait3A_470 = tpu.memref_squeeze %dma_wait3A_469 : memref<1x128x128xf32, #tpu.memory_space<vmem>> -> memref<128x128xf32, #tpu.memory_space<vmem>>
        tpu.wait_dma2 semaphore(%dma_wait3A_463 : memref<!tpu.dma_semaphore, #tpu.memory_space<semaphore_mem>>) src(%dma_wait3A_470 : memref<128x128xf32, #tpu.memory_space<vmem>>) dst(%dma_wait3A_466 : memref<128x128xf32, #tpu.memory_space<hbm>>)
      } else {
      }
      %add3A_335 = arith.addi %mul3A_32, %add3A_329 : i32
      %dma_start3A_336 = arith.constant 3 : i32
      %dma_start3A_337 = arith.constant 3 : i32
      %dma_start3A_338 = arith.constant 0 : i32
      %dma_start3A_339 = arith.constant 0 : i32
      %dma_start3A_340 = tpu.memref_slice %arg6[%dma_start3A_336, %dma_start3A_338, %dma_start3A_339] : memref<5x128x128xf32, #tpu.memory_space<vmem>> -> memref<1x128x128xf32, #tpu.memory_space<vmem>>
      %dma_start3A_341 = tpu.memref_squeeze %dma_start3A_340 : memref<1x128x128xf32, #tpu.memory_space<vmem>> -> memref<128x128xf32, #tpu.memory_space<vmem>>
      %dma_start3A_342 = arith.constant 0 : i32
      %dma_start3A_343 = tpu.memref_slice %arg5[%add3A_335, %dma_start3A_342] : memref<200x128xi32, #tpu.memory_space<vmem>> -> memref<1x128xi32, #tpu.memory_space<vmem>>
      %dma_start3A_344 = tpu.memref_squeeze %dma_start3A_343 : memref<1x128xi32, #tpu.memory_space<vmem>> -> memref<128xi32, #tpu.memory_space<vmem>>
      %dma_start3A_345 = arith.constant 0 : i32
      %dma_start3A_346 = arith.constant 0 : i32
      %dma_start3A_347 = tpu.memref_slice %arg3[%dma_start3A_345, %dma_start3A_346] : memref<100000x128xf32, #tpu.memory_space<hbm>> -> memref<100000x128xf32, #tpu.memory_space<hbm>>
      %dma_start3A_348 = tpu.memref_slice %arg7[%dma_start3A_337] : memref<5x!tpu.dma_semaphore, #tpu.memory_space<semaphore_mem>> -> memref<1x!tpu.dma_semaphore, #tpu.memory_space<semaphore_mem>>
      %dma_start3A_349 = tpu.memref_squeeze %dma_start3A_348 : memref<1x!tpu.dma_semaphore, #tpu.memory_space<semaphore_mem>> -> memref<!tpu.dma_semaphore, #tpu.memory_space<semaphore_mem>>
      tpu.enqueue_indirect_dma source(%dma_start3A_347 : memref<100000x128xf32, #tpu.memory_space<hbm>>) target(%dma_start3A_341 : memref<128x128xf32, #tpu.memory_space<vmem>>) offsets(%dma_start3A_344 : memref<128xi32, #tpu.memory_space<vmem>>) semaphore(%dma_start3A_349 : memref<!tpu.dma_semaphore, #tpu.memory_space<semaphore_mem>>)
      %sub3A_350 = arith.constant 1 : i32
      %sub3A_351 = arith.subi %add3A_329, %sub3A_350 : i32
      %dma_wait3A_352 = arith.constant 2 : i32
      %dma_wait3A_353 = arith.constant 2 : i32
      %dma_wait3A_354 = arith.constant 0 : i32
      %dma_wait3A_355 = arith.constant 0 : i32
      %dma_wait3A_356 = tpu.memref_slice %arg6[%dma_wait3A_352, %dma_wait3A_354, %dma_wait3A_355] : memref<5x128x128xf32, #tpu.memory_space<vmem>> -> memref<1x128x128xf32, #tpu.memory_space<vmem>>
      %dma_wait3A_357 = tpu.memref_squeeze %dma_wait3A_356 : memref<1x128x128xf32, #tpu.memory_space<vmem>> -> memref<128x128xf32, #tpu.memory_space<vmem>>
      %dma_wait3A_358 = arith.constant 0 : i32
      %dma_wait3A_359 = arith.constant 0 : i32
      %dma_wait3A_360 = tpu.memref_slice %arg3[%dma_wait3A_358, %dma_wait3A_359] : memref<100000x128xf32, #tpu.memory_space<hbm>> -> memref<128x128xf32, #tpu.memory_space<hbm>>
      %dma_wait3A_361 = tpu.memref_slice %arg7[%dma_wait3A_353] : memref<5x!tpu.dma_semaphore, #tpu.memory_space<semaphore_mem>> -> memref<1x!tpu.dma_semaphore, #tpu.memory_space<semaphore_mem>>
      %dma_wait3A_362 = tpu.memref_squeeze %dma_wait3A_361 : memref<1x!tpu.dma_semaphore, #tpu.memory_space<semaphore_mem>> -> memref<!tpu.dma_semaphore, #tpu.memory_space<semaphore_mem>>
      %dma_wait3A_363 = arith.constant 0 : i32
      %dma_wait3A_364 = arith.constant 0 : i32
      %dma_wait3A_365 = tpu.memref_slice %arg6[%dma_wait3A_352, %dma_wait3A_363, %dma_wait3A_364] : memref<5x128x128xf32, #tpu.memory_space<vmem>> -> memref<1x128x128xf32, #tpu.memory_space<vmem>>
      %dma_wait3A_366 = tpu.memref_squeeze %dma_wait3A_365 : memref<1x128x128xf32, #tpu.memory_space<vmem>> -> memref<128x128xf32, #tpu.memory_space<vmem>>
      %dma_wait3A_367 = arith.constant 0 : i32
      %dma_wait3A_368 = arith.constant 0 : i32
      %dma_wait3A_369 = tpu.memref_slice %arg3[%dma_wait3A_367, %dma_wait3A_368] : memref<100000x128xf32, #tpu.memory_space<hbm>> -> memref<128x128xf32, #tpu.memory_space<hbm>>
      tpu.wait_dma2 semaphore(%dma_wait3A_362 : memref<!tpu.dma_semaphore, #tpu.memory_space<semaphore_mem>>) src(%dma_wait3A_369 : memref<128x128xf32, #tpu.memory_space<hbm>>) dst(%dma_wait3A_366 : memref<128x128xf32, #tpu.memory_space<vmem>>)
      %add3A_370 = arith.addi %mul3A_32, %sub3A_351 : i32
      %dma_start3A_371 = arith.constant 2 : i32
      %dma_start3A_372 = arith.constant 2 : i32
      %dma_start3A_373 = arith.constant 0 : i32
      %dma_start3A_374 = arith.constant 0 : i32
      %dma_start3A_375 = tpu.memref_slice %arg6[%dma_start3A_371, %dma_start3A_373, %dma_start3A_374] : memref<5x128x128xf32, #tpu.memory_space<vmem>> -> memref<1x128x128xf32, #tpu.memory_space<vmem>>
      %dma_start3A_376 = tpu.memref_squeeze %dma_start3A_375 : memref<1x128x128xf32, #tpu.memory_space<vmem>> -> memref<128x128xf32, #tpu.memory_space<vmem>>
      %dma_start3A_377 = arith.constant 0 : i32
      %dma_start3A_378 = tpu.memref_slice %arg4[%add3A_370, %mul3A_34, %dma_start3A_377] : memref<200x1024x128xf32, #tpu.memory_space<hbm>> -> memref<1x128x128xf32, #tpu.memory_space<hbm>>
      %dma_start3A_379 = tpu.memref_squeeze %dma_start3A_378 : memref<1x128x128xf32, #tpu.memory_space<hbm>> -> memref<128x128xf32, #tpu.memory_space<hbm>>
      %dma_start3A_380 = tpu.memref_slice %arg8[%dma_start3A_372] : memref<5x!tpu.dma_semaphore, #tpu.memory_space<semaphore_mem>> -> memref<1x!tpu.dma_semaphore, #tpu.memory_space<semaphore_mem>>
      %dma_start3A_381 = tpu.memref_squeeze %dma_start3A_380 : memref<1x!tpu.dma_semaphore, #tpu.memory_space<semaphore_mem>> -> memref<!tpu.dma_semaphore, #tpu.memory_space<semaphore_mem>>
      %dma_start3A_382 = arith.constant 0 : i32
      %dma_start3A_383 = tpu.memref_slice %arg4[%add3A_370, %mul3A_34, %dma_start3A_382] : memref<200x1024x128xf32, #tpu.memory_space<hbm>> -> memref<1x128x128xf32, #tpu.memory_space<hbm>>
      %dma_start3A_384 = tpu.memref_squeeze %dma_start3A_383 : memref<1x128x128xf32, #tpu.memory_space<hbm>> -> memref<128x128xf32, #tpu.memory_space<hbm>>
      %dma_start3A_385 = arith.constant 0 : i32
      %dma_start3A_386 = arith.constant 0 : i32
      %dma_start3A_387 = tpu.memref_slice %arg6[%dma_start3A_371, %dma_start3A_385, %dma_start3A_386] : memref<5x128x128xf32, #tpu.memory_space<vmem>> -> memref<1x128x128xf32, #tpu.memory_space<vmem>>
      %dma_start3A_388 = tpu.memref_squeeze %dma_start3A_387 : memref<1x128x128xf32, #tpu.memory_space<vmem>> -> memref<128x128xf32, #tpu.memory_space<vmem>>
      tpu.enqueue_dma source(%dma_start3A_388 : memref<128x128xf32, #tpu.memory_space<vmem>>) target(%dma_start3A_384 : memref<128x128xf32, #tpu.memory_space<hbm>>) target_semaphore(%dma_start3A_381 : memref<!tpu.dma_semaphore, #tpu.memory_space<semaphore_mem>>)
      %mul3A_389 = arith.constant 5 : i32
      %mul3A_390 = arith.muli %scan3A_173, %mul3A_389 : i32
      %add3A_391 = arith.constant 4 : i32
      %add3A_392 = arith.addi %mul3A_390, %add3A_391 : i32
      %ge3A_393 = arith.constant 1 : i32
      %ge3A_394 = arith.cmpi sge, %scan3A_173, %ge3A_393 : i32
      %convert_element_type3A_395 = arith.extui %ge3A_394 : i1 to i32
      %cond3A_396 = arith.constant 0 : i32
      %cond3A_397 = arith.cmpi ne, %convert_element_type3A_395, %cond3A_396 : i32
      scf.if %cond3A_397 {
        %dma_wait3A_452 = arith.constant 4 : i32
        %dma_wait3A_453 = arith.constant 0 : i32
        %dma_wait3A_454 = arith.constant 4 : i32
        %dma_wait3A_455 = arith.constant 0 : i32
        %dma_wait3A_456 = arith.constant 0 : i32
        %dma_wait3A_457 = tpu.memref_slice %arg6[%dma_wait3A_452, %dma_wait3A_455, %dma_wait3A_456] : memref<5x128x128xf32, #tpu.memory_space<vmem>> -> memref<1x128x128xf32, #tpu.memory_space<vmem>>
        %dma_wait3A_458 = tpu.memref_squeeze %dma_wait3A_457 : memref<1x128x128xf32, #tpu.memory_space<vmem>> -> memref<128x128xf32, #tpu.memory_space<vmem>>
        %dma_wait3A_459 = arith.constant 0 : i32
        %dma_wait3A_460 = tpu.memref_slice %arg4[%dma_wait3A_453, %mul3A_34, %dma_wait3A_459] : memref<200x1024x128xf32, #tpu.memory_space<hbm>> -> memref<1x128x128xf32, #tpu.memory_space<hbm>>
        %dma_wait3A_461 = tpu.memref_squeeze %dma_wait3A_460 : memref<1x128x128xf32, #tpu.memory_space<hbm>> -> memref<128x128xf32, #tpu.memory_space<hbm>>
        %dma_wait3A_462 = tpu.memref_slice %arg8[%dma_wait3A_454] : memref<5x!tpu.dma_semaphore, #tpu.memory_space<semaphore_mem>> -> memref<1x!tpu.dma_semaphore, #tpu.memory_space<semaphore_mem>>
        %dma_wait3A_463 = tpu.memref_squeeze %dma_wait3A_462 : memref<1x!tpu.dma_semaphore, #tpu.memory_space<semaphore_mem>> -> memref<!tpu.dma_semaphore, #tpu.memory_space<semaphore_mem>>
        %dma_wait3A_464 = arith.constant 0 : i32
        %dma_wait3A_465 = tpu.memref_slice %arg4[%dma_wait3A_453, %mul3A_34, %dma_wait3A_464] : memref<200x1024x128xf32, #tpu.memory_space<hbm>> -> memref<1x128x128xf32, #tpu.memory_space<hbm>>
        %dma_wait3A_466 = tpu.memref_squeeze %dma_wait3A_465 : memref<1x128x128xf32, #tpu.memory_space<hbm>> -> memref<128x128xf32, #tpu.memory_space<hbm>>
        %dma_wait3A_467 = arith.constant 0 : i32
        %dma_wait3A_468 = arith.constant 0 : i32
        %dma_wait3A_469 = tpu.memref_slice %arg6[%dma_wait3A_452, %dma_wait3A_467, %dma_wait3A_468] : memref<5x128x128xf32, #tpu.memory_space<vmem>> -> memref<1x128x128xf32, #tpu.memory_space<vmem>>
        %dma_wait3A_470 = tpu.memref_squeeze %dma_wait3A_469 : memref<1x128x128xf32, #tpu.memory_space<vmem>> -> memref<128x128xf32, #tpu.memory_space<vmem>>
        tpu.wait_dma2 semaphore(%dma_wait3A_463 : memref<!tpu.dma_semaphore, #tpu.memory_space<semaphore_mem>>) src(%dma_wait3A_470 : memref<128x128xf32, #tpu.memory_space<vmem>>) dst(%dma_wait3A_466 : memref<128x128xf32, #tpu.memory_space<hbm>>)
      } else {
      }
      %add3A_398 = arith.addi %mul3A_32, %add3A_392 : i32
      %dma_start3A_399 = arith.constant 4 : i32
      %dma_start3A_400 = arith.constant 4 : i32
      %dma_start3A_401 = arith.constant 0 : i32
      %dma_start3A_402 = arith.constant 0 : i32
      %dma_start3A_403 = tpu.memref_slice %arg6[%dma_start3A_399, %dma_start3A_401, %dma_start3A_402] : memref<5x128x128xf32, #tpu.memory_space<vmem>> -> memref<1x128x128xf32, #tpu.memory_space<vmem>>
      %dma_start3A_404 = tpu.memref_squeeze %dma_start3A_403 : memref<1x128x128xf32, #tpu.memory_space<vmem>> -> memref<128x128xf32, #tpu.memory_space<vmem>>
      %dma_start3A_405 = arith.constant 0 : i32
      %dma_start3A_406 = tpu.memref_slice %arg5[%add3A_398, %dma_start3A_405] : memref<200x128xi32, #tpu.memory_space<vmem>> -> memref<1x128xi32, #tpu.memory_space<vmem>>
      %dma_start3A_407 = tpu.memref_squeeze %dma_start3A_406 : memref<1x128xi32, #tpu.memory_space<vmem>> -> memref<128xi32, #tpu.memory_space<vmem>>
      %dma_start3A_408 = arith.constant 0 : i32
      %dma_start3A_409 = arith.constant 0 : i32
      %dma_start3A_410 = tpu.memref_slice %arg3[%dma_start3A_408, %dma_start3A_409] : memref<100000x128xf32, #tpu.memory_space<hbm>> -> memref<100000x128xf32, #tpu.memory_space<hbm>>
      %dma_start3A_411 = tpu.memref_slice %arg7[%dma_start3A_400] : memref<5x!tpu.dma_semaphore, #tpu.memory_space<semaphore_mem>> -> memref<1x!tpu.dma_semaphore, #tpu.memory_space<semaphore_mem>>
      %dma_start3A_412 = tpu.memref_squeeze %dma_start3A_411 : memref<1x!tpu.dma_semaphore, #tpu.memory_space<semaphore_mem>> -> memref<!tpu.dma_semaphore, #tpu.memory_space<semaphore_mem>>
      tpu.enqueue_indirect_dma source(%dma_start3A_410 : memref<100000x128xf32, #tpu.memory_space<hbm>>) target(%dma_start3A_404 : memref<128x128xf32, #tpu.memory_space<vmem>>) offsets(%dma_start3A_407 : memref<128xi32, #tpu.memory_space<vmem>>) semaphore(%dma_start3A_412 : memref<!tpu.dma_semaphore, #tpu.memory_space<semaphore_mem>>)
      %sub3A_413 = arith.constant 1 : i32
      %sub3A_414 = arith.subi %add3A_392, %sub3A_413 : i32
      %dma_wait3A_415 = arith.constant 3 : i32
      %dma_wait3A_416 = arith.constant 3 : i32
      %dma_wait3A_417 = arith.constant 0 : i32
      %dma_wait3A_418 = arith.constant 0 : i32
      %dma_wait3A_419 = tpu.memref_slice %arg6[%dma_wait3A_415, %dma_wait3A_417, %dma_wait3A_418] : memref<5x128x128xf32, #tpu.memory_space<vmem>> -> memref<1x128x128xf32, #tpu.memory_space<vmem>>
      %dma_wait3A_420 = tpu.memref_squeeze %dma_wait3A_419 : memref<1x128x128xf32, #tpu.memory_space<vmem>> -> memref<128x128xf32, #tpu.memory_space<vmem>>
      %dma_wait3A_421 = arith.constant 0 : i32
      %dma_wait3A_422 = arith.constant 0 : i32
      %dma_wait3A_423 = tpu.memref_slice %arg3[%dma_wait3A_421, %dma_wait3A_422] : memref<100000x128xf32, #tpu.memory_space<hbm>> -> memref<128x128xf32, #tpu.memory_space<hbm>>
      %dma_wait3A_424 = tpu.memref_slice %arg7[%dma_wait3A_416] : memref<5x!tpu.dma_semaphore, #tpu.memory_space<semaphore_mem>> -> memref<1x!tpu.dma_semaphore, #tpu.memory_space<semaphore_mem>>
      %dma_wait3A_425 = tpu.memref_squeeze %dma_wait3A_424 : memref<1x!tpu.dma_semaphore, #tpu.memory_space<semaphore_mem>> -> memref<!tpu.dma_semaphore, #tpu.memory_space<semaphore_mem>>
      %dma_wait3A_426 = arith.constant 0 : i32
      %dma_wait3A_427 = arith.constant 0 : i32
      %dma_wait3A_428 = tpu.memref_slice %arg6[%dma_wait3A_415, %dma_wait3A_426, %dma_wait3A_427] : memref<5x128x128xf32, #tpu.memory_space<vmem>> -> memref<1x128x128xf32, #tpu.memory_space<vmem>>
      %dma_wait3A_429 = tpu.memref_squeeze %dma_wait3A_428 : memref<1x128x128xf32, #tpu.memory_space<vmem>> -> memref<128x128xf32, #tpu.memory_space<vmem>>
      %dma_wait3A_430 = arith.constant 0 : i32
      %dma_wait3A_431 = arith.constant 0 : i32
      %dma_wait3A_432 = tpu.memref_slice %arg3[%dma_wait3A_430, %dma_wait3A_431] : memref<100000x128xf32, #tpu.memory_space<hbm>> -> memref<128x128xf32, #tpu.memory_space<hbm>>
      tpu.wait_dma2 semaphore(%dma_wait3A_425 : memref<!tpu.dma_semaphore, #tpu.memory_space<semaphore_mem>>) src(%dma_wait3A_432 : memref<128x128xf32, #tpu.memory_space<hbm>>) dst(%dma_wait3A_429 : memref<128x128xf32, #tpu.memory_space<vmem>>)
      %add3A_433 = arith.addi %mul3A_32, %sub3A_414 : i32
      %dma_start3A_434 = arith.constant 3 : i32
      %dma_start3A_435 = arith.constant 3 : i32
      %dma_start3A_436 = arith.constant 0 : i32
      %dma_start3A_437 = arith.constant 0 : i32
      %dma_start3A_438 = tpu.memref_slice %arg6[%dma_start3A_434, %dma_start3A_436, %dma_start3A_437] : memref<5x128x128xf32, #tpu.memory_space<vmem>> -> memref<1x128x128xf32, #tpu.memory_space<vmem>>
      %dma_start3A_439 = tpu.memref_squeeze %dma_start3A_438 : memref<1x128x128xf32, #tpu.memory_space<vmem>> -> memref<128x128xf32, #tpu.memory_space<vmem>>
      %dma_start3A_440 = arith.constant 0 : i32
      %dma_start3A_441 = tpu.memref_slice %arg4[%add3A_433, %mul3A_34, %dma_start3A_440] : memref<200x1024x128xf32, #tpu.memory_space<hbm>> -> memref<1x128x128xf32, #tpu.memory_space<hbm>>
      %dma_start3A_442 = tpu.memref_squeeze %dma_start3A_441 : memref<1x128x128xf32, #tpu.memory_space<hbm>> -> memref<128x128xf32, #tpu.memory_space<hbm>>
      %dma_start3A_443 = tpu.memref_slice %arg8[%dma_start3A_435] : memref<5x!tpu.dma_semaphore, #tpu.memory_space<semaphore_mem>> -> memref<1x!tpu.dma_semaphore, #tpu.memory_space<semaphore_mem>>
      %dma_start3A_444 = tpu.memref_squeeze %dma_start3A_443 : memref<1x!tpu.dma_semaphore, #tpu.memory_space<semaphore_mem>> -> memref<!tpu.dma_semaphore, #tpu.memory_space<semaphore_mem>>
      %dma_start3A_445 = arith.constant 0 : i32
      %dma_start3A_446 = tpu.memref_slice %arg4[%add3A_433, %mul3A_34, %dma_start3A_445] : memref<200x1024x128xf32, #tpu.memory_space<hbm>> -> memref<1x128x128xf32, #tpu.memory_space<hbm>>
      %dma_start3A_447 = tpu.memref_squeeze %dma_start3A_446 : memref<1x128x128xf32, #tpu.memory_space<hbm>> -> memref<128x128xf32, #tpu.memory_space<hbm>>
      %dma_start3A_448 = arith.constant 0 : i32
      %dma_start3A_449 = arith.constant 0 : i32
      %dma_start3A_450 = tpu.memref_slice %arg6[%dma_start3A_434, %dma_start3A_448, %dma_start3A_449] : memref<5x128x128xf32, #tpu.memory_space<vmem>> -> memref<1x128x128xf32, #tpu.memory_space<vmem>>
      %dma_start3A_451 = tpu.memref_squeeze %dma_start3A_450 : memref<1x128x128xf32, #tpu.memory_space<vmem>> -> memref<128x128xf32, #tpu.memory_space<vmem>>
      tpu.enqueue_dma source(%dma_start3A_451 : memref<128x128xf32, #tpu.memory_space<vmem>>) target(%dma_start3A_447 : memref<128x128xf32, #tpu.memory_space<hbm>>) target_semaphore(%dma_start3A_444 : memref<!tpu.dma_semaphore, #tpu.memory_space<semaphore_mem>>)
    }
    %scan3A_41 = arith.constant 10 : i32
    %dma_wait3A = arith.constant 4 : i32
    %dma_wait3A_42 = arith.constant 4 : i32
    %dma_wait3A_43 = arith.constant 0 : i32
    %dma_wait3A_44 = arith.constant 0 : i32
    %dma_wait3A_45 = tpu.memref_slice %arg6[%dma_wait3A, %dma_wait3A_43, %dma_wait3A_44] : memref<5x128x128xf32, #tpu.memory_space<vmem>> -> memref<1x128x128xf32, #tpu.memory_space<vmem>>
    %dma_wait3A_46 = tpu.memref_squeeze %dma_wait3A_45 : memref<1x128x128xf32, #tpu.memory_space<vmem>> -> memref<128x128xf32, #tpu.memory_space<vmem>>
    %dma_wait3A_47 = arith.constant 0 : i32
    %dma_wait3A_48 = arith.constant 0 : i32
    %dma_wait3A_49 = tpu.memref_slice %arg3[%dma_wait3A_47, %dma_wait3A_48] : memref<100000x128xf32, #tpu.memory_space<hbm>> -> memref<128x128xf32, #tpu.memory_space<hbm>>
    %dma_wait3A_50 = tpu.memref_slice %arg7[%dma_wait3A_42] : memref<5x!tpu.dma_semaphore, #tpu.memory_space<semaphore_mem>> -> memref<1x!tpu.dma_semaphore, #tpu.memory_space<semaphore_mem>>
    %dma_wait3A_51 = tpu.memref_squeeze %dma_wait3A_50 : memref<1x!tpu.dma_semaphore, #tpu.memory_space<semaphore_mem>> -> memref<!tpu.dma_semaphore, #tpu.memory_space<semaphore_mem>>
    %dma_wait3A_52 = arith.constant 0 : i32
    %dma_wait3A_53 = arith.constant 0 : i32
    %dma_wait3A_54 = tpu.memref_slice %arg6[%dma_wait3A, %dma_wait3A_52, %dma_wait3A_53] : memref<5x128x128xf32, #tpu.memory_space<vmem>> -> memref<1x128x128xf32, #tpu.memory_space<vmem>>
    %dma_wait3A_55 = tpu.memref_squeeze %dma_wait3A_54 : memref<1x128x128xf32, #tpu.memory_space<vmem>> -> memref<128x128xf32, #tpu.memory_space<vmem>>
    %dma_wait3A_56 = arith.constant 0 : i32
    %dma_wait3A_57 = arith.constant 0 : i32
    %dma_wait3A_58 = tpu.memref_slice %arg3[%dma_wait3A_56, %dma_wait3A_57] : memref<100000x128xf32, #tpu.memory_space<hbm>> -> memref<128x128xf32, #tpu.memory_space<hbm>>
    tpu.wait_dma2 semaphore(%dma_wait3A_51 : memref<!tpu.dma_semaphore, #tpu.memory_space<semaphore_mem>>) src(%dma_wait3A_58 : memref<128x128xf32, #tpu.memory_space<hbm>>) dst(%dma_wait3A_55 : memref<128x128xf32, #tpu.memory_space<vmem>>)
    %add3A_59 = arith.constant 49 : i32
    %add3A_60 = arith.addi %mul3A_32, %add3A_59 : i32
    %dma_start3A = arith.constant 4 : i32
    %dma_start3A_61 = arith.constant 4 : i32
    %dma_start3A_62 = arith.constant 0 : i32
    %dma_start3A_63 = arith.constant 0 : i32
    %dma_start3A_64 = tpu.memref_slice %arg6[%dma_start3A, %dma_start3A_62, %dma_start3A_63] : memref<5x128x128xf32, #tpu.memory_space<vmem>> -> memref<1x128x128xf32, #tpu.memory_space<vmem>>
    %dma_start3A_65 = tpu.memref_squeeze %dma_start3A_64 : memref<1x128x128xf32, #tpu.memory_space<vmem>> -> memref<128x128xf32, #tpu.memory_space<vmem>>
    %dma_start3A_66 = arith.constant 0 : i32
    %dma_start3A_67 = tpu.memref_slice %arg4[%add3A_60, %mul3A_34, %dma_start3A_66] : memref<200x1024x128xf32, #tpu.memory_space<hbm>> -> memref<1x128x128xf32, #tpu.memory_space<hbm>>
    %dma_start3A_68 = tpu.memref_squeeze %dma_start3A_67 : memref<1x128x128xf32, #tpu.memory_space<hbm>> -> memref<128x128xf32, #tpu.memory_space<hbm>>
    %dma_start3A_69 = tpu.memref_slice %arg8[%dma_start3A_61] : memref<5x!tpu.dma_semaphore, #tpu.memory_space<semaphore_mem>> -> memref<1x!tpu.dma_semaphore, #tpu.memory_space<semaphore_mem>>
    %dma_start3A_70 = tpu.memref_squeeze %dma_start3A_69 : memref<1x!tpu.dma_semaphore, #tpu.memory_space<semaphore_mem>> -> memref<!tpu.dma_semaphore, #tpu.memory_space<semaphore_mem>>
    %dma_start3A_71 = arith.constant 0 : i32
    %dma_start3A_72 = tpu.memref_slice %arg4[%add3A_60, %mul3A_34, %dma_start3A_71] : memref<200x1024x128xf32, #tpu.memory_space<hbm>> -> memref<1x128x128xf32, #tpu.memory_space<hbm>>
    %dma_start3A_73 = tpu.memref_squeeze %dma_start3A_72 : memref<1x128x128xf32, #tpu.memory_space<hbm>> -> memref<128x128xf32, #tpu.memory_space<hbm>>
    %dma_start3A_74 = arith.constant 0 : i32
    %dma_start3A_75 = arith.constant 0 : i32
    %dma_start3A_76 = tpu.memref_slice %arg6[%dma_start3A, %dma_start3A_74, %dma_start3A_75] : memref<5x128x128xf32, #tpu.memory_space<vmem>> -> memref<1x128x128xf32, #tpu.memory_space<vmem>>
    %dma_start3A_77 = tpu.memref_squeeze %dma_start3A_76 : memref<1x128x128xf32, #tpu.memory_space<vmem>> -> memref<128x128xf32, #tpu.memory_space<vmem>>
    tpu.enqueue_dma source(%dma_start3A_77 : memref<128x128xf32, #tpu.memory_space<vmem>>) target(%dma_start3A_73 : memref<128x128xf32, #tpu.memory_space<hbm>>) target_semaphore(%dma_start3A_70 : memref<!tpu.dma_semaphore, #tpu.memory_space<semaphore_mem>>)
    %dma_wait3A_78 = arith.constant 0 : i32
    %dma_wait3A_79 = arith.constant 0 : i32
    %dma_wait3A_80 = arith.constant 0 : i32
    %dma_wait3A_81 = arith.constant 0 : i32
    %dma_wait3A_82 = arith.constant 0 : i32
    %dma_wait3A_83 = tpu.memref_slice %arg6[%dma_wait3A_78, %dma_wait3A_81, %dma_wait3A_82] : memref<5x128x128xf32, #tpu.memory_space<vmem>> -> memref<1x128x128xf32, #tpu.memory_space<vmem>>
    %dma_wait3A_84 = tpu.memref_squeeze %dma_wait3A_83 : memref<1x128x128xf32, #tpu.memory_space<vmem>> -> memref<128x128xf32, #tpu.memory_space<vmem>>
    %dma_wait3A_85 = arith.constant 0 : i32
    %dma_wait3A_86 = tpu.memref_slice %arg4[%dma_wait3A_79, %mul3A_34, %dma_wait3A_85] : memref<200x1024x128xf32, #tpu.memory_space<hbm>> -> memref<1x128x128xf32, #tpu.memory_space<hbm>>
    %dma_wait3A_87 = tpu.memref_squeeze %dma_wait3A_86 : memref<1x128x128xf32, #tpu.memory_space<hbm>> -> memref<128x128xf32, #tpu.memory_space<hbm>>
    %dma_wait3A_88 = tpu.memref_slice %arg8[%dma_wait3A_80] : memref<5x!tpu.dma_semaphore, #tpu.memory_space<semaphore_mem>> -> memref<1x!tpu.dma_semaphore, #tpu.memory_space<semaphore_mem>>
    %dma_wait3A_89 = tpu.memref_squeeze %dma_wait3A_88 : memref<1x!tpu.dma_semaphore, #tpu.memory_space<semaphore_mem>> -> memref<!tpu.dma_semaphore, #tpu.memory_space<semaphore_mem>>
    %dma_wait3A_90 = arith.constant 0 : i32
    %dma_wait3A_91 = tpu.memref_slice %arg4[%dma_wait3A_79, %mul3A_34, %dma_wait3A_90] : memref<200x1024x128xf32, #tpu.memory_space<hbm>> -> memref<1x128x128xf32, #tpu.memory_space<hbm>>
    %dma_wait3A_92 = tpu.memref_squeeze %dma_wait3A_91 : memref<1x128x128xf32, #tpu.memory_space<hbm>> -> memref<128x128xf32, #tpu.memory_space<hbm>>
    %dma_wait3A_93 = arith.constant 0 : i32
    %dma_wait3A_94 = arith.constant 0 : i32
    %dma_wait3A_95 = tpu.memref_slice %arg6[%dma_wait3A_78, %dma_wait3A_93, %dma_wait3A_94] : memref<5x128x128xf32, #tpu.memory_space<vmem>> -> memref<1x128x128xf32, #tpu.memory_space<vmem>>
    %dma_wait3A_96 = tpu.memref_squeeze %dma_wait3A_95 : memref<1x128x128xf32, #tpu.memory_space<vmem>> -> memref<128x128xf32, #tpu.memory_space<vmem>>
    tpu.wait_dma2 semaphore(%dma_wait3A_89 : memref<!tpu.dma_semaphore, #tpu.memory_space<semaphore_mem>>) src(%dma_wait3A_96 : memref<128x128xf32, #tpu.memory_space<vmem>>) dst(%dma_wait3A_92 : memref<128x128xf32, #tpu.memory_space<hbm>>)
    %dma_wait3A_97 = arith.constant 1 : i32
    %dma_wait3A_98 = arith.constant 0 : i32
    %dma_wait3A_99 = arith.constant 1 : i32
    %dma_wait3A_100 = arith.constant 0 : i32
    %dma_wait3A_101 = arith.constant 0 : i32
    %dma_wait3A_102 = tpu.memref_slice %arg6[%dma_wait3A_97, %dma_wait3A_100, %dma_wait3A_101] : memref<5x128x128xf32, #tpu.memory_space<vmem>> -> memref<1x128x128xf32, #tpu.memory_space<vmem>>
    %dma_wait3A_103 = tpu.memref_squeeze %dma_wait3A_102 : memref<1x128x128xf32, #tpu.memory_space<vmem>> -> memref<128x128xf32, #tpu.memory_space<vmem>>
    %dma_wait3A_104 = arith.constant 0 : i32
    %dma_wait3A_105 = tpu.memref_slice %arg4[%dma_wait3A_98, %mul3A_34, %dma_wait3A_104] : memref<200x1024x128xf32, #tpu.memory_space<hbm>> -> memref<1x128x128xf32, #tpu.memory_space<hbm>>
    %dma_wait3A_106 = tpu.memref_squeeze %dma_wait3A_105 : memref<1x128x128xf32, #tpu.memory_space<hbm>> -> memref<128x128xf32, #tpu.memory_space<hbm>>
    %dma_wait3A_107 = tpu.memref_slice %arg8[%dma_wait3A_99] : memref<5x!tpu.dma_semaphore, #tpu.memory_space<semaphore_mem>> -> memref<1x!tpu.dma_semaphore, #tpu.memory_space<semaphore_mem>>
    %dma_wait3A_108 = tpu.memref_squeeze %dma_wait3A_107 : memref<1x!tpu.dma_semaphore, #tpu.memory_space<semaphore_mem>> -> memref<!tpu.dma_semaphore, #tpu.memory_space<semaphore_mem>>
    %dma_wait3A_109 = arith.constant 0 : i32
    %dma_wait3A_110 = tpu.memref_slice %arg4[%dma_wait3A_98, %mul3A_34, %dma_wait3A_109] : memref<200x1024x128xf32, #tpu.memory_space<hbm>> -> memref<1x128x128xf32, #tpu.memory_space<hbm>>
    %dma_wait3A_111 = tpu.memref_squeeze %dma_wait3A_110 : memref<1x128x128xf32, #tpu.memory_space<hbm>> -> memref<128x128xf32, #tpu.memory_space<hbm>>
    %dma_wait3A_112 = arith.constant 0 : i32
    %dma_wait3A_113 = arith.constant 0 : i32
    %dma_wait3A_114 = tpu.memref_slice %arg6[%dma_wait3A_97, %dma_wait3A_112, %dma_wait3A_113] : memref<5x128x128xf32, #tpu.memory_space<vmem>> -> memref<1x128x128xf32, #tpu.memory_space<vmem>>
    %dma_wait3A_115 = tpu.memref_squeeze %dma_wait3A_114 : memref<1x128x128xf32, #tpu.memory_space<vmem>> -> memref<128x128xf32, #tpu.memory_space<vmem>>
    tpu.wait_dma2 semaphore(%dma_wait3A_108 : memref<!tpu.dma_semaphore, #tpu.memory_space<semaphore_mem>>) src(%dma_wait3A_115 : memref<128x128xf32, #tpu.memory_space<vmem>>) dst(%dma_wait3A_111 : memref<128x128xf32, #tpu.memory_space<hbm>>)
    %dma_wait3A_116 = arith.constant 2 : i32
    %dma_wait3A_117 = arith.constant 0 : i32
    %dma_wait3A_118 = arith.constant 2 : i32
    %dma_wait3A_119 = arith.constant 0 : i32
    %dma_wait3A_120 = arith.constant 0 : i32
    %dma_wait3A_121 = tpu.memref_slice %arg6[%dma_wait3A_116, %dma_wait3A_119, %dma_wait3A_120] : memref<5x128x128xf32, #tpu.memory_space<vmem>> -> memref<1x128x128xf32, #tpu.memory_space<vmem>>
    %dma_wait3A_122 = tpu.memref_squeeze %dma_wait3A_121 : memref<1x128x128xf32, #tpu.memory_space<vmem>> -> memref<128x128xf32, #tpu.memory_space<vmem>>
    %dma_wait3A_123 = arith.constant 0 : i32
    %dma_wait3A_124 = tpu.memref_slice %arg4[%dma_wait3A_117, %mul3A_34, %dma_wait3A_123] : memref<200x1024x128xf32, #tpu.memory_space<hbm>> -> memref<1x128x128xf32, #tpu.memory_space<hbm>>
    %dma_wait3A_125 = tpu.memref_squeeze %dma_wait3A_124 : memref<1x128x128xf32, #tpu.memory_space<hbm>> -> memref<128x128xf32, #tpu.memory_space<hbm>>
    %dma_wait3A_126 = tpu.memref_slice %arg8[%dma_wait3A_118] : memref<5x!tpu.dma_semaphore, #tpu.memory_space<semaphore_mem>> -> memref<1x!tpu.dma_semaphore, #tpu.memory_space<semaphore_mem>>
    %dma_wait3A_127 = tpu.memref_squeeze %dma_wait3A_126 : memref<1x!tpu.dma_semaphore, #tpu.memory_space<semaphore_mem>> -> memref<!tpu.dma_semaphore, #tpu.memory_space<semaphore_mem>>
    %dma_wait3A_128 = arith.constant 0 : i32
    %dma_wait3A_129 = tpu.memref_slice %arg4[%dma_wait3A_117, %mul3A_34, %dma_wait3A_128] : memref<200x1024x128xf32, #tpu.memory_space<hbm>> -> memref<1x128x128xf32, #tpu.memory_space<hbm>>
    %dma_wait3A_130 = tpu.memref_squeeze %dma_wait3A_129 : memref<1x128x128xf32, #tpu.memory_space<hbm>> -> memref<128x128xf32, #tpu.memory_space<hbm>>
    %dma_wait3A_131 = arith.constant 0 : i32
    %dma_wait3A_132 = arith.constant 0 : i32
    %dma_wait3A_133 = tpu.memref_slice %arg6[%dma_wait3A_116, %dma_wait3A_131, %dma_wait3A_132] : memref<5x128x128xf32, #tpu.memory_space<vmem>> -> memref<1x128x128xf32, #tpu.memory_space<vmem>>
    %dma_wait3A_134 = tpu.memref_squeeze %dma_wait3A_133 : memref<1x128x128xf32, #tpu.memory_space<vmem>> -> memref<128x128xf32, #tpu.memory_space<vmem>>
    tpu.wait_dma2 semaphore(%dma_wait3A_127 : memref<!tpu.dma_semaphore, #tpu.memory_space<semaphore_mem>>) src(%dma_wait3A_134 : memref<128x128xf32, #tpu.memory_space<vmem>>) dst(%dma_wait3A_130 : memref<128x128xf32, #tpu.memory_space<hbm>>)
    %dma_wait3A_135 = arith.constant 3 : i32
    %dma_wait3A_136 = arith.constant 0 : i32
    %dma_wait3A_137 = arith.constant 3 : i32
    %dma_wait3A_138 = arith.constant 0 : i32
    %dma_wait3A_139 = arith.constant 0 : i32
    %dma_wait3A_140 = tpu.memref_slice %arg6[%dma_wait3A_135, %dma_wait3A_138, %dma_wait3A_139] : memref<5x128x128xf32, #tpu.memory_space<vmem>> -> memref<1x128x128xf32, #tpu.memory_space<vmem>>
    %dma_wait3A_141 = tpu.memref_squeeze %dma_wait3A_140 : memref<1x128x128xf32, #tpu.memory_space<vmem>> -> memref<128x128xf32, #tpu.memory_space<vmem>>
    %dma_wait3A_142 = arith.constant 0 : i32
    %dma_wait3A_143 = tpu.memref_slice %arg4[%dma_wait3A_136, %mul3A_34, %dma_wait3A_142] : memref<200x1024x128xf32, #tpu.memory_space<hbm>> -> memref<1x128x128xf32, #tpu.memory_space<hbm>>
    %dma_wait3A_144 = tpu.memref_squeeze %dma_wait3A_143 : memref<1x128x128xf32, #tpu.memory_space<hbm>> -> memref<128x128xf32, #tpu.memory_space<hbm>>
    %dma_wait3A_145 = tpu.memref_slice %arg8[%dma_wait3A_137] : memref<5x!tpu.dma_semaphore, #tpu.memory_space<semaphore_mem>> -> memref<1x!tpu.dma_semaphore, #tpu.memory_space<semaphore_mem>>
    %dma_wait3A_146 = tpu.memref_squeeze %dma_wait3A_145 : memref<1x!tpu.dma_semaphore, #tpu.memory_space<semaphore_mem>> -> memref<!tpu.dma_semaphore, #tpu.memory_space<semaphore_mem>>
    %dma_wait3A_147 = arith.constant 0 : i32
    %dma_wait3A_148 = tpu.memref_slice %arg4[%dma_wait3A_136, %mul3A_34, %dma_wait3A_147] : memref<200x1024x128xf32, #tpu.memory_space<hbm>> -> memref<1x128x128xf32, #tpu.memory_space<hbm>>
    %dma_wait3A_149 = tpu.memref_squeeze %dma_wait3A_148 : memref<1x128x128xf32, #tpu.memory_space<hbm>> -> memref<128x128xf32, #tpu.memory_space<hbm>>
    %dma_wait3A_150 = arith.constant 0 : i32
    %dma_wait3A_151 = arith.constant 0 : i32
    %dma_wait3A_152 = tpu.memref_slice %arg6[%dma_wait3A_135, %dma_wait3A_150, %dma_wait3A_151] : memref<5x128x128xf32, #tpu.memory_space<vmem>> -> memref<1x128x128xf32, #tpu.memory_space<vmem>>
    %dma_wait3A_153 = tpu.memref_squeeze %dma_wait3A_152 : memref<1x128x128xf32, #tpu.memory_space<vmem>> -> memref<128x128xf32, #tpu.memory_space<vmem>>
    tpu.wait_dma2 semaphore(%dma_wait3A_146 : memref<!tpu.dma_semaphore, #tpu.memory_space<semaphore_mem>>) src(%dma_wait3A_153 : memref<128x128xf32, #tpu.memory_space<vmem>>) dst(%dma_wait3A_149 : memref<128x128xf32, #tpu.memory_space<hbm>>)
    %dma_wait3A_154 = arith.constant 4 : i32
    %dma_wait3A_155 = arith.constant 0 : i32
    %dma_wait3A_156 = arith.constant 4 : i32
    %dma_wait3A_157 = arith.constant 0 : i32
    %dma_wait3A_158 = arith.constant 0 : i32
    %dma_wait3A_159 = tpu.memref_slice %arg6[%dma_wait3A_154, %dma_wait3A_157, %dma_wait3A_158] : memref<5x128x128xf32, #tpu.memory_space<vmem>> -> memref<1x128x128xf32, #tpu.memory_space<vmem>>
    %dma_wait3A_160 = tpu.memref_squeeze %dma_wait3A_159 : memref<1x128x128xf32, #tpu.memory_space<vmem>> -> memref<128x128xf32, #tpu.memory_space<vmem>>
    %dma_wait3A_161 = arith.constant 0 : i32
    %dma_wait3A_162 = tpu.memref_slice %arg4[%dma_wait3A_155, %mul3A_34, %dma_wait3A_161] : memref<200x1024x128xf32, #tpu.memory_space<hbm>> -> memref<1x128x128xf32, #tpu.memory_space<hbm>>
    %dma_wait3A_163 = tpu.memref_squeeze %dma_wait3A_162 : memref<1x128x128xf32, #tpu.memory_space<hbm>> -> memref<128x128xf32, #tpu.memory_space<hbm>>
    %dma_wait3A_164 = tpu.memref_slice %arg8[%dma_wait3A_156] : memref<5x!tpu.dma_semaphore, #tpu.memory_space<semaphore_mem>> -> memref<1x!tpu.dma_semaphore, #tpu.memory_space<semaphore_mem>>
    %dma_wait3A_165 = tpu.memref_squeeze %dma_wait3A_164 : memref<1x!tpu.dma_semaphore, #tpu.memory_space<semaphore_mem>> -> memref<!tpu.dma_semaphore, #tpu.memory_space<semaphore_mem>>
    %dma_wait3A_166 = arith.constant 0 : i32
    %dma_wait3A_167 = tpu.memref_slice %arg4[%dma_wait3A_155, %mul3A_34, %dma_wait3A_166] : memref<200x1024x128xf32, #tpu.memory_space<hbm>> -> memref<1x128x128xf32, #tpu.memory_space<hbm>>
    %dma_wait3A_168 = tpu.memref_squeeze %dma_wait3A_167 : memref<1x128x128xf32, #tpu.memory_space<hbm>> -> memref<128x128xf32, #tpu.memory_space<hbm>>
    %dma_wait3A_169 = arith.constant 0 : i32
    %dma_wait3A_170 = arith.constant 0 : i32
    %dma_wait3A_171 = tpu.memref_slice %arg6[%dma_wait3A_154, %dma_wait3A_169, %dma_wait3A_170] : memref<5x128x128xf32, #tpu.memory_space<vmem>> -> memref<1x128x128xf32, #tpu.memory_space<vmem>>
    %dma_wait3A_172 = tpu.memref_squeeze %dma_wait3A_171 : memref<1x128x128xf32, #tpu.memory_space<vmem>> -> memref<128x128xf32, #tpu.memory_space<vmem>>
    tpu.wait_dma2 semaphore(%dma_wait3A_165 : memref<!tpu.dma_semaphore, #tpu.memory_space<semaphore_mem>>) src(%dma_wait3A_172 : memref<128x128xf32, #tpu.memory_space<vmem>>) dst(%dma_wait3A_168 : memref<128x128xf32, #tpu.memory_space<hbm>>)
    return
  }
}

#map = affine_map<(d0, d1) -> (0, 0, 0)>
#map1 = affine_map<(d0, d1) -> (0, 0)>
module attributes {stable_mosaic.version = 14 : i64} {
  func.func @k(%arg0: i32, %arg1: i32, %arg2: memref<32x200x128xi32, #tpu.memory_space<hbm>>, %arg3: memref<100000x128xf32, #tpu.memory_space<hbm>>, %arg4: memref<200x1024x128xf32, #tpu.memory_space<hbm>>, %arg5: memref<200x128xi32, #tpu.memory_space<vmem>>, %arg6: memref<5x128x128xf32, #tpu.memory_space<vmem>>, %arg7: memref<5x!tpu.dma_semaphore, #tpu.memory_space<semaphore_mem>>, %arg8: memref<5x!tpu.dma_semaphore, #tpu.memory_space<semaphore_mem>>) attributes {dimension_semantics = [#tpu.dimension_semantics<core_parallel>, #tpu.dimension_semantics<subcore_parallel>], iteration_bounds = array<i64: 2, 16>, scalar_prefetch = 0 : i64, scratch_operands = 4 : i64, tpu.core_type = #tpu.core_type<sc_vector_subcore>, window_params = [{transform_indices = #map}, {transform_indices = #map1}, {transform_indices = #map}]} {
    %mul3A = arith.constant 2 : i32
    %mul3A_0 = arith.muli %arg1, %mul3A : i32
    %add3A = arith.addi %mul3A_0, %arg0 : i32
    %jit3A = arith.constant 8 : i32
    %eq3A = arith.constant 0 : i32
    %eq3A_1 = arith.cmpi eq, %jit3A, %eq3A : i32
    %jit3A_2 = arith.constant 1 : i32
    %select_n3A = arith.select %eq3A_1, %jit3A_2, %jit3A : i32
    %rem3A = arith.remsi %add3A, %select_n3A : i32
    %ne3A = arith.constant 0 : i32
    %ne3A_3 = arith.cmpi ne, %rem3A, %ne3A : i32
    %lt3A = arith.constant 0 : i32
    %lt3A_4 = arith.cmpi slt, %rem3A, %lt3A : i32
    %lt3A_5 = arith.constant 0 : i32
    %lt3A_6 = arith.cmpi slt, %select_n3A, %lt3A_5 : i32
    %ne3A_7 = arith.xori %lt3A_4, %lt3A_6 : i1
    %and3A = arith.andi %ne3A_7, %ne3A_3 : i1
    %add3A_8 = arith.addi %rem3A, %select_n3A : i32
    %select_n3A_9 = arith.select %and3A, %add3A_8, %rem3A : i32
    %jit3A_10 = arith.constant 8 : i32
    %div3A = arith.divsi %add3A, %jit3A_10 : i32
    %sign3A = arith.constant 0 : i32
    %sign3A_11 = arith.cmpi sgt, %add3A, %sign3A : i32
    %sign3A_12 = arith.extui %sign3A_11 : i1 to i32
    %sign3A_13 = arith.constant 0 : i32
    %sign3A_14 = arith.cmpi slt, %add3A, %sign3A_13 : i32
    %sign3A_15 = arith.extui %sign3A_14 : i1 to i32
    %sign3A_16 = arith.subi %sign3A_12, %sign3A_15 : i32
    %sign3A_17 = arith.constant 0 : i32
    %sign3A_18 = arith.cmpi sgt, %jit3A_10, %sign3A_17 : i32
    %sign3A_19 = arith.extui %sign3A_18 : i1 to i32
    %sign3A_20 = arith.constant 0 : i32
    %sign3A_21 = arith.cmpi slt, %jit3A_10, %sign3A_20 : i32
    %sign3A_22 = arith.extui %sign3A_21 : i1 to i32
    %sign3A_23 = arith.subi %sign3A_19, %sign3A_22 : i32
    %ne3A_24 = arith.cmpi ne, %sign3A_16, %sign3A_23 : i32
    %rem3A_25 = arith.remsi %add3A, %jit3A_10 : i32
    %ne3A_26 = arith.constant 0 : i32
    %ne3A_27 = arith.cmpi ne, %rem3A_25, %ne3A_26 : i32
    %and3A_28 = arith.andi %ne3A_24, %ne3A_27 : i1
    %sub3A = arith.constant 1 : i32
    %sub3A_29 = arith.subi %div3A, %sub3A : i32
    %select_n3A_30 = arith.select %and3A_28, %sub3A_29, %div3A : i32
    %mul3A_31 = arith.constant 50 : i32
    %mul3A_32 = arith.muli %select_n3A_30, %mul3A_31 : i32
    %mul3A_33 = arith.constant 128 : i32
    %mul3A_34 = arith.muli %select_n3A_9, %mul3A_33 : i32
    %add3A_35 = arith.constant 24 : i32
    %add3A_36 = arith.addi %add3A_35, %select_n3A_9 : i32
    "tpu.region"() ({
      %run_scoped3A = tpu.sem_alloc : memref<!tpu.dma_semaphore, #tpu.memory_space<semaphore_mem>>
      %dma_start3A_173 = arith.constant 0 : i32
      %dma_start3A_174 = arith.constant 0 : i32
      %dma_start3A_175 = tpu.memref_slice %arg2[%add3A_36, %dma_start3A_173, %dma_start3A_174] : memref<32x200x128xi32, #tpu.memory_space<hbm>> -> memref<1x200x128xi32, #tpu.memory_space<hbm>>
      %dma_start3A_176 = tpu.memref_squeeze %dma_start3A_175 : memref<1x200x128xi32, #tpu.memory_space<hbm>> -> memref<200x128xi32, #tpu.memory_space<hbm>>
      %dma_start3A_177 = arith.constant 0 : i32
      %dma_start3A_178 = arith.constant 0 : i32
      %dma_start3A_179 = tpu.memref_slice %arg2[%add3A_36, %dma_start3A_177, %dma_start3A_178] : memref<32x200x128xi32, #tpu.memory_space<hbm>> -> memref<1x200x128xi32, #tpu.memory_space<hbm>>
      %dma_start3A_180 = tpu.memref_squeeze %dma_start3A_179 : memref<1x200x128xi32, #tpu.memory_space<hbm>> -> memref<200x128xi32, #tpu.memory_space<hbm>>
      tpu.enqueue_dma source(%dma_start3A_180 : memref<200x128xi32, #tpu.memory_space<hbm>>) target(%arg5 : memref<200x128xi32, #tpu.memory_space<vmem>>) target_semaphore(%run_scoped3A : memref<!tpu.dma_semaphore, #tpu.memory_space<semaphore_mem>>)
      %dma_wait3A_181 = arith.constant 0 : i32
      %dma_wait3A_182 = arith.constant 0 : i32
      %dma_wait3A_183 = tpu.memref_slice %arg2[%add3A_36, %dma_wait3A_181, %dma_wait3A_182] : memref<32x200x128xi32, #tpu.memory_space<hbm>> -> memref<1x200x128xi32, #tpu.memory_space<hbm>>
      %dma_wait3A_184 = tpu.memref_squeeze %dma_wait3A_183 : memref<1x200x128xi32, #tpu.memory_space<hbm>> -> memref<200x128xi32, #tpu.memory_space<hbm>>
      %dma_wait3A_185 = arith.constant 0 : i32
      %dma_wait3A_186 = arith.constant 0 : i32
      %dma_wait3A_187 = tpu.memref_slice %arg2[%add3A_36, %dma_wait3A_185, %dma_wait3A_186] : memref<32x200x128xi32, #tpu.memory_space<hbm>> -> memref<1x200x128xi32, #tpu.memory_space<hbm>>
      %dma_wait3A_188 = tpu.memref_squeeze %dma_wait3A_187 : memref<1x200x128xi32, #tpu.memory_space<hbm>> -> memref<200x128xi32, #tpu.memory_space<hbm>>
      tpu.wait_dma2 semaphore(%run_scoped3A : memref<!tpu.dma_semaphore, #tpu.memory_space<semaphore_mem>>) src(%dma_wait3A_188 : memref<200x128xi32, #tpu.memory_space<hbm>>) dst(%arg5 : memref<200x128xi32, #tpu.memory_space<vmem>>)
      tpu.yield
    }) : () -> ()
    %scan3A = arith.constant 0 : i32
    %scan3A_37 = arith.constant 0 : i32
    %scan3A_38 = arith.constant 10 : i32
    %scan3A_39 = arith.addi %scan3A_37, %scan3A_38 : i32
    %scan3A_40 = arith.constant 1 : i32
    scf.for %scan3A_173 = %scan3A_37 to %scan3A_39 step %scan3A_40  : i32 {
      %mul3A_174 = arith.constant 5 : i32
      %mul3A_175 = arith.muli %scan3A_173, %mul3A_174 : i32
      %add3A_176 = arith.constant 0 : i32
      %add3A_177 = arith.addi %mul3A_175, %add3A_176 : i32
      %ge3A = arith.constant 1 : i32
      %ge3A_178 = arith.cmpi sge, %scan3A_173, %ge3A : i32
      %convert_element_type3A = arith.extui %ge3A_178 : i1 to i32
      %cond3A = arith.constant 0 : i32
      %cond3A_179 = arith.cmpi ne, %convert_element_type3A, %cond3A : i32
      scf.if %cond3A_179 {
        %dma_wait3A_452 = arith.constant 0 : i32
        %dma_wait3A_453 = arith.constant 0 : i32
        %dma_wait3A_454 = arith.constant 0 : i32
        %dma_wait3A_455 = arith.constant 0 : i32
        %dma_wait3A_456 = arith.constant 0 : i32
        %dma_wait3A_457 = tpu.memref_slice %arg6[%dma_wait3A_452, %dma_wait3A_455, %dma_wait3A_456] : memref<5x128x128xf32, #tpu.memory_space<vmem>> -> memref<1x128x128xf32, #tpu.memory_space<vmem>>
        %dma_wait3A_458 = tpu.memref_squeeze %dma_wait3A_457 : memref<1x128x128xf32, #tpu.memory_space<vmem>> -> memref<128x128xf32, #tpu.memory_space<vmem>>
        %dma_wait3A_459 = arith.constant 0 : i32
        %dma_wait3A_460 = tpu.memref_slice %arg4[%dma_wait3A_453, %mul3A_34, %dma_wait3A_459] : memref<200x1024x128xf32, #tpu.memory_space<hbm>> -> memref<1x128x128xf32, #tpu.memory_space<hbm>>
        %dma_wait3A_461 = tpu.memref_squeeze %dma_wait3A_460 : memref<1x128x128xf32, #tpu.memory_space<hbm>> -> memref<128x128xf32, #tpu.memory_space<hbm>>
        %dma_wait3A_462 = tpu.memref_slice %arg8[%dma_wait3A_454] : memref<5x!tpu.dma_semaphore, #tpu.memory_space<semaphore_mem>> -> memref<1x!tpu.dma_semaphore, #tpu.memory_space<semaphore_mem>>
        %dma_wait3A_463 = tpu.memref_squeeze %dma_wait3A_462 : memref<1x!tpu.dma_semaphore, #tpu.memory_space<semaphore_mem>> -> memref<!tpu.dma_semaphore, #tpu.memory_space<semaphore_mem>>
        %dma_wait3A_464 = arith.constant 0 : i32
        %dma_wait3A_465 = tpu.memref_slice %arg4[%dma_wait3A_453, %mul3A_34, %dma_wait3A_464] : memref<200x1024x128xf32, #tpu.memory_space<hbm>> -> memref<1x128x128xf32, #tpu.memory_space<hbm>>
        %dma_wait3A_466 = tpu.memref_squeeze %dma_wait3A_465 : memref<1x128x128xf32, #tpu.memory_space<hbm>> -> memref<128x128xf32, #tpu.memory_space<hbm>>
        %dma_wait3A_467 = arith.constant 0 : i32
        %dma_wait3A_468 = arith.constant 0 : i32
        %dma_wait3A_469 = tpu.memref_slice %arg6[%dma_wait3A_452, %dma_wait3A_467, %dma_wait3A_468] : memref<5x128x128xf32, #tpu.memory_space<vmem>> -> memref<1x128x128xf32, #tpu.memory_space<vmem>>
        %dma_wait3A_470 = tpu.memref_squeeze %dma_wait3A_469 : memref<1x128x128xf32, #tpu.memory_space<vmem>> -> memref<128x128xf32, #tpu.memory_space<vmem>>
        tpu.wait_dma2 semaphore(%dma_wait3A_463 : memref<!tpu.dma_semaphore, #tpu.memory_space<semaphore_mem>>) src(%dma_wait3A_470 : memref<128x128xf32, #tpu.memory_space<vmem>>) dst(%dma_wait3A_466 : memref<128x128xf32, #tpu.memory_space<hbm>>)
      } else {
      }
      %add3A_180 = arith.addi %mul3A_32, %add3A_177 : i32
      %dma_start3A_181 = arith.constant 0 : i32
      %dma_start3A_182 = arith.constant 0 : i32
      %dma_start3A_183 = arith.constant 0 : i32
      %dma_start3A_184 = arith.constant 0 : i32
      %dma_start3A_185 = tpu.memref_slice %arg6[%dma_start3A_181, %dma_start3A_183, %dma_start3A_184] : memref<5x128x128xf32, #tpu.memory_space<vmem>> -> memref<1x128x128xf32, #tpu.memory_space<vmem>>
      %dma_start3A_186 = tpu.memref_squeeze %dma_start3A_185 : memref<1x128x128xf32, #tpu.memory_space<vmem>> -> memref<128x128xf32, #tpu.memory_space<vmem>>
      %dma_start3A_187 = arith.constant 0 : i32
      %dma_start3A_188 = tpu.memref_slice %arg5[%add3A_180, %dma_start3A_187] : memref<200x128xi32, #tpu.memory_space<vmem>> -> memref<1x128xi32, #tpu.memory_space<vmem>>
      %dma_start3A_189 = tpu.memref_squeeze %dma_start3A_188 : memref<1x128xi32, #tpu.memory_space<vmem>> -> memref<128xi32, #tpu.memory_space<vmem>>
      %dma_start3A_190 = arith.constant 0 : i32
      %dma_start3A_191 = arith.constant 0 : i32
      %dma_start3A_192 = tpu.memref_slice %arg3[%dma_start3A_190, %dma_start3A_191] : memref<100000x128xf32, #tpu.memory_space<hbm>> -> memref<100000x128xf32, #tpu.memory_space<hbm>>
      %dma_start3A_193 = tpu.memref_slice %arg7[%dma_start3A_182] : memref<5x!tpu.dma_semaphore, #tpu.memory_space<semaphore_mem>> -> memref<1x!tpu.dma_semaphore, #tpu.memory_space<semaphore_mem>>
      %dma_start3A_194 = tpu.memref_squeeze %dma_start3A_193 : memref<1x!tpu.dma_semaphore, #tpu.memory_space<semaphore_mem>> -> memref<!tpu.dma_semaphore, #tpu.memory_space<semaphore_mem>>
      tpu.enqueue_indirect_dma source(%dma_start3A_192 : memref<100000x128xf32, #tpu.memory_space<hbm>>) target(%dma_start3A_186 : memref<128x128xf32, #tpu.memory_space<vmem>>) offsets(%dma_start3A_189 : memref<128xi32, #tpu.memory_space<vmem>>) semaphore(%dma_start3A_194 : memref<!tpu.dma_semaphore, #tpu.memory_space<semaphore_mem>>)
      %ge3A_195 = arith.constant 1 : i32
      %ge3A_196 = arith.cmpi sge, %scan3A_173, %ge3A_195 : i32
      %convert_element_type3A_197 = arith.extui %ge3A_196 : i1 to i32
      %cond3A_198 = arith.constant 0 : i32
      %cond3A_199 = arith.cmpi ne, %convert_element_type3A_197, %cond3A_198 : i32
      scf.if %cond3A_199 {
        %mul3A_452 = arith.constant 5 : i32
        %mul3A_453 = arith.muli %scan3A_173, %mul3A_452 : i32
        %sub3A_454 = arith.constant 1 : i32
        %sub3A_455 = arith.subi %mul3A_453, %sub3A_454 : i32
        %dma_wait3A_456 = arith.constant 4 : i32
        %dma_wait3A_457 = arith.constant 4 : i32
        %dma_wait3A_458 = arith.constant 0 : i32
        %dma_wait3A_459 = arith.constant 0 : i32
        %dma_wait3A_460 = tpu.memref_slice %arg6[%dma_wait3A_456, %dma_wait3A_458, %dma_wait3A_459] : memref<5x128x128xf32, #tpu.memory_space<vmem>> -> memref<1x128x128xf32, #tpu.memory_space<vmem>>
        %dma_wait3A_461 = tpu.memref_squeeze %dma_wait3A_460 : memref<1x128x128xf32, #tpu.memory_space<vmem>> -> memref<128x128xf32, #tpu.memory_space<vmem>>
        %dma_wait3A_462 = arith.constant 0 : i32
        %dma_wait3A_463 = arith.constant 0 : i32
        %dma_wait3A_464 = tpu.memref_slice %arg3[%dma_wait3A_462, %dma_wait3A_463] : memref<100000x128xf32, #tpu.memory_space<hbm>> -> memref<128x128xf32, #tpu.memory_space<hbm>>
        %dma_wait3A_465 = tpu.memref_slice %arg7[%dma_wait3A_457] : memref<5x!tpu.dma_semaphore, #tpu.memory_space<semaphore_mem>> -> memref<1x!tpu.dma_semaphore, #tpu.memory_space<semaphore_mem>>
        %dma_wait3A_466 = tpu.memref_squeeze %dma_wait3A_465 : memref<1x!tpu.dma_semaphore, #tpu.memory_space<semaphore_mem>> -> memref<!tpu.dma_semaphore, #tpu.memory_space<semaphore_mem>>
        %dma_wait3A_467 = arith.constant 0 : i32
        %dma_wait3A_468 = arith.constant 0 : i32
        %dma_wait3A_469 = tpu.memref_slice %arg6[%dma_wait3A_456, %dma_wait3A_467, %dma_wait3A_468] : memref<5x128x128xf32, #tpu.memory_space<vmem>> -> memref<1x128x128xf32, #tpu.memory_space<vmem>>
        %dma_wait3A_470 = tpu.memref_squeeze %dma_wait3A_469 : memref<1x128x128xf32, #tpu.memory_space<vmem>> -> memref<128x128xf32, #tpu.memory_space<vmem>>
        %dma_wait3A_471 = arith.constant 0 : i32
        %dma_wait3A_472 = arith.constant 0 : i32
        %dma_wait3A_473 = tpu.memref_slice %arg3[%dma_wait3A_471, %dma_wait3A_472] : memref<100000x128xf32, #tpu.memory_space<hbm>> -> memref<128x128xf32, #tpu.memory_space<hbm>>
        tpu.wait_dma2 semaphore(%dma_wait3A_466 : memref<!tpu.dma_semaphore, #tpu.memory_space<semaphore_mem>>) src(%dma_wait3A_473 : memref<128x128xf32, #tpu.memory_space<hbm>>) dst(%dma_wait3A_470 : memref<128x128xf32, #tpu.memory_space<vmem>>)
        %add3A_474 = arith.addi %mul3A_32, %sub3A_455 : i32
        %dma_start3A_475 = arith.constant 4 : i32
        %dma_start3A_476 = arith.constant 4 : i32
        %dma_start3A_477 = arith.constant 0 : i32
        %dma_start3A_478 = arith.constant 0 : i32
        %dma_start3A_479 = tpu.memref_slice %arg6[%dma_start3A_475, %dma_start3A_477, %dma_start3A_478] : memref<5x128x128xf32, #tpu.memory_space<vmem>> -> memref<1x128x128xf32, #tpu.memory_space<vmem>>
        %dma_start3A_480 = tpu.memref_squeeze %dma_start3A_479 : memref<1x128x128xf32, #tpu.memory_space<vmem>> -> memref<128x128xf32, #tpu.memory_space<vmem>>
        %dma_start3A_481 = arith.constant 0 : i32
        %dma_start3A_482 = tpu.memref_slice %arg4[%add3A_474, %mul3A_34, %dma_start3A_481] : memref<200x1024x128xf32, #tpu.memory_space<hbm>> -> memref<1x128x128xf32, #tpu.memory_space<hbm>>
        %dma_start3A_483 = tpu.memref_squeeze %dma_start3A_482 : memref<1x128x128xf32, #tpu.memory_space<hbm>> -> memref<128x128xf32, #tpu.memory_space<hbm>>
        %dma_start3A_484 = tpu.memref_slice %arg8[%dma_start3A_476] : memref<5x!tpu.dma_semaphore, #tpu.memory_space<semaphore_mem>> -> memref<1x!tpu.dma_semaphore, #tpu.memory_space<semaphore_mem>>
        %dma_start3A_485 = tpu.memref_squeeze %dma_start3A_484 : memref<1x!tpu.dma_semaphore, #tpu.memory_space<semaphore_mem>> -> memref<!tpu.dma_semaphore, #tpu.memory_space<semaphore_mem>>
        %dma_start3A_486 = arith.constant 0 : i32
        %dma_start3A_487 = tpu.memref_slice %arg4[%add3A_474, %mul3A_34, %dma_start3A_486] : memref<200x1024x128xf32, #tpu.memory_space<hbm>> -> memref<1x128x128xf32, #tpu.memory_space<hbm>>
        %dma_start3A_488 = tpu.memref_squeeze %dma_start3A_487 : memref<1x128x128xf32, #tpu.memory_space<hbm>> -> memref<128x128xf32, #tpu.memory_space<hbm>>
        %dma_start3A_489 = arith.constant 0 : i32
        %dma_start3A_490 = arith.constant 0 : i32
        %dma_start3A_491 = tpu.memref_slice %arg6[%dma_start3A_475, %dma_start3A_489, %dma_start3A_490] : memref<5x128x128xf32, #tpu.memory_space<vmem>> -> memref<1x128x128xf32, #tpu.memory_space<vmem>>
        %dma_start3A_492 = tpu.memref_squeeze %dma_start3A_491 : memref<1x128x128xf32, #tpu.memory_space<vmem>> -> memref<128x128xf32, #tpu.memory_space<vmem>>
        tpu.enqueue_dma source(%dma_start3A_492 : memref<128x128xf32, #tpu.memory_space<vmem>>) target(%dma_start3A_488 : memref<128x128xf32, #tpu.memory_space<hbm>>) target_semaphore(%dma_start3A_485 : memref<!tpu.dma_semaphore, #tpu.memory_space<semaphore_mem>>)
      } else {
      }
      %mul3A_200 = arith.constant 5 : i32
      %mul3A_201 = arith.muli %scan3A_173, %mul3A_200 : i32
      %add3A_202 = arith.constant 1 : i32
      %add3A_203 = arith.addi %mul3A_201, %add3A_202 : i32
      %ge3A_204 = arith.constant 1 : i32
      %ge3A_205 = arith.cmpi sge, %scan3A_173, %ge3A_204 : i32
      %convert_element_type3A_206 = arith.extui %ge3A_205 : i1 to i32
      %cond3A_207 = arith.constant 0 : i32
      %cond3A_208 = arith.cmpi ne, %convert_element_type3A_206, %cond3A_207 : i32
      scf.if %cond3A_208 {
        %dma_wait3A_452 = arith.constant 1 : i32
        %dma_wait3A_453 = arith.constant 0 : i32
        %dma_wait3A_454 = arith.constant 1 : i32
        %dma_wait3A_455 = arith.constant 0 : i32
        %dma_wait3A_456 = arith.constant 0 : i32
        %dma_wait3A_457 = tpu.memref_slice %arg6[%dma_wait3A_452, %dma_wait3A_455, %dma_wait3A_456] : memref<5x128x128xf32, #tpu.memory_space<vmem>> -> memref<1x128x128xf32, #tpu.memory_space<vmem>>
        %dma_wait3A_458 = tpu.memref_squeeze %dma_wait3A_457 : memref<1x128x128xf32, #tpu.memory_space<vmem>> -> memref<128x128xf32, #tpu.memory_space<vmem>>
        %dma_wait3A_459 = arith.constant 0 : i32
        %dma_wait3A_460 = tpu.memref_slice %arg4[%dma_wait3A_453, %mul3A_34, %dma_wait3A_459] : memref<200x1024x128xf32, #tpu.memory_space<hbm>> -> memref<1x128x128xf32, #tpu.memory_space<hbm>>
        %dma_wait3A_461 = tpu.memref_squeeze %dma_wait3A_460 : memref<1x128x128xf32, #tpu.memory_space<hbm>> -> memref<128x128xf32, #tpu.memory_space<hbm>>
        %dma_wait3A_462 = tpu.memref_slice %arg8[%dma_wait3A_454] : memref<5x!tpu.dma_semaphore, #tpu.memory_space<semaphore_mem>> -> memref<1x!tpu.dma_semaphore, #tpu.memory_space<semaphore_mem>>
        %dma_wait3A_463 = tpu.memref_squeeze %dma_wait3A_462 : memref<1x!tpu.dma_semaphore, #tpu.memory_space<semaphore_mem>> -> memref<!tpu.dma_semaphore, #tpu.memory_space<semaphore_mem>>
        %dma_wait3A_464 = arith.constant 0 : i32
        %dma_wait3A_465 = tpu.memref_slice %arg4[%dma_wait3A_453, %mul3A_34, %dma_wait3A_464] : memref<200x1024x128xf32, #tpu.memory_space<hbm>> -> memref<1x128x128xf32, #tpu.memory_space<hbm>>
        %dma_wait3A_466 = tpu.memref_squeeze %dma_wait3A_465 : memref<1x128x128xf32, #tpu.memory_space<hbm>> -> memref<128x128xf32, #tpu.memory_space<hbm>>
        %dma_wait3A_467 = arith.constant 0 : i32
        %dma_wait3A_468 = arith.constant 0 : i32
        %dma_wait3A_469 = tpu.memref_slice %arg6[%dma_wait3A_452, %dma_wait3A_467, %dma_wait3A_468] : memref<5x128x128xf32, #tpu.memory_space<vmem>> -> memref<1x128x128xf32, #tpu.memory_space<vmem>>
        %dma_wait3A_470 = tpu.memref_squeeze %dma_wait3A_469 : memref<1x128x128xf32, #tpu.memory_space<vmem>> -> memref<128x128xf32, #tpu.memory_space<vmem>>
        tpu.wait_dma2 semaphore(%dma_wait3A_463 : memref<!tpu.dma_semaphore, #tpu.memory_space<semaphore_mem>>) src(%dma_wait3A_470 : memref<128x128xf32, #tpu.memory_space<vmem>>) dst(%dma_wait3A_466 : memref<128x128xf32, #tpu.memory_space<hbm>>)
      } else {
      }
      %add3A_209 = arith.addi %mul3A_32, %add3A_203 : i32
      %dma_start3A_210 = arith.constant 1 : i32
      %dma_start3A_211 = arith.constant 1 : i32
      %dma_start3A_212 = arith.constant 0 : i32
      %dma_start3A_213 = arith.constant 0 : i32
      %dma_start3A_214 = tpu.memref_slice %arg6[%dma_start3A_210, %dma_start3A_212, %dma_start3A_213] : memref<5x128x128xf32, #tpu.memory_space<vmem>> -> memref<1x128x128xf32, #tpu.memory_space<vmem>>
      %dma_start3A_215 = tpu.memref_squeeze %dma_start3A_214 : memref<1x128x128xf32, #tpu.memory_space<vmem>> -> memref<128x128xf32, #tpu.memory_space<vmem>>
      %dma_start3A_216 = arith.constant 0 : i32
      %dma_start3A_217 = tpu.memref_slice %arg5[%add3A_209, %dma_start3A_216] : memref<200x128xi32, #tpu.memory_space<vmem>> -> memref<1x128xi32, #tpu.memory_space<vmem>>
      %dma_start3A_218 = tpu.memref_squeeze %dma_start3A_217 : memref<1x128xi32, #tpu.memory_space<vmem>> -> memref<128xi32, #tpu.memory_space<vmem>>
      %dma_start3A_219 = arith.constant 0 : i32
      %dma_start3A_220 = arith.constant 0 : i32
      %dma_start3A_221 = tpu.memref_slice %arg3[%dma_start3A_219, %dma_start3A_220] : memref<100000x128xf32, #tpu.memory_space<hbm>> -> memref<100000x128xf32, #tpu.memory_space<hbm>>
      %dma_start3A_222 = tpu.memref_slice %arg7[%dma_start3A_211] : memref<5x!tpu.dma_semaphore, #tpu.memory_space<semaphore_mem>> -> memref<1x!tpu.dma_semaphore, #tpu.memory_space<semaphore_mem>>
      %dma_start3A_223 = tpu.memref_squeeze %dma_start3A_222 : memref<1x!tpu.dma_semaphore, #tpu.memory_space<semaphore_mem>> -> memref<!tpu.dma_semaphore, #tpu.memory_space<semaphore_mem>>
      tpu.enqueue_indirect_dma source(%dma_start3A_221 : memref<100000x128xf32, #tpu.memory_space<hbm>>) target(%dma_start3A_215 : memref<128x128xf32, #tpu.memory_space<vmem>>) offsets(%dma_start3A_218 : memref<128xi32, #tpu.memory_space<vmem>>) semaphore(%dma_start3A_223 : memref<!tpu.dma_semaphore, #tpu.memory_space<semaphore_mem>>)
      %sub3A_224 = arith.constant 1 : i32
      %sub3A_225 = arith.subi %add3A_203, %sub3A_224 : i32
      %dma_wait3A_226 = arith.constant 0 : i32
      %dma_wait3A_227 = arith.constant 0 : i32
      %dma_wait3A_228 = arith.constant 0 : i32
      %dma_wait3A_229 = arith.constant 0 : i32
      %dma_wait3A_230 = tpu.memref_slice %arg6[%dma_wait3A_226, %dma_wait3A_228, %dma_wait3A_229] : memref<5x128x128xf32, #tpu.memory_space<vmem>> -> memref<1x128x128xf32, #tpu.memory_space<vmem>>
      %dma_wait3A_231 = tpu.memref_squeeze %dma_wait3A_230 : memref<1x128x128xf32, #tpu.memory_space<vmem>> -> memref<128x128xf32, #tpu.memory_space<vmem>>
      %dma_wait3A_232 = arith.constant 0 : i32
      %dma_wait3A_233 = arith.constant 0 : i32
      %dma_wait3A_234 = tpu.memref_slice %arg3[%dma_wait3A_232, %dma_wait3A_233] : memref<100000x128xf32, #tpu.memory_space<hbm>> -> memref<128x128xf32, #tpu.memory_space<hbm>>
      %dma_wait3A_235 = tpu.memref_slice %arg7[%dma_wait3A_227] : memref<5x!tpu.dma_semaphore, #tpu.memory_space<semaphore_mem>> -> memref<1x!tpu.dma_semaphore, #tpu.memory_space<semaphore_mem>>
      %dma_wait3A_236 = tpu.memref_squeeze %dma_wait3A_235 : memref<1x!tpu.dma_semaphore, #tpu.memory_space<semaphore_mem>> -> memref<!tpu.dma_semaphore, #tpu.memory_space<semaphore_mem>>
      %dma_wait3A_237 = arith.constant 0 : i32
      %dma_wait3A_238 = arith.constant 0 : i32
      %dma_wait3A_239 = tpu.memref_slice %arg6[%dma_wait3A_226, %dma_wait3A_237, %dma_wait3A_238] : memref<5x128x128xf32, #tpu.memory_space<vmem>> -> memref<1x128x128xf32, #tpu.memory_space<vmem>>
      %dma_wait3A_240 = tpu.memref_squeeze %dma_wait3A_239 : memref<1x128x128xf32, #tpu.memory_space<vmem>> -> memref<128x128xf32, #tpu.memory_space<vmem>>
      %dma_wait3A_241 = arith.constant 0 : i32
      %dma_wait3A_242 = arith.constant 0 : i32
      %dma_wait3A_243 = tpu.memref_slice %arg3[%dma_wait3A_241, %dma_wait3A_242] : memref<100000x128xf32, #tpu.memory_space<hbm>> -> memref<128x128xf32, #tpu.memory_space<hbm>>
      tpu.wait_dma2 semaphore(%dma_wait3A_236 : memref<!tpu.dma_semaphore, #tpu.memory_space<semaphore_mem>>) src(%dma_wait3A_243 : memref<128x128xf32, #tpu.memory_space<hbm>>) dst(%dma_wait3A_240 : memref<128x128xf32, #tpu.memory_space<vmem>>)
      %add3A_244 = arith.addi %mul3A_32, %sub3A_225 : i32
      %dma_start3A_245 = arith.constant 0 : i32
      %dma_start3A_246 = arith.constant 0 : i32
      %dma_start3A_247 = arith.constant 0 : i32
      %dma_start3A_248 = arith.constant 0 : i32
      %dma_start3A_249 = tpu.memref_slice %arg6[%dma_start3A_245, %dma_start3A_247, %dma_start3A_248] : memref<5x128x128xf32, #tpu.memory_space<vmem>> -> memref<1x128x128xf32, #tpu.memory_space<vmem>>
      %dma_start3A_250 = tpu.memref_squeeze %dma_start3A_249 : memref<1x128x128xf32, #tpu.memory_space<vmem>> -> memref<128x128xf32, #tpu.memory_space<vmem>>
      %dma_start3A_251 = arith.constant 0 : i32
      %dma_start3A_252 = tpu.memref_slice %arg4[%add3A_244, %mul3A_34, %dma_start3A_251] : memref<200x1024x128xf32, #tpu.memory_space<hbm>> -> memref<1x128x128xf32, #tpu.memory_space<hbm>>
      %dma_start3A_253 = tpu.memref_squeeze %dma_start3A_252 : memref<1x128x128xf32, #tpu.memory_space<hbm>> -> memref<128x128xf32, #tpu.memory_space<hbm>>
      %dma_start3A_254 = tpu.memref_slice %arg8[%dma_start3A_246] : memref<5x!tpu.dma_semaphore, #tpu.memory_space<semaphore_mem>> -> memref<1x!tpu.dma_semaphore, #tpu.memory_space<semaphore_mem>>
      %dma_start3A_255 = tpu.memref_squeeze %dma_start3A_254 : memref<1x!tpu.dma_semaphore, #tpu.memory_space<semaphore_mem>> -> memref<!tpu.dma_semaphore, #tpu.memory_space<semaphore_mem>>
      %dma_start3A_256 = arith.constant 0 : i32
      %dma_start3A_257 = tpu.memref_slice %arg4[%add3A_244, %mul3A_34, %dma_start3A_256] : memref<200x1024x128xf32, #tpu.memory_space<hbm>> -> memref<1x128x128xf32, #tpu.memory_space<hbm>>
      %dma_start3A_258 = tpu.memref_squeeze %dma_start3A_257 : memref<1x128x128xf32, #tpu.memory_space<hbm>> -> memref<128x128xf32, #tpu.memory_space<hbm>>
      %dma_start3A_259 = arith.constant 0 : i32
      %dma_start3A_260 = arith.constant 0 : i32
      %dma_start3A_261 = tpu.memref_slice %arg6[%dma_start3A_245, %dma_start3A_259, %dma_start3A_260] : memref<5x128x128xf32, #tpu.memory_space<vmem>> -> memref<1x128x128xf32, #tpu.memory_space<vmem>>
      %dma_start3A_262 = tpu.memref_squeeze %dma_start3A_261 : memref<1x128x128xf32, #tpu.memory_space<vmem>> -> memref<128x128xf32, #tpu.memory_space<vmem>>
      tpu.enqueue_dma source(%dma_start3A_262 : memref<128x128xf32, #tpu.memory_space<vmem>>) target(%dma_start3A_258 : memref<128x128xf32, #tpu.memory_space<hbm>>) target_semaphore(%dma_start3A_255 : memref<!tpu.dma_semaphore, #tpu.memory_space<semaphore_mem>>)
      %mul3A_263 = arith.constant 5 : i32
      %mul3A_264 = arith.muli %scan3A_173, %mul3A_263 : i32
      %add3A_265 = arith.constant 2 : i32
      %add3A_266 = arith.addi %mul3A_264, %add3A_265 : i32
      %ge3A_267 = arith.constant 1 : i32
      %ge3A_268 = arith.cmpi sge, %scan3A_173, %ge3A_267 : i32
      %convert_element_type3A_269 = arith.extui %ge3A_268 : i1 to i32
      %cond3A_270 = arith.constant 0 : i32
      %cond3A_271 = arith.cmpi ne, %convert_element_type3A_269, %cond3A_270 : i32
      scf.if %cond3A_271 {
        %dma_wait3A_452 = arith.constant 2 : i32
        %dma_wait3A_453 = arith.constant 0 : i32
        %dma_wait3A_454 = arith.constant 2 : i32
        %dma_wait3A_455 = arith.constant 0 : i32
        %dma_wait3A_456 = arith.constant 0 : i32
        %dma_wait3A_457 = tpu.memref_slice %arg6[%dma_wait3A_452, %dma_wait3A_455, %dma_wait3A_456] : memref<5x128x128xf32, #tpu.memory_space<vmem>> -> memref<1x128x128xf32, #tpu.memory_space<vmem>>
        %dma_wait3A_458 = tpu.memref_squeeze %dma_wait3A_457 : memref<1x128x128xf32, #tpu.memory_space<vmem>> -> memref<128x128xf32, #tpu.memory_space<vmem>>
        %dma_wait3A_459 = arith.constant 0 : i32
        %dma_wait3A_460 = tpu.memref_slice %arg4[%dma_wait3A_453, %mul3A_34, %dma_wait3A_459] : memref<200x1024x128xf32, #tpu.memory_space<hbm>> -> memref<1x128x128xf32, #tpu.memory_space<hbm>>
        %dma_wait3A_461 = tpu.memref_squeeze %dma_wait3A_460 : memref<1x128x128xf32, #tpu.memory_space<hbm>> -> memref<128x128xf32, #tpu.memory_space<hbm>>
        %dma_wait3A_462 = tpu.memref_slice %arg8[%dma_wait3A_454] : memref<5x!tpu.dma_semaphore, #tpu.memory_space<semaphore_mem>> -> memref<1x!tpu.dma_semaphore, #tpu.memory_space<semaphore_mem>>
        %dma_wait3A_463 = tpu.memref_squeeze %dma_wait3A_462 : memref<1x!tpu.dma_semaphore, #tpu.memory_space<semaphore_mem>> -> memref<!tpu.dma_semaphore, #tpu.memory_space<semaphore_mem>>
        %dma_wait3A_464 = arith.constant 0 : i32
        %dma_wait3A_465 = tpu.memref_slice %arg4[%dma_wait3A_453, %mul3A_34, %dma_wait3A_464] : memref<200x1024x128xf32, #tpu.memory_space<hbm>> -> memref<1x128x128xf32, #tpu.memory_space<hbm>>
        %dma_wait3A_466 = tpu.memref_squeeze %dma_wait3A_465 : memref<1x128x128xf32, #tpu.memory_space<hbm>> -> memref<128x128xf32, #tpu.memory_space<hbm>>
        %dma_wait3A_467 = arith.constant 0 : i32
        %dma_wait3A_468 = arith.constant 0 : i32
        %dma_wait3A_469 = tpu.memref_slice %arg6[%dma_wait3A_452, %dma_wait3A_467, %dma_wait3A_468] : memref<5x128x128xf32, #tpu.memory_space<vmem>> -> memref<1x128x128xf32, #tpu.memory_space<vmem>>
        %dma_wait3A_470 = tpu.memref_squeeze %dma_wait3A_469 : memref<1x128x128xf32, #tpu.memory_space<vmem>> -> memref<128x128xf32, #tpu.memory_space<vmem>>
        tpu.wait_dma2 semaphore(%dma_wait3A_463 : memref<!tpu.dma_semaphore, #tpu.memory_space<semaphore_mem>>) src(%dma_wait3A_470 : memref<128x128xf32, #tpu.memory_space<vmem>>) dst(%dma_wait3A_466 : memref<128x128xf32, #tpu.memory_space<hbm>>)
      } else {
      }
      %add3A_272 = arith.addi %mul3A_32, %add3A_266 : i32
      %dma_start3A_273 = arith.constant 2 : i32
      %dma_start3A_274 = arith.constant 2 : i32
      %dma_start3A_275 = arith.constant 0 : i32
      %dma_start3A_276 = arith.constant 0 : i32
      %dma_start3A_277 = tpu.memref_slice %arg6[%dma_start3A_273, %dma_start3A_275, %dma_start3A_276] : memref<5x128x128xf32, #tpu.memory_space<vmem>> -> memref<1x128x128xf32, #tpu.memory_space<vmem>>
      %dma_start3A_278 = tpu.memref_squeeze %dma_start3A_277 : memref<1x128x128xf32, #tpu.memory_space<vmem>> -> memref<128x128xf32, #tpu.memory_space<vmem>>
      %dma_start3A_279 = arith.constant 0 : i32
      %dma_start3A_280 = tpu.memref_slice %arg5[%add3A_272, %dma_start3A_279] : memref<200x128xi32, #tpu.memory_space<vmem>> -> memref<1x128xi32, #tpu.memory_space<vmem>>
      %dma_start3A_281 = tpu.memref_squeeze %dma_start3A_280 : memref<1x128xi32, #tpu.memory_space<vmem>> -> memref<128xi32, #tpu.memory_space<vmem>>
      %dma_start3A_282 = arith.constant 0 : i32
      %dma_start3A_283 = arith.constant 0 : i32
      %dma_start3A_284 = tpu.memref_slice %arg3[%dma_start3A_282, %dma_start3A_283] : memref<100000x128xf32, #tpu.memory_space<hbm>> -> memref<100000x128xf32, #tpu.memory_space<hbm>>
      %dma_start3A_285 = tpu.memref_slice %arg7[%dma_start3A_274] : memref<5x!tpu.dma_semaphore, #tpu.memory_space<semaphore_mem>> -> memref<1x!tpu.dma_semaphore, #tpu.memory_space<semaphore_mem>>
      %dma_start3A_286 = tpu.memref_squeeze %dma_start3A_285 : memref<1x!tpu.dma_semaphore, #tpu.memory_space<semaphore_mem>> -> memref<!tpu.dma_semaphore, #tpu.memory_space<semaphore_mem>>
      tpu.enqueue_indirect_dma source(%dma_start3A_284 : memref<100000x128xf32, #tpu.memory_space<hbm>>) target(%dma_start3A_278 : memref<128x128xf32, #tpu.memory_space<vmem>>) offsets(%dma_start3A_281 : memref<128xi32, #tpu.memory_space<vmem>>) semaphore(%dma_start3A_286 : memref<!tpu.dma_semaphore, #tpu.memory_space<semaphore_mem>>)
      %sub3A_287 = arith.constant 1 : i32
      %sub3A_288 = arith.subi %add3A_266, %sub3A_287 : i32
      %dma_wait3A_289 = arith.constant 1 : i32
      %dma_wait3A_290 = arith.constant 1 : i32
      %dma_wait3A_291 = arith.constant 0 : i32
      %dma_wait3A_292 = arith.constant 0 : i32
      %dma_wait3A_293 = tpu.memref_slice %arg6[%dma_wait3A_289, %dma_wait3A_291, %dma_wait3A_292] : memref<5x128x128xf32, #tpu.memory_space<vmem>> -> memref<1x128x128xf32, #tpu.memory_space<vmem>>
      %dma_wait3A_294 = tpu.memref_squeeze %dma_wait3A_293 : memref<1x128x128xf32, #tpu.memory_space<vmem>> -> memref<128x128xf32, #tpu.memory_space<vmem>>
      %dma_wait3A_295 = arith.constant 0 : i32
      %dma_wait3A_296 = arith.constant 0 : i32
      %dma_wait3A_297 = tpu.memref_slice %arg3[%dma_wait3A_295, %dma_wait3A_296] : memref<100000x128xf32, #tpu.memory_space<hbm>> -> memref<128x128xf32, #tpu.memory_space<hbm>>
      %dma_wait3A_298 = tpu.memref_slice %arg7[%dma_wait3A_290] : memref<5x!tpu.dma_semaphore, #tpu.memory_space<semaphore_mem>> -> memref<1x!tpu.dma_semaphore, #tpu.memory_space<semaphore_mem>>
      %dma_wait3A_299 = tpu.memref_squeeze %dma_wait3A_298 : memref<1x!tpu.dma_semaphore, #tpu.memory_space<semaphore_mem>> -> memref<!tpu.dma_semaphore, #tpu.memory_space<semaphore_mem>>
      %dma_wait3A_300 = arith.constant 0 : i32
      %dma_wait3A_301 = arith.constant 0 : i32
      %dma_wait3A_302 = tpu.memref_slice %arg6[%dma_wait3A_289, %dma_wait3A_300, %dma_wait3A_301] : memref<5x128x128xf32, #tpu.memory_space<vmem>> -> memref<1x128x128xf32, #tpu.memory_space<vmem>>
      %dma_wait3A_303 = tpu.memref_squeeze %dma_wait3A_302 : memref<1x128x128xf32, #tpu.memory_space<vmem>> -> memref<128x128xf32, #tpu.memory_space<vmem>>
      %dma_wait3A_304 = arith.constant 0 : i32
      %dma_wait3A_305 = arith.constant 0 : i32
      %dma_wait3A_306 = tpu.memref_slice %arg3[%dma_wait3A_304, %dma_wait3A_305] : memref<100000x128xf32, #tpu.memory_space<hbm>> -> memref<128x128xf32, #tpu.memory_space<hbm>>
      tpu.wait_dma2 semaphore(%dma_wait3A_299 : memref<!tpu.dma_semaphore, #tpu.memory_space<semaphore_mem>>) src(%dma_wait3A_306 : memref<128x128xf32, #tpu.memory_space<hbm>>) dst(%dma_wait3A_303 : memref<128x128xf32, #tpu.memory_space<vmem>>)
      %add3A_307 = arith.addi %mul3A_32, %sub3A_288 : i32
      %dma_start3A_308 = arith.constant 1 : i32
      %dma_start3A_309 = arith.constant 1 : i32
      %dma_start3A_310 = arith.constant 0 : i32
      %dma_start3A_311 = arith.constant 0 : i32
      %dma_start3A_312 = tpu.memref_slice %arg6[%dma_start3A_308, %dma_start3A_310, %dma_start3A_311] : memref<5x128x128xf32, #tpu.memory_space<vmem>> -> memref<1x128x128xf32, #tpu.memory_space<vmem>>
      %dma_start3A_313 = tpu.memref_squeeze %dma_start3A_312 : memref<1x128x128xf32, #tpu.memory_space<vmem>> -> memref<128x128xf32, #tpu.memory_space<vmem>>
      %dma_start3A_314 = arith.constant 0 : i32
      %dma_start3A_315 = tpu.memref_slice %arg4[%add3A_307, %mul3A_34, %dma_start3A_314] : memref<200x1024x128xf32, #tpu.memory_space<hbm>> -> memref<1x128x128xf32, #tpu.memory_space<hbm>>
      %dma_start3A_316 = tpu.memref_squeeze %dma_start3A_315 : memref<1x128x128xf32, #tpu.memory_space<hbm>> -> memref<128x128xf32, #tpu.memory_space<hbm>>
      %dma_start3A_317 = tpu.memref_slice %arg8[%dma_start3A_309] : memref<5x!tpu.dma_semaphore, #tpu.memory_space<semaphore_mem>> -> memref<1x!tpu.dma_semaphore, #tpu.memory_space<semaphore_mem>>
      %dma_start3A_318 = tpu.memref_squeeze %dma_start3A_317 : memref<1x!tpu.dma_semaphore, #tpu.memory_space<semaphore_mem>> -> memref<!tpu.dma_semaphore, #tpu.memory_space<semaphore_mem>>
      %dma_start3A_319 = arith.constant 0 : i32
      %dma_start3A_320 = tpu.memref_slice %arg4[%add3A_307, %mul3A_34, %dma_start3A_319] : memref<200x1024x128xf32, #tpu.memory_space<hbm>> -> memref<1x128x128xf32, #tpu.memory_space<hbm>>
      %dma_start3A_321 = tpu.memref_squeeze %dma_start3A_320 : memref<1x128x128xf32, #tpu.memory_space<hbm>> -> memref<128x128xf32, #tpu.memory_space<hbm>>
      %dma_start3A_322 = arith.constant 0 : i32
      %dma_start3A_323 = arith.constant 0 : i32
      %dma_start3A_324 = tpu.memref_slice %arg6[%dma_start3A_308, %dma_start3A_322, %dma_start3A_323] : memref<5x128x128xf32, #tpu.memory_space<vmem>> -> memref<1x128x128xf32, #tpu.memory_space<vmem>>
      %dma_start3A_325 = tpu.memref_squeeze %dma_start3A_324 : memref<1x128x128xf32, #tpu.memory_space<vmem>> -> memref<128x128xf32, #tpu.memory_space<vmem>>
      tpu.enqueue_dma source(%dma_start3A_325 : memref<128x128xf32, #tpu.memory_space<vmem>>) target(%dma_start3A_321 : memref<128x128xf32, #tpu.memory_space<hbm>>) target_semaphore(%dma_start3A_318 : memref<!tpu.dma_semaphore, #tpu.memory_space<semaphore_mem>>)
      %mul3A_326 = arith.constant 5 : i32
      %mul3A_327 = arith.muli %scan3A_173, %mul3A_326 : i32
      %add3A_328 = arith.constant 3 : i32
      %add3A_329 = arith.addi %mul3A_327, %add3A_328 : i32
      %ge3A_330 = arith.constant 1 : i32
      %ge3A_331 = arith.cmpi sge, %scan3A_173, %ge3A_330 : i32
      %convert_element_type3A_332 = arith.extui %ge3A_331 : i1 to i32
      %cond3A_333 = arith.constant 0 : i32
      %cond3A_334 = arith.cmpi ne, %convert_element_type3A_332, %cond3A_333 : i32
      scf.if %cond3A_334 {
        %dma_wait3A_452 = arith.constant 3 : i32
        %dma_wait3A_453 = arith.constant 0 : i32
        %dma_wait3A_454 = arith.constant 3 : i32
        %dma_wait3A_455 = arith.constant 0 : i32
        %dma_wait3A_456 = arith.constant 0 : i32
        %dma_wait3A_457 = tpu.memref_slice %arg6[%dma_wait3A_452, %dma_wait3A_455, %dma_wait3A_456] : memref<5x128x128xf32, #tpu.memory_space<vmem>> -> memref<1x128x128xf32, #tpu.memory_space<vmem>>
        %dma_wait3A_458 = tpu.memref_squeeze %dma_wait3A_457 : memref<1x128x128xf32, #tpu.memory_space<vmem>> -> memref<128x128xf32, #tpu.memory_space<vmem>>
        %dma_wait3A_459 = arith.constant 0 : i32
        %dma_wait3A_460 = tpu.memref_slice %arg4[%dma_wait3A_453, %mul3A_34, %dma_wait3A_459] : memref<200x1024x128xf32, #tpu.memory_space<hbm>> -> memref<1x128x128xf32, #tpu.memory_space<hbm>>
        %dma_wait3A_461 = tpu.memref_squeeze %dma_wait3A_460 : memref<1x128x128xf32, #tpu.memory_space<hbm>> -> memref<128x128xf32, #tpu.memory_space<hbm>>
        %dma_wait3A_462 = tpu.memref_slice %arg8[%dma_wait3A_454] : memref<5x!tpu.dma_semaphore, #tpu.memory_space<semaphore_mem>> -> memref<1x!tpu.dma_semaphore, #tpu.memory_space<semaphore_mem>>
        %dma_wait3A_463 = tpu.memref_squeeze %dma_wait3A_462 : memref<1x!tpu.dma_semaphore, #tpu.memory_space<semaphore_mem>> -> memref<!tpu.dma_semaphore, #tpu.memory_space<semaphore_mem>>
        %dma_wait3A_464 = arith.constant 0 : i32
        %dma_wait3A_465 = tpu.memref_slice %arg4[%dma_wait3A_453, %mul3A_34, %dma_wait3A_464] : memref<200x1024x128xf32, #tpu.memory_space<hbm>> -> memref<1x128x128xf32, #tpu.memory_space<hbm>>
        %dma_wait3A_466 = tpu.memref_squeeze %dma_wait3A_465 : memref<1x128x128xf32, #tpu.memory_space<hbm>> -> memref<128x128xf32, #tpu.memory_space<hbm>>
        %dma_wait3A_467 = arith.constant 0 : i32
        %dma_wait3A_468 = arith.constant 0 : i32
        %dma_wait3A_469 = tpu.memref_slice %arg6[%dma_wait3A_452, %dma_wait3A_467, %dma_wait3A_468] : memref<5x128x128xf32, #tpu.memory_space<vmem>> -> memref<1x128x128xf32, #tpu.memory_space<vmem>>
        %dma_wait3A_470 = tpu.memref_squeeze %dma_wait3A_469 : memref<1x128x128xf32, #tpu.memory_space<vmem>> -> memref<128x128xf32, #tpu.memory_space<vmem>>
        tpu.wait_dma2 semaphore(%dma_wait3A_463 : memref<!tpu.dma_semaphore, #tpu.memory_space<semaphore_mem>>) src(%dma_wait3A_470 : memref<128x128xf32, #tpu.memory_space<vmem>>) dst(%dma_wait3A_466 : memref<128x128xf32, #tpu.memory_space<hbm>>)
      } else {
      }
      %add3A_335 = arith.addi %mul3A_32, %add3A_329 : i32
      %dma_start3A_336 = arith.constant 3 : i32
      %dma_start3A_337 = arith.constant 3 : i32
      %dma_start3A_338 = arith.constant 0 : i32
      %dma_start3A_339 = arith.constant 0 : i32
      %dma_start3A_340 = tpu.memref_slice %arg6[%dma_start3A_336, %dma_start3A_338, %dma_start3A_339] : memref<5x128x128xf32, #tpu.memory_space<vmem>> -> memref<1x128x128xf32, #tpu.memory_space<vmem>>
      %dma_start3A_341 = tpu.memref_squeeze %dma_start3A_340 : memref<1x128x128xf32, #tpu.memory_space<vmem>> -> memref<128x128xf32, #tpu.memory_space<vmem>>
      %dma_start3A_342 = arith.constant 0 : i32
      %dma_start3A_343 = tpu.memref_slice %arg5[%add3A_335, %dma_start3A_342] : memref<200x128xi32, #tpu.memory_space<vmem>> -> memref<1x128xi32, #tpu.memory_space<vmem>>
      %dma_start3A_344 = tpu.memref_squeeze %dma_start3A_343 : memref<1x128xi32, #tpu.memory_space<vmem>> -> memref<128xi32, #tpu.memory_space<vmem>>
      %dma_start3A_345 = arith.constant 0 : i32
      %dma_start3A_346 = arith.constant 0 : i32
      %dma_start3A_347 = tpu.memref_slice %arg3[%dma_start3A_345, %dma_start3A_346] : memref<100000x128xf32, #tpu.memory_space<hbm>> -> memref<100000x128xf32, #tpu.memory_space<hbm>>
      %dma_start3A_348 = tpu.memref_slice %arg7[%dma_start3A_337] : memref<5x!tpu.dma_semaphore, #tpu.memory_space<semaphore_mem>> -> memref<1x!tpu.dma_semaphore, #tpu.memory_space<semaphore_mem>>
      %dma_start3A_349 = tpu.memref_squeeze %dma_start3A_348 : memref<1x!tpu.dma_semaphore, #tpu.memory_space<semaphore_mem>> -> memref<!tpu.dma_semaphore, #tpu.memory_space<semaphore_mem>>
      tpu.enqueue_indirect_dma source(%dma_start3A_347 : memref<100000x128xf32, #tpu.memory_space<hbm>>) target(%dma_start3A_341 : memref<128x128xf32, #tpu.memory_space<vmem>>) offsets(%dma_start3A_344 : memref<128xi32, #tpu.memory_space<vmem>>) semaphore(%dma_start3A_349 : memref<!tpu.dma_semaphore, #tpu.memory_space<semaphore_mem>>)
      %sub3A_350 = arith.constant 1 : i32
      %sub3A_351 = arith.subi %add3A_329, %sub3A_350 : i32
      %dma_wait3A_352 = arith.constant 2 : i32
      %dma_wait3A_353 = arith.constant 2 : i32
      %dma_wait3A_354 = arith.constant 0 : i32
      %dma_wait3A_355 = arith.constant 0 : i32
      %dma_wait3A_356 = tpu.memref_slice %arg6[%dma_wait3A_352, %dma_wait3A_354, %dma_wait3A_355] : memref<5x128x128xf32, #tpu.memory_space<vmem>> -> memref<1x128x128xf32, #tpu.memory_space<vmem>>
      %dma_wait3A_357 = tpu.memref_squeeze %dma_wait3A_356 : memref<1x128x128xf32, #tpu.memory_space<vmem>> -> memref<128x128xf32, #tpu.memory_space<vmem>>
      %dma_wait3A_358 = arith.constant 0 : i32
      %dma_wait3A_359 = arith.constant 0 : i32
      %dma_wait3A_360 = tpu.memref_slice %arg3[%dma_wait3A_358, %dma_wait3A_359] : memref<100000x128xf32, #tpu.memory_space<hbm>> -> memref<128x128xf32, #tpu.memory_space<hbm>>
      %dma_wait3A_361 = tpu.memref_slice %arg7[%dma_wait3A_353] : memref<5x!tpu.dma_semaphore, #tpu.memory_space<semaphore_mem>> -> memref<1x!tpu.dma_semaphore, #tpu.memory_space<semaphore_mem>>
      %dma_wait3A_362 = tpu.memref_squeeze %dma_wait3A_361 : memref<1x!tpu.dma_semaphore, #tpu.memory_space<semaphore_mem>> -> memref<!tpu.dma_semaphore, #tpu.memory_space<semaphore_mem>>
      %dma_wait3A_363 = arith.constant 0 : i32
      %dma_wait3A_364 = arith.constant 0 : i32
      %dma_wait3A_365 = tpu.memref_slice %arg6[%dma_wait3A_352, %dma_wait3A_363, %dma_wait3A_364] : memref<5x128x128xf32, #tpu.memory_space<vmem>> -> memref<1x128x128xf32, #tpu.memory_space<vmem>>
      %dma_wait3A_366 = tpu.memref_squeeze %dma_wait3A_365 : memref<1x128x128xf32, #tpu.memory_space<vmem>> -> memref<128x128xf32, #tpu.memory_space<vmem>>
      %dma_wait3A_367 = arith.constant 0 : i32
      %dma_wait3A_368 = arith.constant 0 : i32
      %dma_wait3A_369 = tpu.memref_slice %arg3[%dma_wait3A_367, %dma_wait3A_368] : memref<100000x128xf32, #tpu.memory_space<hbm>> -> memref<128x128xf32, #tpu.memory_space<hbm>>
      tpu.wait_dma2 semaphore(%dma_wait3A_362 : memref<!tpu.dma_semaphore, #tpu.memory_space<semaphore_mem>>) src(%dma_wait3A_369 : memref<128x128xf32, #tpu.memory_space<hbm>>) dst(%dma_wait3A_366 : memref<128x128xf32, #tpu.memory_space<vmem>>)
      %add3A_370 = arith.addi %mul3A_32, %sub3A_351 : i32
      %dma_start3A_371 = arith.constant 2 : i32
      %dma_start3A_372 = arith.constant 2 : i32
      %dma_start3A_373 = arith.constant 0 : i32
      %dma_start3A_374 = arith.constant 0 : i32
      %dma_start3A_375 = tpu.memref_slice %arg6[%dma_start3A_371, %dma_start3A_373, %dma_start3A_374] : memref<5x128x128xf32, #tpu.memory_space<vmem>> -> memref<1x128x128xf32, #tpu.memory_space<vmem>>
      %dma_start3A_376 = tpu.memref_squeeze %dma_start3A_375 : memref<1x128x128xf32, #tpu.memory_space<vmem>> -> memref<128x128xf32, #tpu.memory_space<vmem>>
      %dma_start3A_377 = arith.constant 0 : i32
      %dma_start3A_378 = tpu.memref_slice %arg4[%add3A_370, %mul3A_34, %dma_start3A_377] : memref<200x1024x128xf32, #tpu.memory_space<hbm>> -> memref<1x128x128xf32, #tpu.memory_space<hbm>>
      %dma_start3A_379 = tpu.memref_squeeze %dma_start3A_378 : memref<1x128x128xf32, #tpu.memory_space<hbm>> -> memref<128x128xf32, #tpu.memory_space<hbm>>
      %dma_start3A_380 = tpu.memref_slice %arg8[%dma_start3A_372] : memref<5x!tpu.dma_semaphore, #tpu.memory_space<semaphore_mem>> -> memref<1x!tpu.dma_semaphore, #tpu.memory_space<semaphore_mem>>
      %dma_start3A_381 = tpu.memref_squeeze %dma_start3A_380 : memref<1x!tpu.dma_semaphore, #tpu.memory_space<semaphore_mem>> -> memref<!tpu.dma_semaphore, #tpu.memory_space<semaphore_mem>>
      %dma_start3A_382 = arith.constant 0 : i32
      %dma_start3A_383 = tpu.memref_slice %arg4[%add3A_370, %mul3A_34, %dma_start3A_382] : memref<200x1024x128xf32, #tpu.memory_space<hbm>> -> memref<1x128x128xf32, #tpu.memory_space<hbm>>
      %dma_start3A_384 = tpu.memref_squeeze %dma_start3A_383 : memref<1x128x128xf32, #tpu.memory_space<hbm>> -> memref<128x128xf32, #tpu.memory_space<hbm>>
      %dma_start3A_385 = arith.constant 0 : i32
      %dma_start3A_386 = arith.constant 0 : i32
      %dma_start3A_387 = tpu.memref_slice %arg6[%dma_start3A_371, %dma_start3A_385, %dma_start3A_386] : memref<5x128x128xf32, #tpu.memory_space<vmem>> -> memref<1x128x128xf32, #tpu.memory_space<vmem>>
      %dma_start3A_388 = tpu.memref_squeeze %dma_start3A_387 : memref<1x128x128xf32, #tpu.memory_space<vmem>> -> memref<128x128xf32, #tpu.memory_space<vmem>>
      tpu.enqueue_dma source(%dma_start3A_388 : memref<128x128xf32, #tpu.memory_space<vmem>>) target(%dma_start3A_384 : memref<128x128xf32, #tpu.memory_space<hbm>>) target_semaphore(%dma_start3A_381 : memref<!tpu.dma_semaphore, #tpu.memory_space<semaphore_mem>>)
      %mul3A_389 = arith.constant 5 : i32
      %mul3A_390 = arith.muli %scan3A_173, %mul3A_389 : i32
      %add3A_391 = arith.constant 4 : i32
      %add3A_392 = arith.addi %mul3A_390, %add3A_391 : i32
      %ge3A_393 = arith.constant 1 : i32
      %ge3A_394 = arith.cmpi sge, %scan3A_173, %ge3A_393 : i32
      %convert_element_type3A_395 = arith.extui %ge3A_394 : i1 to i32
      %cond3A_396 = arith.constant 0 : i32
      %cond3A_397 = arith.cmpi ne, %convert_element_type3A_395, %cond3A_396 : i32
      scf.if %cond3A_397 {
        %dma_wait3A_452 = arith.constant 4 : i32
        %dma_wait3A_453 = arith.constant 0 : i32
        %dma_wait3A_454 = arith.constant 4 : i32
        %dma_wait3A_455 = arith.constant 0 : i32
        %dma_wait3A_456 = arith.constant 0 : i32
        %dma_wait3A_457 = tpu.memref_slice %arg6[%dma_wait3A_452, %dma_wait3A_455, %dma_wait3A_456] : memref<5x128x128xf32, #tpu.memory_space<vmem>> -> memref<1x128x128xf32, #tpu.memory_space<vmem>>
        %dma_wait3A_458 = tpu.memref_squeeze %dma_wait3A_457 : memref<1x128x128xf32, #tpu.memory_space<vmem>> -> memref<128x128xf32, #tpu.memory_space<vmem>>
        %dma_wait3A_459 = arith.constant 0 : i32
        %dma_wait3A_460 = tpu.memref_slice %arg4[%dma_wait3A_453, %mul3A_34, %dma_wait3A_459] : memref<200x1024x128xf32, #tpu.memory_space<hbm>> -> memref<1x128x128xf32, #tpu.memory_space<hbm>>
        %dma_wait3A_461 = tpu.memref_squeeze %dma_wait3A_460 : memref<1x128x128xf32, #tpu.memory_space<hbm>> -> memref<128x128xf32, #tpu.memory_space<hbm>>
        %dma_wait3A_462 = tpu.memref_slice %arg8[%dma_wait3A_454] : memref<5x!tpu.dma_semaphore, #tpu.memory_space<semaphore_mem>> -> memref<1x!tpu.dma_semaphore, #tpu.memory_space<semaphore_mem>>
        %dma_wait3A_463 = tpu.memref_squeeze %dma_wait3A_462 : memref<1x!tpu.dma_semaphore, #tpu.memory_space<semaphore_mem>> -> memref<!tpu.dma_semaphore, #tpu.memory_space<semaphore_mem>>
        %dma_wait3A_464 = arith.constant 0 : i32
        %dma_wait3A_465 = tpu.memref_slice %arg4[%dma_wait3A_453, %mul3A_34, %dma_wait3A_464] : memref<200x1024x128xf32, #tpu.memory_space<hbm>> -> memref<1x128x128xf32, #tpu.memory_space<hbm>>
        %dma_wait3A_466 = tpu.memref_squeeze %dma_wait3A_465 : memref<1x128x128xf32, #tpu.memory_space<hbm>> -> memref<128x128xf32, #tpu.memory_space<hbm>>
        %dma_wait3A_467 = arith.constant 0 : i32
        %dma_wait3A_468 = arith.constant 0 : i32
        %dma_wait3A_469 = tpu.memref_slice %arg6[%dma_wait3A_452, %dma_wait3A_467, %dma_wait3A_468] : memref<5x128x128xf32, #tpu.memory_space<vmem>> -> memref<1x128x128xf32, #tpu.memory_space<vmem>>
        %dma_wait3A_470 = tpu.memref_squeeze %dma_wait3A_469 : memref<1x128x128xf32, #tpu.memory_space<vmem>> -> memref<128x128xf32, #tpu.memory_space<vmem>>
        tpu.wait_dma2 semaphore(%dma_wait3A_463 : memref<!tpu.dma_semaphore, #tpu.memory_space<semaphore_mem>>) src(%dma_wait3A_470 : memref<128x128xf32, #tpu.memory_space<vmem>>) dst(%dma_wait3A_466 : memref<128x128xf32, #tpu.memory_space<hbm>>)
      } else {
      }
      %add3A_398 = arith.addi %mul3A_32, %add3A_392 : i32
      %dma_start3A_399 = arith.constant 4 : i32
      %dma_start3A_400 = arith.constant 4 : i32
      %dma_start3A_401 = arith.constant 0 : i32
      %dma_start3A_402 = arith.constant 0 : i32
      %dma_start3A_403 = tpu.memref_slice %arg6[%dma_start3A_399, %dma_start3A_401, %dma_start3A_402] : memref<5x128x128xf32, #tpu.memory_space<vmem>> -> memref<1x128x128xf32, #tpu.memory_space<vmem>>
      %dma_start3A_404 = tpu.memref_squeeze %dma_start3A_403 : memref<1x128x128xf32, #tpu.memory_space<vmem>> -> memref<128x128xf32, #tpu.memory_space<vmem>>
      %dma_start3A_405 = arith.constant 0 : i32
      %dma_start3A_406 = tpu.memref_slice %arg5[%add3A_398, %dma_start3A_405] : memref<200x128xi32, #tpu.memory_space<vmem>> -> memref<1x128xi32, #tpu.memory_space<vmem>>
      %dma_start3A_407 = tpu.memref_squeeze %dma_start3A_406 : memref<1x128xi32, #tpu.memory_space<vmem>> -> memref<128xi32, #tpu.memory_space<vmem>>
      %dma_start3A_408 = arith.constant 0 : i32
      %dma_start3A_409 = arith.constant 0 : i32
      %dma_start3A_410 = tpu.memref_slice %arg3[%dma_start3A_408, %dma_start3A_409] : memref<100000x128xf32, #tpu.memory_space<hbm>> -> memref<100000x128xf32, #tpu.memory_space<hbm>>
      %dma_start3A_411 = tpu.memref_slice %arg7[%dma_start3A_400] : memref<5x!tpu.dma_semaphore, #tpu.memory_space<semaphore_mem>> -> memref<1x!tpu.dma_semaphore, #tpu.memory_space<semaphore_mem>>
      %dma_start3A_412 = tpu.memref_squeeze %dma_start3A_411 : memref<1x!tpu.dma_semaphore, #tpu.memory_space<semaphore_mem>> -> memref<!tpu.dma_semaphore, #tpu.memory_space<semaphore_mem>>
      tpu.enqueue_indirect_dma source(%dma_start3A_410 : memref<100000x128xf32, #tpu.memory_space<hbm>>) target(%dma_start3A_404 : memref<128x128xf32, #tpu.memory_space<vmem>>) offsets(%dma_start3A_407 : memref<128xi32, #tpu.memory_space<vmem>>) semaphore(%dma_start3A_412 : memref<!tpu.dma_semaphore, #tpu.memory_space<semaphore_mem>>)
      %sub3A_413 = arith.constant 1 : i32
      %sub3A_414 = arith.subi %add3A_392, %sub3A_413 : i32
      %dma_wait3A_415 = arith.constant 3 : i32
      %dma_wait3A_416 = arith.constant 3 : i32
      %dma_wait3A_417 = arith.constant 0 : i32
      %dma_wait3A_418 = arith.constant 0 : i32
      %dma_wait3A_419 = tpu.memref_slice %arg6[%dma_wait3A_415, %dma_wait3A_417, %dma_wait3A_418] : memref<5x128x128xf32, #tpu.memory_space<vmem>> -> memref<1x128x128xf32, #tpu.memory_space<vmem>>
      %dma_wait3A_420 = tpu.memref_squeeze %dma_wait3A_419 : memref<1x128x128xf32, #tpu.memory_space<vmem>> -> memref<128x128xf32, #tpu.memory_space<vmem>>
      %dma_wait3A_421 = arith.constant 0 : i32
      %dma_wait3A_422 = arith.constant 0 : i32
      %dma_wait3A_423 = tpu.memref_slice %arg3[%dma_wait3A_421, %dma_wait3A_422] : memref<100000x128xf32, #tpu.memory_space<hbm>> -> memref<128x128xf32, #tpu.memory_space<hbm>>
      %dma_wait3A_424 = tpu.memref_slice %arg7[%dma_wait3A_416] : memref<5x!tpu.dma_semaphore, #tpu.memory_space<semaphore_mem>> -> memref<1x!tpu.dma_semaphore, #tpu.memory_space<semaphore_mem>>
      %dma_wait3A_425 = tpu.memref_squeeze %dma_wait3A_424 : memref<1x!tpu.dma_semaphore, #tpu.memory_space<semaphore_mem>> -> memref<!tpu.dma_semaphore, #tpu.memory_space<semaphore_mem>>
      %dma_wait3A_426 = arith.constant 0 : i32
      %dma_wait3A_427 = arith.constant 0 : i32
      %dma_wait3A_428 = tpu.memref_slice %arg6[%dma_wait3A_415, %dma_wait3A_426, %dma_wait3A_427] : memref<5x128x128xf32, #tpu.memory_space<vmem>> -> memref<1x128x128xf32, #tpu.memory_space<vmem>>
      %dma_wait3A_429 = tpu.memref_squeeze %dma_wait3A_428 : memref<1x128x128xf32, #tpu.memory_space<vmem>> -> memref<128x128xf32, #tpu.memory_space<vmem>>
      %dma_wait3A_430 = arith.constant 0 : i32
      %dma_wait3A_431 = arith.constant 0 : i32
      %dma_wait3A_432 = tpu.memref_slice %arg3[%dma_wait3A_430, %dma_wait3A_431] : memref<100000x128xf32, #tpu.memory_space<hbm>> -> memref<128x128xf32, #tpu.memory_space<hbm>>
      tpu.wait_dma2 semaphore(%dma_wait3A_425 : memref<!tpu.dma_semaphore, #tpu.memory_space<semaphore_mem>>) src(%dma_wait3A_432 : memref<128x128xf32, #tpu.memory_space<hbm>>) dst(%dma_wait3A_429 : memref<128x128xf32, #tpu.memory_space<vmem>>)
      %add3A_433 = arith.addi %mul3A_32, %sub3A_414 : i32
      %dma_start3A_434 = arith.constant 3 : i32
      %dma_start3A_435 = arith.constant 3 : i32
      %dma_start3A_436 = arith.constant 0 : i32
      %dma_start3A_437 = arith.constant 0 : i32
      %dma_start3A_438 = tpu.memref_slice %arg6[%dma_start3A_434, %dma_start3A_436, %dma_start3A_437] : memref<5x128x128xf32, #tpu.memory_space<vmem>> -> memref<1x128x128xf32, #tpu.memory_space<vmem>>
      %dma_start3A_439 = tpu.memref_squeeze %dma_start3A_438 : memref<1x128x128xf32, #tpu.memory_space<vmem>> -> memref<128x128xf32, #tpu.memory_space<vmem>>
      %dma_start3A_440 = arith.constant 0 : i32
      %dma_start3A_441 = tpu.memref_slice %arg4[%add3A_433, %mul3A_34, %dma_start3A_440] : memref<200x1024x128xf32, #tpu.memory_space<hbm>> -> memref<1x128x128xf32, #tpu.memory_space<hbm>>
      %dma_start3A_442 = tpu.memref_squeeze %dma_start3A_441 : memref<1x128x128xf32, #tpu.memory_space<hbm>> -> memref<128x128xf32, #tpu.memory_space<hbm>>
      %dma_start3A_443 = tpu.memref_slice %arg8[%dma_start3A_435] : memref<5x!tpu.dma_semaphore, #tpu.memory_space<semaphore_mem>> -> memref<1x!tpu.dma_semaphore, #tpu.memory_space<semaphore_mem>>
      %dma_start3A_444 = tpu.memref_squeeze %dma_start3A_443 : memref<1x!tpu.dma_semaphore, #tpu.memory_space<semaphore_mem>> -> memref<!tpu.dma_semaphore, #tpu.memory_space<semaphore_mem>>
      %dma_start3A_445 = arith.constant 0 : i32
      %dma_start3A_446 = tpu.memref_slice %arg4[%add3A_433, %mul3A_34, %dma_start3A_445] : memref<200x1024x128xf32, #tpu.memory_space<hbm>> -> memref<1x128x128xf32, #tpu.memory_space<hbm>>
      %dma_start3A_447 = tpu.memref_squeeze %dma_start3A_446 : memref<1x128x128xf32, #tpu.memory_space<hbm>> -> memref<128x128xf32, #tpu.memory_space<hbm>>
      %dma_start3A_448 = arith.constant 0 : i32
      %dma_start3A_449 = arith.constant 0 : i32
      %dma_start3A_450 = tpu.memref_slice %arg6[%dma_start3A_434, %dma_start3A_448, %dma_start3A_449] : memref<5x128x128xf32, #tpu.memory_space<vmem>> -> memref<1x128x128xf32, #tpu.memory_space<vmem>>
      %dma_start3A_451 = tpu.memref_squeeze %dma_start3A_450 : memref<1x128x128xf32, #tpu.memory_space<vmem>> -> memref<128x128xf32, #tpu.memory_space<vmem>>
      tpu.enqueue_dma source(%dma_start3A_451 : memref<128x128xf32, #tpu.memory_space<vmem>>) target(%dma_start3A_447 : memref<128x128xf32, #tpu.memory_space<hbm>>) target_semaphore(%dma_start3A_444 : memref<!tpu.dma_semaphore, #tpu.memory_space<semaphore_mem>>)
    }
    %scan3A_41 = arith.constant 10 : i32
    %dma_wait3A = arith.constant 4 : i32
    %dma_wait3A_42 = arith.constant 4 : i32
    %dma_wait3A_43 = arith.constant 0 : i32
    %dma_wait3A_44 = arith.constant 0 : i32
    %dma_wait3A_45 = tpu.memref_slice %arg6[%dma_wait3A, %dma_wait3A_43, %dma_wait3A_44] : memref<5x128x128xf32, #tpu.memory_space<vmem>> -> memref<1x128x128xf32, #tpu.memory_space<vmem>>
    %dma_wait3A_46 = tpu.memref_squeeze %dma_wait3A_45 : memref<1x128x128xf32, #tpu.memory_space<vmem>> -> memref<128x128xf32, #tpu.memory_space<vmem>>
    %dma_wait3A_47 = arith.constant 0 : i32
    %dma_wait3A_48 = arith.constant 0 : i32
    %dma_wait3A_49 = tpu.memref_slice %arg3[%dma_wait3A_47, %dma_wait3A_48] : memref<100000x128xf32, #tpu.memory_space<hbm>> -> memref<128x128xf32, #tpu.memory_space<hbm>>
    %dma_wait3A_50 = tpu.memref_slice %arg7[%dma_wait3A_42] : memref<5x!tpu.dma_semaphore, #tpu.memory_space<semaphore_mem>> -> memref<1x!tpu.dma_semaphore, #tpu.memory_space<semaphore_mem>>
    %dma_wait3A_51 = tpu.memref_squeeze %dma_wait3A_50 : memref<1x!tpu.dma_semaphore, #tpu.memory_space<semaphore_mem>> -> memref<!tpu.dma_semaphore, #tpu.memory_space<semaphore_mem>>
    %dma_wait3A_52 = arith.constant 0 : i32
    %dma_wait3A_53 = arith.constant 0 : i32
    %dma_wait3A_54 = tpu.memref_slice %arg6[%dma_wait3A, %dma_wait3A_52, %dma_wait3A_53] : memref<5x128x128xf32, #tpu.memory_space<vmem>> -> memref<1x128x128xf32, #tpu.memory_space<vmem>>
    %dma_wait3A_55 = tpu.memref_squeeze %dma_wait3A_54 : memref<1x128x128xf32, #tpu.memory_space<vmem>> -> memref<128x128xf32, #tpu.memory_space<vmem>>
    %dma_wait3A_56 = arith.constant 0 : i32
    %dma_wait3A_57 = arith.constant 0 : i32
    %dma_wait3A_58 = tpu.memref_slice %arg3[%dma_wait3A_56, %dma_wait3A_57] : memref<100000x128xf32, #tpu.memory_space<hbm>> -> memref<128x128xf32, #tpu.memory_space<hbm>>
    tpu.wait_dma2 semaphore(%dma_wait3A_51 : memref<!tpu.dma_semaphore, #tpu.memory_space<semaphore_mem>>) src(%dma_wait3A_58 : memref<128x128xf32, #tpu.memory_space<hbm>>) dst(%dma_wait3A_55 : memref<128x128xf32, #tpu.memory_space<vmem>>)
    %add3A_59 = arith.constant 49 : i32
    %add3A_60 = arith.addi %mul3A_32, %add3A_59 : i32
    %dma_start3A = arith.constant 4 : i32
    %dma_start3A_61 = arith.constant 4 : i32
    %dma_start3A_62 = arith.constant 0 : i32
    %dma_start3A_63 = arith.constant 0 : i32
    %dma_start3A_64 = tpu.memref_slice %arg6[%dma_start3A, %dma_start3A_62, %dma_start3A_63] : memref<5x128x128xf32, #tpu.memory_space<vmem>> -> memref<1x128x128xf32, #tpu.memory_space<vmem>>
    %dma_start3A_65 = tpu.memref_squeeze %dma_start3A_64 : memref<1x128x128xf32, #tpu.memory_space<vmem>> -> memref<128x128xf32, #tpu.memory_space<vmem>>
    %dma_start3A_66 = arith.constant 0 : i32
    %dma_start3A_67 = tpu.memref_slice %arg4[%add3A_60, %mul3A_34, %dma_start3A_66] : memref<200x1024x128xf32, #tpu.memory_space<hbm>> -> memref<1x128x128xf32, #tpu.memory_space<hbm>>
    %dma_start3A_68 = tpu.memref_squeeze %dma_start3A_67 : memref<1x128x128xf32, #tpu.memory_space<hbm>> -> memref<128x128xf32, #tpu.memory_space<hbm>>
    %dma_start3A_69 = tpu.memref_slice %arg8[%dma_start3A_61] : memref<5x!tpu.dma_semaphore, #tpu.memory_space<semaphore_mem>> -> memref<1x!tpu.dma_semaphore, #tpu.memory_space<semaphore_mem>>
    %dma_start3A_70 = tpu.memref_squeeze %dma_start3A_69 : memref<1x!tpu.dma_semaphore, #tpu.memory_space<semaphore_mem>> -> memref<!tpu.dma_semaphore, #tpu.memory_space<semaphore_mem>>
    %dma_start3A_71 = arith.constant 0 : i32
    %dma_start3A_72 = tpu.memref_slice %arg4[%add3A_60, %mul3A_34, %dma_start3A_71] : memref<200x1024x128xf32, #tpu.memory_space<hbm>> -> memref<1x128x128xf32, #tpu.memory_space<hbm>>
    %dma_start3A_73 = tpu.memref_squeeze %dma_start3A_72 : memref<1x128x128xf32, #tpu.memory_space<hbm>> -> memref<128x128xf32, #tpu.memory_space<hbm>>
    %dma_start3A_74 = arith.constant 0 : i32
    %dma_start3A_75 = arith.constant 0 : i32
    %dma_start3A_76 = tpu.memref_slice %arg6[%dma_start3A, %dma_start3A_74, %dma_start3A_75] : memref<5x128x128xf32, #tpu.memory_space<vmem>> -> memref<1x128x128xf32, #tpu.memory_space<vmem>>
    %dma_start3A_77 = tpu.memref_squeeze %dma_start3A_76 : memref<1x128x128xf32, #tpu.memory_space<vmem>> -> memref<128x128xf32, #tpu.memory_space<vmem>>
    tpu.enqueue_dma source(%dma_start3A_77 : memref<128x128xf32, #tpu.memory_space<vmem>>) target(%dma_start3A_73 : memref<128x128xf32, #tpu.memory_space<hbm>>) target_semaphore(%dma_start3A_70 : memref<!tpu.dma_semaphore, #tpu.memory_space<semaphore_mem>>)
    %dma_wait3A_78 = arith.constant 0 : i32
    %dma_wait3A_79 = arith.constant 0 : i32
    %dma_wait3A_80 = arith.constant 0 : i32
    %dma_wait3A_81 = arith.constant 0 : i32
    %dma_wait3A_82 = arith.constant 0 : i32
    %dma_wait3A_83 = tpu.memref_slice %arg6[%dma_wait3A_78, %dma_wait3A_81, %dma_wait3A_82] : memref<5x128x128xf32, #tpu.memory_space<vmem>> -> memref<1x128x128xf32, #tpu.memory_space<vmem>>
    %dma_wait3A_84 = tpu.memref_squeeze %dma_wait3A_83 : memref<1x128x128xf32, #tpu.memory_space<vmem>> -> memref<128x128xf32, #tpu.memory_space<vmem>>
    %dma_wait3A_85 = arith.constant 0 : i32
    %dma_wait3A_86 = tpu.memref_slice %arg4[%dma_wait3A_79, %mul3A_34, %dma_wait3A_85] : memref<200x1024x128xf32, #tpu.memory_space<hbm>> -> memref<1x128x128xf32, #tpu.memory_space<hbm>>
    %dma_wait3A_87 = tpu.memref_squeeze %dma_wait3A_86 : memref<1x128x128xf32, #tpu.memory_space<hbm>> -> memref<128x128xf32, #tpu.memory_space<hbm>>
    %dma_wait3A_88 = tpu.memref_slice %arg8[%dma_wait3A_80] : memref<5x!tpu.dma_semaphore, #tpu.memory_space<semaphore_mem>> -> memref<1x!tpu.dma_semaphore, #tpu.memory_space<semaphore_mem>>
    %dma_wait3A_89 = tpu.memref_squeeze %dma_wait3A_88 : memref<1x!tpu.dma_semaphore, #tpu.memory_space<semaphore_mem>> -> memref<!tpu.dma_semaphore, #tpu.memory_space<semaphore_mem>>
    %dma_wait3A_90 = arith.constant 0 : i32
    %dma_wait3A_91 = tpu.memref_slice %arg4[%dma_wait3A_79, %mul3A_34, %dma_wait3A_90] : memref<200x1024x128xf32, #tpu.memory_space<hbm>> -> memref<1x128x128xf32, #tpu.memory_space<hbm>>
    %dma_wait3A_92 = tpu.memref_squeeze %dma_wait3A_91 : memref<1x128x128xf32, #tpu.memory_space<hbm>> -> memref<128x128xf32, #tpu.memory_space<hbm>>
    %dma_wait3A_93 = arith.constant 0 : i32
    %dma_wait3A_94 = arith.constant 0 : i32
    %dma_wait3A_95 = tpu.memref_slice %arg6[%dma_wait3A_78, %dma_wait3A_93, %dma_wait3A_94] : memref<5x128x128xf32, #tpu.memory_space<vmem>> -> memref<1x128x128xf32, #tpu.memory_space<vmem>>
    %dma_wait3A_96 = tpu.memref_squeeze %dma_wait3A_95 : memref<1x128x128xf32, #tpu.memory_space<vmem>> -> memref<128x128xf32, #tpu.memory_space<vmem>>
    tpu.wait_dma2 semaphore(%dma_wait3A_89 : memref<!tpu.dma_semaphore, #tpu.memory_space<semaphore_mem>>) src(%dma_wait3A_96 : memref<128x128xf32, #tpu.memory_space<vmem>>) dst(%dma_wait3A_92 : memref<128x128xf32, #tpu.memory_space<hbm>>)
    %dma_wait3A_97 = arith.constant 1 : i32
    %dma_wait3A_98 = arith.constant 0 : i32
    %dma_wait3A_99 = arith.constant 1 : i32
    %dma_wait3A_100 = arith.constant 0 : i32
    %dma_wait3A_101 = arith.constant 0 : i32
    %dma_wait3A_102 = tpu.memref_slice %arg6[%dma_wait3A_97, %dma_wait3A_100, %dma_wait3A_101] : memref<5x128x128xf32, #tpu.memory_space<vmem>> -> memref<1x128x128xf32, #tpu.memory_space<vmem>>
    %dma_wait3A_103 = tpu.memref_squeeze %dma_wait3A_102 : memref<1x128x128xf32, #tpu.memory_space<vmem>> -> memref<128x128xf32, #tpu.memory_space<vmem>>
    %dma_wait3A_104 = arith.constant 0 : i32
    %dma_wait3A_105 = tpu.memref_slice %arg4[%dma_wait3A_98, %mul3A_34, %dma_wait3A_104] : memref<200x1024x128xf32, #tpu.memory_space<hbm>> -> memref<1x128x128xf32, #tpu.memory_space<hbm>>
    %dma_wait3A_106 = tpu.memref_squeeze %dma_wait3A_105 : memref<1x128x128xf32, #tpu.memory_space<hbm>> -> memref<128x128xf32, #tpu.memory_space<hbm>>
    %dma_wait3A_107 = tpu.memref_slice %arg8[%dma_wait3A_99] : memref<5x!tpu.dma_semaphore, #tpu.memory_space<semaphore_mem>> -> memref<1x!tpu.dma_semaphore, #tpu.memory_space<semaphore_mem>>
    %dma_wait3A_108 = tpu.memref_squeeze %dma_wait3A_107 : memref<1x!tpu.dma_semaphore, #tpu.memory_space<semaphore_mem>> -> memref<!tpu.dma_semaphore, #tpu.memory_space<semaphore_mem>>
    %dma_wait3A_109 = arith.constant 0 : i32
    %dma_wait3A_110 = tpu.memref_slice %arg4[%dma_wait3A_98, %mul3A_34, %dma_wait3A_109] : memref<200x1024x128xf32, #tpu.memory_space<hbm>> -> memref<1x128x128xf32, #tpu.memory_space<hbm>>
    %dma_wait3A_111 = tpu.memref_squeeze %dma_wait3A_110 : memref<1x128x128xf32, #tpu.memory_space<hbm>> -> memref<128x128xf32, #tpu.memory_space<hbm>>
    %dma_wait3A_112 = arith.constant 0 : i32
    %dma_wait3A_113 = arith.constant 0 : i32
    %dma_wait3A_114 = tpu.memref_slice %arg6[%dma_wait3A_97, %dma_wait3A_112, %dma_wait3A_113] : memref<5x128x128xf32, #tpu.memory_space<vmem>> -> memref<1x128x128xf32, #tpu.memory_space<vmem>>
    %dma_wait3A_115 = tpu.memref_squeeze %dma_wait3A_114 : memref<1x128x128xf32, #tpu.memory_space<vmem>> -> memref<128x128xf32, #tpu.memory_space<vmem>>
    tpu.wait_dma2 semaphore(%dma_wait3A_108 : memref<!tpu.dma_semaphore, #tpu.memory_space<semaphore_mem>>) src(%dma_wait3A_115 : memref<128x128xf32, #tpu.memory_space<vmem>>) dst(%dma_wait3A_111 : memref<128x128xf32, #tpu.memory_space<hbm>>)
    %dma_wait3A_116 = arith.constant 2 : i32
    %dma_wait3A_117 = arith.constant 0 : i32
    %dma_wait3A_118 = arith.constant 2 : i32
    %dma_wait3A_119 = arith.constant 0 : i32
    %dma_wait3A_120 = arith.constant 0 : i32
    %dma_wait3A_121 = tpu.memref_slice %arg6[%dma_wait3A_116, %dma_wait3A_119, %dma_wait3A_120] : memref<5x128x128xf32, #tpu.memory_space<vmem>> -> memref<1x128x128xf32, #tpu.memory_space<vmem>>
    %dma_wait3A_122 = tpu.memref_squeeze %dma_wait3A_121 : memref<1x128x128xf32, #tpu.memory_space<vmem>> -> memref<128x128xf32, #tpu.memory_space<vmem>>
    %dma_wait3A_123 = arith.constant 0 : i32
    %dma_wait3A_124 = tpu.memref_slice %arg4[%dma_wait3A_117, %mul3A_34, %dma_wait3A_123] : memref<200x1024x128xf32, #tpu.memory_space<hbm>> -> memref<1x128x128xf32, #tpu.memory_space<hbm>>
    %dma_wait3A_125 = tpu.memref_squeeze %dma_wait3A_124 : memref<1x128x128xf32, #tpu.memory_space<hbm>> -> memref<128x128xf32, #tpu.memory_space<hbm>>
    %dma_wait3A_126 = tpu.memref_slice %arg8[%dma_wait3A_118] : memref<5x!tpu.dma_semaphore, #tpu.memory_space<semaphore_mem>> -> memref<1x!tpu.dma_semaphore, #tpu.memory_space<semaphore_mem>>
    %dma_wait3A_127 = tpu.memref_squeeze %dma_wait3A_126 : memref<1x!tpu.dma_semaphore, #tpu.memory_space<semaphore_mem>> -> memref<!tpu.dma_semaphore, #tpu.memory_space<semaphore_mem>>
    %dma_wait3A_128 = arith.constant 0 : i32
    %dma_wait3A_129 = tpu.memref_slice %arg4[%dma_wait3A_117, %mul3A_34, %dma_wait3A_128] : memref<200x1024x128xf32, #tpu.memory_space<hbm>> -> memref<1x128x128xf32, #tpu.memory_space<hbm>>
    %dma_wait3A_130 = tpu.memref_squeeze %dma_wait3A_129 : memref<1x128x128xf32, #tpu.memory_space<hbm>> -> memref<128x128xf32, #tpu.memory_space<hbm>>
    %dma_wait3A_131 = arith.constant 0 : i32
    %dma_wait3A_132 = arith.constant 0 : i32
    %dma_wait3A_133 = tpu.memref_slice %arg6[%dma_wait3A_116, %dma_wait3A_131, %dma_wait3A_132] : memref<5x128x128xf32, #tpu.memory_space<vmem>> -> memref<1x128x128xf32, #tpu.memory_space<vmem>>
    %dma_wait3A_134 = tpu.memref_squeeze %dma_wait3A_133 : memref<1x128x128xf32, #tpu.memory_space<vmem>> -> memref<128x128xf32, #tpu.memory_space<vmem>>
    tpu.wait_dma2 semaphore(%dma_wait3A_127 : memref<!tpu.dma_semaphore, #tpu.memory_space<semaphore_mem>>) src(%dma_wait3A_134 : memref<128x128xf32, #tpu.memory_space<vmem>>) dst(%dma_wait3A_130 : memref<128x128xf32, #tpu.memory_space<hbm>>)
    %dma_wait3A_135 = arith.constant 3 : i32
    %dma_wait3A_136 = arith.constant 0 : i32
    %dma_wait3A_137 = arith.constant 3 : i32
    %dma_wait3A_138 = arith.constant 0 : i32
    %dma_wait3A_139 = arith.constant 0 : i32
    %dma_wait3A_140 = tpu.memref_slice %arg6[%dma_wait3A_135, %dma_wait3A_138, %dma_wait3A_139] : memref<5x128x128xf32, #tpu.memory_space<vmem>> -> memref<1x128x128xf32, #tpu.memory_space<vmem>>
    %dma_wait3A_141 = tpu.memref_squeeze %dma_wait3A_140 : memref<1x128x128xf32, #tpu.memory_space<vmem>> -> memref<128x128xf32, #tpu.memory_space<vmem>>
    %dma_wait3A_142 = arith.constant 0 : i32
    %dma_wait3A_143 = tpu.memref_slice %arg4[%dma_wait3A_136, %mul3A_34, %dma_wait3A_142] : memref<200x1024x128xf32, #tpu.memory_space<hbm>> -> memref<1x128x128xf32, #tpu.memory_space<hbm>>
    %dma_wait3A_144 = tpu.memref_squeeze %dma_wait3A_143 : memref<1x128x128xf32, #tpu.memory_space<hbm>> -> memref<128x128xf32, #tpu.memory_space<hbm>>
    %dma_wait3A_145 = tpu.memref_slice %arg8[%dma_wait3A_137] : memref<5x!tpu.dma_semaphore, #tpu.memory_space<semaphore_mem>> -> memref<1x!tpu.dma_semaphore, #tpu.memory_space<semaphore_mem>>
    %dma_wait3A_146 = tpu.memref_squeeze %dma_wait3A_145 : memref<1x!tpu.dma_semaphore, #tpu.memory_space<semaphore_mem>> -> memref<!tpu.dma_semaphore, #tpu.memory_space<semaphore_mem>>
    %dma_wait3A_147 = arith.constant 0 : i32
    %dma_wait3A_148 = tpu.memref_slice %arg4[%dma_wait3A_136, %mul3A_34, %dma_wait3A_147] : memref<200x1024x128xf32, #tpu.memory_space<hbm>> -> memref<1x128x128xf32, #tpu.memory_space<hbm>>
    %dma_wait3A_149 = tpu.memref_squeeze %dma_wait3A_148 : memref<1x128x128xf32, #tpu.memory_space<hbm>> -> memref<128x128xf32, #tpu.memory_space<hbm>>
    %dma_wait3A_150 = arith.constant 0 : i32
    %dma_wait3A_151 = arith.constant 0 : i32
    %dma_wait3A_152 = tpu.memref_slice %arg6[%dma_wait3A_135, %dma_wait3A_150, %dma_wait3A_151] : memref<5x128x128xf32, #tpu.memory_space<vmem>> -> memref<1x128x128xf32, #tpu.memory_space<vmem>>
    %dma_wait3A_153 = tpu.memref_squeeze %dma_wait3A_152 : memref<1x128x128xf32, #tpu.memory_space<vmem>> -> memref<128x128xf32, #tpu.memory_space<vmem>>
    tpu.wait_dma2 semaphore(%dma_wait3A_146 : memref<!tpu.dma_semaphore, #tpu.memory_space<semaphore_mem>>) src(%dma_wait3A_153 : memref<128x128xf32, #tpu.memory_space<vmem>>) dst(%dma_wait3A_149 : memref<128x128xf32, #tpu.memory_space<hbm>>)
    %dma_wait3A_154 = arith.constant 4 : i32
    %dma_wait3A_155 = arith.constant 0 : i32
    %dma_wait3A_156 = arith.constant 4 : i32
    %dma_wait3A_157 = arith.constant 0 : i32
    %dma_wait3A_158 = arith.constant 0 : i32
    %dma_wait3A_159 = tpu.memref_slice %arg6[%dma_wait3A_154, %dma_wait3A_157, %dma_wait3A_158] : memref<5x128x128xf32, #tpu.memory_space<vmem>> -> memref<1x128x128xf32, #tpu.memory_space<vmem>>
    %dma_wait3A_160 = tpu.memref_squeeze %dma_wait3A_159 : memref<1x128x128xf32, #tpu.memory_space<vmem>> -> memref<128x128xf32, #tpu.memory_space<vmem>>
    %dma_wait3A_161 = arith.constant 0 : i32
    %dma_wait3A_162 = tpu.memref_slice %arg4[%dma_wait3A_155, %mul3A_34, %dma_wait3A_161] : memref<200x1024x128xf32, #tpu.memory_space<hbm>> -> memref<1x128x128xf32, #tpu.memory_space<hbm>>
    %dma_wait3A_163 = tpu.memref_squeeze %dma_wait3A_162 : memref<1x128x128xf32, #tpu.memory_space<hbm>> -> memref<128x128xf32, #tpu.memory_space<hbm>>
    %dma_wait3A_164 = tpu.memref_slice %arg8[%dma_wait3A_156] : memref<5x!tpu.dma_semaphore, #tpu.memory_space<semaphore_mem>> -> memref<1x!tpu.dma_semaphore, #tpu.memory_space<semaphore_mem>>
    %dma_wait3A_165 = tpu.memref_squeeze %dma_wait3A_164 : memref<1x!tpu.dma_semaphore, #tpu.memory_space<semaphore_mem>> -> memref<!tpu.dma_semaphore, #tpu.memory_space<semaphore_mem>>
    %dma_wait3A_166 = arith.constant 0 : i32
    %dma_wait3A_167 = tpu.memref_slice %arg4[%dma_wait3A_155, %mul3A_34, %dma_wait3A_166] : memref<200x1024x128xf32, #tpu.memory_space<hbm>> -> memref<1x128x128xf32, #tpu.memory_space<hbm>>
    %dma_wait3A_168 = tpu.memref_squeeze %dma_wait3A_167 : memref<1x128x128xf32, #tpu.memory_space<hbm>> -> memref<128x128xf32, #tpu.memory_space<hbm>>
    %dma_wait3A_169 = arith.constant 0 : i32
    %dma_wait3A_170 = arith.constant 0 : i32
    %dma_wait3A_171 = tpu.memref_slice %arg6[%dma_wait3A_154, %dma_wait3A_169, %dma_wait3A_170] : memref<5x128x128xf32, #tpu.memory_space<vmem>> -> memref<1x128x128xf32, #tpu.memory_space<vmem>>
    %dma_wait3A_172 = tpu.memref_squeeze %dma_wait3A_171 : memref<1x128x128xf32, #tpu.memory_space<vmem>> -> memref<128x128xf32, #tpu.memory_space<vmem>>
    tpu.wait_dma2 semaphore(%dma_wait3A_165 : memref<!tpu.dma_semaphore, #tpu.memory_space<semaphore_mem>>) src(%dma_wait3A_172 : memref<128x128xf32, #tpu.memory_space<vmem>>) dst(%dma_wait3A_168 : memref<128x128xf32, #tpu.memory_space<hbm>>)
    return
  }
}

module attributes {stable_mosaic.version = 14 : i64} {
  func.func @body(%arg0: i32, %arg1: i32, %arg2: memref<40x128x128xf32, #tpu.memory_space<vmem>>, %arg3: memref<40x64xf32, #tpu.memory_space<vmem>>, %arg4: memref<40x64x128xf32, #tpu.memory_space<vmem>>) attributes {dimension_semantics = [#tpu.dimension_semantics<arbitrary>, #tpu.dimension_semantics<arbitrary>], iteration_bounds = array<i64: 8, 5>, scalar_prefetch = 0 : i64, scratch_operands = 0 : i64, tpu.core_type = #tpu.core_type<tc>, window_params = [{transform_indices = @transform_0, window_bounds = array<i64: 40, 128, 128>}, {transform_indices = @transform_1, window_bounds = array<i64: 40, 64>}, {transform_indices = @transform_2, window_bounds = array<i64: 40, 64, 128>}]} {
    %get3A = arith.constant 0 : index
    %get3A_0 = arith.constant 0 : index
    %get3A_1 = arith.constant 0 : index
    %get3A_2 = vector.load %arg2[%get3A, %get3A_0, %get3A_1] : memref<40x128x128xf32, #tpu.memory_space<vmem>>, vector<40x128x128xf32>
    %slice3A = vector.extract_strided_slice %get3A_2 {offsets = [0, 0, 0], sizes = [40, 128, 64], strides = [1, 1, 1]} : vector<40x128x128xf32> to vector<40x128x64xf32>
    %transpose3A = tpu.transpose %slice3A, [0, 2, 1] : vector<40x128x64xf32> -> vector<40x64x128xf32>
    %get3A_3 = arith.constant 0 : index
    %get3A_4 = arith.constant 0 : index
    %get3A_5 = vector.load %arg3[%get3A_3, %get3A_4] : memref<40x64xf32, #tpu.memory_space<vmem>>, vector<40x64xf32>
    %broadcast_in_dim3A = vector.shape_cast %get3A_5 : vector<40x64xf32> to vector<40x64x1xf32>
    %add3A = vector.broadcast %broadcast_in_dim3A : vector<40x64x1xf32> to vector<40x64x128xf32>
    %add3A_6 = arith.addf %transpose3A, %add3A : vector<40x64x128xf32>
    %swap3A = arith.constant 0 : index
    %swap3A_7 = arith.constant 0 : index
    %swap3A_8 = arith.constant 0 : index
    %swap3A_9 = vector.load %arg4[%swap3A, %swap3A_7, %swap3A_8] : memref<40x64x128xf32, #tpu.memory_space<vmem>>, vector<40x64x128xf32>
    tpu.vector_store %arg4[%swap3A, %swap3A_7, %swap3A_8], %add3A_6 {strides = array<i32>} : memref<40x64x128xf32, #tpu.memory_space<vmem>>, vector<40x64x128xf32>,
    return
  }
  func.func @transform_0(%arg0: i32, %arg1: i32) -> (i32, i32, i32) {
    %c0_i32 = arith.constant 0 : i32
    %c0_i32_0 = arith.constant 0 : i32
    return %arg1, %arg0, %c0_i32 : i32, i32, i32
  }
  func.func @transform_1(%arg0: i32, %arg1: i32) -> (i32, i32) {
    %c0_i32 = arith.constant 0 : i32
    %c0_i32_0 = arith.constant 0 : i32
    return %arg1, %c0_i32 : i32, i32
  }
  func.func @transform_2(%arg0: i32, %arg1: i32) -> (i32, i32, i32) {
    %add3A = arith.constant 0 : i32
    %add3A_0 = arith.addi %arg0, %add3A : i32
    %c0_i32 = arith.constant 0 : i32
    %c0_i32_1 = arith.constant 0 : i32
    return %arg1, %c0_i32, %add3A_0 : i32, i32, i32
  }
}

module attributes {stable_mosaic.version = 14 : i64} {
  func.func @body(%arg0: i32, %arg1: i32, %arg2: memref<40x128x128xf32, #tpu.memory_space<vmem>>, %arg3: memref<40x64xf32, #tpu.memory_space<vmem>>, %arg4: memref<200x64x4096xf32, #tpu.memory_space<any>>, %arg5: memref<40x64x128xf32, #tpu.memory_space<vmem>>) attributes {dimension_semantics = [#tpu.dimension_semantics<arbitrary>, #tpu.dimension_semantics<arbitrary>], iteration_bounds = array<i64: 8, 5>, scalar_prefetch = 0 : i64, scratch_operands = 0 : i64, tpu.core_type = #tpu.core_type<tc>, window_params = [{transform_indices = @transform_0, window_bounds = array<i64: 40, 128, 128>}, {transform_indices = @transform_1, window_bounds = array<i64: 40, 64>}, {}, {transform_indices = @transform_3, window_bounds = array<i64: 40, 64, 128>}]} {
    %get3A = arith.constant 0 : index
    %get3A_0 = arith.constant 0 : index
    %get3A_1 = arith.constant 0 : index
    %get3A_2 = vector.load %arg2[%get3A, %get3A_0, %get3A_1] : memref<40x128x128xf32, #tpu.memory_space<vmem>>, vector<40x128x128xf32>
    %slice3A = vector.extract_strided_slice %get3A_2 {offsets = [0, 0, 0], sizes = [40, 128, 64], strides = [1, 1, 1]} : vector<40x128x128xf32> to vector<40x128x64xf32>
    %transpose3A = tpu.transpose %slice3A, [0, 2, 1] : vector<40x128x64xf32> -> vector<40x64x128xf32>
    %get3A_3 = arith.constant 0 : index
    %get3A_4 = arith.constant 0 : index
    %get3A_5 = vector.load %arg3[%get3A_3, %get3A_4] : memref<40x64xf32, #tpu.memory_space<vmem>>, vector<40x64xf32>
    %broadcast_in_dim3A = vector.shape_cast %get3A_5 : vector<40x64xf32> to vector<40x64x1xf32>
    %add3A = vector.broadcast %broadcast_in_dim3A : vector<40x64x1xf32> to vector<40x64x128xf32>
    %add3A_6 = arith.addf %transpose3A, %add3A : vector<40x64x128xf32>
    %swap3A = arith.constant 0 : index
    %swap3A_7 = arith.constant 0 : index
    %swap3A_8 = arith.constant 0 : index
    %swap3A_9 = vector.load %arg5[%swap3A, %swap3A_7, %swap3A_8] : memref<40x64x128xf32, #tpu.memory_space<vmem>>, vector<40x64x128xf32>
    tpu.vector_store %arg5[%swap3A, %swap3A_7, %swap3A_8], %add3A_6 {strides = array<i32>} : memref<40x64x128xf32, #tpu.memory_space<vmem>>, vector<40x64x128xf32>,
    return
  }
  func.func @transform_0(%arg0: i32, %arg1: i32) -> (i32, i32, i32) {
    %c0_i32 = arith.constant 0 : i32
    %c0_i32_0 = arith.constant 0 : i32
    return %arg1, %arg0, %c0_i32 : i32, i32, i32
  }
  func.func @transform_1(%arg0: i32, %arg1: i32) -> (i32, i32) {
    %c0_i32 = arith.constant 0 : i32
    %c0_i32_0 = arith.constant 0 : i32
    return %arg1, %c0_i32 : i32, i32
  }
  func.func @transform_3(%arg0: i32, %arg1: i32) -> (i32, i32, i32) {
    %add3A = arith.constant 8 : i32
    %add3A_0 = arith.addi %arg0, %add3A : i32
    %c0_i32 = arith.constant 0 : i32
    %c0_i32_1 = arith.constant 0 : i32
    return %arg1, %c0_i32, %add3A_0 : i32, i32, i32
  }
}

module attributes {stable_mosaic.version = 14 : i64} {
  func.func @body(%arg0: i32, %arg1: i32, %arg2: memref<40x128x128xf32, #tpu.memory_space<vmem>>, %arg3: memref<40x64xf32, #tpu.memory_space<vmem>>, %arg4: memref<200x64x4096xf32, #tpu.memory_space<any>>, %arg5: memref<40x64x128xf32, #tpu.memory_space<vmem>>) attributes {dimension_semantics = [#tpu.dimension_semantics<arbitrary>, #tpu.dimension_semantics<arbitrary>], iteration_bounds = array<i64: 8, 5>, scalar_prefetch = 0 : i64, scratch_operands = 0 : i64, tpu.core_type = #tpu.core_type<tc>, window_params = [{transform_indices = @transform_0, window_bounds = array<i64: 40, 128, 128>}, {transform_indices = @transform_1, window_bounds = array<i64: 40, 64>}, {}, {transform_indices = @transform_3, window_bounds = array<i64: 40, 64, 128>}]} {
    %get3A = arith.constant 0 : index
    %get3A_0 = arith.constant 0 : index
    %get3A_1 = arith.constant 0 : index
    %get3A_2 = vector.load %arg2[%get3A, %get3A_0, %get3A_1] : memref<40x128x128xf32, #tpu.memory_space<vmem>>, vector<40x128x128xf32>
    %slice3A = vector.extract_strided_slice %get3A_2 {offsets = [0, 0, 0], sizes = [40, 128, 64], strides = [1, 1, 1]} : vector<40x128x128xf32> to vector<40x128x64xf32>
    %transpose3A = tpu.transpose %slice3A, [0, 2, 1] : vector<40x128x64xf32> -> vector<40x64x128xf32>
    %get3A_3 = arith.constant 0 : index
    %get3A_4 = arith.constant 0 : index
    %get3A_5 = vector.load %arg3[%get3A_3, %get3A_4] : memref<40x64xf32, #tpu.memory_space<vmem>>, vector<40x64xf32>
    %broadcast_in_dim3A = vector.shape_cast %get3A_5 : vector<40x64xf32> to vector<40x64x1xf32>
    %add3A = vector.broadcast %broadcast_in_dim3A : vector<40x64x1xf32> to vector<40x64x128xf32>
    %add3A_6 = arith.addf %transpose3A, %add3A : vector<40x64x128xf32>
    %swap3A = arith.constant 0 : index
    %swap3A_7 = arith.constant 0 : index
    %swap3A_8 = arith.constant 0 : index
    %swap3A_9 = vector.load %arg5[%swap3A, %swap3A_7, %swap3A_8] : memref<40x64x128xf32, #tpu.memory_space<vmem>>, vector<40x64x128xf32>
    tpu.vector_store %arg5[%swap3A, %swap3A_7, %swap3A_8], %add3A_6 {strides = array<i32>} : memref<40x64x128xf32, #tpu.memory_space<vmem>>, vector<40x64x128xf32>,
    return
  }
  func.func @transform_0(%arg0: i32, %arg1: i32) -> (i32, i32, i32) {
    %c0_i32 = arith.constant 0 : i32
    %c0_i32_0 = arith.constant 0 : i32
    return %arg1, %arg0, %c0_i32 : i32, i32, i32
  }
  func.func @transform_1(%arg0: i32, %arg1: i32) -> (i32, i32) {
    %c0_i32 = arith.constant 0 : i32
    %c0_i32_0 = arith.constant 0 : i32
    return %arg1, %c0_i32 : i32, i32
  }
  func.func @transform_3(%arg0: i32, %arg1: i32) -> (i32, i32, i32) {
    %add3A = arith.constant 16 : i32
    %add3A_0 = arith.addi %arg0, %add3A : i32
    %c0_i32 = arith.constant 0 : i32
    %c0_i32_1 = arith.constant 0 : i32
    return %arg1, %c0_i32, %add3A_0 : i32, i32, i32
  }
}

module attributes {stable_mosaic.version = 14 : i64} {
  func.func @body(%arg0: i32, %arg1: i32, %arg2: memref<40x128x128xf32, #tpu.memory_space<vmem>>, %arg3: memref<40x64xf32, #tpu.memory_space<vmem>>, %arg4: memref<200x64x4096xf32, #tpu.memory_space<any>>, %arg5: memref<40x64x128xf32, #tpu.memory_space<vmem>>) attributes {dimension_semantics = [#tpu.dimension_semantics<arbitrary>, #tpu.dimension_semantics<arbitrary>], iteration_bounds = array<i64: 8, 5>, scalar_prefetch = 0 : i64, scratch_operands = 0 : i64, tpu.core_type = #tpu.core_type<tc>, window_params = [{transform_indices = @transform_0, window_bounds = array<i64: 40, 128, 128>}, {transform_indices = @transform_1, window_bounds = array<i64: 40, 64>}, {}, {transform_indices = @transform_3, window_bounds = array<i64: 40, 64, 128>}]} {
    %get3A = arith.constant 0 : index
    %get3A_0 = arith.constant 0 : index
    %get3A_1 = arith.constant 0 : index
    %get3A_2 = vector.load %arg2[%get3A, %get3A_0, %get3A_1] : memref<40x128x128xf32, #tpu.memory_space<vmem>>, vector<40x128x128xf32>
    %slice3A = vector.extract_strided_slice %get3A_2 {offsets = [0, 0, 0], sizes = [40, 128, 64], strides = [1, 1, 1]} : vector<40x128x128xf32> to vector<40x128x64xf32>
    %transpose3A = tpu.transpose %slice3A, [0, 2, 1] : vector<40x128x64xf32> -> vector<40x64x128xf32>
    %get3A_3 = arith.constant 0 : index
    %get3A_4 = arith.constant 0 : index
    %get3A_5 = vector.load %arg3[%get3A_3, %get3A_4] : memref<40x64xf32, #tpu.memory_space<vmem>>, vector<40x64xf32>
    %broadcast_in_dim3A = vector.shape_cast %get3A_5 : vector<40x64xf32> to vector<40x64x1xf32>
    %add3A = vector.broadcast %broadcast_in_dim3A : vector<40x64x1xf32> to vector<40x64x128xf32>
    %add3A_6 = arith.addf %transpose3A, %add3A : vector<40x64x128xf32>
    %swap3A = arith.constant 0 : index
    %swap3A_7 = arith.constant 0 : index
    %swap3A_8 = arith.constant 0 : index
    %swap3A_9 = vector.load %arg5[%swap3A, %swap3A_7, %swap3A_8] : memref<40x64x128xf32, #tpu.memory_space<vmem>>, vector<40x64x128xf32>
    tpu.vector_store %arg5[%swap3A, %swap3A_7, %swap3A_8], %add3A_6 {strides = array<i32>} : memref<40x64x128xf32, #tpu.memory_space<vmem>>, vector<40x64x128xf32>,
    return
  }
  func.func @transform_0(%arg0: i32, %arg1: i32) -> (i32, i32, i32) {
    %c0_i32 = arith.constant 0 : i32
    %c0_i32_0 = arith.constant 0 : i32
    return %arg1, %arg0, %c0_i32 : i32, i32, i32
  }
  func.func @transform_1(%arg0: i32, %arg1: i32) -> (i32, i32) {
    %c0_i32 = arith.constant 0 : i32
    %c0_i32_0 = arith.constant 0 : i32
    return %arg1, %c0_i32 : i32, i32
  }
  func.func @transform_3(%arg0: i32, %arg1: i32) -> (i32, i32, i32) {
    %add3A = arith.constant 24 : i32
    %add3A_0 = arith.addi %arg0, %add3A : i32
    %c0_i32 = arith.constant 0 : i32
    %c0_i32_1 = arith.constant 0 : i32
    return %arg1, %c0_i32, %add3A_0 : i32, i32, i32
  }
}

</mosaic_0001>

<sc_bundles>
// kernel: kernel.10.cloned.1.call-start
scs
__scs_entry_jumppad:
0x0: {  	(pc) =	sbr.rel $0x88, $3  }
0x1: {  	(tag) =	ssettag $0x0;
	lr =	simm.s32 $0x1  }
0x2: {  	[smem:$0x3F9F] =	sst lr;
	_ =	strace $0xD0000000  }
0x3: {  	_ = 	snop  }
0x4: {  	_ = 	snop  }
0x5: {  	_ = 	snop  }
0x6: {  	_ = 	snop  }
0x7: {  	_ = 	snop  }
__scs_overlays_trampoline_lowered:
0x8: {  	[smem:$0x3FAE] =	sst s0  }
0x9: {  	[smem:$0x3FAF] =	sst s1  }
0xa: {  	[smem:$0x3FB0] =	sst s2  }
0xb: {  	[smem:$0x3FB1] =	sst s3  }
0xc: {  	[smem:$0x3FB2] =	sst s4  }
0xd: {  	[smem:$0x3FB3] =	sst s5  }
0xe: {  	[smem:$0x3FB4] =	sst s6  }
0xf: {  	[smem:$0x3FB5] =	sst s7  }
0x10: {  	[smem:$0x3FB6] =	sst s8  }
0x11: {  	[smem:$0x3FB7] =	sst s9;
	s0 =	simm.s32 @!p0 $0x0  }
0x12: {  	s1 =	sld [smem:$0x3F9D];
	s0 =	simm.s32 @p0 $0x1  }
0x13: {  	[smem:$0x3FB8] =	sst s0;
	s0 =	simm.s32 @!p1 $0x0  }
0x14: {  	s2 =	sld [smem:$0x3F9C];
	s0 =	simm.s32 @p1 $0x1  }
0x15: {  	[smem:$0x3FB9] =	sst s0;
	s0 =	simm.s32 @!p2 $0x0  }
0x16: {  	s3 =	sld [smem:$0x3FDB];
	s0 =	simm.s32 @p2 $0x1  }
0x17: {  	s4 =	simm.s32 $0x1BF5;
	[smem:$0x3FBB] =	sst s0  }
0x18: {  	s0 =	sld [smem:$0x3F9E];
	_ =	swait.ge [sflag:s4], $0x0  }
0x19: {  	s7 =	sld [smem:$0x3F9F]  }
0x1a: {  	s8 =	sadd.s32 $0xFFFFE003, lr  }
0x1b: {  	s9 =	sadd.s32 $0xFFFFFEF7, lr;
	s5 =	simm.s32 $0xFFFFFFFF;
	p2 =	slt.u32 s8, $0xFFFFF086  }
0x1c: {  	p1 =	slt.u32 s9, $0xF7A;
	s5 =	simm.s32 @!p2 $0x0  }
0x1d: {  	s5 =	simm.s32 @p1 $0x1;
	p0 =	seq.s32 s7, s2  }
0x1e: {  	s7 =	smul.u32 @!p0 $0xF7A, s2;
	p2 =	seq.s32 @!p0 s5, $0x0  }
0x1f: {  	s9 =	smul.u32 $0xF7A, s1;
	s8 =	simm.s32 @!p0 $0x1BF5;
	p2 =	por !p2, p0  }
0x20: {  	[sflag:s8] =	ssyncset.s32 @!p0 $0xFFFFF086;
	s6 =	sadd.s32 @!p0 s3, s7;
	s7 =	simm.s32 @!p0 $0x108  }
0x21: {  	s3 =	sadd.s32 s3, s9;
	s6 =	sadd.s32 @!p0 $0x88, s6;
	s7 =	simm.s32 @p2 $0x1082  }
0x22: {  	[simem:s7], [sflag:s8] =	dma.local @!p0 [hbm:s6], $0xF7A  }
0x23: {  	s9 =	sor.u32 $0xD0000000, s2;
	s6 =	simm.s32 $0x108;
	_ =	swait.ge @!p0 [sflag:s8], $0x0  }
0x24: {  	s3 =	sadd.s32 $0x88, s3;
	s6 =	simm.s32 @!p1 $0x1082;
	[sflag:s4] =	ssyncset.s32 $0xFFFFF086  }
0x25: {  	[simem:s6], [sflag:s4] =	dma.local [hbm:s3], $0xF7A  }
0x26: {  	[smem:$0x3F9F] =	sst s1;
	(tag) =	ssettag s2;
	_ =	strace s9  }
0x27: {  	s1 =	sld [smem:$0x3FAF]  }
0x28: {  	s2 =	sld [smem:$0x3FB0]  }
0x29: {  	s4 =	sld [smem:$0x3FB2]  }
0x2a: {  	p0 =	seq.s32 s5, $0x0;
	s5 =	sld [smem:$0x3FB3]  }
0x2b: {  	s6 =	sld [smem:$0x3FB4]  }
0x2c: {  	s7 =	sld [smem:$0x3FB5]  }
0x2d: {  	s3 =	simm.s32 $0x108;
	s8 =	sld [smem:$0x3FB6]  }
0x2e: {  	s3 =	simm.s32 @!p0 $0x1082;
	s9 =	sld [smem:$0x3FB7]  }
0x2f: {  	lr =	sadd.s32 s0, s3;
	s0 =	sld [smem:$0x3FAE]  }
0x30: {  	s3 =	sld [smem:$0x3FB1]  }
0x31: {  	[smem:$0x3FBA] =	sst s10  }
0x32: {  	s10 =	sld [smem:$0x3FB8];
	_ =	sdelay $0x3  }
0x33: {  	p0 =	seq.s32 s10, $0x1;
	s10 =	sld [smem:$0x3FBA];
	_ =	sdelay $0x3  }
0x34: {  	[smem:$0x3FBA] =	sst s10  }
0x35: {  	s10 =	sld [smem:$0x3FB9];
	_ =	sdelay $0x3  }
0x36: {  	p1 =	seq.s32 s10, $0x1;
	s10 =	sld [smem:$0x3FBA];
	_ =	sdelay $0x3  }
0x37: {  	[smem:$0x3FBA] =	sst s10  }
0x38: {  	s10 =	sld [smem:$0x3FBB]  }
0x39: {  	_ = 	snop;
	(pc) =	sbr.ind lr, $3  }
0x3a: {  	_ = 	snop  }
0x3b: {  	_ = 	snop  }
0x3c: {  	p2 =	seq.s32 s10, $0x1;
	s10 =	sld [smem:$0x3FBA]  }
0x3d: {  	_ =	shalt  }
0x3e: {  	_ =	shalt  }
0x3f: {  	_ =	shalt  }
0x40: {  	_ =	shalt  }
0x41: {  	_ =	shalt  }
0x42: {  	_ =	shalt  }
0x43: {  	_ =	shalt  }
0x44: {  	_ =	shalt  }
0x45: {  	_ =	shalt  }
0x46: {  	_ =	shalt  }
0x47: {  	_ =	shalt  }
0x48: {  	_ =	shalt  }
0x49: {  	_ =	shalt  }
0x4a: {  	_ =	shalt  }
0x4b: {  	_ =	shalt  }
0x4c: {  	_ =	shalt  }
0x4d: {  	_ =	shalt  }
0x4e: {  	_ =	shalt  }
0x4f: {  	_ =	shalt  }
0x50: {  	_ =	shalt  }
0x51: {  	_ =	shalt  }
0x52: {  	_ =	shalt  }
0x53: {  	_ =	shalt  }
0x54: {  	_ =	shalt  }
0x55: {  	_ =	shalt  }
0x56: {  	_ =	shalt  }
0x57: {  	_ =	shalt  }
0x58: {  	_ =	shalt  }
0x59: {  	_ =	shalt  }
0x5a: {  	_ =	shalt  }
0x5b: {  	_ =	shalt  }
0x5c: {  	_ =	shalt  }
0x5d: {  	_ =	shalt  }
0x5e: {  	_ =	shalt  }
0x5f: {  	_ =	shalt  }
0x60: {  	_ =	shalt  }
0x61: {  	_ =	shalt  }
0x62: {  	_ =	shalt  }
0x63: {  	_ =	shalt  }
0x64: {  	_ =	shalt  }
0x65: {  	_ =	shalt  }
0x66: {  	_ =	shalt  }
0x67: {  	_ =	shalt  }
0x68: {  	_ =	shalt  }
0x69: {  	_ =	shalt  }
0x6a: {  	_ =	shalt  }
0x6b: {  	_ =	shalt  }
0x6c: {  	_ =	shalt  }
0x6d: {  	_ =	shalt  }
0x6e: {  	_ =	shalt  }
0x6f: {  	_ =	shalt  }
0x70: {  	_ =	shalt  }
0x71: {  	_ =	shalt  }
0x72: {  	_ =	shalt  }
0x73: {  	_ =	shalt  }
0x74: {  	_ =	shalt  }
0x75: {  	_ =	shalt  }
0x76: {  	_ =	shalt  }
0x77: {  	_ =	shalt  }
0x78: {  	_ =	shalt  }
0x79: {  	_ =	shalt  }
0x7a: {  	_ =	shalt  }
0x7b: {  	_ =	shalt  }
0x7c: {  	_ =	shalt  }
0x7d: {  	_ =	shalt  }
0x7e: {  	_ =	shalt  }
0x7f: {  	_ =	shalt  }
0x80: {  	_ =	shalt  }
0x81: {  	_ =	shalt  }
0x82: {  	_ =	shalt  }
0x83: {  	_ =	shalt  }
0x84: {  	_ =	shalt  }
0x85: {  	_ =	shalt  }
0x86: {  	_ =	shalt  }
0x87: {  	_ =	shalt  }
.Lfunc_end0:
.L_simem_size_0:
called_computation_lowered:
.L_overlay_start_0:
0x88: {  	s2 =	sld [smem:$0x3FD9]  }
0x89: {  	s3 =	sld [smem:$0x3FFE];
	_ =	sdelay $0x1  }
0x8a: {  	s1 =	srdreg.scid  }
0x8b: {  	s0 =	sand.u32 $0x1, s1  }
0x8c: {  	s16 =	sshll.u32 s0, $0xA;
	s2 =	sadd.s32 s3, s2  }
0x8d: {  	s2 =	sadd.s32 s2, s16  }
0x8e: {  	[smem:$0x3FC6] =	sst s2  }
0x8f: {  	_ = 	snop  }
0x90: {  	(tm) =	ssettm $0x1  }
0x91: {  	s17 =	sld [smem:$0x3FFB];
	_ =	sdelay $0x3  }
0x92: {  	_ =	strace s17  }
0x93: {  	s2 =	sld [smem:$0x3FFC];
	_ =	sdelay $0x3  }
0x94: {  	_ =	strace s2  }
0x95: {  	s2 =	sld [smem:$0x3FFD];
	_ =	sdelay $0x3  }
0x96: {  	_ =	strace s2  }
0x97: {  	_ =	strace $0x8FFFFFFF  }
0x98: {  	s18 =	sld [smem:$0x3FDB];
	_ =	sdelay $0x1  }
0x99: {  	s19 =	simm.s32 $_scs_section_size  }
0x9a: {  	s4 =	simm.s32 $_size__tile_overlayer_lowered;
	s5 =	simm.s32 $_tile_overlayer_lowered  }
0x9b: {  	s22 =	simm.s32 $0x1BFF;
	s21 =	sshll.u32 s5, $0x1;
	s2 =	sadd.s32 s19, s18  }
0x9c: {  	s6 =	simm.s32 $0x0;
	s20 =	sshll.u32 s4, $0x1;
	s4 =	sadd.s32 s21, s2  }
0x9d: {  	[timem:s6], [sflag:s22] =	dma.local [hbm:s4], s20  }
0x9e: {  	_ =	swait.ge [sflag:s22], s20  }
0x9f: {  	s3 =	ssub.s32 $0x0, s20;
	[sflag:s22] =	ssyncset.done $0x0  }
0xa0: {  	[sflag:s22] =	ssyncadd.s32 s3;
	_ =	sdelay $0x1  }
0xa1: {  	s23 =	simm.s32 $0x1B8B  }
0xa2: {  	_ =	swait.ge [sflag:s23], $0x1  }
0xa3: {  	[sflag:s23] =	ssyncset.done $0x0  }
0xa4: {  	s25 =	simm.s32 $0x1B8E;
	s24 =	sld [smem:$0x3FFE];
	[sflag:s23] =	ssyncadd.s32 $0xFFFFFFFF  }
0xa5: {  	s26 =	simm.s32 $execute0_lowered;
	[smem:$0x3FD2] =	sst s25  }
0xa6: {  	s4 =	sshll.u32 s26, $0x1;
	_ =	strace $0x80000046;
	[dreg:$0x1] =	wrdreg $0xFFFFFFFF  }
0xa7: {  	s28 =	simm.s32 $_size_execute0_lowered;
	s2 =	sadd.s32 s2, s4;
	[dreg:$0x0] =	wrdreg $0x0  }
0xa8: {  	s4 =	sshll.u32 s28, $0x1;
	[dreg:$0x2] =	wrdreg s2  }
0xa9: {  	[dreg:$0x3] =	wrdreg s4  }
0xaa: {  	[dreg:$0x4] =	wrdreg $0xC0  }
0xab: {  	_ =	task [dreg:s6], $0x5FFFF  }
0xac: {  	[dreg:$0x1] =	wrdreg $0xFFFFFFFF  }
0xad: {  	[dreg:$0x0] =	wrdreg $0x60  }
0xae: {  	[dreg:$0x2] =	wrdreg s24  }
0xaf: {  	[dreg:$0x3] =	wrdreg $0x9  }
0xb0: {  	_ =	task.clear_ibuf [dreg:s6], $0x4FFFF;
	_ =	strace $0x90000046  }
0xb1: {  	s29 =	simm.s32 $0x9;
	_ =	strace $0x80000048  }
0xb2: {  	_ =	swait.ge [sflag:s29], $0x1  }
0xb3: {  	[sflag:s29] =	ssyncadd.s32 $0xFFFFFFFF  }
0xb4: {  	_ =	strace $0x90000048  }
0xb5: {  	_ =	sfence  }
0xb6: {  	s30 =	sld [smem:$0x0];
	_ =	sdelay $0x2  }
0xb7: {  	s31 =	sshll.u32 s1, $0xD;
	s1 =	sshrl.u32 s1, $0x2  }
0xb8: {  	s3 =	sand.u32 $0x4000, s31;
	s1 =	sadd.s32 s1, s30  }
0xb9: {  	s0 =	sor.u32 s3, s0;
	s1 =	sshll.u32 s1, $0x11  }
0xba: {  	s0 =	sor.u32 s1, s0  }
0xbb: {  	s0 =	sadd.s32 $0x8F2B, s0  }
0xbc: {  	[sflag:s0] =	ssyncadd.remote.s32 $0x1  }
0xbd: {  	_ =	sfence.sel $0xFFFF  }
0xbe: {  	[dreg:$0x0] =	wrdreg $0xFFFFFFFF;
	(pc) =	sbr.abs _section_cstart, $3  }
0xbf: {  	[dreg:$0x1] =	wrdreg $0xFFFFFFFF  }
0xc0: {  	_ =	task.clear_ibuf [dreg:s6], $0x2FFFF;
	_ =	strace $0x9FFFFFFF  }
0xc1: {  	(tm) =	ssettm $0x7FFFFFFF  }
tec
execute0_lowered:
.L_overlay_start_1:
0x0: {  	(tag) =	ssettag $0x1  }
0x1: {  	s11 =	stileid.u32  }
0x2: {  	s0 =	srdreg.scid;
	s4 =	rddreg [dreg:$0x0]  }
0x3: {  	s2 =	simm.s32 $0x0;
	s15 =	simm.s32 $0x80;
	s31 =	simm.s32 $0x6400  }
0x4: {  	s17 =	simm.s32 $0x1;
	s19 =	simm.s32 $0x2;
	s20 =	simm.s32 $0x12400  }
0x5: {  	s18 =	simm.s32 $0x16400;
	s1 =	sshll.u32 s11, $0x1;
	s8 =	sshrl.u32 s11, $0x2  }
0x6: {  	s0 =	sand.u32 $0x1, s0;
	[smem:$0x7FF] =	sst s2;
	s5 =	smul.u32 $0x32, s8  }
0x7: {  	s11 =	sand.u32 $0x3, s11;
	s1 =	sand.u32 $0x6, s1;
	s10 =	smul.u32 $0x640000, s8  }
0x8: {  	_ =	strace $0x80000047;
	s6 =	ssub.s32 $0x2, s0;
	s21 =	smul.u32 $0x6400, s8  }
0x9: {  	s22 =	sshll.u32 s11, $0xF;
	[dreg:$0x2] =	wrdreg s31;
	s1 =	sor.u32 s0, s1  }
0xa: {  	s9 =	sshrl.u32 s6, $0x1;
	s0 =	sshll.u32 s0, $0xE;
	s3 =	smul.u32 $0xC80, s1  }
0xb: {  	s9 =	ssub.s32 s6, s9;
	s6 =	sshll.u32 s1, $0xE;
	s8 =	sor.u32 s22, s10  }
0xc: {  	s23 =	sor.u32 s6, s10;
	s0 =	sor.u32 s0, s8;
	s8 =	sshrl.u32 s21, $0x2  }
0xd: {  	s9 =	smax.u32 s9, $0x1;
	s7 =	sadd.s32 s3, s4;
	s3 =	sadd.s32 $0x1A600, s4  }
0xe: {  	s4 =	sadd.s32 $0x1A1000, s4;
	s24 =	sadd.s32 $0x620000, s23;
	s26 =	sadd.s32 $0x60000, s0  }
0xf: {  	s29 =	sadd.s32 $0x40000, s0;
	[dreg:$0x5] =	wrdreg s9;
	s0 =	sadd.s32 $0xFFFE0000, s0  }
0x10: {  	s7 =	sadd.s32 $0x1600, s7;
	s25 =	sshrl.u32 s24, $0x3;
	[dreg:$0x8] =	wrdreg s0  }
0x11: {  	s28 =	sshrl.u32 s26, $0x3;
	[dreg:$0x3] =	wrdreg s7;
	s1 =	sadd.s32 s4, s25  }
0x12: {  	s30 =	sshrl.u32 s29, $0x3;
	[dreg:$0x4] =	wrdreg s1;
	s1 =	sadd.s32 s28, s4  }
0x13: {  	s21 =	simm.s32 $0x3;
	[dreg:$0x6] =	wrdreg s1;
	s1 =	sadd.s32 s30, s4  }
0x14: {  	s23 =	simm.s32 $0x4;
	s7 =	simm.s32 $0x0;
	[dreg:$0x7] =	wrdreg s1  }
.LBB2_1:
0x15: {  	[dreg:$0x9] =	wrdreg s7  }
0x16: {  	s0 =	rddreg [dreg:$0x3];
	s22 =	simm.s32 $0xB;
	p0 =	por $0x0, $0x0  }
0x17: {  	s7 =	simm.s32 $0x1;
	s11 =	smov.u32 s5;
	s14 =	simm.s32 $0xA400  }
0x18: {  	[tilespmem:s2], [sflag:$0xB] =	stream.linear.gather [hbm4b:s0+s2], $0x6400, $0x38;
	[tilespmem:$0x1A400] =	vst v63  }
0x19: {  	s31 =	sadd.s32 $0x0, s8;
	s16 =	simm.s32 $0xE400;
	p1 =	por p0, p0  }
0x1a: {  	s1 =	sadd.s32 @p0 $0x0, s8;
	s7 =	simm.s32 @!p0 $0x1;
	_ =	swait.ge [sflag:s22], $0x6400  }
0x1b: {  	s0 =	simm.s32 @p1 $0x6;
	s9 =	simm.s32 @p1 $0x5;
	[sflag:s22] =	ssyncset.done $0x0  }
0x1c: {  	s24 =	sadd.s32 s5, s7;
	s7 =	sadd.s32 @p0 $0x1, s5;
	[sflag:s22] =	ssyncadd.s32 $0xFFFF9C00  }
0x1d: {  	s10 =	simm.s32 @p1 $0x6400;
	s7 =	sadd.s32 @p0 $0xFFFFFFFF, s7;
	_ =	swait.ge @p1 [sflag:s0], $0x4000  }
0x1e: {  	s25 =	sshll.u32 s24, $0x7;
	s11 =	smov.u32 @p0 s7;
	[sflag:s0] =	ssyncset.done @p1 $0x0  }
0x1f: {  	s12 =	rddreg [dreg:$0x8];
	[sflag:s0] =	ssyncadd.s32 @p1 $0xFFFFC000;
	s0 =	simm.s32 @p1 $0x80  }
0x20: {  	[tilespmem:s10], [sflag:$0x1] =	stream.indirect.gather @p1 [hbm4b:s3+s0], $0x80, s1, s0, $0xb8;
	[tilespmem:$0x1A400] =	vst v63  }
0x21: {  	s26 =	sand.u32 $0x3FFFFF80, s25;
	s0 =	sshrl.u32 @p0 s12, $0x3;
	_ =	swait.ge @p1 [sflag:s9], $0x4000  }
0x22: {  	s1 =	simm.s32 @p1 $0x7;
	s10 =	simm.s32 @p1 $0x16400;
	[sflag:s9] =	ssyncset.done @p1 $0x0  }
0x23: {  	s0 =	sadd.s32 @p0 s4, s0;
	[sflag:s9] =	ssyncadd.s32 @p1 $0xFFFFC000;
	s9 =	simm.s32 @p1 $0x0  }
0x24: {  	[hbm4b:s0+s9] =	stream.linear.scatter @p1 [tilespmem:s10], [sflag:$0xA], $0x4000, $0x38;
	[tilespmem:$0x1A400] =	vst v63  }
0x25: {  	s29 =	sshll.u32 s11, $0x11;
	s11 =	sadd.s32 $0xA0000, s12;
	_ =	swait.ge @p1 [sflag:s1], $0x4000  }
0x26: {  	s12 =	sadd.s32 $0x200, s31;
	s10 =	simm.s32 @!p1 $0x6400;
	[sflag:s1] =	ssyncset.done @p1 $0x0  }
0x27: {  	s0 =	sshll.u32 s24, $0x11;
	[sflag:s1] =	ssyncadd.s32 @p1 $0xFFFFC000;
	s1 =	simm.s32 @!p1 $0x80  }
0x28: {  	[tilespmem:s10], [sflag:$0x1] =	stream.indirect.gather @!p1 [hbm4b:s3+s1], $0x80, s8, s1, $0xb8;
	[tilespmem:$0x1A400] =	vst v63  }
0x29: {  	s28 =	sadd.s32 $0xA0000, s11;
	p0 =	por $0x1, $0x1;
	s0 =	sor.u32 s6, s0  }
0x2a: {  	[tilespmem:s14], [sflag:$0x2] =	stream.indirect.gather [hbm4b:s3+s15], $0x80, s26, s15, $0xb8;
	[tilespmem:$0x1A400] =	vst v63  }
0x2b: {  	s1 =	sor.u32 s6, s29;
	p1 =	por $0x1, $0x1;
	_ =	swait.ge [sflag:s17], $0x4000  }
0x2c: {  	s1 =	sshrl.u32 s1, $0x3;
	s7 =	simm.s32 @!p1 $0x8;
	[sflag:s17] =	ssyncset.done $0x0  }
0x2d: {  	s1 =	sadd.s32 s4, s1;
	s30 =	rddreg [dreg:$0x2];
	[sflag:s17] =	ssyncadd.s32 $0xFFFFC000  }
0x2e: {  	[hbm4b:s1+s2] =	stream.linear.scatter [tilespmem:s30], [sflag:$0x6], $0x4000, $0x38;
	[tilespmem:$0x1A400] =	vst v63  }
0x2f: {  	s9 =	simm.s32 $0x6;
	s0 =	sshrl.u32 s0, $0x3;
	_ =	swait.ge @!p1 [sflag:s7], $0x4000  }
0x30: {  	s9 =	simm.s32 @!p0 $0x1;
	s0 =	sadd.s32 s4, s0;
	[sflag:s7] =	ssyncset.done @!p1 $0x0  }
0x31: {  	s10 =	simm.s32 $0x1400;
	s26 =	sadd.s32 $0x100, s31;
	[sflag:s7] =	ssyncadd.s32 @!p1 $0xFFFFC000  }
0x32: {  	[tilespmem:s16], [sflag:$0x3] =	stream.indirect.gather [hbm4b:s3+s15], $0x80, s26, s15, $0xb8;
	[tilespmem:$0x1A400] =	vst v63  }
0x33: {  	s29 =	sadd.s32 s5, s9;
	s13 =	simm.s32 @!p1 $0x9;
	_ =	swait.ge [sflag:s19], $0x4000  }
0x34: {  	s1 =	simm.s32 $0xA00;
	s30 =	sadd.s32 $0x180, s31;
	[sflag:s19] =	ssyncset.done $0x0  }
0x35: {  	s7 =	sshrl.u32 @p0 s11, $0x3;
	s26 =	sadd.s32 @p0 $0x280, s8;
	[sflag:s19] =	ssyncadd.s32 $0xFFFFC000  }
0x36: {  	[hbm4b:s0+s2] =	stream.linear.scatter [tilespmem:s14], [sflag:$0x7], $0x4000, $0x38;
	[tilespmem:$0x1A400] =	vst v63  }
0x37: {  	s25 =	sadd.s32 @p0 s4, s7;
	s7 =	sadd.s32 @p0 $0x6, s5;
	_ =	swait.ge @!p1 [sflag:s13], $0x4000  }
0x38: {  	s7 =	sadd.s32 @p0 $0xFFFFFFFF, s7;
	s14 =	sshll.u32 s29, $0x7;
	[sflag:s13] =	ssyncset.done @!p1 $0x0  }
0x39: {  	s0 =	sshll.u32 s29, $0x11;
	[sflag:s13] =	ssyncadd.s32 @!p1 $0xFFFFC000;
	s13 =	smov.u32 s5  }
0x3a: {  	[tilespmem:s20], [sflag:$0x4] =	stream.indirect.gather [hbm4b:s3+s15], $0x80, s30, s15, $0xb8;
	[tilespmem:$0x1A400] =	vst v63  }
0x3b: {  	s0 =	sor.u32 s6, s0;
	s13 =	smov.u32 @p0 s7;
	_ =	swait.ge [sflag:s21], $0x4000  }
0x3c: {  	s9 =	sshrl.u32 s0, $0x3;
	s7 =	sshll.u32 s13, $0x11;
	[sflag:s21] =	ssyncset.done $0x0  }
0x3d: {  	s13 =	simm.s32 @!p1 $0xA;
	s22 =	rddreg [dreg:$0x7];
	[sflag:s21] =	ssyncadd.s32 $0xFFFFC000  }
0x3e: {  	[hbm4b:s22+s2] =	stream.linear.scatter [tilespmem:s16], [sflag:$0x8], $0x4000, $0x38;
	[tilespmem:$0x1A400] =	vst v63  }
0x3f: {  	p0 =	por p0, p0;
	s7 =	sor.u32 s6, s7;
	_ =	swait.ge @!p1 [sflag:s13], $0x4000  }
0x40: {  	s24 =	sshrl.u32 s7, $0x3;
	s7 =	sadd.s32 $0x14000, s22;
	[sflag:s13] =	ssyncset.done @!p1 $0x0  }
0x41: {  	s22 =	simm.s32 $0xB;
	s31 =	rddreg [dreg:$0x6];
	[sflag:s13] =	ssyncadd.s32 @!p1 $0xFFFFC000  }
0x42: {  	[tilespmem:s18], [sflag:$0x5] =	stream.indirect.gather [hbm4b:s3+s15], $0x80, s12, s15, $0xb8;
	[tilespmem:$0x1A400] =	vst v63  }
0x43: {  	s0 =	sadd.s32 $0x14000, s31;
	s13 =	simm.s32 @p0 $0x5;
	_ =	swait.ge [sflag:s23], $0x4000  }
0x44: {  	s11 =	smov.u32 s31;
	s12 =	simm.s32 @p0 $0x6;
	[sflag:s23] =	ssyncset.done $0x0  }
.LBB2_2:
0x45: {  	p1 =	sne.s32 s10, $0x0;
	[sflag:s23] =	ssyncadd.s32 $0xFFFFC000;
	s30 =	smov.u32 s10  }
0x46: {  	s29 =	smov.u32 s22;
	s16 =	simm.s32 @p0 $0x6400;
	s14 =	sand.u32 $0x3FFFFF80, s14  }
0x47: {  	[hbm4b:s11+s2] =	stream.linear.scatter [tilespmem:s20], [sflag:$0x9], $0x4000, $0x38;
	[tilespmem:$0x1A400] =	vst v63  }
0x48: {  	p3 =	seq.s32 s1, $0x0;
	s24 =	sadd.s32 s4, s24;
	_ =	swait.ge @p0 [sflag:s12], $0x4000  }
0x49: {  	s11 =	sshra.s32 @p1 s30, $0x2;
	s31 =	sshrl.u32 @p1 s28, $0x3;
	[sflag:s12] =	ssyncset.done @p0 $0x0  }
0x4a: {  	s29 =	simm.s32 @!p1 $0x1;
	[sflag:s12] =	ssyncadd.s32 @p0 $0xFFFFC000;
	s12 =	simm.s32 @p0 $0x80  }
0x4b: {  	[tilespmem:s16], [sflag:$0x1] =	stream.indirect.gather @p0 [hbm4b:s3+s12], $0x80, s26, s12, $0xb8;
	[tilespmem:$0x1A400] =	vst v63  }
0x4c: {  	s11 =	sadd.s32 @p1 s11, s8;
	s12 =	sadd.s32 @p1 s4, s31;
	_ =	swait.ge @p0 [sflag:s13], $0x4000  }
0x4d: {  	s16 =	sadd.s32 s5, s29;
	s26 =	simm.s32 @p0 $0x7;
	[sflag:s13] =	ssyncset.done @p0 $0x0  }
0x4e: {  	s31 =	simm.s32 @p0 $0x16400;
	[sflag:s13] =	ssyncadd.s32 @p0 $0xFFFFC000;
	s13 =	simm.s32 @p0 $0x0  }
0x4f: {  	[hbm4b:s25+s13] =	stream.linear.scatter @p0 [tilespmem:s31], [sflag:$0xA], $0x4000, $0x38;
	[tilespmem:$0x1A400] =	vst v63  }
0x50: {  	s13 =	sadd.s32 @p1 s22, s5;
	s25 =	simm.s32 @!p0 $0x6400;
	_ =	swait.ge @p0 [sflag:s26], $0x4000  }
0x51: {  	s31 =	smov.u32 s5;
	s13 =	sadd.s32 @p1 $0xFFFFFFFF, s13;
	[sflag:s26] =	ssyncset.done @p0 $0x0  }
0x52: {  	s31 =	smov.u32 @p1 s13;
	s13 =	simm.s32 @!p0 $0x80;
	[sflag:s26] =	ssyncadd.s32 @p0 $0xFFFFC000  }
0x53: {  	[tilespmem:s25], [sflag:$0x1] =	stream.indirect.gather @!p0 [hbm4b:s3+s13], $0x80, s8, s13, $0xb8;
	[tilespmem:$0x1A400] =	vst v63  }
0x54: {  	s29 =	sshll.u32 s16, $0x7;
	s26 =	sshll.u32 s31, $0x11;
	s31 =	simm.s32 $0xA400  }
0x55: {  	[tilespmem:s31], [sflag:$0x2] =	stream.indirect.gather [hbm4b:s3+s15], $0x80, s14, s15, $0xb8;
	[tilespmem:$0x1A400] =	vst v63  }
0x56: {  	s16 =	sshll.u32 s16, $0x11;
	s13 =	sor.u32 s6, s26;
	_ =	swait.ge [sflag:s17], $0x4000  }
0x57: {  	s26 =	smov.u32 s11;
	s25 =	smov.u32 s12;
	[sflag:s17] =	ssyncset.done $0x0  }
0x58: {  	s11 =	simm.s32 @!p3 $0x8;
	s14 =	rddreg [dreg:$0x2];
	[sflag:s17] =	ssyncadd.s32 $0xFFFFC000  }
0x59: {  	[hbm4b:s24+s2] =	stream.linear.scatter [tilespmem:s14], [sflag:$0x6], $0x4000, $0x38;
	[tilespmem:$0x1A400] =	vst v63  }
0x5a: {  	s24 =	sshra.s32 s1, $0x2;
	s1 =	smov.u32 s30;
	_ =	swait.ge @!p3 [sflag:s11], $0x4000  }
0x5b: {  	s14 =	smov.u32 s29;
	s12 =	sadd.s32 s24, s8;
	[sflag:s11] =	ssyncset.done @!p3 $0x0  }
0x5c: {  	s30 =	simm.s32 $0xE400;
	s29 =	sadd.s32 $0x100, s12;
	[sflag:s11] =	ssyncadd.s32 @!p3 $0xFFFFC000  }
0x5d: {  	[tilespmem:s30], [sflag:$0x3] =	stream.indirect.gather [hbm4b:s3+s15], $0x80, s29, s15, $0xb8;
	[tilespmem:$0x1A400] =	vst v63  }
0x5e: {  	s16 =	sor.u32 s6, s16;
	_ =	swait.ge [sflag:s19], $0x4000  }
0x5f: {  	s16 =	sshrl.u32 s16, $0x3;
	s29 =	sadd.s32 s4, s9;
	[sflag:s19] =	ssyncset.done $0x0  }
0x60: {  	s9 =	smov.u32 s16;
	s16 =	simm.s32 @!p3 $0x9;
	[sflag:s19] =	ssyncadd.s32 $0xFFFFC000  }
0x61: {  	[hbm4b:s29+s2] =	stream.linear.scatter [tilespmem:s31], [sflag:$0x7], $0x4000, $0x38;
	[tilespmem:$0x1A400] =	vst v63  }
0x62: {  	_ =	swait.ge @!p3 [sflag:s16], $0x4000  }
0x63: {  	[sflag:s16] =	ssyncset.done @!p3 $0x0  }
0x64: {  	s31 =	sadd.s32 $0x180, s12;
	[sflag:s16] =	ssyncadd.s32 @!p3 $0xFFFFC000  }
0x65: {  	[tilespmem:s20], [sflag:$0x4] =	stream.indirect.gather [hbm4b:s3+s15], $0x80, s31, s15, $0xb8;
	[tilespmem:$0x1A400] =	vst v63  }
0x66: {  	s10 =	sadd.s32 $0xA00, s10;
	_ =	swait.ge [sflag:s21], $0x4000  }
0x67: {  	p2 =	sne.s32 s10, $0x6400;
	s13 =	sshrl.u32 s13, $0x3;
	[sflag:s21] =	ssyncset.done $0x0  }
0x68: {  	s24 =	smov.u32 s13;
	s13 =	simm.s32 @!p3 $0xA;
	[sflag:s21] =	ssyncadd.s32 $0xFFFFC000  }
0x69: {  	[hbm4b:s7+s2] =	stream.linear.scatter [tilespmem:s30], [sflag:$0x8], $0x4000, $0x38;
	[tilespmem:$0x1A400] =	vst v63  }
0x6a: {  	s28 =	sadd.s32 $0xA0000, s28;
	s22 =	sadd.s32 $0x5, s22;
	_ =	swait.ge @!p3 [sflag:s13], $0x4000  }
.Ltmp0:
0x6b: {  	p0 =	por p1, p1;
	[sflag:s13] =	ssyncset.done @!p3 $0x0;
	(pc) =	sbr.rel @p2 .LBB2_2-.Ltmp0, $4  }
0x6c: {  	s11 =	smov.u32 s0;
	s12 =	sadd.s32 $0x200, s12;
	[sflag:s13] =	ssyncadd.s32 @!p3 $0xFFFFC000  }
0x6d: {  	[tilespmem:s18], [sflag:$0x5] =	stream.indirect.gather [hbm4b:s3+s15], $0x80, s12, s15, $0xb8;
	[tilespmem:$0x1A400] =	vst v63  }
0x6e: {  	s0 =	sadd.s32 $0x14000, s0;
	s7 =	sadd.s32 $0x14000, s7;
	_ =	swait.ge [sflag:s23], $0x4000  }
0x6f: {  	s13 =	simm.s32 @p0 $0x5;
	s12 =	simm.s32 @p0 $0x6;
	[sflag:s23] =	ssyncset.done $0x0  }
0x70: {  	[sflag:s23] =	ssyncadd.s32 $0xFFFFC000  }
0x71: {  	[hbm4b:s11+s2] =	stream.linear.scatter [tilespmem:s20], [sflag:$0x9], $0x4000, $0x38;
	[tilespmem:$0x1A400] =	vst v63  }
0x72: {  	_ =	swait.ge @p0 [sflag:s12], $0x4000  }
0x73: {  	[sflag:s12] =	ssyncset.done @p0 $0x0  }
0x74: {  	s10 =	simm.s32 @p0 $0x80;
	s11 =	simm.s32 @p0 $0x6400;
	[sflag:s12] =	ssyncadd.s32 @p0 $0xFFFFC000  }
0x75: {  	[tilespmem:s11], [sflag:$0x1] =	stream.indirect.gather @p0 [hbm4b:s3+s10], $0x80, s26, s10, $0xb8;
	[tilespmem:$0x1A400] =	vst v63  }
0x76: {  	_ =	swait.ge @p0 [sflag:s13], $0x4000  }
0x77: {  	[sflag:s13] =	ssyncset.done @p0 $0x0  }
0x78: {  	s10 =	simm.s32 @p0 $0x0;
	s11 =	simm.s32 @p0 $0x16400;
	[sflag:s13] =	ssyncadd.s32 @p0 $0xFFFFC000  }
0x79: {  	[hbm4b:s25+s10] =	stream.linear.scatter @p0 [tilespmem:s11], [sflag:$0xA], $0x4000, $0x38;
	[tilespmem:$0x1A400] =	vst v63  }
0x7a: {  	s10 =	simm.s32 @p0 $0x7  }
0x7b: {  	_ =	swait.ge @p0 [sflag:s10], $0x4000  }
0x7c: {  	[sflag:s10] =	ssyncset.done @p0 $0x0  }
0x7d: {  	s11 =	simm.s32 @!p0 $0x6400;
	[sflag:s10] =	ssyncadd.s32 @p0 $0xFFFFC000;
	s10 =	simm.s32 @!p0 $0x80  }
0x7e: {  	[tilespmem:s11], [sflag:$0x1] =	stream.indirect.gather @!p0 [hbm4b:s3+s10], $0x80, s8, s10, $0xb8;
	[tilespmem:$0x1A400] =	vst v63  }
0x7f: {  	s28 =	simm.s32 $0xA400;
	s26 =	sand.u32 $0x3FFFFF80, s14  }
0x80: {  	[tilespmem:s28], [sflag:$0x2] =	stream.indirect.gather [hbm4b:s3+s15], $0x80, s26, s15, $0xb8;
	[tilespmem:$0x1A400] =	vst v63  }
0x81: {  	_ =	swait.ge [sflag:s17], $0x4000  }
0x82: {  	s30 =	sadd.s32 s4, s24;
	p0 =	seq.s32 s1, $0x0;
	[sflag:s17] =	ssyncset.done $0x0  }
0x83: {  	s10 =	simm.s32 @!p0 $0x8;
	s29 =	rddreg [dreg:$0x2];
	[sflag:s17] =	ssyncadd.s32 $0xFFFFC000  }
0x84: {  	[hbm4b:s30+s2] =	stream.linear.scatter [tilespmem:s29], [sflag:$0x6], $0x4000, $0x38;
	[tilespmem:$0x1A400] =	vst v63  }
0x85: {  	s31 =	sshra.s32 s1, $0x2;
	_ =	swait.ge @!p0 [sflag:s10], $0x4000  }
0x86: {  	s1 =	sadd.s32 s31, s8;
	[sflag:s10] =	ssyncset.done @!p0 $0x0  }
0x87: {  	s13 =	simm.s32 $0xE400;
	s11 =	sadd.s32 $0x100, s1;
	[sflag:s10] =	ssyncadd.s32 @!p0 $0xFFFFC000  }
0x88: {  	[tilespmem:s13], [sflag:$0x3] =	stream.indirect.gather [hbm4b:s3+s15], $0x80, s11, s15, $0xb8;
	[tilespmem:$0x1A400] =	vst v63  }
0x89: {  	_ =	swait.ge [sflag:s19], $0x4000  }
0x8a: {  	[sflag:s19] =	ssyncset.done $0x0  }
0x8b: {  	s9 =	sadd.s32 s4, s9;
	[sflag:s19] =	ssyncadd.s32 $0xFFFFC000  }
0x8c: {  	[hbm4b:s9+s2] =	stream.linear.scatter [tilespmem:s28], [sflag:$0x7], $0x4000, $0x38;
	[tilespmem:$0x1A400] =	vst v63  }
0x8d: {  	s9 =	simm.s32 @!p0 $0x9  }
0x8e: {  	_ =	swait.ge @!p0 [sflag:s9], $0x4000  }
0x8f: {  	[sflag:s9] =	ssyncset.done @!p0 $0x0  }
0x90: {  	s14 =	sadd.s32 $0x180, s1;
	[sflag:s9] =	ssyncadd.s32 @!p0 $0xFFFFC000  }
0x91: {  	[tilespmem:s20], [sflag:$0x4] =	stream.indirect.gather [hbm4b:s3+s15], $0x80, s14, s15, $0xb8;
	[tilespmem:$0x1A400] =	vst v63  }
0x92: {  	_ =	swait.ge [sflag:s21], $0x4000  }
0x93: {  	[sflag:s21] =	ssyncset.done $0x0  }
0x94: {  	[sflag:s21] =	ssyncadd.s32 $0xFFFFC000  }
0x95: {  	[hbm4b:s7+s2] =	stream.linear.scatter [tilespmem:s13], [sflag:$0x8], $0x4000, $0x38;
	[tilespmem:$0x1A400] =	vst v63  }
0x96: {  	s7 =	simm.s32 @!p0 $0xA  }
0x97: {  	_ =	swait.ge @!p0 [sflag:s7], $0x4000  }
0x98: {  	[sflag:s7] =	ssyncset.done @!p0 $0x0  }
0x99: {  	s16 =	simm.s32 $0x16400;
	s1 =	sadd.s32 $0x200, s1;
	[sflag:s7] =	ssyncadd.s32 @!p0 $0xFFFFC000  }
0x9a: {  	[tilespmem:s16], [sflag:$0x5] =	stream.indirect.gather [hbm4b:s3+s15], $0x80, s1, s15, $0xb8;
	[tilespmem:$0x1A400] =	vst v63  }
0x9b: {  	_ =	swait.ge [sflag:s23], $0x4000  }
0x9c: {  	[sflag:s23] =	ssyncset.done $0x0  }
0x9d: {  	s18 =	simm.s32 $0x5;
	[sflag:s23] =	ssyncadd.s32 $0xFFFFC000  }
0x9e: {  	[hbm4b:s0+s2] =	stream.linear.scatter [tilespmem:s20], [sflag:$0x9], $0x4000, $0x38;
	[tilespmem:$0x1A400] =	vst v63  }
0x9f: {  	_ =	swait.ge [sflag:s18], $0x4000  }
0xa0: {  	[sflag:s18] =	ssyncset.done $0x0  }
0xa1: {  	s24 =	simm.s32 $0x6;
	s22 =	rddreg [dreg:$0x4];
	[sflag:s18] =	ssyncadd.s32 $0xFFFFC000  }
0xa2: {  	[hbm4b:s22+s2] =	stream.linear.scatter [tilespmem:s16], [sflag:$0xA], $0x4000, $0x38;
	[tilespmem:$0x1A400] =	vst v63  }
0xa3: {  	_ =	swait.ge [sflag:s24], $0x4000  }
0xa4: {  	[sflag:s24] =	ssyncset.done $0x0  }
0xa5: {  	s25 =	simm.s32 $0x7;
	[sflag:s24] =	ssyncadd.s32 $0xFFFFC000  }
0xa6: {  	_ =	swait.ge [sflag:s25], $0x4000  }
0xa7: {  	[sflag:s25] =	ssyncset.done $0x0  }
0xa8: {  	s26 =	simm.s32 $0x8;
	[sflag:s25] =	ssyncadd.s32 $0xFFFFC000  }
0xa9: {  	_ =	swait.ge [sflag:s26], $0x4000  }
0xaa: {  	[sflag:s26] =	ssyncset.done $0x0  }
0xab: {  	s28 =	simm.s32 $0x9;
	[sflag:s26] =	ssyncadd.s32 $0xFFFFC000  }
0xac: {  	_ =	swait.ge [sflag:s28], $0x4000  }
0xad: {  	[sflag:s28] =	ssyncset.done $0x0  }
0xae: {  	s29 =	simm.s32 $0xA;
	[sflag:s28] =	ssyncadd.s32 $0xFFFFC000  }
0xaf: {  	_ =	swait.ge [sflag:s29], $0x4000  }
0xb0: {  	s30 =	rddreg [dreg:$0x9]  }
0xb1: {  	s31 =	rddreg [dreg:$0x5];
	s7 =	sadd.s32 $0x1, s30  }
0xb2: {  	p0 =	sne.s32 s7, s31  }
.Ltmp1:
0xb3: {  	_ = 	snop;
	(pc) =	sbr.rel @p0 .LBB2_1-.Ltmp1, $3  }
0xb4: {  	_ =	sdelay $0x1  }
0xb5: {  	[sflag:s29] =	ssyncset.done $0x0  }
0xb6: {  	s18 =	simm.s32 $0x16400;
	[sflag:s29] =	ssyncadd.s32 $0xFFFFC000  }
0xb7: {  	_ =	sfence.sel $0x180000  }
0xb8: {  	[bflag:$0x0] =	sbarrier.arrive $0xFFFF  }
0xb9: {  	_ =	strace $0x90000047  }
0xba: {  	s0 =	stileid.u32;
	[bflag:$0x2] =	sbarrier.arrive $0xFFFF  }
0xbb: {  	p0 =	sne.s32 s0, $0x0;
	s0 =	rddreg [dreg:$0x1]  }
0xbc: {  	s0 =	sadd.s32 @!p0 $0x100000, s0  }
0xbd: {  	[sflag:s0] =	ssyncadd.tile.s32 @!p0 $0x1;
	_ =	shalt  }
.Lfunc_end2:
_tile_overlayer_lowered:
.L_overlay_start_2:
0xbe: {  	(tag) =	ssettag $0x2  }
0xbf: {  	s0 =	rddreg [dreg:$0x0];
	s2 =	stileid.u32  }
0xc0: {  	s1 =	rddreg [dreg:$0x1];
	p0 =	sne.s32 s2, $0x0  }
0xc1: {  	s3 =	rddreg [dreg:$0x2];
	[bflag:$0x3] =	sbarrier.arrive $0xFFFF;
	s2 =	simm.s32 @!p0 $0x1C0B  }
0xc2: {  	[timem:s3], [sflag:s2] =	dma.local @!p0 [hbm:s0], s1  }
0xc3: {  	s0 =	simm.s32 @!p0 $0xB  }
0xc4: {  	_ =	swait.ge @!p0 [sflag:s0], s1  }
0xc5: {  	s1 =	ssub.s32 @!p0 $0x0, s1;
	[sflag:s0] =	ssyncset.done @!p0 $0x0  }
0xc6: {  	[sflag:s0] =	ssyncadd.s32 @!p0 s1  }
0xc7: {  	[bflag:$0x3] =	sbarrier.arrive $0xFFFF  }
0xc8: {  	_ =	shalt  }

// kernel: kernel.13.cloned.1.call-start
scs
__scs_entry_jumppad:
0x0: {  	(pc) =	sbr.rel $0x88, $3  }
0x1: {  	(tag) =	ssettag $0x0;
	lr =	simm.s32 $0x1  }
0x2: {  	[smem:$0x3F9F] =	sst lr;
	_ =	strace $0xD0000000  }
0x3: {  	_ = 	snop  }
0x4: {  	_ = 	snop  }
0x5: {  	_ = 	snop  }
0x6: {  	_ = 	snop  }
0x7: {  	_ = 	snop  }
__scs_overlays_trampoline_lowered:
0x8: {  	[smem:$0x3FAE] =	sst s0  }
0x9: {  	[smem:$0x3FAF] =	sst s1  }
0xa: {  	[smem:$0x3FB0] =	sst s2  }
0xb: {  	[smem:$0x3FB1] =	sst s3  }
0xc: {  	[smem:$0x3FB2] =	sst s4  }
0xd: {  	[smem:$0x3FB3] =	sst s5  }
0xe: {  	[smem:$0x3FB4] =	sst s6  }
0xf: {  	[smem:$0x3FB5] =	sst s7  }
0x10: {  	[smem:$0x3FB6] =	sst s8  }
0x11: {  	[smem:$0x3FB7] =	sst s9;
	s0 =	simm.s32 @!p0 $0x0  }
0x12: {  	s1 =	sld [smem:$0x3F9D];
	s0 =	simm.s32 @p0 $0x1  }
0x13: {  	[smem:$0x3FB8] =	sst s0;
	s0 =	simm.s32 @!p1 $0x0  }
0x14: {  	s2 =	sld [smem:$0x3F9C];
	s0 =	simm.s32 @p1 $0x1  }
0x15: {  	[smem:$0x3FB9] =	sst s0;
	s0 =	simm.s32 @!p2 $0x0  }
0x16: {  	s3 =	sld [smem:$0x3FDB];
	s0 =	simm.s32 @p2 $0x1  }
0x17: {  	s4 =	simm.s32 $0x1BF5;
	[smem:$0x3FBB] =	sst s0  }
0x18: {  	s0 =	sld [smem:$0x3F9E];
	_ =	swait.ge [sflag:s4], $0x0  }
0x19: {  	s7 =	sld [smem:$0x3F9F]  }
0x1a: {  	s8 =	sadd.s32 $0xFFFFE003, lr  }
0x1b: {  	s9 =	sadd.s32 $0xFFFFFEF7, lr;
	s5 =	simm.s32 $0xFFFFFFFF;
	p2 =	slt.u32 s8, $0xFFFFF086  }
0x1c: {  	p1 =	slt.u32 s9, $0xF7A;
	s5 =	simm.s32 @!p2 $0x0  }
0x1d: {  	s5 =	simm.s32 @p1 $0x1;
	p0 =	seq.s32 s7, s2  }
0x1e: {  	s7 =	smul.u32 @!p0 $0xF7A, s2;
	p2 =	seq.s32 @!p0 s5, $0x0  }
0x1f: {  	s9 =	smul.u32 $0xF7A, s1;
	s8 =	simm.s32 @!p0 $0x1BF5;
	p2 =	por !p2, p0  }
0x20: {  	[sflag:s8] =	ssyncset.s32 @!p0 $0xFFFFF086;
	s6 =	sadd.s32 @!p0 s3, s7;
	s7 =	simm.s32 @!p0 $0x108  }
0x21: {  	s3 =	sadd.s32 s3, s9;
	s6 =	sadd.s32 @!p0 $0x88, s6;
	s7 =	simm.s32 @p2 $0x1082  }
0x22: {  	[simem:s7], [sflag:s8] =	dma.local @!p0 [hbm:s6], $0xF7A  }
0x23: {  	s9 =	sor.u32 $0xD0000000, s2;
	s6 =	simm.s32 $0x108;
	_ =	swait.ge @!p0 [sflag:s8], $0x0  }
0x24: {  	s3 =	sadd.s32 $0x88, s3;
	s6 =	simm.s32 @!p1 $0x1082;
	[sflag:s4] =	ssyncset.s32 $0xFFFFF086  }
0x25: {  	[simem:s6], [sflag:s4] =	dma.local [hbm:s3], $0xF7A  }
0x26: {  	[smem:$0x3F9F] =	sst s1;
	(tag) =	ssettag s2;
	_ =	strace s9  }
0x27: {  	s1 =	sld [smem:$0x3FAF]  }
0x28: {  	s2 =	sld [smem:$0x3FB0]  }
0x29: {  	s4 =	sld [smem:$0x3FB2]  }
0x2a: {  	p0 =	seq.s32 s5, $0x0;
	s5 =	sld [smem:$0x3FB3]  }
0x2b: {  	s6 =	sld [smem:$0x3FB4]  }
0x2c: {  	s7 =	sld [smem:$0x3FB5]  }
0x2d: {  	s3 =	simm.s32 $0x108;
	s8 =	sld [smem:$0x3FB6]  }
0x2e: {  	s3 =	simm.s32 @!p0 $0x1082;
	s9 =	sld [smem:$0x3FB7]  }
0x2f: {  	lr =	sadd.s32 s0, s3;
	s0 =	sld [smem:$0x3FAE]  }
0x30: {  	s3 =	sld [smem:$0x3FB1]  }
0x31: {  	[smem:$0x3FBA] =	sst s10  }
0x32: {  	s10 =	sld [smem:$0x3FB8];
	_ =	sdelay $0x3  }
0x33: {  	p0 =	seq.s32 s10, $0x1;
	s10 =	sld [smem:$0x3FBA];
	_ =	sdelay $0x3  }
0x34: {  	[smem:$0x3FBA] =	sst s10  }
0x35: {  	s10 =	sld [smem:$0x3FB9];
	_ =	sdelay $0x3  }
0x36: {  	p1 =	seq.s32 s10, $0x1;
	s10 =	sld [smem:$0x3FBA];
	_ =	sdelay $0x3  }
0x37: {  	[smem:$0x3FBA] =	sst s10  }
0x38: {  	s10 =	sld [smem:$0x3FBB]  }
0x39: {  	_ = 	snop;
	(pc) =	sbr.ind lr, $3  }
0x3a: {  	_ = 	snop  }
0x3b: {  	_ = 	snop  }
0x3c: {  	p2 =	seq.s32 s10, $0x1;
	s10 =	sld [smem:$0x3FBA]  }
0x3d: {  	_ =	shalt  }
0x3e: {  	_ =	shalt  }
0x3f: {  	_ =	shalt  }
0x40: {  	_ =	shalt  }
0x41: {  	_ =	shalt  }
0x42: {  	_ =	shalt  }
0x43: {  	_ =	shalt  }
0x44: {  	_ =	shalt  }
0x45: {  	_ =	shalt  }
0x46: {  	_ =	shalt  }
0x47: {  	_ =	shalt  }
0x48: {  	_ =	shalt  }
0x49: {  	_ =	shalt  }
0x4a: {  	_ =	shalt  }
0x4b: {  	_ =	shalt  }
0x4c: {  	_ =	shalt  }
0x4d: {  	_ =	shalt  }
0x4e: {  	_ =	shalt  }
0x4f: {  	_ =	shalt  }
0x50: {  	_ =	shalt  }
0x51: {  	_ =	shalt  }
0x52: {  	_ =	shalt  }
0x53: {  	_ =	shalt  }
0x54: {  	_ =	shalt  }
0x55: {  	_ =	shalt  }
0x56: {  	_ =	shalt  }
0x57: {  	_ =	shalt  }
0x58: {  	_ =	shalt  }
0x59: {  	_ =	shalt  }
0x5a: {  	_ =	shalt  }
0x5b: {  	_ =	shalt  }
0x5c: {  	_ =	shalt  }
0x5d: {  	_ =	shalt  }
0x5e: {  	_ =	shalt  }
0x5f: {  	_ =	shalt  }
0x60: {  	_ =	shalt  }
0x61: {  	_ =	shalt  }
0x62: {  	_ =	shalt  }
0x63: {  	_ =	shalt  }
0x64: {  	_ =	shalt  }
0x65: {  	_ =	shalt  }
0x66: {  	_ =	shalt  }
0x67: {  	_ =	shalt  }
0x68: {  	_ =	shalt  }
0x69: {  	_ =	shalt  }
0x6a: {  	_ =	shalt  }
0x6b: {  	_ =	shalt  }
0x6c: {  	_ =	shalt  }
0x6d: {  	_ =	shalt  }
0x6e: {  	_ =	shalt  }
0x6f: {  	_ =	shalt  }
0x70: {  	_ =	shalt  }
0x71: {  	_ =	shalt  }
0x72: {  	_ =	shalt  }
0x73: {  	_ =	shalt  }
0x74: {  	_ =	shalt  }
0x75: {  	_ =	shalt  }
0x76: {  	_ =	shalt  }
0x77: {  	_ =	shalt  }
0x78: {  	_ =	shalt  }
0x79: {  	_ =	shalt  }
0x7a: {  	_ =	shalt  }
0x7b: {  	_ =	shalt  }
0x7c: {  	_ =	shalt  }
0x7d: {  	_ =	shalt  }
0x7e: {  	_ =	shalt  }
0x7f: {  	_ =	shalt  }
0x80: {  	_ =	shalt  }
0x81: {  	_ =	shalt  }
0x82: {  	_ =	shalt  }
0x83: {  	_ =	shalt  }
0x84: {  	_ =	shalt  }
0x85: {  	_ =	shalt  }
0x86: {  	_ =	shalt  }
0x87: {  	_ =	shalt  }
.Lfunc_end0:
.L_simem_size_0:
called_computation.1_lowered:
.L_overlay_start_0:
0x88: {  	s2 =	sld [smem:$0x3FD9]  }
0x89: {  	s3 =	sld [smem:$0x3FFE];
	_ =	sdelay $0x1  }
0x8a: {  	s1 =	srdreg.scid  }
0x8b: {  	s0 =	sand.u32 $0x1, s1  }
0x8c: {  	s17 =	sshll.u32 s0, $0xA;
	s2 =	sadd.s32 s3, s2  }
0x8d: {  	s2 =	sadd.s32 s2, s17  }
0x8e: {  	[smem:$0x3FC6] =	sst s2  }
0x8f: {  	_ = 	snop  }
0x90: {  	(tm) =	ssettm $0x1  }
0x91: {  	s18 =	sld [smem:$0x3FFB];
	_ =	sdelay $0x3  }
0x92: {  	_ =	strace s18  }
0x93: {  	s2 =	sld [smem:$0x3FFC];
	_ =	sdelay $0x3  }
0x94: {  	_ =	strace s2  }
0x95: {  	s2 =	sld [smem:$0x3FFD];
	_ =	sdelay $0x3  }
0x96: {  	_ =	strace s2  }
0x97: {  	_ =	strace $0x8FFFFFFF  }
0x98: {  	s19 =	sld [smem:$0x3FDB];
	_ =	sdelay $0x1  }
0x99: {  	s20 =	simm.s32 $_scs_section_size  }
0x9a: {  	s4 =	simm.s32 $_size__tile_overlayer_lowered;
	s5 =	simm.s32 $_tile_overlayer_lowered  }
0x9b: {  	s6 =	simm.s32 $0x1BFF;
	s21 =	sshll.u32 s5, $0x1;
	s3 =	sadd.s32 s20, s19  }
0x9c: {  	s22 =	simm.s32 $0x0;
	s4 =	sshll.u32 s4, $0x1;
	s5 =	sadd.s32 s21, s3  }
0x9d: {  	[timem:s22], [sflag:s6] =	dma.local [hbm:s5], s4  }
0x9e: {  	_ =	swait.ge [sflag:s6], s4  }
0x9f: {  	s4 =	ssub.s32 $0x0, s4;
	[sflag:s6] =	ssyncset.done $0x0  }
0xa0: {  	[sflag:s6] =	ssyncadd.s32 s4;
	_ =	sdelay $0x1  }
0xa1: {  	s23 =	simm.s32 $0x1B8B  }
0xa2: {  	_ =	swait.ge [sflag:s23], $0x1  }
0xa3: {  	[sflag:s23] =	ssyncset.done $0x0  }
0xa4: {  	[sflag:s23] =	ssyncadd.s32 $0xFFFFFFFF  }
0xa5: {  	s4 =	sld [smem:$0x0]  }
0xa6: {  	s5 =	sand.u32 $0xFFFFFFFE, s1  }
0xa7: {  	p0 =	sne.s32 s1, s5  }
0xa8: {  	s5 =	sshll.u32 @p0 s5, $0xE  }
0xa9: {  	s5 =	sadd.s32 @p0 $0x11B8D, s5;
	s6 =	sshll.u32 @p0 s4, $0x11  }
0xaa: {  	s5 =	sor.u32 @p0 s6, s5  }
0xab: {  	[sflag:s5] =	ssyncadd.remote.s32 @p0 $0x1;
	_ =	sdelay $0x1  }
0xac: {  	s5 =	simm.s32 @p0 $0x1B8D  }
0xad: {  	_ =	swait.eq @p0 [sflag:s5], $0x1  }
0xae: {  	[sflag:s5] =	ssyncadd.s32 @p0 $0xFFFFFFFF  }
0xaf: {  	s6 =	sshll.u32 @!p0 s1, $0xE  }
0xb0: {  	s6 =	sor.u32 @!p0 $0x4000, s6;
	s5 =	simm.s32 @!p0 $0x1B8D  }
0xb1: {  	s4 =	sshll.u32 @!p0 s4, $0x11;
	s6 =	sadd.s32 @!p0 $0x11B8D, s6;
	_ =	swait.eq @!p0 [sflag:s5], $0x1  }
0xb2: {  	s4 =	sor.u32 @!p0 s4, s6;
	[sflag:s5] =	ssyncadd.s32 @!p0 $0xFFFFFFFF  }
0xb3: {  	s25 =	simm.s32 $0x1B8E;
	s24 =	sld [smem:$0x3FFE];
	[sflag:s4] =	ssyncadd.remote.s32 @!p0 $0x1  }
0xb4: {  	s26 =	simm.s32 $execute0_lowered;
	[smem:$0x3FD2] =	sst s25  }
0xb5: {  	s5 =	sshll.u32 s26, $0x1;
	_ =	strace $0x80000049;
	[dreg:$0x1] =	wrdreg $0xFFFFFFFF  }
0xb6: {  	s28 =	simm.s32 $_size_execute0_lowered;
	s3 =	sadd.s32 s3, s5;
	[dreg:$0x0] =	wrdreg $0x0  }
0xb7: {  	s5 =	sshll.u32 s28, $0x1;
	[dreg:$0x2] =	wrdreg s3  }
0xb8: {  	[dreg:$0x3] =	wrdreg s5  }
0xb9: {  	[dreg:$0x4] =	wrdreg $0xC0  }
0xba: {  	_ =	task [dreg:s22], $0x5FFFF  }
0xbb: {  	[dreg:$0x1] =	wrdreg $0xFFFFFFFF  }
0xbc: {  	[dreg:$0x0] =	wrdreg $0x60  }
0xbd: {  	[dreg:$0x2] =	wrdreg s24  }
0xbe: {  	[dreg:$0x3] =	wrdreg $0xA  }
0xbf: {  	_ =	task.clear_ibuf [dreg:s22], $0x4FFFF;
	_ =	strace $0x90000049  }
0xc0: {  	s29 =	simm.s32 $0xA;
	_ =	strace $0x8000004B  }
0xc1: {  	_ =	swait.ge [sflag:s29], $0x1  }
0xc2: {  	[sflag:s29] =	ssyncadd.s32 $0xFFFFFFFF  }
0xc3: {  	_ =	strace $0x9000004B  }
0xc4: {  	_ =	sfence  }
0xc5: {  	s30 =	sld [smem:$0x0];
	_ =	sdelay $0x2  }
0xc6: {  	s31 =	sshll.u32 s1, $0xD;
	s1 =	sshrl.u32 s1, $0x2  }
0xc7: {  	s4 =	sand.u32 $0x4000, s31;
	s1 =	sadd.s32 s1, s30  }
0xc8: {  	s0 =	sor.u32 s4, s0;
	s1 =	sshll.u32 s1, $0x11  }
0xc9: {  	s0 =	sor.u32 s1, s0  }
0xca: {  	s0 =	sadd.s32 $0x8F2B, s0  }
0xcb: {  	[sflag:s0] =	ssyncadd.remote.s32 $0x1  }
0xcc: {  	_ =	sfence.sel $0xFFFF  }
0xcd: {  	[dreg:$0x0] =	wrdreg $0xFFFFFFFF;
	(pc) =	sbr.abs _section_cstart, $3  }
0xce: {  	[dreg:$0x1] =	wrdreg $0xFFFFFFFF  }
0xcf: {  	_ =	task.clear_ibuf [dreg:s22], $0x2FFFF;
	_ =	strace $0x9FFFFFFF  }
0xd0: {  	(tm) =	ssettm $0x7FFFFFFF  }
0xd1: {  	_ =	shalt  }
tec
execute0_lowered:
.L_overlay_start_1:
0x0: {  	(tag) =	ssettag $0x1  }
0x1: {  	s0 =	rddreg [dreg:$0x0]  }
0x2: {  	s11 =	stileid.u32;
	s2 =	simm.s32 $0x0;
	s1 =	srdreg.scid  }
0x3: {  	s15 =	simm.s32 $0x80;
	s31 =	simm.s32 $0x6400;
	s17 =	simm.s32 $0x1  }
0x4: {  	s19 =	simm.s32 $0x2;
	s20 =	simm.s32 $0x12400;
	s18 =	simm.s32 $0x16400  }
0x5: {  	s3 =	sshll.u32 s11, $0x1;
	[smem:$0x7FF] =	sst s2;
	s1 =	sand.u32 $0x1, s1  }
0x6: {  	s4 =	sadd.s32 $0x4C1000, s0;
	s9 =	sshrl.u32 s11, $0x2;
	s22 =	sand.u32 $0x3, s11  }
0x7: {  	s3 =	sand.u32 $0x6, s3;
	_ =	strace $0x8000004A;
	s5 =	ssub.s32 $0x2, s1  }
0x8: {  	s21 =	smul.u32 $0x640000, s9;
	[dreg:$0x2] =	wrdreg s31;
	s6 =	sor.u32 s1, s3  }
0x9: {  	s3 =	sadd.s32 $0x1A600, s0;
	s8 =	sshrl.u32 s5, $0x1;
	s7 =	smul.u32 $0x6400, s6  }
0xa: {  	s1 =	sshll.u32 s1, $0xE;
	s10 =	ssub.s32 s5, s8;
	s5 =	smul.u32 $0x32, s9  }
0xb: {  	s6 =	sshll.u32 s6, $0xE;
	s9 =	smul.u32 $0x6400, s9;
	s8 =	sshll.u32 s22, $0xF  }
0xc: {  	s23 =	sor.u32 s6, s21;
	s28 =	smax.u32 s10, $0x1;
	s7 =	sshrl.u32 s7, $0x3  }
0xd: {  	s24 =	sadd.s32 $0x620000, s23;
	[dreg:$0x5] =	wrdreg s28;
	s0 =	sadd.s32 s0, s7  }
0xe: {  	s23 =	simm.s32 $0x4;
	s7 =	sor.u32 s8, s21;
	s0 =	sadd.s32 $0x7A00, s0  }
0xf: {  	s1 =	sor.u32 s1, s7;
	[dreg:$0x3] =	wrdreg s0;
	s0 =	sshrl.u32 s24, $0x3  }
0x10: {  	s7 =	sadd.s32 $0x60000, s1;
	s26 =	sadd.s32 $0x40000, s1;
	s30 =	sadd.s32 $0xFFFE0000, s1  }
0x11: {  	s0 =	sadd.s32 s4, s0;
	s25 =	sshrl.u32 s7, $0x3;
	[dreg:$0x8] =	wrdreg s30  }
0x12: {  	s29 =	sshrl.u32 s26, $0x3;
	[dreg:$0x4] =	wrdreg s0;
	s0 =	sadd.s32 s25, s4  }
0x13: {  	s8 =	sshrl.u32 s9, $0x2;
	[dreg:$0x6] =	wrdreg s0;
	s0 =	sadd.s32 s29, s4  }
0x14: {  	s21 =	simm.s32 $0x3;
	s7 =	simm.s32 $0x0;
	[dreg:$0x7] =	wrdreg s0  }
.LBB2_1:
0x15: {  	[dreg:$0x9] =	wrdreg s7  }
0x16: {  	s0 =	rddreg [dreg:$0x3];
	s12 =	simm.s32 $0xB;
	p0 =	por $0x0, $0x0  }
0x17: {  	s7 =	simm.s32 $0x1;
	s11 =	smov.u32 s5;
	s14 =	simm.s32 $0xA400  }
0x18: {  	[tilespmem:s2], [sflag:$0xB] =	stream.linear.gather [hbm4b:s0+s2], $0x6400, $0x38;
	[tilespmem:$0x1A400] =	vst v63  }
0x19: {  	s31 =	sadd.s32 $0x0, s8;
	p1 =	por p0, p0;
	s1 =	sadd.s32 @p0 $0x0, s8  }
0x1a: {  	s7 =	simm.s32 @!p0 $0x1;
	_ =	swait.ge [sflag:s12], $0x6400;
	s0 =	simm.s32 @p1 $0x6  }
0x1b: {  	s9 =	simm.s32 @p1 $0x5;
	s10 =	simm.s32 @p1 $0x6400;
	[sflag:s12] =	ssyncset.done $0x0  }
0x1c: {  	s13 =	sadd.s32 s5, s7;
	s7 =	sadd.s32 @p0 $0x1, s5;
	[sflag:s12] =	ssyncadd.s32 $0xFFFF9C00  }
0x1d: {  	s16 =	sshll.u32 s13, $0x7;
	s7 =	sadd.s32 @p0 $0xFFFFFFFF, s7;
	_ =	swait.ge @p1 [sflag:s0], $0x4000  }
0x1e: {  	s26 =	sshll.u32 s13, $0x11;
	s11 =	smov.u32 @p0 s7;
	[sflag:s0] =	ssyncset.done @p1 $0x0  }
0x1f: {  	s12 =	rddreg [dreg:$0x8];
	[sflag:s0] =	ssyncadd.s32 @p1 $0xFFFFC000;
	s0 =	simm.s32 @p1 $0x80  }
0x20: {  	[tilespmem:s10], [sflag:$0x1] =	stream.indirect.gather @p1 [hbm4b:s3+s0], $0x80, s1, s0, $0xb8;
	[tilespmem:$0x1A400] =	vst v63  }
0x21: {  	s22 =	sand.u32 $0x3FFFFF80, s16;
	s0 =	sshrl.u32 @p0 s12, $0x3;
	_ =	swait.ge @p1 [sflag:s9], $0x4000  }
0x22: {  	s1 =	simm.s32 @p1 $0x7;
	s10 =	simm.s32 @p1 $0x16400;
	[sflag:s9] =	ssyncset.done @p1 $0x0  }
0x23: {  	s0 =	sadd.s32 @p0 s4, s0;
	[sflag:s9] =	ssyncadd.s32 @p1 $0xFFFFC000;
	s9 =	simm.s32 @p1 $0x0  }
0x24: {  	[hbm4b:s0+s9] =	stream.linear.scatter @p1 [tilespmem:s10], [sflag:$0xA], $0x4000, $0x38;
	[tilespmem:$0x1A400] =	vst v63  }
0x25: {  	s30 =	sor.u32 s6, s26;
	s26 =	sadd.s32 $0x100, s31;
	_ =	swait.ge @p1 [sflag:s1], $0x4000  }
0x26: {  	s24 =	sshll.u32 s11, $0x11;
	s11 =	sadd.s32 $0xA0000, s12;
	[sflag:s1] =	ssyncset.done @p1 $0x0  }
0x27: {  	s10 =	simm.s32 @!p1 $0x6400;
	[sflag:s1] =	ssyncadd.s32 @p1 $0xFFFFC000;
	s1 =	simm.s32 @!p1 $0x80  }
0x28: {  	[tilespmem:s10], [sflag:$0x1] =	stream.indirect.gather @!p1 [hbm4b:s3+s1], $0x80, s8, s1, $0xb8;
	[tilespmem:$0x1A400] =	vst v63  }
0x29: {  	s16 =	simm.s32 $0xE400;
	s12 =	sadd.s32 $0x200, s31;
	s28 =	sadd.s32 $0xA0000, s11  }
0x2a: {  	[tilespmem:s14], [sflag:$0x2] =	stream.indirect.gather [hbm4b:s3+s15], $0x80, s22, s15, $0xb8;
	[tilespmem:$0x1A400] =	vst v63  }
0x2b: {  	s1 =	sor.u32 s6, s24;
	p1 =	por $0x1, $0x1;
	_ =	swait.ge [sflag:s17], $0x4000  }
0x2c: {  	s29 =	sshrl.u32 s1, $0x3;
	s7 =	simm.s32 @!p1 $0x8;
	[sflag:s17] =	ssyncset.done $0x0  }
0x2d: {  	s0 =	sadd.s32 s4, s29;
	s25 =	rddreg [dreg:$0x2];
	[sflag:s17] =	ssyncadd.s32 $0xFFFFC000  }
0x2e: {  	[hbm4b:s0+s2] =	stream.linear.scatter [tilespmem:s25], [sflag:$0x6], $0x4000, $0x38;
	[tilespmem:$0x1A400] =	vst v63  }
0x2f: {  	p0 =	por $0x1, $0x1;
	s9 =	simm.s32 $0x6;
	_ =	swait.ge @!p1 [sflag:s7], $0x4000  }
0x30: {  	s9 =	simm.s32 @!p0 $0x1;
	s10 =	simm.s32 $0x1400;
	[sflag:s7] =	ssyncset.done @!p1 $0x0  }
0x31: {  	s1 =	sshrl.u32 s30, $0x3;
	s13 =	simm.s32 @!p1 $0x9;
	[sflag:s7] =	ssyncadd.s32 @!p1 $0xFFFFC000  }
0x32: {  	[tilespmem:s16], [sflag:$0x3] =	stream.indirect.gather [hbm4b:s3+s15], $0x80, s26, s15, $0xb8;
	[tilespmem:$0x1A400] =	vst v63  }
0x33: {  	s30 =	sadd.s32 $0x180, s31;
	s1 =	sadd.s32 s4, s1;
	_ =	swait.ge [sflag:s19], $0x4000  }
0x34: {  	s29 =	sadd.s32 s5, s9;
	s0 =	simm.s32 $0xA00;
	[sflag:s19] =	ssyncset.done $0x0  }
0x35: {  	s7 =	sshrl.u32 @p0 s11, $0x3;
	s26 =	sadd.s32 @p0 $0x280, s8;
	[sflag:s19] =	ssyncadd.s32 $0xFFFFC000  }
0x36: {  	[hbm4b:s1+s2] =	stream.linear.scatter [tilespmem:s14], [sflag:$0x7], $0x4000, $0x38;
	[tilespmem:$0x1A400] =	vst v63  }
0x37: {  	s25 =	sadd.s32 @p0 s4, s7;
	s7 =	sadd.s32 @p0 $0x6, s5;
	_ =	swait.ge @!p1 [sflag:s13], $0x4000  }
0x38: {  	s7 =	sadd.s32 @p0 $0xFFFFFFFF, s7;
	s14 =	sshll.u32 s29, $0x7;
	[sflag:s13] =	ssyncset.done @!p1 $0x0  }
0x39: {  	s1 =	sshll.u32 s29, $0x11;
	[sflag:s13] =	ssyncadd.s32 @!p1 $0xFFFFC000;
	s13 =	smov.u32 s5  }
0x3a: {  	[tilespmem:s20], [sflag:$0x4] =	stream.indirect.gather [hbm4b:s3+s15], $0x80, s30, s15, $0xb8;
	[tilespmem:$0x1A400] =	vst v63  }
0x3b: {  	s1 =	sor.u32 s6, s1;
	s13 =	smov.u32 @p0 s7;
	_ =	swait.ge [sflag:s21], $0x4000  }
0x3c: {  	s9 =	sshrl.u32 s1, $0x3;
	s7 =	sshll.u32 s13, $0x11;
	[sflag:s21] =	ssyncset.done $0x0  }
0x3d: {  	s13 =	simm.s32 @!p1 $0xA;
	s22 =	rddreg [dreg:$0x7];
	[sflag:s21] =	ssyncadd.s32 $0xFFFFC000  }
0x3e: {  	[hbm4b:s22+s2] =	stream.linear.scatter [tilespmem:s16], [sflag:$0x8], $0x4000, $0x38;
	[tilespmem:$0x1A400] =	vst v63  }
0x3f: {  	p0 =	por p0, p0;
	s7 =	sor.u32 s6, s7;
	_ =	swait.ge @!p1 [sflag:s13], $0x4000  }
0x40: {  	s24 =	sshrl.u32 s7, $0x3;
	s7 =	sadd.s32 $0x14000, s22;
	[sflag:s13] =	ssyncset.done @!p1 $0x0  }
0x41: {  	s22 =	simm.s32 $0xB;
	s31 =	rddreg [dreg:$0x6];
	[sflag:s13] =	ssyncadd.s32 @!p1 $0xFFFFC000  }
0x42: {  	[tilespmem:s18], [sflag:$0x5] =	stream.indirect.gather [hbm4b:s3+s15], $0x80, s12, s15, $0xb8;
	[tilespmem:$0x1A400] =	vst v63  }
0x43: {  	s1 =	sadd.s32 $0x14000, s31;
	s13 =	simm.s32 @p0 $0x5;
	_ =	swait.ge [sflag:s23], $0x4000  }
0x44: {  	s11 =	smov.u32 s31;
	s12 =	simm.s32 @p0 $0x6;
	[sflag:s23] =	ssyncset.done $0x0  }
.LBB2_2:
0x45: {  	p1 =	sne.s32 s10, $0x0;
	[sflag:s23] =	ssyncadd.s32 $0xFFFFC000;
	s30 =	smov.u32 s10  }
0x46: {  	s29 =	smov.u32 s22;
	s16 =	simm.s32 @p0 $0x6400;
	s14 =	sand.u32 $0x3FFFFF80, s14  }
0x47: {  	[hbm4b:s11+s2] =	stream.linear.scatter [tilespmem:s20], [sflag:$0x9], $0x4000, $0x38;
	[tilespmem:$0x1A400] =	vst v63  }
0x48: {  	p3 =	seq.s32 s0, $0x0;
	s24 =	sadd.s32 s4, s24;
	_ =	swait.ge @p0 [sflag:s12], $0x4000  }
0x49: {  	s11 =	sshra.s32 @p1 s30, $0x2;
	s31 =	sshrl.u32 @p1 s28, $0x3;
	[sflag:s12] =	ssyncset.done @p0 $0x0  }
0x4a: {  	s29 =	simm.s32 @!p1 $0x1;
	[sflag:s12] =	ssyncadd.s32 @p0 $0xFFFFC000;
	s12 =	simm.s32 @p0 $0x80  }
0x4b: {  	[tilespmem:s16], [sflag:$0x1] =	stream.indirect.gather @p0 [hbm4b:s3+s12], $0x80, s26, s12, $0xb8;
	[tilespmem:$0x1A400] =	vst v63  }
0x4c: {  	s11 =	sadd.s32 @p1 s11, s8;
	s12 =	sadd.s32 @p1 s4, s31;
	_ =	swait.ge @p0 [sflag:s13], $0x4000  }
0x4d: {  	s16 =	sadd.s32 s5, s29;
	s26 =	simm.s32 @p0 $0x7;
	[sflag:s13] =	ssyncset.done @p0 $0x0  }
0x4e: {  	s31 =	simm.s32 @p0 $0x16400;
	[sflag:s13] =	ssyncadd.s32 @p0 $0xFFFFC000;
	s13 =	simm.s32 @p0 $0x0  }
0x4f: {  	[hbm4b:s25+s13] =	stream.linear.scatter @p0 [tilespmem:s31], [sflag:$0xA], $0x4000, $0x38;
	[tilespmem:$0x1A400] =	vst v63  }
0x50: {  	s13 =	sadd.s32 @p1 s22, s5;
	s25 =	simm.s32 @!p0 $0x6400;
	_ =	swait.ge @p0 [sflag:s26], $0x4000  }
0x51: {  	s31 =	smov.u32 s5;
	s13 =	sadd.s32 @p1 $0xFFFFFFFF, s13;
	[sflag:s26] =	ssyncset.done @p0 $0x0  }
0x52: {  	s31 =	smov.u32 @p1 s13;
	s13 =	simm.s32 @!p0 $0x80;
	[sflag:s26] =	ssyncadd.s32 @p0 $0xFFFFC000  }
0x53: {  	[tilespmem:s25], [sflag:$0x1] =	stream.indirect.gather @!p0 [hbm4b:s3+s13], $0x80, s8, s13, $0xb8;
	[tilespmem:$0x1A400] =	vst v63  }
0x54: {  	s29 =	sshll.u32 s16, $0x7;
	s26 =	sshll.u32 s31, $0x11;
	s31 =	simm.s32 $0xA400  }
0x55: {  	[tilespmem:s31], [sflag:$0x2] =	stream.indirect.gather [hbm4b:s3+s15], $0x80, s14, s15, $0xb8;
	[tilespmem:$0x1A400] =	vst v63  }
0x56: {  	s16 =	sshll.u32 s16, $0x11;
	s13 =	sor.u32 s6, s26;
	_ =	swait.ge [sflag:s17], $0x4000  }
0x57: {  	s26 =	smov.u32 s11;
	s25 =	smov.u32 s12;
	[sflag:s17] =	ssyncset.done $0x0  }
0x58: {  	s11 =	simm.s32 @!p3 $0x8;
	s14 =	rddreg [dreg:$0x2];
	[sflag:s17] =	ssyncadd.s32 $0xFFFFC000  }
0x59: {  	[hbm4b:s24+s2] =	stream.linear.scatter [tilespmem:s14], [sflag:$0x6], $0x4000, $0x38;
	[tilespmem:$0x1A400] =	vst v63  }
0x5a: {  	s24 =	sshra.s32 s0, $0x2;
	s0 =	smov.u32 s30;
	_ =	swait.ge @!p3 [sflag:s11], $0x4000  }
0x5b: {  	s14 =	smov.u32 s29;
	s12 =	sadd.s32 s24, s8;
	[sflag:s11] =	ssyncset.done @!p3 $0x0  }
0x5c: {  	s30 =	simm.s32 $0xE400;
	s29 =	sadd.s32 $0x100, s12;
	[sflag:s11] =	ssyncadd.s32 @!p3 $0xFFFFC000  }
0x5d: {  	[tilespmem:s30], [sflag:$0x3] =	stream.indirect.gather [hbm4b:s3+s15], $0x80, s29, s15, $0xb8;
	[tilespmem:$0x1A400] =	vst v63  }
0x5e: {  	s16 =	sor.u32 s6, s16;
	_ =	swait.ge [sflag:s19], $0x4000  }
0x5f: {  	s16 =	sshrl.u32 s16, $0x3;
	s29 =	sadd.s32 s4, s9;
	[sflag:s19] =	ssyncset.done $0x0  }
0x60: {  	s9 =	smov.u32 s16;
	s16 =	simm.s32 @!p3 $0x9;
	[sflag:s19] =	ssyncadd.s32 $0xFFFFC000  }
0x61: {  	[hbm4b:s29+s2] =	stream.linear.scatter [tilespmem:s31], [sflag:$0x7], $0x4000, $0x38;
	[tilespmem:$0x1A400] =	vst v63  }
0x62: {  	_ =	swait.ge @!p3 [sflag:s16], $0x4000  }
0x63: {  	[sflag:s16] =	ssyncset.done @!p3 $0x0  }
0x64: {  	s31 =	sadd.s32 $0x180, s12;
	[sflag:s16] =	ssyncadd.s32 @!p3 $0xFFFFC000  }
0x65: {  	[tilespmem:s20], [sflag:$0x4] =	stream.indirect.gather [hbm4b:s3+s15], $0x80, s31, s15, $0xb8;
	[tilespmem:$0x1A400] =	vst v63  }
0x66: {  	s10 =	sadd.s32 $0xA00, s10;
	_ =	swait.ge [sflag:s21], $0x4000  }
0x67: {  	p2 =	sne.s32 s10, $0x6400;
	s13 =	sshrl.u32 s13, $0x3;
	[sflag:s21] =	ssyncset.done $0x0  }
0x68: {  	s24 =	smov.u32 s13;
	s13 =	simm.s32 @!p3 $0xA;
	[sflag:s21] =	ssyncadd.s32 $0xFFFFC000  }
0x69: {  	[hbm4b:s7+s2] =	stream.linear.scatter [tilespmem:s30], [sflag:$0x8], $0x4000, $0x38;
	[tilespmem:$0x1A400] =	vst v63  }
0x6a: {  	s28 =	sadd.s32 $0xA0000, s28;
	s22 =	sadd.s32 $0x5, s22;
	_ =	swait.ge @!p3 [sflag:s13], $0x4000  }
.Ltmp0:
0x6b: {  	p0 =	por p1, p1;
	[sflag:s13] =	ssyncset.done @!p3 $0x0;
	(pc) =	sbr.rel @p2 .LBB2_2-.Ltmp0, $4  }
0x6c: {  	s11 =	smov.u32 s1;
	s12 =	sadd.s32 $0x200, s12;
	[sflag:s13] =	ssyncadd.s32 @!p3 $0xFFFFC000  }
0x6d: {  	[tilespmem:s18], [sflag:$0x5] =	stream.indirect.gather [hbm4b:s3+s15], $0x80, s12, s15, $0xb8;
	[tilespmem:$0x1A400] =	vst v63  }
0x6e: {  	s1 =	sadd.s32 $0x14000, s1;
	s7 =	sadd.s32 $0x14000, s7;
	_ =	swait.ge [sflag:s23], $0x4000  }
0x6f: {  	s13 =	simm.s32 @p0 $0x5;
	s12 =	simm.s32 @p0 $0x6;
	[sflag:s23] =	ssyncset.done $0x0  }
0x70: {  	[sflag:s23] =	ssyncadd.s32 $0xFFFFC000  }
0x71: {  	[hbm4b:s11+s2] =	stream.linear.scatter [tilespmem:s20], [sflag:$0x9], $0x4000, $0x38;
	[tilespmem:$0x1A400] =	vst v63  }
0x72: {  	_ =	swait.ge @p0 [sflag:s12], $0x4000  }
0x73: {  	[sflag:s12] =	ssyncset.done @p0 $0x0  }
0x74: {  	s10 =	simm.s32 @p0 $0x80;
	s11 =	simm.s32 @p0 $0x6400;
	[sflag:s12] =	ssyncadd.s32 @p0 $0xFFFFC000  }
0x75: {  	[tilespmem:s11], [sflag:$0x1] =	stream.indirect.gather @p0 [hbm4b:s3+s10], $0x80, s26, s10, $0xb8;
	[tilespmem:$0x1A400] =	vst v63  }
0x76: {  	_ =	swait.ge @p0 [sflag:s13], $0x4000  }
0x77: {  	[sflag:s13] =	ssyncset.done @p0 $0x0  }
0x78: {  	s10 =	simm.s32 @p0 $0x0;
	s11 =	simm.s32 @p0 $0x16400;
	[sflag:s13] =	ssyncadd.s32 @p0 $0xFFFFC000  }
0x79: {  	[hbm4b:s25+s10] =	stream.linear.scatter @p0 [tilespmem:s11], [sflag:$0xA], $0x4000, $0x38;
	[tilespmem:$0x1A400] =	vst v63  }
0x7a: {  	s10 =	simm.s32 @p0 $0x7  }
0x7b: {  	_ =	swait.ge @p0 [sflag:s10], $0x4000  }
0x7c: {  	[sflag:s10] =	ssyncset.done @p0 $0x0  }
0x7d: {  	s11 =	simm.s32 @!p0 $0x6400;
	[sflag:s10] =	ssyncadd.s32 @p0 $0xFFFFC000;
	s10 =	simm.s32 @!p0 $0x80  }
0x7e: {  	[tilespmem:s11], [sflag:$0x1] =	stream.indirect.gather @!p0 [hbm4b:s3+s10], $0x80, s8, s10, $0xb8;
	[tilespmem:$0x1A400] =	vst v63  }
0x7f: {  	s28 =	simm.s32 $0xA400;
	s26 =	sand.u32 $0x3FFFFF80, s14  }
0x80: {  	[tilespmem:s28], [sflag:$0x2] =	stream.indirect.gather [hbm4b:s3+s15], $0x80, s26, s15, $0xb8;
	[tilespmem:$0x1A400] =	vst v63  }
0x81: {  	_ =	swait.ge [sflag:s17], $0x4000  }
0x82: {  	s30 =	sadd.s32 s4, s24;
	p0 =	seq.s32 s0, $0x0;
	[sflag:s17] =	ssyncset.done $0x0  }
0x83: {  	s10 =	simm.s32 @!p0 $0x8;
	s29 =	rddreg [dreg:$0x2];
	[sflag:s17] =	ssyncadd.s32 $0xFFFFC000  }
0x84: {  	[hbm4b:s30+s2] =	stream.linear.scatter [tilespmem:s29], [sflag:$0x6], $0x4000, $0x38;
	[tilespmem:$0x1A400] =	vst v63  }
0x85: {  	s31 =	sshra.s32 s0, $0x2;
	_ =	swait.ge @!p0 [sflag:s10], $0x4000  }
0x86: {  	s0 =	sadd.s32 s31, s8;
	[sflag:s10] =	ssyncset.done @!p0 $0x0  }
0x87: {  	s13 =	simm.s32 $0xE400;
	s11 =	sadd.s32 $0x100, s0;
	[sflag:s10] =	ssyncadd.s32 @!p0 $0xFFFFC000  }
0x88: {  	[tilespmem:s13], [sflag:$0x3] =	stream.indirect.gather [hbm4b:s3+s15], $0x80, s11, s15, $0xb8;
	[tilespmem:$0x1A400] =	vst v63  }
0x89: {  	_ =	swait.ge [sflag:s19], $0x4000  }
0x8a: {  	[sflag:s19] =	ssyncset.done $0x0  }
0x8b: {  	s9 =	sadd.s32 s4, s9;
	[sflag:s19] =	ssyncadd.s32 $0xFFFFC000  }
0x8c: {  	[hbm4b:s9+s2] =	stream.linear.scatter [tilespmem:s28], [sflag:$0x7], $0x4000, $0x38;
	[tilespmem:$0x1A400] =	vst v63  }
0x8d: {  	s9 =	simm.s32 @!p0 $0x9  }
0x8e: {  	_ =	swait.ge @!p0 [sflag:s9], $0x4000  }
0x8f: {  	[sflag:s9] =	ssyncset.done @!p0 $0x0  }
0x90: {  	s14 =	sadd.s32 $0x180, s0;
	[sflag:s9] =	ssyncadd.s32 @!p0 $0xFFFFC000  }
0x91: {  	[tilespmem:s20], [sflag:$0x4] =	stream.indirect.gather [hbm4b:s3+s15], $0x80, s14, s15, $0xb8;
	[tilespmem:$0x1A400] =	vst v63  }
0x92: {  	_ =	swait.ge [sflag:s21], $0x4000  }
0x93: {  	[sflag:s21] =	ssyncset.done $0x0  }
0x94: {  	[sflag:s21] =	ssyncadd.s32 $0xFFFFC000  }
0x95: {  	[hbm4b:s7+s2] =	stream.linear.scatter [tilespmem:s13], [sflag:$0x8], $0x4000, $0x38;
	[tilespmem:$0x1A400] =	vst v63  }
0x96: {  	s7 =	simm.s32 @!p0 $0xA  }
0x97: {  	_ =	swait.ge @!p0 [sflag:s7], $0x4000  }
0x98: {  	[sflag:s7] =	ssyncset.done @!p0 $0x0  }
0x99: {  	s16 =	simm.s32 $0x16400;
	s0 =	sadd.s32 $0x200, s0;
	[sflag:s7] =	ssyncadd.s32 @!p0 $0xFFFFC000  }
0x9a: {  	[tilespmem:s16], [sflag:$0x5] =	stream.indirect.gather [hbm4b:s3+s15], $0x80, s0, s15, $0xb8;
	[tilespmem:$0x1A400] =	vst v63  }
0x9b: {  	_ =	swait.ge [sflag:s23], $0x4000  }
0x9c: {  	[sflag:s23] =	ssyncset.done $0x0  }
0x9d: {  	s18 =	simm.s32 $0x5;
	[sflag:s23] =	ssyncadd.s32 $0xFFFFC000  }
0x9e: {  	[hbm4b:s1+s2] =	stream.linear.scatter [tilespmem:s20], [sflag:$0x9], $0x4000, $0x38;
	[tilespmem:$0x1A400] =	vst v63  }
0x9f: {  	_ =	swait.ge [sflag:s18], $0x4000  }
0xa0: {  	[sflag:s18] =	ssyncset.done $0x0  }
0xa1: {  	s24 =	simm.s32 $0x6;
	s22 =	rddreg [dreg:$0x4];
	[sflag:s18] =	ssyncadd.s32 $0xFFFFC000  }
0xa2: {  	[hbm4b:s22+s2] =	stream.linear.scatter [tilespmem:s16], [sflag:$0xA], $0x4000, $0x38;
	[tilespmem:$0x1A400] =	vst v63  }
0xa3: {  	_ =	swait.ge [sflag:s24], $0x4000  }
0xa4: {  	[sflag:s24] =	ssyncset.done $0x0  }
0xa5: {  	s25 =	simm.s32 $0x7;
	[sflag:s24] =	ssyncadd.s32 $0xFFFFC000  }
0xa6: {  	_ =	swait.ge [sflag:s25], $0x4000  }
0xa7: {  	[sflag:s25] =	ssyncset.done $0x0  }
0xa8: {  	s26 =	simm.s32 $0x8;
	[sflag:s25] =	ssyncadd.s32 $0xFFFFC000  }
0xa9: {  	_ =	swait.ge [sflag:s26], $0x4000  }
0xaa: {  	[sflag:s26] =	ssyncset.done $0x0  }
0xab: {  	s28 =	simm.s32 $0x9;
	[sflag:s26] =	ssyncadd.s32 $0xFFFFC000  }
0xac: {  	_ =	swait.ge [sflag:s28], $0x4000  }
0xad: {  	[sflag:s28] =	ssyncset.done $0x0  }
0xae: {  	s29 =	simm.s32 $0xA;
	[sflag:s28] =	ssyncadd.s32 $0xFFFFC000  }
0xaf: {  	_ =	swait.ge [sflag:s29], $0x4000  }
0xb0: {  	s30 =	rddreg [dreg:$0x9]  }
0xb1: {  	s31 =	rddreg [dreg:$0x5];
	s7 =	sadd.s32 $0x1, s30  }
0xb2: {  	p0 =	sne.s32 s7, s31  }
.Ltmp1:
0xb3: {  	_ = 	snop;
	(pc) =	sbr.rel @p0 .LBB2_1-.Ltmp1, $3  }
0xb4: {  	_ =	sdelay $0x1  }
0xb5: {  	[sflag:s29] =	ssyncset.done $0x0  }
0xb6: {  	s18 =	simm.s32 $0x16400;
	[sflag:s29] =	ssyncadd.s32 $0xFFFFC000  }
0xb7: {  	_ =	sfence.sel $0x180000  }
0xb8: {  	[bflag:$0x0] =	sbarrier.arrive $0xFFFF  }
0xb9: {  	_ =	strace $0x9000004A  }
0xba: {  	s0 =	stileid.u32;
	[bflag:$0x2] =	sbarrier.arrive $0xFFFF  }
0xbb: {  	p0 =	sne.s32 s0, $0x0;
	s0 =	rddreg [dreg:$0x1]  }
0xbc: {  	s0 =	sadd.s32 @!p0 $0x100000, s0  }
0xbd: {  	[sflag:s0] =	ssyncadd.tile.s32 @!p0 $0x1;
	_ =	shalt  }
.Lfunc_end2:
_tile_overlayer_lowered:
.L_overlay_start_2:
0xbe: {  	(tag) =	ssettag $0x2  }
0xbf: {  	s0 =	rddreg [dreg:$0x0];
	s2 =	stileid.u32  }
0xc0: {  	s1 =	rddreg [dreg:$0x1];
	p0 =	sne.s32 s2, $0x0  }
0xc1: {  	s3 =	rddreg [dreg:$0x2];
	[bflag:$0x3] =	sbarrier.arrive $0xFFFF;
	s2 =	simm.s32 @!p0 $0x1C0B  }
0xc2: {  	[timem:s3], [sflag:s2] =	dma.local @!p0 [hbm:s0], s1  }
0xc3: {  	s0 =	simm.s32 @!p0 $0xB  }
0xc4: {  	_ =	swait.ge @!p0 [sflag:s0], s1  }
0xc5: {  	s1 =	ssub.s32 @!p0 $0x0, s1;
	[sflag:s0] =	ssyncset.done @!p0 $0x0  }
0xc6: {  	[sflag:s0] =	ssyncadd.s32 @!p0 s1  }
0xc7: {  	[bflag:$0x3] =	sbarrier.arrive $0xFFFF  }
0xc8: {  	_ =	shalt  }

// kernel: kernel.16.cloned.1.call-start
scs
__scs_entry_jumppad:
0x0: {  	(pc) =	sbr.rel $0x88, $3  }
0x1: {  	(tag) =	ssettag $0x0;
	lr =	simm.s32 $0x1  }
0x2: {  	[smem:$0x3F9F] =	sst lr;
	_ =	strace $0xD0000000  }
0x3: {  	_ = 	snop  }
0x4: {  	_ = 	snop  }
0x5: {  	_ = 	snop  }
0x6: {  	_ = 	snop  }
0x7: {  	_ = 	snop  }
__scs_overlays_trampoline_lowered:
0x8: {  	[smem:$0x3FAE] =	sst s0  }
0x9: {  	[smem:$0x3FAF] =	sst s1  }
0xa: {  	[smem:$0x3FB0] =	sst s2  }
0xb: {  	[smem:$0x3FB1] =	sst s3  }
0xc: {  	[smem:$0x3FB2] =	sst s4  }
0xd: {  	[smem:$0x3FB3] =	sst s5  }
0xe: {  	[smem:$0x3FB4] =	sst s6  }
0xf: {  	[smem:$0x3FB5] =	sst s7  }
0x10: {  	[smem:$0x3FB6] =	sst s8  }
0x11: {  	[smem:$0x3FB7] =	sst s9;
	s0 =	simm.s32 @!p0 $0x0  }
0x12: {  	s1 =	sld [smem:$0x3F9D];
	s0 =	simm.s32 @p0 $0x1  }
0x13: {  	[smem:$0x3FB8] =	sst s0;
	s0 =	simm.s32 @!p1 $0x0  }
0x14: {  	s2 =	sld [smem:$0x3F9C];
	s0 =	simm.s32 @p1 $0x1  }
0x15: {  	[smem:$0x3FB9] =	sst s0;
	s0 =	simm.s32 @!p2 $0x0  }
0x16: {  	s3 =	sld [smem:$0x3FDB];
	s0 =	simm.s32 @p2 $0x1  }
0x17: {  	s4 =	simm.s32 $0x1BF5;
	[smem:$0x3FBB] =	sst s0  }
0x18: {  	s0 =	sld [smem:$0x3F9E];
	_ =	swait.ge [sflag:s4], $0x0  }
0x19: {  	s7 =	sld [smem:$0x3F9F]  }
0x1a: {  	s8 =	sadd.s32 $0xFFFFE003, lr  }
0x1b: {  	s9 =	sadd.s32 $0xFFFFFEF7, lr;
	s5 =	simm.s32 $0xFFFFFFFF;
	p2 =	slt.u32 s8, $0xFFFFF086  }
0x1c: {  	p1 =	slt.u32 s9, $0xF7A;
	s5 =	simm.s32 @!p2 $0x0  }
0x1d: {  	s5 =	simm.s32 @p1 $0x1;
	p0 =	seq.s32 s7, s2  }
0x1e: {  	s7 =	smul.u32 @!p0 $0xF7A, s2;
	p2 =	seq.s32 @!p0 s5, $0x0  }
0x1f: {  	s9 =	smul.u32 $0xF7A, s1;
	s8 =	simm.s32 @!p0 $0x1BF5;
	p2 =	por !p2, p0  }
0x20: {  	[sflag:s8] =	ssyncset.s32 @!p0 $0xFFFFF086;
	s6 =	sadd.s32 @!p0 s3, s7;
	s7 =	simm.s32 @!p0 $0x108  }
0x21: {  	s3 =	sadd.s32 s3, s9;
	s6 =	sadd.s32 @!p0 $0x88, s6;
	s7 =	simm.s32 @p2 $0x1082  }
0x22: {  	[simem:s7], [sflag:s8] =	dma.local @!p0 [hbm:s6], $0xF7A  }
0x23: {  	s9 =	sor.u32 $0xD0000000, s2;
	s6 =	simm.s32 $0x108;
	_ =	swait.ge @!p0 [sflag:s8], $0x0  }
0x24: {  	s3 =	sadd.s32 $0x88, s3;
	s6 =	simm.s32 @!p1 $0x1082;
	[sflag:s4] =	ssyncset.s32 $0xFFFFF086  }
0x25: {  	[simem:s6], [sflag:s4] =	dma.local [hbm:s3], $0xF7A  }
0x26: {  	[smem:$0x3F9F] =	sst s1;
	(tag) =	ssettag s2;
	_ =	strace s9  }
0x27: {  	s1 =	sld [smem:$0x3FAF]  }
0x28: {  	s2 =	sld [smem:$0x3FB0]  }
0x29: {  	s4 =	sld [smem:$0x3FB2]  }
0x2a: {  	p0 =	seq.s32 s5, $0x0;
	s5 =	sld [smem:$0x3FB3]  }
0x2b: {  	s6 =	sld [smem:$0x3FB4]  }
0x2c: {  	s7 =	sld [smem:$0x3FB5]  }
0x2d: {  	s3 =	simm.s32 $0x108;
	s8 =	sld [smem:$0x3FB6]  }
0x2e: {  	s3 =	simm.s32 @!p0 $0x1082;
	s9 =	sld [smem:$0x3FB7]  }
0x2f: {  	lr =	sadd.s32 s0, s3;
	s0 =	sld [smem:$0x3FAE]  }
0x30: {  	s3 =	sld [smem:$0x3FB1]  }
0x31: {  	[smem:$0x3FBA] =	sst s10  }
0x32: {  	s10 =	sld [smem:$0x3FB8];
	_ =	sdelay $0x3  }
0x33: {  	p0 =	seq.s32 s10, $0x1;
	s10 =	sld [smem:$0x3FBA];
	_ =	sdelay $0x3  }
0x34: {  	[smem:$0x3FBA] =	sst s10  }
0x35: {  	s10 =	sld [smem:$0x3FB9];
	_ =	sdelay $0x3  }
0x36: {  	p1 =	seq.s32 s10, $0x1;
	s10 =	sld [smem:$0x3FBA];
	_ =	sdelay $0x3  }
0x37: {  	[smem:$0x3FBA] =	sst s10  }
0x38: {  	s10 =	sld [smem:$0x3FBB]  }
0x39: {  	_ = 	snop;
	(pc) =	sbr.ind lr, $3  }
0x3a: {  	_ = 	snop  }
0x3b: {  	_ = 	snop  }
0x3c: {  	p2 =	seq.s32 s10, $0x1;
	s10 =	sld [smem:$0x3FBA]  }
0x3d: {  	_ =	shalt  }
0x3e: {  	_ =	shalt  }
0x3f: {  	_ =	shalt  }
0x40: {  	_ =	shalt  }
0x41: {  	_ =	shalt  }
0x42: {  	_ =	shalt  }
0x43: {  	_ =	shalt  }
0x44: {  	_ =	shalt  }
0x45: {  	_ =	shalt  }
0x46: {  	_ =	shalt  }
0x47: {  	_ =	shalt  }
0x48: {  	_ =	shalt  }
0x49: {  	_ =	shalt  }
0x4a: {  	_ =	shalt  }
0x4b: {  	_ =	shalt  }
0x4c: {  	_ =	shalt  }
0x4d: {  	_ =	shalt  }
0x4e: {  	_ =	shalt  }
0x4f: {  	_ =	shalt  }
0x50: {  	_ =	shalt  }
0x51: {  	_ =	shalt  }
0x52: {  	_ =	shalt  }
0x53: {  	_ =	shalt  }
0x54: {  	_ =	shalt  }
0x55: {  	_ =	shalt  }
0x56: {  	_ =	shalt  }
0x57: {  	_ =	shalt  }
0x58: {  	_ =	shalt  }
0x59: {  	_ =	shalt  }
0x5a: {  	_ =	shalt  }
0x5b: {  	_ =	shalt  }
0x5c: {  	_ =	shalt  }
0x5d: {  	_ =	shalt  }
0x5e: {  	_ =	shalt  }
0x5f: {  	_ =	shalt  }
0x60: {  	_ =	shalt  }
0x61: {  	_ =	shalt  }
0x62: {  	_ =	shalt  }
0x63: {  	_ =	shalt  }
0x64: {  	_ =	shalt  }
0x65: {  	_ =	shalt  }
0x66: {  	_ =	shalt  }
0x67: {  	_ =	shalt  }
0x68: {  	_ =	shalt  }
0x69: {  	_ =	shalt  }
0x6a: {  	_ =	shalt  }
0x6b: {  	_ =	shalt  }
0x6c: {  	_ =	shalt  }
0x6d: {  	_ =	shalt  }
0x6e: {  	_ =	shalt  }
0x6f: {  	_ =	shalt  }
0x70: {  	_ =	shalt  }
0x71: {  	_ =	shalt  }
0x72: {  	_ =	shalt  }
0x73: {  	_ =	shalt  }
0x74: {  	_ =	shalt  }
0x75: {  	_ =	shalt  }
0x76: {  	_ =	shalt  }
0x77: {  	_ =	shalt  }
0x78: {  	_ =	shalt  }
0x79: {  	_ =	shalt  }
0x7a: {  	_ =	shalt  }
0x7b: {  	_ =	shalt  }
0x7c: {  	_ =	shalt  }
0x7d: {  	_ =	shalt  }
0x7e: {  	_ =	shalt  }
0x7f: {  	_ =	shalt  }
0x80: {  	_ =	shalt  }
0x81: {  	_ =	shalt  }
0x82: {  	_ =	shalt  }
0x83: {  	_ =	shalt  }
0x84: {  	_ =	shalt  }
0x85: {  	_ =	shalt  }
0x86: {  	_ =	shalt  }
0x87: {  	_ =	shalt  }
.Lfunc_end0:
.L_simem_size_0:
called_computation.2_lowered:
.L_overlay_start_0:
0x88: {  	s2 =	sld [smem:$0x3FD9]  }
0x89: {  	s3 =	sld [smem:$0x3FFE];
	_ =	sdelay $0x1  }
0x8a: {  	s1 =	srdreg.scid  }
0x8b: {  	s0 =	sand.u32 $0x1, s1  }
0x8c: {  	s17 =	sshll.u32 s0, $0xA;
	s2 =	sadd.s32 s3, s2  }
0x8d: {  	s2 =	sadd.s32 s2, s17  }
0x8e: {  	[smem:$0x3FC6] =	sst s2  }
0x8f: {  	_ = 	snop  }
0x90: {  	(tm) =	ssettm $0x1  }
0x91: {  	s18 =	sld [smem:$0x3FFB];
	_ =	sdelay $0x3  }
0x92: {  	_ =	strace s18  }
0x93: {  	s2 =	sld [smem:$0x3FFC];
	_ =	sdelay $0x3  }
0x94: {  	_ =	strace s2  }
0x95: {  	s2 =	sld [smem:$0x3FFD];
	_ =	sdelay $0x3  }
0x96: {  	_ =	strace s2  }
0x97: {  	_ =	strace $0x8FFFFFFF  }
0x98: {  	s19 =	sld [smem:$0x3FDB];
	_ =	sdelay $0x1  }
0x99: {  	s20 =	simm.s32 $_scs_section_size  }
0x9a: {  	s4 =	simm.s32 $_size__tile_overlayer_lowered;
	s5 =	simm.s32 $_tile_overlayer_lowered  }
0x9b: {  	s6 =	simm.s32 $0x1BFF;
	s21 =	sshll.u32 s5, $0x1;
	s3 =	sadd.s32 s20, s19  }
0x9c: {  	s22 =	simm.s32 $0x0;
	s4 =	sshll.u32 s4, $0x1;
	s5 =	sadd.s32 s21, s3  }
0x9d: {  	[timem:s22], [sflag:s6] =	dma.local [hbm:s5], s4  }
0x9e: {  	_ =	swait.ge [sflag:s6], s4  }
0x9f: {  	s4 =	ssub.s32 $0x0, s4;
	[sflag:s6] =	ssyncset.done $0x0  }
0xa0: {  	[sflag:s6] =	ssyncadd.s32 s4;
	_ =	sdelay $0x1  }
0xa1: {  	s23 =	simm.s32 $0x1B8B  }
0xa2: {  	_ =	swait.ge [sflag:s23], $0x1  }
0xa3: {  	[sflag:s23] =	ssyncset.done $0x0  }
0xa4: {  	[sflag:s23] =	ssyncadd.s32 $0xFFFFFFFF  }
0xa5: {  	s4 =	sld [smem:$0x0]  }
0xa6: {  	s5 =	sand.u32 $0xFFFFFFFE, s1  }
0xa7: {  	p0 =	sne.s32 s1, s5  }
0xa8: {  	s5 =	sshll.u32 @p0 s5, $0xE  }
0xa9: {  	s5 =	sadd.s32 @p0 $0x11B8D, s5;
	s6 =	sshll.u32 @p0 s4, $0x11  }
0xaa: {  	s5 =	sor.u32 @p0 s6, s5  }
0xab: {  	[sflag:s5] =	ssyncadd.remote.s32 @p0 $0x1;
	_ =	sdelay $0x1  }
0xac: {  	s5 =	simm.s32 @p0 $0x1B8D  }
0xad: {  	_ =	swait.eq @p0 [sflag:s5], $0x1  }
0xae: {  	[sflag:s5] =	ssyncadd.s32 @p0 $0xFFFFFFFF  }
0xaf: {  	s6 =	sshll.u32 @!p0 s1, $0xE  }
0xb0: {  	s6 =	sor.u32 @!p0 $0x4000, s6;
	s5 =	simm.s32 @!p0 $0x1B8D  }
0xb1: {  	s4 =	sshll.u32 @!p0 s4, $0x11;
	s6 =	sadd.s32 @!p0 $0x11B8D, s6;
	_ =	swait.eq @!p0 [sflag:s5], $0x1  }
0xb2: {  	s4 =	sor.u32 @!p0 s4, s6;
	[sflag:s5] =	ssyncadd.s32 @!p0 $0xFFFFFFFF  }
0xb3: {  	s25 =	simm.s32 $0x1B8E;
	s24 =	sld [smem:$0x3FFE];
	[sflag:s4] =	ssyncadd.remote.s32 @!p0 $0x1  }
0xb4: {  	s26 =	simm.s32 $execute0_lowered;
	[smem:$0x3FD2] =	sst s25  }
0xb5: {  	s5 =	sshll.u32 s26, $0x1;
	_ =	strace $0x8000004C;
	[dreg:$0x1] =	wrdreg $0xFFFFFFFF  }
0xb6: {  	s28 =	simm.s32 $_size_execute0_lowered;
	s3 =	sadd.s32 s3, s5;
	[dreg:$0x0] =	wrdreg $0x0  }
0xb7: {  	s5 =	sshll.u32 s28, $0x1;
	[dreg:$0x2] =	wrdreg s3  }
0xb8: {  	[dreg:$0x3] =	wrdreg s5  }
0xb9: {  	[dreg:$0x4] =	wrdreg $0xC0  }
0xba: {  	_ =	task [dreg:s22], $0x5FFFF  }
0xbb: {  	[dreg:$0x1] =	wrdreg $0xFFFFFFFF  }
0xbc: {  	[dreg:$0x0] =	wrdreg $0x60  }
0xbd: {  	[dreg:$0x2] =	wrdreg s24  }
0xbe: {  	[dreg:$0x3] =	wrdreg $0xB  }
0xbf: {  	_ =	task.clear_ibuf [dreg:s22], $0x4FFFF;
	_ =	strace $0x9000004C  }
0xc0: {  	s29 =	simm.s32 $0xB;
	_ =	strace $0x8000004E  }
0xc1: {  	_ =	swait.ge [sflag:s29], $0x1  }
0xc2: {  	[sflag:s29] =	ssyncadd.s32 $0xFFFFFFFF  }
0xc3: {  	_ =	strace $0x9000004E  }
0xc4: {  	_ =	sfence  }
0xc5: {  	s30 =	sld [smem:$0x0];
	_ =	sdelay $0x2  }
0xc6: {  	s31 =	sshll.u32 s1, $0xD;
	s1 =	sshrl.u32 s1, $0x2  }
0xc7: {  	s4 =	sand.u32 $0x4000, s31;
	s1 =	sadd.s32 s1, s30  }
0xc8: {  	s0 =	sor.u32 s4, s0;
	s1 =	sshll.u32 s1, $0x11  }
0xc9: {  	s0 =	sor.u32 s1, s0  }
0xca: {  	s0 =	sadd.s32 $0x8F2B, s0  }
0xcb: {  	[sflag:s0] =	ssyncadd.remote.s32 $0x1  }
0xcc: {  	_ =	sfence.sel $0xFFFF  }
0xcd: {  	[dreg:$0x0] =	wrdreg $0xFFFFFFFF;
	(pc) =	sbr.abs _section_cstart, $3  }
0xce: {  	[dreg:$0x1] =	wrdreg $0xFFFFFFFF  }
0xcf: {  	_ =	task.clear_ibuf [dreg:s22], $0x2FFFF;
	_ =	strace $0x9FFFFFFF  }
0xd0: {  	(tm) =	ssettm $0x7FFFFFFF  }
0xd1: {  	_ =	shalt  }
tec
execute0_lowered:
.L_overlay_start_1:
0x0: {  	(tag) =	ssettag $0x1  }
0x1: {  	s0 =	rddreg [dreg:$0x0]  }
0x2: {  	s11 =	stileid.u32;
	s2 =	simm.s32 $0x0;
	s1 =	srdreg.scid  }
0x3: {  	s15 =	simm.s32 $0x80;
	s31 =	simm.s32 $0x6400;
	s17 =	simm.s32 $0x1  }
0x4: {  	s19 =	simm.s32 $0x2;
	s20 =	simm.s32 $0x12400;
	s18 =	simm.s32 $0x16400  }
0x5: {  	s3 =	sshll.u32 s11, $0x1;
	[smem:$0x7FF] =	sst s2;
	s1 =	sand.u32 $0x1, s1  }
0x6: {  	s4 =	sadd.s32 $0x7E1000, s0;
	s9 =	sshrl.u32 s11, $0x2;
	s22 =	sand.u32 $0x3, s11  }
0x7: {  	s3 =	sand.u32 $0x6, s3;
	_ =	strace $0x8000004D;
	s5 =	ssub.s32 $0x2, s1  }
0x8: {  	s21 =	smul.u32 $0x640000, s9;
	[dreg:$0x2] =	wrdreg s31;
	s6 =	sor.u32 s1, s3  }
0x9: {  	s3 =	sadd.s32 $0x1A600, s0;
	s8 =	sshrl.u32 s5, $0x1;
	s7 =	smul.u32 $0x6400, s6  }
0xa: {  	s1 =	sshll.u32 s1, $0xE;
	s10 =	ssub.s32 s5, s8;
	s5 =	smul.u32 $0x32, s9  }
0xb: {  	s6 =	sshll.u32 s6, $0xE;
	s9 =	smul.u32 $0x6400, s9;
	s8 =	sshll.u32 s22, $0xF  }
0xc: {  	s23 =	sor.u32 s6, s21;
	s28 =	smax.u32 s10, $0x1;
	s7 =	sshrl.u32 s7, $0x3  }
0xd: {  	s24 =	sadd.s32 $0x620000, s23;
	[dreg:$0x5] =	wrdreg s28;
	s0 =	sadd.s32 s0, s7  }
0xe: {  	s23 =	simm.s32 $0x4;
	s7 =	sor.u32 s8, s21;
	s0 =	sadd.s32 $0xDE00, s0  }
0xf: {  	s1 =	sor.u32 s1, s7;
	[dreg:$0x3] =	wrdreg s0;
	s0 =	sshrl.u32 s24, $0x3  }
0x10: {  	s7 =	sadd.s32 $0x60000, s1;
	s26 =	sadd.s32 $0x40000, s1;
	s30 =	sadd.s32 $0xFFFE0000, s1  }
0x11: {  	s0 =	sadd.s32 s4, s0;
	s25 =	sshrl.u32 s7, $0x3;
	[dreg:$0x8] =	wrdreg s30  }
0x12: {  	s29 =	sshrl.u32 s26, $0x3;
	[dreg:$0x4] =	wrdreg s0;
	s0 =	sadd.s32 s25, s4  }
0x13: {  	s8 =	sshrl.u32 s9, $0x2;
	[dreg:$0x6] =	wrdreg s0;
	s0 =	sadd.s32 s29, s4  }
0x14: {  	s21 =	simm.s32 $0x3;
	s7 =	simm.s32 $0x0;
	[dreg:$0x7] =	wrdreg s0  }
.LBB2_1:
0x15: {  	[dreg:$0x9] =	wrdreg s7  }
0x16: {  	s0 =	rddreg [dreg:$0x3];
	s12 =	simm.s32 $0xB;
	p0 =	por $0x0, $0x0  }
0x17: {  	s7 =	simm.s32 $0x1;
	s11 =	smov.u32 s5;
	s14 =	simm.s32 $0xA400  }
0x18: {  	[tilespmem:s2], [sflag:$0xB] =	stream.linear.gather [hbm4b:s0+s2], $0x6400, $0x38;
	[tilespmem:$0x1A400] =	vst v63  }
0x19: {  	s31 =	sadd.s32 $0x0, s8;
	p1 =	por p0, p0;
	s1 =	sadd.s32 @p0 $0x0, s8  }
0x1a: {  	s7 =	simm.s32 @!p0 $0x1;
	_ =	swait.ge [sflag:s12], $0x6400;
	s0 =	simm.s32 @p1 $0x6  }
0x1b: {  	s9 =	simm.s32 @p1 $0x5;
	s10 =	simm.s32 @p1 $0x6400;
	[sflag:s12] =	ssyncset.done $0x0  }
0x1c: {  	s13 =	sadd.s32 s5, s7;
	s7 =	sadd.s32 @p0 $0x1, s5;
	[sflag:s12] =	ssyncadd.s32 $0xFFFF9C00  }
0x1d: {  	s16 =	sshll.u32 s13, $0x7;
	s7 =	sadd.s32 @p0 $0xFFFFFFFF, s7;
	_ =	swait.ge @p1 [sflag:s0], $0x4000  }
0x1e: {  	s26 =	sshll.u32 s13, $0x11;
	s11 =	smov.u32 @p0 s7;
	[sflag:s0] =	ssyncset.done @p1 $0x0  }
0x1f: {  	s12 =	rddreg [dreg:$0x8];
	[sflag:s0] =	ssyncadd.s32 @p1 $0xFFFFC000;
	s0 =	simm.s32 @p1 $0x80  }
0x20: {  	[tilespmem:s10], [sflag:$0x1] =	stream.indirect.gather @p1 [hbm4b:s3+s0], $0x80, s1, s0, $0xb8;
	[tilespmem:$0x1A400] =	vst v63  }
0x21: {  	s22 =	sand.u32 $0x3FFFFF80, s16;
	s0 =	sshrl.u32 @p0 s12, $0x3;
	_ =	swait.ge @p1 [sflag:s9], $0x4000  }
0x22: {  	s1 =	simm.s32 @p1 $0x7;
	s10 =	simm.s32 @p1 $0x16400;
	[sflag:s9] =	ssyncset.done @p1 $0x0  }
0x23: {  	s0 =	sadd.s32 @p0 s4, s0;
	[sflag:s9] =	ssyncadd.s32 @p1 $0xFFFFC000;
	s9 =	simm.s32 @p1 $0x0  }
0x24: {  	[hbm4b:s0+s9] =	stream.linear.scatter @p1 [tilespmem:s10], [sflag:$0xA], $0x4000, $0x38;
	[tilespmem:$0x1A400] =	vst v63  }
0x25: {  	s30 =	sor.u32 s6, s26;
	s26 =	sadd.s32 $0x100, s31;
	_ =	swait.ge @p1 [sflag:s1], $0x4000  }
0x26: {  	s24 =	sshll.u32 s11, $0x11;
	s11 =	sadd.s32 $0xA0000, s12;
	[sflag:s1] =	ssyncset.done @p1 $0x0  }
0x27: {  	s10 =	simm.s32 @!p1 $0x6400;
	[sflag:s1] =	ssyncadd.s32 @p1 $0xFFFFC000;
	s1 =	simm.s32 @!p1 $0x80  }
0x28: {  	[tilespmem:s10], [sflag:$0x1] =	stream.indirect.gather @!p1 [hbm4b:s3+s1], $0x80, s8, s1, $0xb8;
	[tilespmem:$0x1A400] =	vst v63  }
0x29: {  	s16 =	simm.s32 $0xE400;
	s12 =	sadd.s32 $0x200, s31;
	s28 =	sadd.s32 $0xA0000, s11  }
0x2a: {  	[tilespmem:s14], [sflag:$0x2] =	stream.indirect.gather [hbm4b:s3+s15], $0x80, s22, s15, $0xb8;
	[tilespmem:$0x1A400] =	vst v63  }
0x2b: {  	s1 =	sor.u32 s6, s24;
	p1 =	por $0x1, $0x1;
	_ =	swait.ge [sflag:s17], $0x4000  }
0x2c: {  	s29 =	sshrl.u32 s1, $0x3;
	s7 =	simm.s32 @!p1 $0x8;
	[sflag:s17] =	ssyncset.done $0x0  }
0x2d: {  	s0 =	sadd.s32 s4, s29;
	s25 =	rddreg [dreg:$0x2];
	[sflag:s17] =	ssyncadd.s32 $0xFFFFC000  }
0x2e: {  	[hbm4b:s0+s2] =	stream.linear.scatter [tilespmem:s25], [sflag:$0x6], $0x4000, $0x38;
	[tilespmem:$0x1A400] =	vst v63  }
0x2f: {  	p0 =	por $0x1, $0x1;
	s9 =	simm.s32 $0x6;
	_ =	swait.ge @!p1 [sflag:s7], $0x4000  }
0x30: {  	s9 =	simm.s32 @!p0 $0x1;
	s10 =	simm.s32 $0x1400;
	[sflag:s7] =	ssyncset.done @!p1 $0x0  }
0x31: {  	s1 =	sshrl.u32 s30, $0x3;
	s13 =	simm.s32 @!p1 $0x9;
	[sflag:s7] =	ssyncadd.s32 @!p1 $0xFFFFC000  }
0x32: {  	[tilespmem:s16], [sflag:$0x3] =	stream.indirect.gather [hbm4b:s3+s15], $0x80, s26, s15, $0xb8;
	[tilespmem:$0x1A400] =	vst v63  }
0x33: {  	s30 =	sadd.s32 $0x180, s31;
	s1 =	sadd.s32 s4, s1;
	_ =	swait.ge [sflag:s19], $0x4000  }
0x34: {  	s29 =	sadd.s32 s5, s9;
	s0 =	simm.s32 $0xA00;
	[sflag:s19] =	ssyncset.done $0x0  }
0x35: {  	s7 =	sshrl.u32 @p0 s11, $0x3;
	s26 =	sadd.s32 @p0 $0x280, s8;
	[sflag:s19] =	ssyncadd.s32 $0xFFFFC000  }
0x36: {  	[hbm4b:s1+s2] =	stream.linear.scatter [tilespmem:s14], [sflag:$0x7], $0x4000, $0x38;
	[tilespmem:$0x1A400] =	vst v63  }
0x37: {  	s25 =	sadd.s32 @p0 s4, s7;
	s7 =	sadd.s32 @p0 $0x6, s5;
	_ =	swait.ge @!p1 [sflag:s13], $0x4000  }
0x38: {  	s7 =	sadd.s32 @p0 $0xFFFFFFFF, s7;
	s14 =	sshll.u32 s29, $0x7;
	[sflag:s13] =	ssyncset.done @!p1 $0x0  }
0x39: {  	s1 =	sshll.u32 s29, $0x11;
	[sflag:s13] =	ssyncadd.s32 @!p1 $0xFFFFC000;
	s13 =	smov.u32 s5  }
0x3a: {  	[tilespmem:s20], [sflag:$0x4] =	stream.indirect.gather [hbm4b:s3+s15], $0x80, s30, s15, $0xb8;
	[tilespmem:$0x1A400] =	vst v63  }
0x3b: {  	s1 =	sor.u32 s6, s1;
	s13 =	smov.u32 @p0 s7;
	_ =	swait.ge [sflag:s21], $0x4000  }
0x3c: {  	s9 =	sshrl.u32 s1, $0x3;
	s7 =	sshll.u32 s13, $0x11;
	[sflag:s21] =	ssyncset.done $0x0  }
0x3d: {  	s13 =	simm.s32 @!p1 $0xA;
	s22 =	rddreg [dreg:$0x7];
	[sflag:s21] =	ssyncadd.s32 $0xFFFFC000  }
0x3e: {  	[hbm4b:s22+s2] =	stream.linear.scatter [tilespmem:s16], [sflag:$0x8], $0x4000, $0x38;
	[tilespmem:$0x1A400] =	vst v63  }
0x3f: {  	p0 =	por p0, p0;
	s7 =	sor.u32 s6, s7;
	_ =	swait.ge @!p1 [sflag:s13], $0x4000  }
0x40: {  	s24 =	sshrl.u32 s7, $0x3;
	s7 =	sadd.s32 $0x14000, s22;
	[sflag:s13] =	ssyncset.done @!p1 $0x0  }
0x41: {  	s22 =	simm.s32 $0xB;
	s31 =	rddreg [dreg:$0x6];
	[sflag:s13] =	ssyncadd.s32 @!p1 $0xFFFFC000  }
0x42: {  	[tilespmem:s18], [sflag:$0x5] =	stream.indirect.gather [hbm4b:s3+s15], $0x80, s12, s15, $0xb8;
	[tilespmem:$0x1A400] =	vst v63  }
0x43: {  	s1 =	sadd.s32 $0x14000, s31;
	s13 =	simm.s32 @p0 $0x5;
	_ =	swait.ge [sflag:s23], $0x4000  }
0x44: {  	s11 =	smov.u32 s31;
	s12 =	simm.s32 @p0 $0x6;
	[sflag:s23] =	ssyncset.done $0x0  }
.LBB2_2:
0x45: {  	p1 =	sne.s32 s10, $0x0;
	[sflag:s23] =	ssyncadd.s32 $0xFFFFC000;
	s30 =	smov.u32 s10  }
0x46: {  	s29 =	smov.u32 s22;
	s16 =	simm.s32 @p0 $0x6400;
	s14 =	sand.u32 $0x3FFFFF80, s14  }
0x47: {  	[hbm4b:s11+s2] =	stream.linear.scatter [tilespmem:s20], [sflag:$0x9], $0x4000, $0x38;
	[tilespmem:$0x1A400] =	vst v63  }
0x48: {  	p3 =	seq.s32 s0, $0x0;
	s24 =	sadd.s32 s4, s24;
	_ =	swait.ge @p0 [sflag:s12], $0x4000  }
0x49: {  	s11 =	sshra.s32 @p1 s30, $0x2;
	s31 =	sshrl.u32 @p1 s28, $0x3;
	[sflag:s12] =	ssyncset.done @p0 $0x0  }
0x4a: {  	s29 =	simm.s32 @!p1 $0x1;
	[sflag:s12] =	ssyncadd.s32 @p0 $0xFFFFC000;
	s12 =	simm.s32 @p0 $0x80  }
0x4b: {  	[tilespmem:s16], [sflag:$0x1] =	stream.indirect.gather @p0 [hbm4b:s3+s12], $0x80, s26, s12, $0xb8;
	[tilespmem:$0x1A400] =	vst v63  }
0x4c: {  	s11 =	sadd.s32 @p1 s11, s8;
	s12 =	sadd.s32 @p1 s4, s31;
	_ =	swait.ge @p0 [sflag:s13], $0x4000  }
0x4d: {  	s16 =	sadd.s32 s5, s29;
	s26 =	simm.s32 @p0 $0x7;
	[sflag:s13] =	ssyncset.done @p0 $0x0  }
0x4e: {  	s31 =	simm.s32 @p0 $0x16400;
	[sflag:s13] =	ssyncadd.s32 @p0 $0xFFFFC000;
	s13 =	simm.s32 @p0 $0x0  }
0x4f: {  	[hbm4b:s25+s13] =	stream.linear.scatter @p0 [tilespmem:s31], [sflag:$0xA], $0x4000, $0x38;
	[tilespmem:$0x1A400] =	vst v63  }
0x50: {  	s13 =	sadd.s32 @p1 s22, s5;
	s25 =	simm.s32 @!p0 $0x6400;
	_ =	swait.ge @p0 [sflag:s26], $0x4000  }
0x51: {  	s31 =	smov.u32 s5;
	s13 =	sadd.s32 @p1 $0xFFFFFFFF, s13;
	[sflag:s26] =	ssyncset.done @p0 $0x0  }
0x52: {  	s31 =	smov.u32 @p1 s13;
	s13 =	simm.s32 @!p0 $0x80;
	[sflag:s26] =	ssyncadd.s32 @p0 $0xFFFFC000  }
0x53: {  	[tilespmem:s25], [sflag:$0x1] =	stream.indirect.gather @!p0 [hbm4b:s3+s13], $0x80, s8, s13, $0xb8;
	[tilespmem:$0x1A400] =	vst v63  }
0x54: {  	s29 =	sshll.u32 s16, $0x7;
	s26 =	sshll.u32 s31, $0x11;
	s31 =	simm.s32 $0xA400  }
0x55: {  	[tilespmem:s31], [sflag:$0x2] =	stream.indirect.gather [hbm4b:s3+s15], $0x80, s14, s15, $0xb8;
	[tilespmem:$0x1A400] =	vst v63  }
0x56: {  	s16 =	sshll.u32 s16, $0x11;
	s13 =	sor.u32 s6, s26;
	_ =	swait.ge [sflag:s17], $0x4000  }
0x57: {  	s26 =	smov.u32 s11;
	s25 =	smov.u32 s12;
	[sflag:s17] =	ssyncset.done $0x0  }
0x58: {  	s11 =	simm.s32 @!p3 $0x8;
	s14 =	rddreg [dreg:$0x2];
	[sflag:s17] =	ssyncadd.s32 $0xFFFFC000  }
0x59: {  	[hbm4b:s24+s2] =	stream.linear.scatter [tilespmem:s14], [sflag:$0x6], $0x4000, $0x38;
	[tilespmem:$0x1A400] =	vst v63  }
0x5a: {  	s24 =	sshra.s32 s0, $0x2;
	s0 =	smov.u32 s30;
	_ =	swait.ge @!p3 [sflag:s11], $0x4000  }
0x5b: {  	s14 =	smov.u32 s29;
	s12 =	sadd.s32 s24, s8;
	[sflag:s11] =	ssyncset.done @!p3 $0x0  }
0x5c: {  	s30 =	simm.s32 $0xE400;
	s29 =	sadd.s32 $0x100, s12;
	[sflag:s11] =	ssyncadd.s32 @!p3 $0xFFFFC000  }
0x5d: {  	[tilespmem:s30], [sflag:$0x3] =	stream.indirect.gather [hbm4b:s3+s15], $0x80, s29, s15, $0xb8;
	[tilespmem:$0x1A400] =	vst v63  }
0x5e: {  	s16 =	sor.u32 s6, s16;
	_ =	swait.ge [sflag:s19], $0x4000  }
0x5f: {  	s16 =	sshrl.u32 s16, $0x3;
	s29 =	sadd.s32 s4, s9;
	[sflag:s19] =	ssyncset.done $0x0  }
0x60: {  	s9 =	smov.u32 s16;
	s16 =	simm.s32 @!p3 $0x9;
	[sflag:s19] =	ssyncadd.s32 $0xFFFFC000  }
0x61: {  	[hbm4b:s29+s2] =	stream.linear.scatter [tilespmem:s31], [sflag:$0x7], $0x4000, $0x38;
	[tilespmem:$0x1A400] =	vst v63  }
0x62: {  	_ =	swait.ge @!p3 [sflag:s16], $0x4000  }
0x63: {  	[sflag:s16] =	ssyncset.done @!p3 $0x0  }
0x64: {  	s31 =	sadd.s32 $0x180, s12;
	[sflag:s16] =	ssyncadd.s32 @!p3 $0xFFFFC000  }
0x65: {  	[tilespmem:s20], [sflag:$0x4] =	stream.indirect.gather [hbm4b:s3+s15], $0x80, s31, s15, $0xb8;
	[tilespmem:$0x1A400] =	vst v63  }
0x66: {  	s10 =	sadd.s32 $0xA00, s10;
	_ =	swait.ge [sflag:s21], $0x4000  }
0x67: {  	p2 =	sne.s32 s10, $0x6400;
	s13 =	sshrl.u32 s13, $0x3;
	[sflag:s21] =	ssyncset.done $0x0  }
0x68: {  	s24 =	smov.u32 s13;
	s13 =	simm.s32 @!p3 $0xA;
	[sflag:s21] =	ssyncadd.s32 $0xFFFFC000  }
0x69: {  	[hbm4b:s7+s2] =	stream.linear.scatter [tilespmem:s30], [sflag:$0x8], $0x4000, $0x38;
	[tilespmem:$0x1A400] =	vst v63  }
0x6a: {  	s28 =	sadd.s32 $0xA0000, s28;
	s22 =	sadd.s32 $0x5, s22;
	_ =	swait.ge @!p3 [sflag:s13], $0x4000  }
.Ltmp0:
0x6b: {  	p0 =	por p1, p1;
	[sflag:s13] =	ssyncset.done @!p3 $0x0;
	(pc) =	sbr.rel @p2 .LBB2_2-.Ltmp0, $4  }
0x6c: {  	s11 =	smov.u32 s1;
	s12 =	sadd.s32 $0x200, s12;
	[sflag:s13] =	ssyncadd.s32 @!p3 $0xFFFFC000  }
0x6d: {  	[tilespmem:s18], [sflag:$0x5] =	stream.indirect.gather [hbm4b:s3+s15], $0x80, s12, s15, $0xb8;
	[tilespmem:$0x1A400] =	vst v63  }
0x6e: {  	s1 =	sadd.s32 $0x14000, s1;
	s7 =	sadd.s32 $0x14000, s7;
	_ =	swait.ge [sflag:s23], $0x4000  }
0x6f: {  	s13 =	simm.s32 @p0 $0x5;
	s12 =	simm.s32 @p0 $0x6;
	[sflag:s23] =	ssyncset.done $0x0  }
0x70: {  	[sflag:s23] =	ssyncadd.s32 $0xFFFFC000  }
0x71: {  	[hbm4b:s11+s2] =	stream.linear.scatter [tilespmem:s20], [sflag:$0x9], $0x4000, $0x38;
	[tilespmem:$0x1A400] =	vst v63  }
0x72: {  	_ =	swait.ge @p0 [sflag:s12], $0x4000  }
0x73: {  	[sflag:s12] =	ssyncset.done @p0 $0x0  }
0x74: {  	s10 =	simm.s32 @p0 $0x80;
	s11 =	simm.s32 @p0 $0x6400;
	[sflag:s12] =	ssyncadd.s32 @p0 $0xFFFFC000  }
0x75: {  	[tilespmem:s11], [sflag:$0x1] =	stream.indirect.gather @p0 [hbm4b:s3+s10], $0x80, s26, s10, $0xb8;
	[tilespmem:$0x1A400] =	vst v63  }
0x76: {  	_ =	swait.ge @p0 [sflag:s13], $0x4000  }
0x77: {  	[sflag:s13] =	ssyncset.done @p0 $0x0  }
0x78: {  	s10 =	simm.s32 @p0 $0x0;
	s11 =	simm.s32 @p0 $0x16400;
	[sflag:s13] =	ssyncadd.s32 @p0 $0xFFFFC000  }
0x79: {  	[hbm4b:s25+s10] =	stream.linear.scatter @p0 [tilespmem:s11], [sflag:$0xA], $0x4000, $0x38;
	[tilespmem:$0x1A400] =	vst v63  }
0x7a: {  	s10 =	simm.s32 @p0 $0x7  }
0x7b: {  	_ =	swait.ge @p0 [sflag:s10], $0x4000  }
0x7c: {  	[sflag:s10] =	ssyncset.done @p0 $0x0  }
0x7d: {  	s11 =	simm.s32 @!p0 $0x6400;
	[sflag:s10] =	ssyncadd.s32 @p0 $0xFFFFC000;
	s10 =	simm.s32 @!p0 $0x80  }
0x7e: {  	[tilespmem:s11], [sflag:$0x1] =	stream.indirect.gather @!p0 [hbm4b:s3+s10], $0x80, s8, s10, $0xb8;
	[tilespmem:$0x1A400] =	vst v63  }
0x7f: {  	s28 =	simm.s32 $0xA400;
	s26 =	sand.u32 $0x3FFFFF80, s14  }
0x80: {  	[tilespmem:s28], [sflag:$0x2] =	stream.indirect.gather [hbm4b:s3+s15], $0x80, s26, s15, $0xb8;
	[tilespmem:$0x1A400] =	vst v63  }
0x81: {  	_ =	swait.ge [sflag:s17], $0x4000  }
0x82: {  	s30 =	sadd.s32 s4, s24;
	p0 =	seq.s32 s0, $0x0;
	[sflag:s17] =	ssyncset.done $0x0  }
0x83: {  	s10 =	simm.s32 @!p0 $0x8;
	s29 =	rddreg [dreg:$0x2];
	[sflag:s17] =	ssyncadd.s32 $0xFFFFC000  }
0x84: {  	[hbm4b:s30+s2] =	stream.linear.scatter [tilespmem:s29], [sflag:$0x6], $0x4000, $0x38;
	[tilespmem:$0x1A400] =	vst v63  }
0x85: {  	s31 =	sshra.s32 s0, $0x2;
	_ =	swait.ge @!p0 [sflag:s10], $0x4000  }
0x86: {  	s0 =	sadd.s32 s31, s8;
	[sflag:s10] =	ssyncset.done @!p0 $0x0  }
0x87: {  	s13 =	simm.s32 $0xE400;
	s11 =	sadd.s32 $0x100, s0;
	[sflag:s10] =	ssyncadd.s32 @!p0 $0xFFFFC000  }
0x88: {  	[tilespmem:s13], [sflag:$0x3] =	stream.indirect.gather [hbm4b:s3+s15], $0x80, s11, s15, $0xb8;
	[tilespmem:$0x1A400] =	vst v63  }
0x89: {  	_ =	swait.ge [sflag:s19], $0x4000  }
0x8a: {  	[sflag:s19] =	ssyncset.done $0x0  }
0x8b: {  	s9 =	sadd.s32 s4, s9;
	[sflag:s19] =	ssyncadd.s32 $0xFFFFC000  }
0x8c: {  	[hbm4b:s9+s2] =	stream.linear.scatter [tilespmem:s28], [sflag:$0x7], $0x4000, $0x38;
	[tilespmem:$0x1A400] =	vst v63  }
0x8d: {  	s9 =	simm.s32 @!p0 $0x9  }
0x8e: {  	_ =	swait.ge @!p0 [sflag:s9], $0x4000  }
0x8f: {  	[sflag:s9] =	ssyncset.done @!p0 $0x0  }
0x90: {  	s14 =	sadd.s32 $0x180, s0;
	[sflag:s9] =	ssyncadd.s32 @!p0 $0xFFFFC000  }
0x91: {  	[tilespmem:s20], [sflag:$0x4] =	stream.indirect.gather [hbm4b:s3+s15], $0x80, s14, s15, $0xb8;
	[tilespmem:$0x1A400] =	vst v63  }
0x92: {  	_ =	swait.ge [sflag:s21], $0x4000  }
0x93: {  	[sflag:s21] =	ssyncset.done $0x0  }
0x94: {  	[sflag:s21] =	ssyncadd.s32 $0xFFFFC000  }
0x95: {  	[hbm4b:s7+s2] =	stream.linear.scatter [tilespmem:s13], [sflag:$0x8], $0x4000, $0x38;
	[tilespmem:$0x1A400] =	vst v63  }
0x96: {  	s7 =	simm.s32 @!p0 $0xA  }
0x97: {  	_ =	swait.ge @!p0 [sflag:s7], $0x4000  }
0x98: {  	[sflag:s7] =	ssyncset.done @!p0 $0x0  }
0x99: {  	s16 =	simm.s32 $0x16400;
	s0 =	sadd.s32 $0x200, s0;
	[sflag:s7] =	ssyncadd.s32 @!p0 $0xFFFFC000  }
0x9a: {  	[tilespmem:s16], [sflag:$0x5] =	stream.indirect.gather [hbm4b:s3+s15], $0x80, s0, s15, $0xb8;
	[tilespmem:$0x1A400] =	vst v63  }
0x9b: {  	_ =	swait.ge [sflag:s23], $0x4000  }
0x9c: {  	[sflag:s23] =	ssyncset.done $0x0  }
0x9d: {  	s18 =	simm.s32 $0x5;
	[sflag:s23] =	ssyncadd.s32 $0xFFFFC000  }
0x9e: {  	[hbm4b:s1+s2] =	stream.linear.scatter [tilespmem:s20], [sflag:$0x9], $0x4000, $0x38;
	[tilespmem:$0x1A400] =	vst v63  }
0x9f: {  	_ =	swait.ge [sflag:s18], $0x4000  }
0xa0: {  	[sflag:s18] =	ssyncset.done $0x0  }
0xa1: {  	s24 =	simm.s32 $0x6;
	s22 =	rddreg [dreg:$0x4];
	[sflag:s18] =	ssyncadd.s32 $0xFFFFC000  }
0xa2: {  	[hbm4b:s22+s2] =	stream.linear.scatter [tilespmem:s16], [sflag:$0xA], $0x4000, $0x38;
	[tilespmem:$0x1A400] =	vst v63  }
0xa3: {  	_ =	swait.ge [sflag:s24], $0x4000  }
0xa4: {  	[sflag:s24] =	ssyncset.done $0x0  }
0xa5: {  	s25 =	simm.s32 $0x7;
	[sflag:s24] =	ssyncadd.s32 $0xFFFFC000  }
0xa6: {  	_ =	swait.ge [sflag:s25], $0x4000  }
0xa7: {  	[sflag:s25] =	ssyncset.done $0x0  }
0xa8: {  	s26 =	simm.s32 $0x8;
	[sflag:s25] =	ssyncadd.s32 $0xFFFFC000  }
0xa9: {  	_ =	swait.ge [sflag:s26], $0x4000  }
0xaa: {  	[sflag:s26] =	ssyncset.done $0x0  }
0xab: {  	s28 =	simm.s32 $0x9;
	[sflag:s26] =	ssyncadd.s32 $0xFFFFC000  }
0xac: {  	_ =	swait.ge [sflag:s28], $0x4000  }
0xad: {  	[sflag:s28] =	ssyncset.done $0x0  }
0xae: {  	s29 =	simm.s32 $0xA;
	[sflag:s28] =	ssyncadd.s32 $0xFFFFC000  }
0xaf: {  	_ =	swait.ge [sflag:s29], $0x4000  }
0xb0: {  	s30 =	rddreg [dreg:$0x9]  }
0xb1: {  	s31 =	rddreg [dreg:$0x5];
	s7 =	sadd.s32 $0x1, s30  }
0xb2: {  	p0 =	sne.s32 s7, s31  }
.Ltmp1:
0xb3: {  	_ = 	snop;
	(pc) =	sbr.rel @p0 .LBB2_1-.Ltmp1, $3  }
0xb4: {  	_ =	sdelay $0x1  }
0xb5: {  	[sflag:s29] =	ssyncset.done $0x0  }
0xb6: {  	s18 =	simm.s32 $0x16400;
	[sflag:s29] =	ssyncadd.s32 $0xFFFFC000  }
0xb7: {  	_ =	sfence.sel $0x180000  }
0xb8: {  	[bflag:$0x0] =	sbarrier.arrive $0xFFFF  }
0xb9: {  	_ =	strace $0x9000004D  }
0xba: {  	s0 =	stileid.u32;
	[bflag:$0x2] =	sbarrier.arrive $0xFFFF  }
0xbb: {  	p0 =	sne.s32 s0, $0x0;
	s0 =	rddreg [dreg:$0x1]  }
0xbc: {  	s0 =	sadd.s32 @!p0 $0x100000, s0  }
0xbd: {  	[sflag:s0] =	ssyncadd.tile.s32 @!p0 $0x1;
	_ =	shalt  }
.Lfunc_end2:
_tile_overlayer_lowered:
.L_overlay_start_2:
0xbe: {  	(tag) =	ssettag $0x2  }
0xbf: {  	s0 =	rddreg [dreg:$0x0];
	s2 =	stileid.u32  }
0xc0: {  	s1 =	rddreg [dreg:$0x1];
	p0 =	sne.s32 s2, $0x0  }
0xc1: {  	s3 =	rddreg [dreg:$0x2];
	[bflag:$0x3] =	sbarrier.arrive $0xFFFF;
	s2 =	simm.s32 @!p0 $0x1C0B  }
0xc2: {  	[timem:s3], [sflag:s2] =	dma.local @!p0 [hbm:s0], s1  }
0xc3: {  	s0 =	simm.s32 @!p0 $0xB  }
0xc4: {  	_ =	swait.ge @!p0 [sflag:s0], s1  }
0xc5: {  	s1 =	ssub.s32 @!p0 $0x0, s1;
	[sflag:s0] =	ssyncset.done @!p0 $0x0  }
0xc6: {  	[sflag:s0] =	ssyncadd.s32 @!p0 s1  }
0xc7: {  	[bflag:$0x3] =	sbarrier.arrive $0xFFFF  }
0xc8: {  	_ =	shalt  }

// kernel: kernel.19.cloned.1.call-start
scs
__scs_entry_jumppad:
0x0: {  	(pc) =	sbr.rel $0x88, $3  }
0x1: {  	(tag) =	ssettag $0x0;
	lr =	simm.s32 $0x1  }
0x2: {  	[smem:$0x3F9F] =	sst lr;
	_ =	strace $0xD0000000  }
0x3: {  	_ = 	snop  }
0x4: {  	_ = 	snop  }
0x5: {  	_ = 	snop  }
0x6: {  	_ = 	snop  }
0x7: {  	_ = 	snop  }
__scs_overlays_trampoline_lowered:
0x8: {  	[smem:$0x3FAE] =	sst s0  }
0x9: {  	[smem:$0x3FAF] =	sst s1  }
0xa: {  	[smem:$0x3FB0] =	sst s2  }
0xb: {  	[smem:$0x3FB1] =	sst s3  }
0xc: {  	[smem:$0x3FB2] =	sst s4  }
0xd: {  	[smem:$0x3FB3] =	sst s5  }
0xe: {  	[smem:$0x3FB4] =	sst s6  }
0xf: {  	[smem:$0x3FB5] =	sst s7  }
0x10: {  	[smem:$0x3FB6] =	sst s8  }
0x11: {  	[smem:$0x3FB7] =	sst s9;
	s0 =	simm.s32 @!p0 $0x0  }
0x12: {  	s1 =	sld [smem:$0x3F9D];
	s0 =	simm.s32 @p0 $0x1  }
0x13: {  	[smem:$0x3FB8] =	sst s0;
	s0 =	simm.s32 @!p1 $0x0  }
0x14: {  	s2 =	sld [smem:$0x3F9C];
	s0 =	simm.s32 @p1 $0x1  }
0x15: {  	[smem:$0x3FB9] =	sst s0;
	s0 =	simm.s32 @!p2 $0x0  }
0x16: {  	s3 =	sld [smem:$0x3FDB];
	s0 =	simm.s32 @p2 $0x1  }
0x17: {  	s4 =	simm.s32 $0x1BF5;
	[smem:$0x3FBB] =	sst s0  }
0x18: {  	s0 =	sld [smem:$0x3F9E];
	_ =	swait.ge [sflag:s4], $0x0  }
0x19: {  	s7 =	sld [smem:$0x3F9F]  }
0x1a: {  	s8 =	sadd.s32 $0xFFFFE003, lr  }
0x1b: {  	s9 =	sadd.s32 $0xFFFFFEF7, lr;
	s5 =	simm.s32 $0xFFFFFFFF;
	p2 =	slt.u32 s8, $0xFFFFF086  }
0x1c: {  	p1 =	slt.u32 s9, $0xF7A;
	s5 =	simm.s32 @!p2 $0x0  }
0x1d: {  	s5 =	simm.s32 @p1 $0x1;
	p0 =	seq.s32 s7, s2  }
0x1e: {  	s7 =	smul.u32 @!p0 $0xF7A, s2;
	p2 =	seq.s32 @!p0 s5, $0x0  }
0x1f: {  	s9 =	smul.u32 $0xF7A, s1;
	s8 =	simm.s32 @!p0 $0x1BF5;
	p2 =	por !p2, p0  }
0x20: {  	[sflag:s8] =	ssyncset.s32 @!p0 $0xFFFFF086;
	s6 =	sadd.s32 @!p0 s3, s7;
	s7 =	simm.s32 @!p0 $0x108  }
0x21: {  	s3 =	sadd.s32 s3, s9;
	s6 =	sadd.s32 @!p0 $0x88, s6;
	s7 =	simm.s32 @p2 $0x1082  }
0x22: {  	[simem:s7], [sflag:s8] =	dma.local @!p0 [hbm:s6], $0xF7A  }
0x23: {  	s9 =	sor.u32 $0xD0000000, s2;
	s6 =	simm.s32 $0x108;
	_ =	swait.ge @!p0 [sflag:s8], $0x0  }
0x24: {  	s3 =	sadd.s32 $0x88, s3;
	s6 =	simm.s32 @!p1 $0x1082;
	[sflag:s4] =	ssyncset.s32 $0xFFFFF086  }
0x25: {  	[simem:s6], [sflag:s4] =	dma.local [hbm:s3], $0xF7A  }
0x26: {  	[smem:$0x3F9F] =	sst s1;
	(tag) =	ssettag s2;
	_ =	strace s9  }
0x27: {  	s1 =	sld [smem:$0x3FAF]  }
0x28: {  	s2 =	sld [smem:$0x3FB0]  }
0x29: {  	s4 =	sld [smem:$0x3FB2]  }
0x2a: {  	p0 =	seq.s32 s5, $0x0;
	s5 =	sld [smem:$0x3FB3]  }
0x2b: {  	s6 =	sld [smem:$0x3FB4]  }
0x2c: {  	s7 =	sld [smem:$0x3FB5]  }
0x2d: {  	s3 =	simm.s32 $0x108;
	s8 =	sld [smem:$0x3FB6]  }
0x2e: {  	s3 =	simm.s32 @!p0 $0x1082;
	s9 =	sld [smem:$0x3FB7]  }
0x2f: {  	lr =	sadd.s32 s0, s3;
	s0 =	sld [smem:$0x3FAE]  }
0x30: {  	s3 =	sld [smem:$0x3FB1]  }
0x31: {  	[smem:$0x3FBA] =	sst s10  }
0x32: {  	s10 =	sld [smem:$0x3FB8];
	_ =	sdelay $0x3  }
0x33: {  	p0 =	seq.s32 s10, $0x1;
	s10 =	sld [smem:$0x3FBA];
	_ =	sdelay $0x3  }
0x34: {  	[smem:$0x3FBA] =	sst s10  }
0x35: {  	s10 =	sld [smem:$0x3FB9];
	_ =	sdelay $0x3  }
0x36: {  	p1 =	seq.s32 s10, $0x1;
	s10 =	sld [smem:$0x3FBA];
	_ =	sdelay $0x3  }
0x37: {  	[smem:$0x3FBA] =	sst s10  }
0x38: {  	s10 =	sld [smem:$0x3FBB]  }
0x39: {  	_ = 	snop;
	(pc) =	sbr.ind lr, $3  }
0x3a: {  	_ = 	snop  }
0x3b: {  	_ = 	snop  }
0x3c: {  	p2 =	seq.s32 s10, $0x1;
	s10 =	sld [smem:$0x3FBA]  }
0x3d: {  	_ =	shalt  }
0x3e: {  	_ =	shalt  }
0x3f: {  	_ =	shalt  }
0x40: {  	_ =	shalt  }
0x41: {  	_ =	shalt  }
0x42: {  	_ =	shalt  }
0x43: {  	_ =	shalt  }
0x44: {  	_ =	shalt  }
0x45: {  	_ =	shalt  }
0x46: {  	_ =	shalt  }
0x47: {  	_ =	shalt  }
0x48: {  	_ =	shalt  }
0x49: {  	_ =	shalt  }
0x4a: {  	_ =	shalt  }
0x4b: {  	_ =	shalt  }
0x4c: {  	_ =	shalt  }
0x4d: {  	_ =	shalt  }
0x4e: {  	_ =	shalt  }
0x4f: {  	_ =	shalt  }
0x50: {  	_ =	shalt  }
0x51: {  	_ =	shalt  }
0x52: {  	_ =	shalt  }
0x53: {  	_ =	shalt  }
0x54: {  	_ =	shalt  }
0x55: {  	_ =	shalt  }
0x56: {  	_ =	shalt  }
0x57: {  	_ =	shalt  }
0x58: {  	_ =	shalt  }
0x59: {  	_ =	shalt  }
0x5a: {  	_ =	shalt  }
0x5b: {  	_ =	shalt  }
0x5c: {  	_ =	shalt  }
0x5d: {  	_ =	shalt  }
0x5e: {  	_ =	shalt  }
0x5f: {  	_ =	shalt  }
0x60: {  	_ =	shalt  }
0x61: {  	_ =	shalt  }
0x62: {  	_ =	shalt  }
0x63: {  	_ =	shalt  }
0x64: {  	_ =	shalt  }
0x65: {  	_ =	shalt  }
0x66: {  	_ =	shalt  }
0x67: {  	_ =	shalt  }
0x68: {  	_ =	shalt  }
0x69: {  	_ =	shalt  }
0x6a: {  	_ =	shalt  }
0x6b: {  	_ =	shalt  }
0x6c: {  	_ =	shalt  }
0x6d: {  	_ =	shalt  }
0x6e: {  	_ =	shalt  }
0x6f: {  	_ =	shalt  }
0x70: {  	_ =	shalt  }
0x71: {  	_ =	shalt  }
0x72: {  	_ =	shalt  }
0x73: {  	_ =	shalt  }
0x74: {  	_ =	shalt  }
0x75: {  	_ =	shalt  }
0x76: {  	_ =	shalt  }
0x77: {  	_ =	shalt  }
0x78: {  	_ =	shalt  }
0x79: {  	_ =	shalt  }
0x7a: {  	_ =	shalt  }
0x7b: {  	_ =	shalt  }
0x7c: {  	_ =	shalt  }
0x7d: {  	_ =	shalt  }
0x7e: {  	_ =	shalt  }
0x7f: {  	_ =	shalt  }
0x80: {  	_ =	shalt  }
0x81: {  	_ =	shalt  }
0x82: {  	_ =	shalt  }
0x83: {  	_ =	shalt  }
0x84: {  	_ =	shalt  }
0x85: {  	_ =	shalt  }
0x86: {  	_ =	shalt  }
0x87: {  	_ =	shalt  }
.Lfunc_end0:
.L_simem_size_0:
called_computation.3_lowered:
.L_overlay_start_0:
0x88: {  	s2 =	sld [smem:$0x3FD9]  }
0x89: {  	s3 =	sld [smem:$0x3FFE];
	_ =	sdelay $0x1  }
0x8a: {  	s1 =	srdreg.scid  }
0x8b: {  	s0 =	sand.u32 $0x1, s1  }
0x8c: {  	s17 =	sshll.u32 s0, $0xA;
	s2 =	sadd.s32 s3, s2  }
0x8d: {  	s2 =	sadd.s32 s2, s17  }
0x8e: {  	[smem:$0x3FC6] =	sst s2  }
0x8f: {  	_ = 	snop  }
0x90: {  	(tm) =	ssettm $0x1  }
0x91: {  	s18 =	sld [smem:$0x3FFB];
	_ =	sdelay $0x3  }
0x92: {  	_ =	strace s18  }
0x93: {  	s2 =	sld [smem:$0x3FFC];
	_ =	sdelay $0x3  }
0x94: {  	_ =	strace s2  }
0x95: {  	s2 =	sld [smem:$0x3FFD];
	_ =	sdelay $0x3  }
0x96: {  	_ =	strace s2  }
0x97: {  	_ =	strace $0x8FFFFFFF  }
0x98: {  	s19 =	sld [smem:$0x3FDB];
	_ =	sdelay $0x1  }
0x99: {  	s20 =	simm.s32 $_scs_section_size  }
0x9a: {  	s4 =	simm.s32 $_size__tile_overlayer_lowered;
	s5 =	simm.s32 $_tile_overlayer_lowered  }
0x9b: {  	s6 =	simm.s32 $0x1BFF;
	s21 =	sshll.u32 s5, $0x1;
	s3 =	sadd.s32 s20, s19  }
0x9c: {  	s22 =	simm.s32 $0x0;
	s4 =	sshll.u32 s4, $0x1;
	s5 =	sadd.s32 s21, s3  }
0x9d: {  	[timem:s22], [sflag:s6] =	dma.local [hbm:s5], s4  }
0x9e: {  	_ =	swait.ge [sflag:s6], s4  }
0x9f: {  	s4 =	ssub.s32 $0x0, s4;
	[sflag:s6] =	ssyncset.done $0x0  }
0xa0: {  	[sflag:s6] =	ssyncadd.s32 s4;
	_ =	sdelay $0x1  }
0xa1: {  	s23 =	simm.s32 $0x1B8B  }
0xa2: {  	_ =	swait.ge [sflag:s23], $0x1  }
0xa3: {  	[sflag:s23] =	ssyncset.done $0x0  }
0xa4: {  	[sflag:s23] =	ssyncadd.s32 $0xFFFFFFFF  }
0xa5: {  	s4 =	sld [smem:$0x0]  }
0xa6: {  	s5 =	sand.u32 $0xFFFFFFFE, s1  }
0xa7: {  	p0 =	sne.s32 s1, s5  }
0xa8: {  	s5 =	sshll.u32 @p0 s5, $0xE  }
0xa9: {  	s5 =	sadd.s32 @p0 $0x11B8D, s5;
	s6 =	sshll.u32 @p0 s4, $0x11  }
0xaa: {  	s5 =	sor.u32 @p0 s6, s5  }
0xab: {  	[sflag:s5] =	ssyncadd.remote.s32 @p0 $0x1;
	_ =	sdelay $0x1  }
0xac: {  	s5 =	simm.s32 @p0 $0x1B8D  }
0xad: {  	_ =	swait.eq @p0 [sflag:s5], $0x1  }
0xae: {  	[sflag:s5] =	ssyncadd.s32 @p0 $0xFFFFFFFF  }
0xaf: {  	s6 =	sshll.u32 @!p0 s1, $0xE  }
0xb0: {  	s6 =	sor.u32 @!p0 $0x4000, s6;
	s5 =	simm.s32 @!p0 $0x1B8D  }
0xb1: {  	s4 =	sshll.u32 @!p0 s4, $0x11;
	s6 =	sadd.s32 @!p0 $0x11B8D, s6;
	_ =	swait.eq @!p0 [sflag:s5], $0x1  }
0xb2: {  	s4 =	sor.u32 @!p0 s4, s6;
	[sflag:s5] =	ssyncadd.s32 @!p0 $0xFFFFFFFF  }
0xb3: {  	s25 =	simm.s32 $0x1B8E;
	s24 =	sld [smem:$0x3FFE];
	[sflag:s4] =	ssyncadd.remote.s32 @!p0 $0x1  }
0xb4: {  	s26 =	simm.s32 $execute0_lowered;
	[smem:$0x3FD2] =	sst s25  }
0xb5: {  	s5 =	sshll.u32 s26, $0x1;
	_ =	strace $0x8000004F;
	[dreg:$0x1] =	wrdreg $0xFFFFFFFF  }
0xb6: {  	s28 =	simm.s32 $_size_execute0_lowered;
	s3 =	sadd.s32 s3, s5;
	[dreg:$0x0] =	wrdreg $0x0  }
0xb7: {  	s5 =	sshll.u32 s28, $0x1;
	[dreg:$0x2] =	wrdreg s3  }
0xb8: {  	[dreg:$0x3] =	wrdreg s5  }
0xb9: {  	[dreg:$0x4] =	wrdreg $0xC0  }
0xba: {  	_ =	task [dreg:s22], $0x5FFFF  }
0xbb: {  	[dreg:$0x1] =	wrdreg $0xFFFFFFFF  }
0xbc: {  	[dreg:$0x0] =	wrdreg $0x60  }
0xbd: {  	[dreg:$0x2] =	wrdreg s24  }
0xbe: {  	[dreg:$0x3] =	wrdreg $0xC  }
0xbf: {  	_ =	task.clear_ibuf [dreg:s22], $0x4FFFF;
	_ =	strace $0x9000004F  }
0xc0: {  	s29 =	simm.s32 $0xC;
	_ =	strace $0x80000051  }
0xc1: {  	_ =	swait.ge [sflag:s29], $0x1  }
0xc2: {  	[sflag:s29] =	ssyncadd.s32 $0xFFFFFFFF  }
0xc3: {  	_ =	strace $0x90000051  }
0xc4: {  	_ =	sfence  }
0xc5: {  	s30 =	sld [smem:$0x0];
	_ =	sdelay $0x2  }
0xc6: {  	s31 =	sshll.u32 s1, $0xD;
	s1 =	sshrl.u32 s1, $0x2  }
0xc7: {  	s4 =	sand.u32 $0x4000, s31;
	s1 =	sadd.s32 s1, s30  }
0xc8: {  	s0 =	sor.u32 s4, s0;
	s1 =	sshll.u32 s1, $0x11  }
0xc9: {  	s0 =	sor.u32 s1, s0  }
0xca: {  	s0 =	sadd.s32 $0x8F2B, s0  }
0xcb: {  	[sflag:s0] =	ssyncadd.remote.s32 $0x1  }
0xcc: {  	_ =	sfence.sel $0xFFFF  }
0xcd: {  	[dreg:$0x0] =	wrdreg $0xFFFFFFFF;
	(pc) =	sbr.abs _section_cstart, $3  }
0xce: {  	[dreg:$0x1] =	wrdreg $0xFFFFFFFF  }
0xcf: {  	_ =	task.clear_ibuf [dreg:s22], $0x2FFFF;
	_ =	strace $0x9FFFFFFF  }
0xd0: {  	(tm) =	ssettm $0x7FFFFFFF  }
0xd1: {  	_ =	shalt  }
tec
execute0_lowered:
.L_overlay_start_1:
0x0: {  	(tag) =	ssettag $0x1  }
0x1: {  	s0 =	rddreg [dreg:$0x0]  }
0x2: {  	s11 =	stileid.u32;
	s2 =	simm.s32 $0x0;
	s1 =	srdreg.scid  }
0x3: {  	s15 =	simm.s32 $0x80;
	s31 =	simm.s32 $0x6400;
	s17 =	simm.s32 $0x1  }
0x4: {  	s19 =	simm.s32 $0x2;
	s20 =	simm.s32 $0x12400;
	s18 =	simm.s32 $0x16400  }
0x5: {  	s3 =	sshll.u32 s11, $0x1;
	[smem:$0x7FF] =	sst s2;
	s1 =	sand.u32 $0x1, s1  }
0x6: {  	s4 =	sadd.s32 $0xB01000, s0;
	s9 =	sshrl.u32 s11, $0x2;
	s22 =	sand.u32 $0x3, s11  }
0x7: {  	s3 =	sand.u32 $0x6, s3;
	_ =	strace $0x80000050;
	s5 =	ssub.s32 $0x2, s1  }
0x8: {  	s21 =	smul.u32 $0x640000, s9;
	[dreg:$0x2] =	wrdreg s31;
	s6 =	sor.u32 s1, s3  }
0x9: {  	s3 =	sadd.s32 $0x1A600, s0;
	s8 =	sshrl.u32 s5, $0x1;
	s7 =	smul.u32 $0x6400, s6  }
0xa: {  	s1 =	sshll.u32 s1, $0xE;
	s10 =	ssub.s32 s5, s8;
	s5 =	smul.u32 $0x32, s9  }
0xb: {  	s6 =	sshll.u32 s6, $0xE;
	s9 =	smul.u32 $0x6400, s9;
	s8 =	sshll.u32 s22, $0xF  }
0xc: {  	s23 =	sor.u32 s6, s21;
	s28 =	smax.u32 s10, $0x1;
	s7 =	sshrl.u32 s7, $0x3  }
0xd: {  	s24 =	sadd.s32 $0x620000, s23;
	[dreg:$0x5] =	wrdreg s28;
	s0 =	sadd.s32 s0, s7  }
0xe: {  	s23 =	simm.s32 $0x4;
	s7 =	sor.u32 s8, s21;
	s0 =	sadd.s32 $0x14200, s0  }
0xf: {  	s1 =	sor.u32 s1, s7;
	[dreg:$0x3] =	wrdreg s0;
	s0 =	sshrl.u32 s24, $0x3  }
0x10: {  	s7 =	sadd.s32 $0x60000, s1;
	s26 =	sadd.s32 $0x40000, s1;
	s30 =	sadd.s32 $0xFFFE0000, s1  }
0x11: {  	s0 =	sadd.s32 s4, s0;
	s25 =	sshrl.u32 s7, $0x3;
	[dreg:$0x8] =	wrdreg s30  }
0x12: {  	s29 =	sshrl.u32 s26, $0x3;
	[dreg:$0x4] =	wrdreg s0;
	s0 =	sadd.s32 s25, s4  }
0x13: {  	s8 =	sshrl.u32 s9, $0x2;
	[dreg:$0x6] =	wrdreg s0;
	s0 =	sadd.s32 s29, s4  }
0x14: {  	s21 =	simm.s32 $0x3;
	s7 =	simm.s32 $0x0;
	[dreg:$0x7] =	wrdreg s0  }
.LBB2_1:
0x15: {  	[dreg:$0x9] =	wrdreg s7  }
0x16: {  	s0 =	rddreg [dreg:$0x3];
	s12 =	simm.s32 $0xB;
	p0 =	por $0x0, $0x0  }
0x17: {  	s7 =	simm.s32 $0x1;
	s11 =	smov.u32 s5;
	s14 =	simm.s32 $0xA400  }
0x18: {  	[tilespmem:s2], [sflag:$0xB] =	stream.linear.gather [hbm4b:s0+s2], $0x6400, $0x38;
	[tilespmem:$0x1A400] =	vst v63  }
0x19: {  	s31 =	sadd.s32 $0x0, s8;
	p1 =	por p0, p0;
	s1 =	sadd.s32 @p0 $0x0, s8  }
0x1a: {  	s7 =	simm.s32 @!p0 $0x1;
	_ =	swait.ge [sflag:s12], $0x6400;
	s0 =	simm.s32 @p1 $0x6  }
0x1b: {  	s9 =	simm.s32 @p1 $0x5;
	s10 =	simm.s32 @p1 $0x6400;
	[sflag:s12] =	ssyncset.done $0x0  }
0x1c: {  	s13 =	sadd.s32 s5, s7;
	s7 =	sadd.s32 @p0 $0x1, s5;
	[sflag:s12] =	ssyncadd.s32 $0xFFFF9C00  }
0x1d: {  	s16 =	sshll.u32 s13, $0x7;
	s7 =	sadd.s32 @p0 $0xFFFFFFFF, s7;
	_ =	swait.ge @p1 [sflag:s0], $0x4000  }
0x1e: {  	s26 =	sshll.u32 s13, $0x11;
	s11 =	smov.u32 @p0 s7;
	[sflag:s0] =	ssyncset.done @p1 $0x0  }
0x1f: {  	s12 =	rddreg [dreg:$0x8];
	[sflag:s0] =	ssyncadd.s32 @p1 $0xFFFFC000;
	s0 =	simm.s32 @p1 $0x80  }
0x20: {  	[tilespmem:s10], [sflag:$0x1] =	stream.indirect.gather @p1 [hbm4b:s3+s0], $0x80, s1, s0, $0xb8;
	[tilespmem:$0x1A400] =	vst v63  }
0x21: {  	s22 =	sand.u32 $0x3FFFFF80, s16;
	s0 =	sshrl.u32 @p0 s12, $0x3;
	_ =	swait.ge @p1 [sflag:s9], $0x4000  }
0x22: {  	s1 =	simm.s32 @p1 $0x7;
	s10 =	simm.s32 @p1 $0x16400;
	[sflag:s9] =	ssyncset.done @p1 $0x0  }
0x23: {  	s0 =	sadd.s32 @p0 s4, s0;
	[sflag:s9] =	ssyncadd.s32 @p1 $0xFFFFC000;
	s9 =	simm.s32 @p1 $0x0  }
0x24: {  	[hbm4b:s0+s9] =	stream.linear.scatter @p1 [tilespmem:s10], [sflag:$0xA], $0x4000, $0x38;
	[tilespmem:$0x1A400] =	vst v63  }
0x25: {  	s30 =	sor.u32 s6, s26;
	s26 =	sadd.s32 $0x100, s31;
	_ =	swait.ge @p1 [sflag:s1], $0x4000  }
0x26: {  	s24 =	sshll.u32 s11, $0x11;
	s11 =	sadd.s32 $0xA0000, s12;
	[sflag:s1] =	ssyncset.done @p1 $0x0  }
0x27: {  	s10 =	simm.s32 @!p1 $0x6400;
	[sflag:s1] =	ssyncadd.s32 @p1 $0xFFFFC000;
	s1 =	simm.s32 @!p1 $0x80  }
0x28: {  	[tilespmem:s10], [sflag:$0x1] =	stream.indirect.gather @!p1 [hbm4b:s3+s1], $0x80, s8, s1, $0xb8;
	[tilespmem:$0x1A400] =	vst v63  }
0x29: {  	s16 =	simm.s32 $0xE400;
	s12 =	sadd.s32 $0x200, s31;
	s28 =	sadd.s32 $0xA0000, s11  }
0x2a: {  	[tilespmem:s14], [sflag:$0x2] =	stream.indirect.gather [hbm4b:s3+s15], $0x80, s22, s15, $0xb8;
	[tilespmem:$0x1A400] =	vst v63  }
0x2b: {  	s1 =	sor.u32 s6, s24;
	p1 =	por $0x1, $0x1;
	_ =	swait.ge [sflag:s17], $0x4000  }
0x2c: {  	s29 =	sshrl.u32 s1, $0x3;
	s7 =	simm.s32 @!p1 $0x8;
	[sflag:s17] =	ssyncset.done $0x0  }
0x2d: {  	s0 =	sadd.s32 s4, s29;
	s25 =	rddreg [dreg:$0x2];
	[sflag:s17] =	ssyncadd.s32 $0xFFFFC000  }
0x2e: {  	[hbm4b:s0+s2] =	stream.linear.scatter [tilespmem:s25], [sflag:$0x6], $0x4000, $0x38;
	[tilespmem:$0x1A400] =	vst v63  }
0x2f: {  	p0 =	por $0x1, $0x1;
	s9 =	simm.s32 $0x6;
	_ =	swait.ge @!p1 [sflag:s7], $0x4000  }
0x30: {  	s9 =	simm.s32 @!p0 $0x1;
	s10 =	simm.s32 $0x1400;
	[sflag:s7] =	ssyncset.done @!p1 $0x0  }
0x31: {  	s1 =	sshrl.u32 s30, $0x3;
	s13 =	simm.s32 @!p1 $0x9;
	[sflag:s7] =	ssyncadd.s32 @!p1 $0xFFFFC000  }
0x32: {  	[tilespmem:s16], [sflag:$0x3] =	stream.indirect.gather [hbm4b:s3+s15], $0x80, s26, s15, $0xb8;
	[tilespmem:$0x1A400] =	vst v63  }
0x33: {  	s30 =	sadd.s32 $0x180, s31;
	s1 =	sadd.s32 s4, s1;
	_ =	swait.ge [sflag:s19], $0x4000  }
0x34: {  	s29 =	sadd.s32 s5, s9;
	s0 =	simm.s32 $0xA00;
	[sflag:s19] =	ssyncset.done $0x0  }
0x35: {  	s7 =	sshrl.u32 @p0 s11, $0x3;
	s26 =	sadd.s32 @p0 $0x280, s8;
	[sflag:s19] =	ssyncadd.s32 $0xFFFFC000  }
0x36: {  	[hbm4b:s1+s2] =	stream.linear.scatter [tilespmem:s14], [sflag:$0x7], $0x4000, $0x38;
	[tilespmem:$0x1A400] =	vst v63  }
0x37: {  	s25 =	sadd.s32 @p0 s4, s7;
	s7 =	sadd.s32 @p0 $0x6, s5;
	_ =	swait.ge @!p1 [sflag:s13], $0x4000  }
0x38: {  	s7 =	sadd.s32 @p0 $0xFFFFFFFF, s7;
	s14 =	sshll.u32 s29, $0x7;
	[sflag:s13] =	ssyncset.done @!p1 $0x0  }
0x39: {  	s1 =	sshll.u32 s29, $0x11;
	[sflag:s13] =	ssyncadd.s32 @!p1 $0xFFFFC000;
	s13 =	smov.u32 s5  }
0x3a: {  	[tilespmem:s20], [sflag:$0x4] =	stream.indirect.gather [hbm4b:s3+s15], $0x80, s30, s15, $0xb8;
	[tilespmem:$0x1A400] =	vst v63  }
0x3b: {  	s1 =	sor.u32 s6, s1;
	s13 =	smov.u32 @p0 s7;
	_ =	swait.ge [sflag:s21], $0x4000  }
0x3c: {  	s9 =	sshrl.u32 s1, $0x3;
	s7 =	sshll.u32 s13, $0x11;
	[sflag:s21] =	ssyncset.done $0x0  }
0x3d: {  	s13 =	simm.s32 @!p1 $0xA;
	s22 =	rddreg [dreg:$0x7];
	[sflag:s21] =	ssyncadd.s32 $0xFFFFC000  }
0x3e: {  	[hbm4b:s22+s2] =	stream.linear.scatter [tilespmem:s16], [sflag:$0x8], $0x4000, $0x38;
	[tilespmem:$0x1A400] =	vst v63  }
0x3f: {  	p0 =	por p0, p0;
	s7 =	sor.u32 s6, s7;
	_ =	swait.ge @!p1 [sflag:s13], $0x4000  }
0x40: {  	s24 =	sshrl.u32 s7, $0x3;
	s7 =	sadd.s32 $0x14000, s22;
	[sflag:s13] =	ssyncset.done @!p1 $0x0  }
0x41: {  	s22 =	simm.s32 $0xB;
	s31 =	rddreg [dreg:$0x6];
	[sflag:s13] =	ssyncadd.s32 @!p1 $0xFFFFC000  }
0x42: {  	[tilespmem:s18], [sflag:$0x5] =	stream.indirect.gather [hbm4b:s3+s15], $0x80, s12, s15, $0xb8;
	[tilespmem:$0x1A400] =	vst v63  }
0x43: {  	s1 =	sadd.s32 $0x14000, s31;
	s13 =	simm.s32 @p0 $0x5;
	_ =	swait.ge [sflag:s23], $0x4000  }
0x44: {  	s11 =	smov.u32 s31;
	s12 =	simm.s32 @p0 $0x6;
	[sflag:s23] =	ssyncset.done $0x0  }
.LBB2_2:
0x45: {  	p1 =	sne.s32 s10, $0x0;
	[sflag:s23] =	ssyncadd.s32 $0xFFFFC000;
	s30 =	smov.u32 s10  }
0x46: {  	s29 =	smov.u32 s22;
	s16 =	simm.s32 @p0 $0x6400;
	s14 =	sand.u32 $0x3FFFFF80, s14  }
0x47: {  	[hbm4b:s11+s2] =	stream.linear.scatter [tilespmem:s20], [sflag:$0x9], $0x4000, $0x38;
	[tilespmem:$0x1A400] =	vst v63  }
0x48: {  	p3 =	seq.s32 s0, $0x0;
	s24 =	sadd.s32 s4, s24;
	_ =	swait.ge @p0 [sflag:s12], $0x4000  }
0x49: {  	s11 =	sshra.s32 @p1 s30, $0x2;
	s31 =	sshrl.u32 @p1 s28, $0x3;
	[sflag:s12] =	ssyncset.done @p0 $0x0  }
0x4a: {  	s29 =	simm.s32 @!p1 $0x1;
	[sflag:s12] =	ssyncadd.s32 @p0 $0xFFFFC000;
	s12 =	simm.s32 @p0 $0x80  }
0x4b: {  	[tilespmem:s16], [sflag:$0x1] =	stream.indirect.gather @p0 [hbm4b:s3+s12], $0x80, s26, s12, $0xb8;
	[tilespmem:$0x1A400] =	vst v63  }
0x4c: {  	s11 =	sadd.s32 @p1 s11, s8;
	s12 =	sadd.s32 @p1 s4, s31;
	_ =	swait.ge @p0 [sflag:s13], $0x4000  }
0x4d: {  	s16 =	sadd.s32 s5, s29;
	s26 =	simm.s32 @p0 $0x7;
	[sflag:s13] =	ssyncset.done @p0 $0x0  }
0x4e: {  	s31 =	simm.s32 @p0 $0x16400;
	[sflag:s13] =	ssyncadd.s32 @p0 $0xFFFFC000;
	s13 =	simm.s32 @p0 $0x0  }
0x4f: {  	[hbm4b:s25+s13] =	stream.linear.scatter @p0 [tilespmem:s31], [sflag:$0xA], $0x4000, $0x38;
	[tilespmem:$0x1A400] =	vst v63  }
0x50: {  	s13 =	sadd.s32 @p1 s22, s5;
	s25 =	simm.s32 @!p0 $0x6400;
	_ =	swait.ge @p0 [sflag:s26], $0x4000  }
0x51: {  	s31 =	smov.u32 s5;
	s13 =	sadd.s32 @p1 $0xFFFFFFFF, s13;
	[sflag:s26] =	ssyncset.done @p0 $0x0  }
0x52: {  	s31 =	smov.u32 @p1 s13;
	s13 =	simm.s32 @!p0 $0x80;
	[sflag:s26] =	ssyncadd.s32 @p0 $0xFFFFC000  }
0x53: {  	[tilespmem:s25], [sflag:$0x1] =	stream.indirect.gather @!p0 [hbm4b:s3+s13], $0x80, s8, s13, $0xb8;
	[tilespmem:$0x1A400] =	vst v63  }
0x54: {  	s29 =	sshll.u32 s16, $0x7;
	s26 =	sshll.u32 s31, $0x11;
	s31 =	simm.s32 $0xA400  }
0x55: {  	[tilespmem:s31], [sflag:$0x2] =	stream.indirect.gather [hbm4b:s3+s15], $0x80, s14, s15, $0xb8;
	[tilespmem:$0x1A400] =	vst v63  }
0x56: {  	s16 =	sshll.u32 s16, $0x11;
	s13 =	sor.u32 s6, s26;
	_ =	swait.ge [sflag:s17], $0x4000  }
0x57: {  	s26 =	smov.u32 s11;
	s25 =	smov.u32 s12;
	[sflag:s17] =	ssyncset.done $0x0  }
0x58: {  	s11 =	simm.s32 @!p3 $0x8;
	s14 =	rddreg [dreg:$0x2];
	[sflag:s17] =	ssyncadd.s32 $0xFFFFC000  }
0x59: {  	[hbm4b:s24+s2] =	stream.linear.scatter [tilespmem:s14], [sflag:$0x6], $0x4000, $0x38;
	[tilespmem:$0x1A400] =	vst v63  }
0x5a: {  	s24 =	sshra.s32 s0, $0x2;
	s0 =	smov.u32 s30;
	_ =	swait.ge @!p3 [sflag:s11], $0x4000  }
0x5b: {  	s14 =	smov.u32 s29;
	s12 =	sadd.s32 s24, s8;
	[sflag:s11] =	ssyncset.done @!p3 $0x0  }
0x5c: {  	s30 =	simm.s32 $0xE400;
	s29 =	sadd.s32 $0x100, s12;
	[sflag:s11] =	ssyncadd.s32 @!p3 $0xFFFFC000  }
0x5d: {  	[tilespmem:s30], [sflag:$0x3] =	stream.indirect.gather [hbm4b:s3+s15], $0x80, s29, s15, $0xb8;
	[tilespmem:$0x1A400] =	vst v63  }
0x5e: {  	s16 =	sor.u32 s6, s16;
	_ =	swait.ge [sflag:s19], $0x4000  }
0x5f: {  	s16 =	sshrl.u32 s16, $0x3;
	s29 =	sadd.s32 s4, s9;
	[sflag:s19] =	ssyncset.done $0x0  }
0x60: {  	s9 =	smov.u32 s16;
	s16 =	simm.s32 @!p3 $0x9;
	[sflag:s19] =	ssyncadd.s32 $0xFFFFC000  }
0x61: {  	[hbm4b:s29+s2] =	stream.linear.scatter [tilespmem:s31], [sflag:$0x7], $0x4000, $0x38;
	[tilespmem:$0x1A400] =	vst v63  }
0x62: {  	_ =	swait.ge @!p3 [sflag:s16], $0x4000  }
0x63: {  	[sflag:s16] =	ssyncset.done @!p3 $0x0  }
0x64: {  	s31 =	sadd.s32 $0x180, s12;
	[sflag:s16] =	ssyncadd.s32 @!p3 $0xFFFFC000  }
0x65: {  	[tilespmem:s20], [sflag:$0x4] =	stream.indirect.gather [hbm4b:s3+s15], $0x80, s31, s15, $0xb8;
	[tilespmem:$0x1A400] =	vst v63  }
0x66: {  	s10 =	sadd.s32 $0xA00, s10;
	_ =	swait.ge [sflag:s21], $0x4000  }
0x67: {  	p2 =	sne.s32 s10, $0x6400;
	s13 =	sshrl.u32 s13, $0x3;
	[sflag:s21] =	ssyncset.done $0x0  }
0x68: {  	s24 =	smov.u32 s13;
	s13 =	simm.s32 @!p3 $0xA;
	[sflag:s21] =	ssyncadd.s32 $0xFFFFC000  }
0x69: {  	[hbm4b:s7+s2] =	stream.linear.scatter [tilespmem:s30], [sflag:$0x8], $0x4000, $0x38;
	[tilespmem:$0x1A400] =	vst v63  }
0x6a: {  	s28 =	sadd.s32 $0xA0000, s28;
	s22 =	sadd.s32 $0x5, s22;
	_ =	swait.ge @!p3 [sflag:s13], $0x4000  }
.Ltmp0:
0x6b: {  	p0 =	por p1, p1;
	[sflag:s13] =	ssyncset.done @!p3 $0x0;
	(pc) =	sbr.rel @p2 .LBB2_2-.Ltmp0, $4  }
0x6c: {  	s11 =	smov.u32 s1;
	s12 =	sadd.s32 $0x200, s12;
	[sflag:s13] =	ssyncadd.s32 @!p3 $0xFFFFC000  }
0x6d: {  	[tilespmem:s18], [sflag:$0x5] =	stream.indirect.gather [hbm4b:s3+s15], $0x80, s12, s15, $0xb8;
	[tilespmem:$0x1A400] =	vst v63  }
0x6e: {  	s1 =	sadd.s32 $0x14000, s1;
	s7 =	sadd.s32 $0x14000, s7;
	_ =	swait.ge [sflag:s23], $0x4000  }
0x6f: {  	s13 =	simm.s32 @p0 $0x5;
	s12 =	simm.s32 @p0 $0x6;
	[sflag:s23] =	ssyncset.done $0x0  }
0x70: {  	[sflag:s23] =	ssyncadd.s32 $0xFFFFC000  }
0x71: {  	[hbm4b:s11+s2] =	stream.linear.scatter [tilespmem:s20], [sflag:$0x9], $0x4000, $0x38;
	[tilespmem:$0x1A400] =	vst v63  }
0x72: {  	_ =	swait.ge @p0 [sflag:s12], $0x4000  }
0x73: {  	[sflag:s12] =	ssyncset.done @p0 $0x0  }
0x74: {  	s10 =	simm.s32 @p0 $0x80;
	s11 =	simm.s32 @p0 $0x6400;
	[sflag:s12] =	ssyncadd.s32 @p0 $0xFFFFC000  }
0x75: {  	[tilespmem:s11], [sflag:$0x1] =	stream.indirect.gather @p0 [hbm4b:s3+s10], $0x80, s26, s10, $0xb8;
	[tilespmem:$0x1A400] =	vst v63  }
0x76: {  	_ =	swait.ge @p0 [sflag:s13], $0x4000  }
0x77: {  	[sflag:s13] =	ssyncset.done @p0 $0x0  }
0x78: {  	s10 =	simm.s32 @p0 $0x0;
	s11 =	simm.s32 @p0 $0x16400;
	[sflag:s13] =	ssyncadd.s32 @p0 $0xFFFFC000  }
0x79: {  	[hbm4b:s25+s10] =	stream.linear.scatter @p0 [tilespmem:s11], [sflag:$0xA], $0x4000, $0x38;
	[tilespmem:$0x1A400] =	vst v63  }
0x7a: {  	s10 =	simm.s32 @p0 $0x7  }
0x7b: {  	_ =	swait.ge @p0 [sflag:s10], $0x4000  }
0x7c: {  	[sflag:s10] =	ssyncset.done @p0 $0x0  }
0x7d: {  	s11 =	simm.s32 @!p0 $0x6400;
	[sflag:s10] =	ssyncadd.s32 @p0 $0xFFFFC000;
	s10 =	simm.s32 @!p0 $0x80  }
0x7e: {  	[tilespmem:s11], [sflag:$0x1] =	stream.indirect.gather @!p0 [hbm4b:s3+s10], $0x80, s8, s10, $0xb8;
	[tilespmem:$0x1A400] =	vst v63  }
0x7f: {  	s28 =	simm.s32 $0xA400;
	s26 =	sand.u32 $0x3FFFFF80, s14  }
0x80: {  	[tilespmem:s28], [sflag:$0x2] =	stream.indirect.gather [hbm4b:s3+s15], $0x80, s26, s15, $0xb8;
	[tilespmem:$0x1A400] =	vst v63  }
0x81: {  	_ =	swait.ge [sflag:s17], $0x4000  }
0x82: {  	s30 =	sadd.s32 s4, s24;
	p0 =	seq.s32 s0, $0x0;
	[sflag:s17] =	ssyncset.done $0x0  }
0x83: {  	s10 =	simm.s32 @!p0 $0x8;
	s29 =	rddreg [dreg:$0x2];
	[sflag:s17] =	ssyncadd.s32 $0xFFFFC000  }
0x84: {  	[hbm4b:s30+s2] =	stream.linear.scatter [tilespmem:s29], [sflag:$0x6], $0x4000, $0x38;
	[tilespmem:$0x1A400] =	vst v63  }
0x85: {  	s31 =	sshra.s32 s0, $0x2;
	_ =	swait.ge @!p0 [sflag:s10], $0x4000  }
0x86: {  	s0 =	sadd.s32 s31, s8;
	[sflag:s10] =	ssyncset.done @!p0 $0x0  }
0x87: {  	s13 =	simm.s32 $0xE400;
	s11 =	sadd.s32 $0x100, s0;
	[sflag:s10] =	ssyncadd.s32 @!p0 $0xFFFFC000  }
0x88: {  	[tilespmem:s13], [sflag:$0x3] =	stream.indirect.gather [hbm4b:s3+s15], $0x80, s11, s15, $0xb8;
	[tilespmem:$0x1A400] =	vst v63  }
0x89: {  	_ =	swait.ge [sflag:s19], $0x4000  }
0x8a: {  	[sflag:s19] =	ssyncset.done $0x0  }
0x8b: {  	s9 =	sadd.s32 s4, s9;
	[sflag:s19] =	ssyncadd.s32 $0xFFFFC000  }
0x8c: {  	[hbm4b:s9+s2] =	stream.linear.scatter [tilespmem:s28], [sflag:$0x7], $0x4000, $0x38;
	[tilespmem:$0x1A400] =	vst v63  }
0x8d: {  	s9 =	simm.s32 @!p0 $0x9  }
0x8e: {  	_ =	swait.ge @!p0 [sflag:s9], $0x4000  }
0x8f: {  	[sflag:s9] =	ssyncset.done @!p0 $0x0  }
0x90: {  	s14 =	sadd.s32 $0x180, s0;
	[sflag:s9] =	ssyncadd.s32 @!p0 $0xFFFFC000  }
0x91: {  	[tilespmem:s20], [sflag:$0x4] =	stream.indirect.gather [hbm4b:s3+s15], $0x80, s14, s15, $0xb8;
	[tilespmem:$0x1A400] =	vst v63  }
0x92: {  	_ =	swait.ge [sflag:s21], $0x4000  }
0x93: {  	[sflag:s21] =	ssyncset.done $0x0  }
0x94: {  	[sflag:s21] =	ssyncadd.s32 $0xFFFFC000  }
0x95: {  	[hbm4b:s7+s2] =	stream.linear.scatter [tilespmem:s13], [sflag:$0x8], $0x4000, $0x38;
	[tilespmem:$0x1A400] =	vst v63  }
0x96: {  	s7 =	simm.s32 @!p0 $0xA  }
0x97: {  	_ =	swait.ge @!p0 [sflag:s7], $0x4000  }
0x98: {  	[sflag:s7] =	ssyncset.done @!p0 $0x0  }
0x99: {  	s16 =	simm.s32 $0x16400;
	s0 =	sadd.s32 $0x200, s0;
	[sflag:s7] =	ssyncadd.s32 @!p0 $0xFFFFC000  }
0x9a: {  	[tilespmem:s16], [sflag:$0x5] =	stream.indirect.gather [hbm4b:s3+s15], $0x80, s0, s15, $0xb8;
	[tilespmem:$0x1A400] =	vst v63  }
0x9b: {  	_ =	swait.ge [sflag:s23], $0x4000  }
0x9c: {  	[sflag:s23] =	ssyncset.done $0x0  }
0x9d: {  	s18 =	simm.s32 $0x5;
	[sflag:s23] =	ssyncadd.s32 $0xFFFFC000  }
0x9e: {  	[hbm4b:s1+s2] =	stream.linear.scatter [tilespmem:s20], [sflag:$0x9], $0x4000, $0x38;
	[tilespmem:$0x1A400] =	vst v63  }
0x9f: {  	_ =	swait.ge [sflag:s18], $0x4000  }
0xa0: {  	[sflag:s18] =	ssyncset.done $0x0  }
0xa1: {  	s24 =	simm.s32 $0x6;
	s22 =	rddreg [dreg:$0x4];
	[sflag:s18] =	ssyncadd.s32 $0xFFFFC000  }
0xa2: {  	[hbm4b:s22+s2] =	stream.linear.scatter [tilespmem:s16], [sflag:$0xA], $0x4000, $0x38;
	[tilespmem:$0x1A400] =	vst v63  }
0xa3: {  	_ =	swait.ge [sflag:s24], $0x4000  }
0xa4: {  	[sflag:s24] =	ssyncset.done $0x0  }
0xa5: {  	s25 =	simm.s32 $0x7;
	[sflag:s24] =	ssyncadd.s32 $0xFFFFC000  }
0xa6: {  	_ =	swait.ge [sflag:s25], $0x4000  }
0xa7: {  	[sflag:s25] =	ssyncset.done $0x0  }
0xa8: {  	s26 =	simm.s32 $0x8;
	[sflag:s25] =	ssyncadd.s32 $0xFFFFC000  }
0xa9: {  	_ =	swait.ge [sflag:s26], $0x4000  }
0xaa: {  	[sflag:s26] =	ssyncset.done $0x0  }
0xab: {  	s28 =	simm.s32 $0x9;
	[sflag:s26] =	ssyncadd.s32 $0xFFFFC000  }
0xac: {  	_ =	swait.ge [sflag:s28], $0x4000  }
0xad: {  	[sflag:s28] =	ssyncset.done $0x0  }
0xae: {  	s29 =	simm.s32 $0xA;
	[sflag:s28] =	ssyncadd.s32 $0xFFFFC000  }
0xaf: {  	_ =	swait.ge [sflag:s29], $0x4000  }
0xb0: {  	s30 =	rddreg [dreg:$0x9]  }
0xb1: {  	s31 =	rddreg [dreg:$0x5];
	s7 =	sadd.s32 $0x1, s30  }
0xb2: {  	p0 =	sne.s32 s7, s31  }
.Ltmp1:
0xb3: {  	_ = 	snop;
	(pc) =	sbr.rel @p0 .LBB2_1-.Ltmp1, $3  }
0xb4: {  	_ =	sdelay $0x1  }
0xb5: {  	[sflag:s29] =	ssyncset.done $0x0  }
0xb6: {  	s18 =	simm.s32 $0x16400;
	[sflag:s29] =	ssyncadd.s32 $0xFFFFC000  }
0xb7: {  	_ =	sfence.sel $0x180000  }
0xb8: {  	[bflag:$0x0] =	sbarrier.arrive $0xFFFF  }
0xb9: {  	_ =	strace $0x90000050  }
0xba: {  	s0 =	stileid.u32;
	[bflag:$0x2] =	sbarrier.arrive $0xFFFF  }
0xbb: {  	p0 =	sne.s32 s0, $0x0;
	s0 =	rddreg [dreg:$0x1]  }
0xbc: {  	s0 =	sadd.s32 @!p0 $0x100000, s0  }
0xbd: {  	[sflag:s0] =	ssyncadd.tile.s32 @!p0 $0x1;
	_ =	shalt  }
.Lfunc_end2:
_tile_overlayer_lowered:
.L_overlay_start_2:
0xbe: {  	(tag) =	ssettag $0x2  }
0xbf: {  	s0 =	rddreg [dreg:$0x0];
	s2 =	stileid.u32  }
0xc0: {  	s1 =	rddreg [dreg:$0x1];
	p0 =	sne.s32 s2, $0x0  }
0xc1: {  	s3 =	rddreg [dreg:$0x2];
	[bflag:$0x3] =	sbarrier.arrive $0xFFFF;
	s2 =	simm.s32 @!p0 $0x1C0B  }
0xc2: {  	[timem:s3], [sflag:s2] =	dma.local @!p0 [hbm:s0], s1  }
0xc3: {  	s0 =	simm.s32 @!p0 $0xB  }
0xc4: {  	_ =	swait.ge @!p0 [sflag:s0], s1  }
0xc5: {  	s1 =	ssub.s32 @!p0 $0x0, s1;
	[sflag:s0] =	ssyncset.done @!p0 $0x0  }
0xc6: {  	[sflag:s0] =	ssyncadd.s32 @!p0 s1  }
0xc7: {  	[bflag:$0x3] =	sbarrier.arrive $0xFFFF  }
0xc8: {  	_ =	shalt  }

</sc_bundles>
